<compile_context>
chip_gen: v7x
topology: tpu7x:2x2x1
jax: 0.10.2.dev20260603
libtpu: 0.0.44.dev20260713+nightly
codegen_flags: <defaults>
</compile_context>

<pallas_src>
import functools

import jax
import jax.numpy as jnp
from jax import lax
from jax.experimental import pallas as pl
from jax.experimental.pallas import tpu as pltpu
from jax.experimental.pallas import tpu_sc as plsc

B, N, T, D = 32, 2048, 512, 128
C = 128
NCHUNK = T // C
NBUF = 2
NG = C // 16
EPS = 1e-6
NC, NS = 2, 16
NW = NC * NS


def _vsqrt(s):
    s = jnp.maximum(s, 1e-30)
    i = plsc.bitcast(s, jnp.int32)
    y = plsc.bitcast((i >> 1) + 0x1FBD1DF5, jnp.float32)
    for _ in range(3):
        y = 0.5 * (y + s / y)
    return y


@functools.partial(
    pl.kernel,
    out_type=jax.ShapeDtypeStruct((NW, 16), jnp.float32),
    mesh=plsc.VectorSubcoreMesh(core_axis_name="c", subcore_axis_name="s"),
    compiler_params=pltpu.CompilerParams(needs_layout_passes=False),
    scratch_types=(
        [pltpu.VMEM((T,), jnp.int32)] * 3
        + [pltpu.VMEM((C, D), jnp.float32)] * (3 * NBUF)
        + [pltpu.VMEM((C * 16,), jnp.float32)] * 2
        + [pltpu.VMEM((16,), jnp.float32)]
        + [pltpu.SemaphoreType.DMA] * NBUF
    ),
)
def _triplet_loss_kernel(cols_hbm, m1_hbm, m2_hbm, out_hbm, *scratch):
    idx_refs = scratch[0:3]
    row_refs = scratch[3:3 + 3 * NBUF]
    sm_ref, su_ref, out_v = scratch[3 + 3 * NBUF:6 + 3 * NBUF]
    sems = scratch[6 + 3 * NBUF:]
    a_idx, nm_idx, num_idx = idx_refs
    bufs = [
        (row_refs[3 * i], row_refs[3 * i + 1], row_refs[3 * i + 2], sems[i])
        for i in range(NBUF)
    ]

    wid = lax.axis_index("c") * NS + lax.axis_index("s")
    iota16 = lax.iota(jnp.int32, 16)

    pltpu.sync_copy(cols_hbm.at[pl.ds(wid * T, T)], a_idx)
    pltpu.sync_copy(cols_hbm.at[pl.ds(B * T + wid * T, T)], nm_idx)
    pltpu.sync_copy(cols_hbm.at[pl.ds(2 * B * T + wid * T, T)], num_idx)
    off = wid * N

    def _rebase(i, _):
        g = pl.ds(i * 16, 16)
        a_idx[g] = a_idx[g] + off
        nm_idx[g] = nm_idx[g] + off
        num_idx[g] = num_idx[g] + off
        return 0

    lax.fori_loop(0, T // 16, _rebase, 0)

    def issue(c, buf):
        ra, rm, ru, sem = buf
        sl = pl.ds(c * C, C)
        return (
            pltpu.async_copy(m1_hbm.at[a_idx.at[sl]], ra, sem),
            pltpu.async_copy(m2_hbm.at[nm_idx.at[sl]], rm, sem),
            pltpu.async_copy(m2_hbm.at[num_idx.at[sl]], ru, sem),
        )

    zeros16 = jnp.zeros((16,), jnp.float32)

    def compute(buf, loss_acc):
        ra, rm, ru, _ = buf

        def tstep(t, _):
            am = zeros16
            au = zeros16
            for k in range(D // 16):
                sl = pl.ds(k * 16, 16)
                vae = ra[t, sl] + EPS
                tm = vae - rm[t, sl]
                tu = vae - ru[t, sl]
                am = am + tm * tm
                au = au + tu * tu
            sm_ref[pl.ds(t * 16, 16)] = am
            su_ref[pl.ds(t * 16, 16)] = au
            return 0

        lax.fori_loop(0, C, tstep, 0, unroll=4)

        def gstep(g, acc):
            tvec = (g * 16 + iota16) * 16
            sm = zeros16
            su = zeros16
            for j in range(16):
                sm = sm + plsc.load_gather(sm_ref, [tvec + j])
                su = su + plsc.load_gather(su_ref, [tvec + j])
            dm = _vsqrt(sm)
            du = _vsqrt(su)
            loss = jnp.maximum(0.01 - jnp.exp(-dm) + jnp.exp(-du), 0.0)
            return acc + loss

        return lax.fori_loop(0, NG, gstep, loss_acc)

    loss_acc = zeros16
    cps = [issue(c, bufs[c]) for c in range(NBUF)]
    for c in range(NCHUNK):
        for cp in cps[c]:
            cp.wait()
        loss_acc = compute(bufs[c % NBUF], loss_acc)
        if c + NBUF < NCHUNK:
            cps.append(issue(c + NBUF, bufs[c % NBUF]))

    total = jnp.sum(loss_acc) * 0.1
    out_v[...] = jnp.full((16,), total)
    pltpu.sync_copy(out_v, out_hbm.at[wid])


@jax.jit
def kernel(tuples, m1, m2):
    tup32 = tuples.astype(jnp.int32)
    cols = jnp.concatenate([
        tup32[:, :, 0].reshape(-1),
        tup32[:, :, 1].reshape(-1),
        tup32[:, :, 2].reshape(-1),
    ])
    m1f = m1.reshape(B * N, D)
    m2f = m2.reshape(B * N, D)
    return _triplet_loss_kernel(cols, m1f, m2f)[:, 0]

# --- scband reference (transcript-rebuilt; emitter-appended) ---
"""Pipeline reference for scband-point-matching-loss-85177791414510 (READ-ONLY COPY).

The authoritative reference and input builder live on the scoring server;
editing this copy changes nothing except your own understanding.
"""

import jax, jax.numpy as jnp
import numpy as np


def setup_inputs(seed: int = 0) -> dict:
    key = jax.random.key(seed)
    k1, k2, k3 = jax.random.split(key, 3)
    B, N, T, D = 32, 2048, 512, 128
    tuples = jax.random.randint(k1, (B, T, 3), 0, N, dtype=jnp.int64) if jax.config.jax_enable_x64 else jax.random.randint(k1, (B, T, 3), 0, N, dtype=jnp.int32)
    m1 = jax.random.normal(k2, (B, N, D), dtype=jnp.float32)
    m2 = jax.random.normal(k3, (B, N, D), dtype=jnp.float32)
    return {"tuples": tuples, "m1": m1, "m2": m2}


def reference(tuples, m1, m2):
    r_ = 10.0
    # tuples[b, t] = (a, n_m, n_um) index triplet for sample b
    a = tuples[:, :, 0]
    n_m = tuples[:, :, 1]
    n_um = tuples[:, :, 2]
    batch = jnp.arange(m1.shape[0])[:, None]  # [[0],[1],...] like batch_ in torch code
    m_a_v = m1[batch, a, :]
    m_n_m_v = m2[batch, n_m, :]
    m_n_um_v = m2[batch, n_um, :]
    eps = 1e-6  # torch.pairwise_distance default eps, added before the norm
    m_dist = jnp.sqrt(jnp.sum((m_a_v - m_n_m_v + eps) ** 2, axis=-1))
    um_dist = jnp.sqrt(jnp.sum((m_a_v - m_n_um_v + eps) ** 2, axis=-1))
    m_loss = jnp.exp(-m_dist)
    um_loss = jnp.exp(-um_dist)
    loss = jnp.maximum(0.01 - m_loss + um_loss, 0.0)
    loss_plus = jnp.sum(loss, axis=1)
    return loss_plus / r_

if __name__ == "__main__":
    import jax
    _d = setup_inputs()
    print(jax.jit(kernel)(*tuple(_d.values())))

</pallas_src>

<mosaic_0001>
#map = affine_map<(d0, d1) -> (0)>
#map1 = affine_map<(d0, d1) -> (0, 0)>
module attributes {stable_mosaic.version = 14 : i64} {
  func.func @_triplet_loss_kernel(%arg0: i32, %arg1: i32, %arg2: memref<49152xi32, #tpu.memory_space<hbm>>, %arg3: memref<65536x128xf32, #tpu.memory_space<hbm>>, %arg4: memref<65536x128xf32, #tpu.memory_space<hbm>>, %arg5: memref<32x16xf32, #tpu.memory_space<hbm>>, %arg6: memref<512xi32, #tpu.memory_space<vmem>>, %arg7: memref<512xi32, #tpu.memory_space<vmem>>, %arg8: memref<512xi32, #tpu.memory_space<vmem>>, %arg9: memref<128x128xf32, #tpu.memory_space<vmem>>, %arg10: memref<128x128xf32, #tpu.memory_space<vmem>>, %arg11: memref<128x128xf32, #tpu.memory_space<vmem>>, %arg12: memref<128x128xf32, #tpu.memory_space<vmem>>, %arg13: memref<128x128xf32, #tpu.memory_space<vmem>>, %arg14: memref<128x128xf32, #tpu.memory_space<vmem>>, %arg15: memref<2048xf32, #tpu.memory_space<vmem>>, %arg16: memref<2048xf32, #tpu.memory_space<vmem>>, %arg17: memref<16xf32, #tpu.memory_space<vmem>>, %arg18: memref<!tpu.dma_semaphore, #tpu.memory_space<semaphore_mem>>, %arg19: memref<!tpu.dma_semaphore, #tpu.memory_space<semaphore_mem>>) attributes {dimension_semantics = [#tpu.dimension_semantics<core_parallel>, #tpu.dimension_semantics<subcore_parallel>], iteration_bounds = array<i64: 2, 16>, scalar_prefetch = 0 : i64, scratch_operands = 14 : i64, tpu.core_type = #tpu.core_type<sc_vector_subcore>, window_params = [{transform_indices = #map}, {transform_indices = #map1}, {transform_indices = #map1}, {transform_indices = #map1}]} {
    %mul3A = arith.constant 16 : i32
    %mul3A_0 = arith.muli %arg0, %mul3A : i32
    %add3A = arith.addi %mul3A_0, %arg1 : i32
    %iota3A = tpu.iota {dimensions = array<i32: 0>} : vector<16xi32>
    %mul3A_1 = arith.constant 512 : i32
    %mul3A_2 = arith.muli %add3A, %mul3A_1 : i32
    "tpu.region"() ({
      %run_scoped3A = tpu.sem_alloc : memref<!tpu.dma_semaphore, #tpu.memory_space<semaphore_mem>>
      %dma_start3A_197 = tpu.memref_slice %arg2[%mul3A_2] : memref<49152xi32, #tpu.memory_space<hbm>> -> memref<512xi32, #tpu.memory_space<hbm>>
      %dma_start3A_198 = tpu.memref_slice %arg2[%mul3A_2] : memref<49152xi32, #tpu.memory_space<hbm>> -> memref<512xi32, #tpu.memory_space<hbm>>
      tpu.enqueue_dma source(%dma_start3A_198 : memref<512xi32, #tpu.memory_space<hbm>>) target(%arg6 : memref<512xi32, #tpu.memory_space<vmem>>) target_semaphore(%run_scoped3A : memref<!tpu.dma_semaphore, #tpu.memory_space<semaphore_mem>>)
      %dma_wait3A_199 = tpu.memref_slice %arg2[%mul3A_2] : memref<49152xi32, #tpu.memory_space<hbm>> -> memref<512xi32, #tpu.memory_space<hbm>>
      %dma_wait3A_200 = tpu.memref_slice %arg2[%mul3A_2] : memref<49152xi32, #tpu.memory_space<hbm>> -> memref<512xi32, #tpu.memory_space<hbm>>
      tpu.wait_dma2 semaphore(%run_scoped3A : memref<!tpu.dma_semaphore, #tpu.memory_space<semaphore_mem>>) src(%dma_wait3A_200 : memref<512xi32, #tpu.memory_space<hbm>>) dst(%arg6 : memref<512xi32, #tpu.memory_space<vmem>>)
      tpu.yield
    }) : () -> ()
    %mul3A_3 = arith.constant 512 : i32
    %mul3A_4 = arith.muli %add3A, %mul3A_3 : i32
    %add3A_5 = arith.constant 16384 : i32
    %add3A_6 = arith.addi %add3A_5, %mul3A_4 : i32
    "tpu.region"() ({
      %run_scoped3A = tpu.sem_alloc : memref<!tpu.dma_semaphore, #tpu.memory_space<semaphore_mem>>
      %dma_start3A_197 = tpu.memref_slice %arg2[%add3A_6] : memref<49152xi32, #tpu.memory_space<hbm>> -> memref<512xi32, #tpu.memory_space<hbm>>
      %dma_start3A_198 = tpu.memref_slice %arg2[%add3A_6] : memref<49152xi32, #tpu.memory_space<hbm>> -> memref<512xi32, #tpu.memory_space<hbm>>
      tpu.enqueue_dma source(%dma_start3A_198 : memref<512xi32, #tpu.memory_space<hbm>>) target(%arg7 : memref<512xi32, #tpu.memory_space<vmem>>) target_semaphore(%run_scoped3A : memref<!tpu.dma_semaphore, #tpu.memory_space<semaphore_mem>>)
      %dma_wait3A_199 = tpu.memref_slice %arg2[%add3A_6] : memref<49152xi32, #tpu.memory_space<hbm>> -> memref<512xi32, #tpu.memory_space<hbm>>
      %dma_wait3A_200 = tpu.memref_slice %arg2[%add3A_6] : memref<49152xi32, #tpu.memory_space<hbm>> -> memref<512xi32, #tpu.memory_space<hbm>>
      tpu.wait_dma2 semaphore(%run_scoped3A : memref<!tpu.dma_semaphore, #tpu.memory_space<semaphore_mem>>) src(%dma_wait3A_200 : memref<512xi32, #tpu.memory_space<hbm>>) dst(%arg7 : memref<512xi32, #tpu.memory_space<vmem>>)
      tpu.yield
    }) : () -> ()
    %mul3A_7 = arith.constant 512 : i32
    %mul3A_8 = arith.muli %add3A, %mul3A_7 : i32
    %add3A_9 = arith.constant 32768 : i32
    %add3A_10 = arith.addi %add3A_9, %mul3A_8 : i32
    "tpu.region"() ({
      %run_scoped3A = tpu.sem_alloc : memref<!tpu.dma_semaphore, #tpu.memory_space<semaphore_mem>>
      %dma_start3A_197 = tpu.memref_slice %arg2[%add3A_10] : memref<49152xi32, #tpu.memory_space<hbm>> -> memref<512xi32, #tpu.memory_space<hbm>>
      %dma_start3A_198 = tpu.memref_slice %arg2[%add3A_10] : memref<49152xi32, #tpu.memory_space<hbm>> -> memref<512xi32, #tpu.memory_space<hbm>>
      tpu.enqueue_dma source(%dma_start3A_198 : memref<512xi32, #tpu.memory_space<hbm>>) target(%arg8 : memref<512xi32, #tpu.memory_space<vmem>>) target_semaphore(%run_scoped3A : memref<!tpu.dma_semaphore, #tpu.memory_space<semaphore_mem>>)
      %dma_wait3A_199 = tpu.memref_slice %arg2[%add3A_10] : memref<49152xi32, #tpu.memory_space<hbm>> -> memref<512xi32, #tpu.memory_space<hbm>>
      %dma_wait3A_200 = tpu.memref_slice %arg2[%add3A_10] : memref<49152xi32, #tpu.memory_space<hbm>> -> memref<512xi32, #tpu.memory_space<hbm>>
      tpu.wait_dma2 semaphore(%run_scoped3A : memref<!tpu.dma_semaphore, #tpu.memory_space<semaphore_mem>>) src(%dma_wait3A_200 : memref<512xi32, #tpu.memory_space<hbm>>) dst(%arg8 : memref<512xi32, #tpu.memory_space<vmem>>)
      tpu.yield
    }) : () -> ()
    %mul3A_11 = arith.constant 2048 : i32
    %mul3A_12 = arith.muli %add3A, %mul3A_11 : i32
    %scan3A = arith.constant 0 : i32
    %scan3A_13 = arith.constant 0 : i32
    %scan3A_14 = arith.constant 32 : i32
    %scan3A_15 = arith.addi %scan3A_13, %scan3A_14 : i32
    %scan3A_16 = arith.constant 1 : i32
    %scan3A_17 = scf.for %scan3A_197 = %scan3A_13 to %scan3A_15 step %scan3A_16 iter_args(%scan3A_198 = %scan3A) -> (i32)  : i32 {
      %mul3A_199 = arith.constant 16 : i32
      %mul3A_200 = arith.muli %scan3A_197, %mul3A_199 : i32
      %get3A = arith.index_cast %mul3A_200 : i32 to index
      %get3A_201 = tpu.vector_load %arg6[%get3A] {strides = array<i32>} : memref<512xi32, #tpu.memory_space<vmem>>, vector<16xi32>,
      %add3A_202 = vector.broadcast %mul3A_12 : i32 to vector<16xi32>
      %add3A_203 = arith.addi %get3A_201, %add3A_202 : vector<16xi32>
      %swap3A_204 = arith.index_cast %mul3A_200 : i32 to index
      %swap3A_205 = tpu.vector_load %arg6[%swap3A_204] {strides = array<i32>} : memref<512xi32, #tpu.memory_space<vmem>>, vector<16xi32>,
      tpu.vector_store %arg6[%swap3A_204], %add3A_203 {strides = array<i32>} : memref<512xi32, #tpu.memory_space<vmem>>, vector<16xi32>,
      %get3A_206 = arith.index_cast %mul3A_200 : i32 to index
      %get3A_207 = tpu.vector_load %arg7[%get3A_206] {strides = array<i32>} : memref<512xi32, #tpu.memory_space<vmem>>, vector<16xi32>,
      %add3A_208 = vector.broadcast %mul3A_12 : i32 to vector<16xi32>
      %add3A_209 = arith.addi %get3A_207, %add3A_208 : vector<16xi32>
      %swap3A_210 = arith.index_cast %mul3A_200 : i32 to index
      %swap3A_211 = tpu.vector_load %arg7[%swap3A_210] {strides = array<i32>} : memref<512xi32, #tpu.memory_space<vmem>>, vector<16xi32>,
      tpu.vector_store %arg7[%swap3A_210], %add3A_209 {strides = array<i32>} : memref<512xi32, #tpu.memory_space<vmem>>, vector<16xi32>,
      %get3A_212 = arith.index_cast %mul3A_200 : i32 to index
      %get3A_213 = tpu.vector_load %arg8[%get3A_212] {strides = array<i32>} : memref<512xi32, #tpu.memory_space<vmem>>, vector<16xi32>,
      %add3A_214 = vector.broadcast %mul3A_12 : i32 to vector<16xi32>
      %add3A_215 = arith.addi %get3A_213, %add3A_214 : vector<16xi32>
      %swap3A_216 = arith.index_cast %mul3A_200 : i32 to index
      %swap3A_217 = tpu.vector_load %arg8[%swap3A_216] {strides = array<i32>} : memref<512xi32, #tpu.memory_space<vmem>>, vector<16xi32>,
      tpu.vector_store %arg8[%swap3A_216], %add3A_215 {strides = array<i32>} : memref<512xi32, #tpu.memory_space<vmem>>, vector<16xi32>,
      %scan3A_218 = arith.constant 0 : i32
      scf.yield %scan3A_218 : i32
    }
    %scan3A_18 = arith.constant 32 : i32
    %broadcast_in_dim3A = arith.constant 0.000000e+00 : f32
    %broadcast_in_dim3A_19 = vector.broadcast %broadcast_in_dim3A : f32 to vector<16xf32>
    %dma_start3A = arith.constant 0 : i32
    %dma_start3A_20 = tpu.memref_slice %arg6[%dma_start3A] : memref<512xi32, #tpu.memory_space<vmem>> -> memref<128xi32, #tpu.memory_space<vmem>>
    %dma_start3A_21 = arith.constant 0 : i32
    %dma_start3A_22 = arith.constant 0 : i32
    %dma_start3A_23 = tpu.memref_slice %arg3[%dma_start3A_21, %dma_start3A_22] : memref<65536x128xf32, #tpu.memory_space<hbm>> -> memref<65536x128xf32, #tpu.memory_space<hbm>>
    tpu.enqueue_indirect_dma source(%dma_start3A_23 : memref<65536x128xf32, #tpu.memory_space<hbm>>) target(%arg9 : memref<128x128xf32, #tpu.memory_space<vmem>>) offsets(%dma_start3A_20 : memref<128xi32, #tpu.memory_space<vmem>>) semaphore(%arg18 : memref<!tpu.dma_semaphore, #tpu.memory_space<semaphore_mem>>)
    %dma_start3A_24 = arith.constant 0 : i32
    %dma_start3A_25 = tpu.memref_slice %arg7[%dma_start3A_24] : memref<512xi32, #tpu.memory_space<vmem>> -> memref<128xi32, #tpu.memory_space<vmem>>
    %dma_start3A_26 = arith.constant 0 : i32
    %dma_start3A_27 = arith.constant 0 : i32
    %dma_start3A_28 = tpu.memref_slice %arg4[%dma_start3A_26, %dma_start3A_27] : memref<65536x128xf32, #tpu.memory_space<hbm>> -> memref<65536x128xf32, #tpu.memory_space<hbm>>
    tpu.enqueue_indirect_dma source(%dma_start3A_28 : memref<65536x128xf32, #tpu.memory_space<hbm>>) target(%arg10 : memref<128x128xf32, #tpu.memory_space<vmem>>) offsets(%dma_start3A_25 : memref<128xi32, #tpu.memory_space<vmem>>) semaphore(%arg18 : memref<!tpu.dma_semaphore, #tpu.memory_space<semaphore_mem>>)
    %dma_start3A_29 = arith.constant 0 : i32
    %dma_start3A_30 = tpu.memref_slice %arg8[%dma_start3A_29] : memref<512xi32, #tpu.memory_space<vmem>> -> memref<128xi32, #tpu.memory_space<vmem>>
    %dma_start3A_31 = arith.constant 0 : i32
    %dma_start3A_32 = arith.constant 0 : i32
    %dma_start3A_33 = tpu.memref_slice %arg4[%dma_start3A_31, %dma_start3A_32] : memref<65536x128xf32, #tpu.memory_space<hbm>> -> memref<65536x128xf32, #tpu.memory_space<hbm>>
    tpu.enqueue_indirect_dma source(%dma_start3A_33 : memref<65536x128xf32, #tpu.memory_space<hbm>>) target(%arg11 : memref<128x128xf32, #tpu.memory_space<vmem>>) offsets(%dma_start3A_30 : memref<128xi32, #tpu.memory_space<vmem>>) semaphore(%arg18 : memref<!tpu.dma_semaphore, #tpu.memory_space<semaphore_mem>>)
    %dma_start3A_34 = arith.constant 128 : i32
    %dma_start3A_35 = tpu.memref_slice %arg6[%dma_start3A_34] : memref<512xi32, #tpu.memory_space<vmem>> -> memref<128xi32, #tpu.memory_space<vmem>>
    %dma_start3A_36 = arith.constant 0 : i32
    %dma_start3A_37 = arith.constant 0 : i32
    %dma_start3A_38 = tpu.memref_slice %arg3[%dma_start3A_36, %dma_start3A_37] : memref<65536x128xf32, #tpu.memory_space<hbm>> -> memref<65536x128xf32, #tpu.memory_space<hbm>>
    tpu.enqueue_indirect_dma source(%dma_start3A_38 : memref<65536x128xf32, #tpu.memory_space<hbm>>) target(%arg12 : memref<128x128xf32, #tpu.memory_space<vmem>>) offsets(%dma_start3A_35 : memref<128xi32, #tpu.memory_space<vmem>>) semaphore(%arg19 : memref<!tpu.dma_semaphore, #tpu.memory_space<semaphore_mem>>)
    %dma_start3A_39 = arith.constant 128 : i32
    %dma_start3A_40 = tpu.memref_slice %arg7[%dma_start3A_39] : memref<512xi32, #tpu.memory_space<vmem>> -> memref<128xi32, #tpu.memory_space<vmem>>
    %dma_start3A_41 = arith.constant 0 : i32
    %dma_start3A_42 = arith.constant 0 : i32
    %dma_start3A_43 = tpu.memref_slice %arg4[%dma_start3A_41, %dma_start3A_42] : memref<65536x128xf32, #tpu.memory_space<hbm>> -> memref<65536x128xf32, #tpu.memory_space<hbm>>
    tpu.enqueue_indirect_dma source(%dma_start3A_43 : memref<65536x128xf32, #tpu.memory_space<hbm>>) target(%arg13 : memref<128x128xf32, #tpu.memory_space<vmem>>) offsets(%dma_start3A_40 : memref<128xi32, #tpu.memory_space<vmem>>) semaphore(%arg19 : memref<!tpu.dma_semaphore, #tpu.memory_space<semaphore_mem>>)
    %dma_start3A_44 = arith.constant 128 : i32
    %dma_start3A_45 = tpu.memref_slice %arg8[%dma_start3A_44] : memref<512xi32, #tpu.memory_space<vmem>> -> memref<128xi32, #tpu.memory_space<vmem>>
    %dma_start3A_46 = arith.constant 0 : i32
    %dma_start3A_47 = arith.constant 0 : i32
    %dma_start3A_48 = tpu.memref_slice %arg4[%dma_start3A_46, %dma_start3A_47] : memref<65536x128xf32, #tpu.memory_space<hbm>> -> memref<65536x128xf32, #tpu.memory_space<hbm>>
    tpu.enqueue_indirect_dma source(%dma_start3A_48 : memref<65536x128xf32, #tpu.memory_space<hbm>>) target(%arg14 : memref<128x128xf32, #tpu.memory_space<vmem>>) offsets(%dma_start3A_45 : memref<128xi32, #tpu.memory_space<vmem>>) semaphore(%arg19 : memref<!tpu.dma_semaphore, #tpu.memory_space<semaphore_mem>>)
    %dma_wait3A = arith.constant 0 : i32
    %dma_wait3A_49 = tpu.memref_slice %arg6[%dma_wait3A] : memref<512xi32, #tpu.memory_space<vmem>> -> memref<128xi32, #tpu.memory_space<vmem>>
    %dma_wait3A_50 = arith.constant 0 : i32
    %dma_wait3A_51 = arith.constant 0 : i32
    %dma_wait3A_52 = tpu.memref_slice %arg3[%dma_wait3A_50, %dma_wait3A_51] : memref<65536x128xf32, #tpu.memory_space<hbm>> -> memref<65536x128xf32, #tpu.memory_space<hbm>>
    tpu.wait_indirect_dma semaphore(%arg18 : memref<!tpu.dma_semaphore, #tpu.memory_space<semaphore_mem>>) src(%dma_wait3A_52 : memref<65536x128xf32, #tpu.memory_space<hbm>>) dst(%arg9 : memref<128x128xf32, #tpu.memory_space<vmem>>)
    %dma_wait3A_53 = arith.constant 0 : i32
    %dma_wait3A_54 = tpu.memref_slice %arg7[%dma_wait3A_53] : memref<512xi32, #tpu.memory_space<vmem>> -> memref<128xi32, #tpu.memory_space<vmem>>
    %dma_wait3A_55 = arith.constant 0 : i32
    %dma_wait3A_56 = arith.constant 0 : i32
    %dma_wait3A_57 = tpu.memref_slice %arg4[%dma_wait3A_55, %dma_wait3A_56] : memref<65536x128xf32, #tpu.memory_space<hbm>> -> memref<65536x128xf32, #tpu.memory_space<hbm>>
    tpu.wait_indirect_dma semaphore(%arg18 : memref<!tpu.dma_semaphore, #tpu.memory_space<semaphore_mem>>) src(%dma_wait3A_57 : memref<65536x128xf32, #tpu.memory_space<hbm>>) dst(%arg10 : memref<128x128xf32, #tpu.memory_space<vmem>>)
    %dma_wait3A_58 = arith.constant 0 : i32
    %dma_wait3A_59 = tpu.memref_slice %arg8[%dma_wait3A_58] : memref<512xi32, #tpu.memory_space<vmem>> -> memref<128xi32, #tpu.memory_space<vmem>>
    %dma_wait3A_60 = arith.constant 0 : i32
    %dma_wait3A_61 = arith.constant 0 : i32
    %dma_wait3A_62 = tpu.memref_slice %arg4[%dma_wait3A_60, %dma_wait3A_61] : memref<65536x128xf32, #tpu.memory_space<hbm>> -> memref<65536x128xf32, #tpu.memory_space<hbm>>
    tpu.wait_indirect_dma semaphore(%arg18 : memref<!tpu.dma_semaphore, #tpu.memory_space<semaphore_mem>>) src(%dma_wait3A_62 : memref<65536x128xf32, #tpu.memory_space<hbm>>) dst(%arg11 : memref<128x128xf32, #tpu.memory_space<vmem>>)
    %scan3A_63 = arith.constant 0 : i32
    %scan3A_64 = arith.constant 0 : i32
    %scan3A_65 = arith.constant 128 : i32
    %scan3A_66 = arith.addi %scan3A_64, %scan3A_65 : i32
    %scan3A_67 = arith.constant 4 : i32
    %scan3A_68 = scf.for %scan3A_197 = %scan3A_64 to %scan3A_66 step %scan3A_67 iter_args(%scan3A_198 = %scan3A_63) -> (i32)  : i32 {
      %get3A = arith.index_cast %scan3A_197 : i32 to index
      %get3A_199 = arith.constant 0 : index
      %get3A_200 = tpu.vector_load %arg9[%get3A, %get3A_199] {strides = array<i32>} : memref<128x128xf32, #tpu.memory_space<vmem>>, vector<16xf32>,
      %add3A_201 = arith.constant 9.99999997E-7 : f32
      %add3A_202 = vector.broadcast %add3A_201 : f32 to vector<16xf32>
      %add3A_203 = arith.addf %get3A_200, %add3A_202 : vector<16xf32>
      %get3A_204 = arith.index_cast %scan3A_197 : i32 to index
      %get3A_205 = arith.constant 0 : index
      %get3A_206 = tpu.vector_load %arg10[%get3A_204, %get3A_205] {strides = array<i32>} : memref<128x128xf32, #tpu.memory_space<vmem>>, vector<16xf32>,
      %sub3A = arith.subf %add3A_203, %get3A_206 : vector<16xf32>
      %get3A_207 = arith.index_cast %scan3A_197 : i32 to index
      %get3A_208 = arith.constant 0 : index
      %get3A_209 = tpu.vector_load %arg11[%get3A_207, %get3A_208] {strides = array<i32>} : memref<128x128xf32, #tpu.memory_space<vmem>>, vector<16xf32>,
      %sub3A_210 = arith.subf %add3A_203, %get3A_209 : vector<16xf32>
      %mul3A_211 = arith.mulf %sub3A, %sub3A : vector<16xf32>
      %add3A_212 = arith.addf %broadcast_in_dim3A_19, %mul3A_211 : vector<16xf32>
      %mul3A_213 = arith.mulf %sub3A_210, %sub3A_210 : vector<16xf32>
      %add3A_214 = arith.addf %broadcast_in_dim3A_19, %mul3A_213 : vector<16xf32>
      %get3A_215 = arith.index_cast %scan3A_197 : i32 to index
      %get3A_216 = arith.constant 16 : index
      %get3A_217 = tpu.vector_load %arg9[%get3A_215, %get3A_216] {strides = array<i32>} : memref<128x128xf32, #tpu.memory_space<vmem>>, vector<16xf32>,
      %add3A_218 = arith.constant 9.99999997E-7 : f32
      %add3A_219 = vector.broadcast %add3A_218 : f32 to vector<16xf32>
      %add3A_220 = arith.addf %get3A_217, %add3A_219 : vector<16xf32>
      %get3A_221 = arith.index_cast %scan3A_197 : i32 to index
      %get3A_222 = arith.constant 16 : index
      %get3A_223 = tpu.vector_load %arg10[%get3A_221, %get3A_222] {strides = array<i32>} : memref<128x128xf32, #tpu.memory_space<vmem>>, vector<16xf32>,
      %sub3A_224 = arith.subf %add3A_220, %get3A_223 : vector<16xf32>
      %get3A_225 = arith.index_cast %scan3A_197 : i32 to index
      %get3A_226 = arith.constant 16 : index
      %get3A_227 = tpu.vector_load %arg11[%get3A_225, %get3A_226] {strides = array<i32>} : memref<128x128xf32, #tpu.memory_space<vmem>>, vector<16xf32>,
      %sub3A_228 = arith.subf %add3A_220, %get3A_227 : vector<16xf32>
      %mul3A_229 = arith.mulf %sub3A_224, %sub3A_224 : vector<16xf32>
      %add3A_230 = arith.addf %add3A_212, %mul3A_229 : vector<16xf32>
      %mul3A_231 = arith.mulf %sub3A_228, %sub3A_228 : vector<16xf32>
      %add3A_232 = arith.addf %add3A_214, %mul3A_231 : vector<16xf32>
      %get3A_233 = arith.index_cast %scan3A_197 : i32 to index
      %get3A_234 = arith.constant 32 : index
      %get3A_235 = tpu.vector_load %arg9[%get3A_233, %get3A_234] {strides = array<i32>} : memref<128x128xf32, #tpu.memory_space<vmem>>, vector<16xf32>,
      %add3A_236 = arith.constant 9.99999997E-7 : f32
      %add3A_237 = vector.broadcast %add3A_236 : f32 to vector<16xf32>
      %add3A_238 = arith.addf %get3A_235, %add3A_237 : vector<16xf32>
      %get3A_239 = arith.index_cast %scan3A_197 : i32 to index
      %get3A_240 = arith.constant 32 : index
      %get3A_241 = tpu.vector_load %arg10[%get3A_239, %get3A_240] {strides = array<i32>} : memref<128x128xf32, #tpu.memory_space<vmem>>, vector<16xf32>,
      %sub3A_242 = arith.subf %add3A_238, %get3A_241 : vector<16xf32>
      %get3A_243 = arith.index_cast %scan3A_197 : i32 to index
      %get3A_244 = arith.constant 32 : index
      %get3A_245 = tpu.vector_load %arg11[%get3A_243, %get3A_244] {strides = array<i32>} : memref<128x128xf32, #tpu.memory_space<vmem>>, vector<16xf32>,
      %sub3A_246 = arith.subf %add3A_238, %get3A_245 : vector<16xf32>
      %mul3A_247 = arith.mulf %sub3A_242, %sub3A_242 : vector<16xf32>
      %add3A_248 = arith.addf %add3A_230, %mul3A_247 : vector<16xf32>
      %mul3A_249 = arith.mulf %sub3A_246, %sub3A_246 : vector<16xf32>
      %add3A_250 = arith.addf %add3A_232, %mul3A_249 : vector<16xf32>
      %get3A_251 = arith.index_cast %scan3A_197 : i32 to index
      %get3A_252 = arith.constant 48 : index
      %get3A_253 = tpu.vector_load %arg9[%get3A_251, %get3A_252] {strides = array<i32>} : memref<128x128xf32, #tpu.memory_space<vmem>>, vector<16xf32>,
      %add3A_254 = arith.constant 9.99999997E-7 : f32
      %add3A_255 = vector.broadcast %add3A_254 : f32 to vector<16xf32>
      %add3A_256 = arith.addf %get3A_253, %add3A_255 : vector<16xf32>
      %get3A_257 = arith.index_cast %scan3A_197 : i32 to index
      %get3A_258 = arith.constant 48 : index
      %get3A_259 = tpu.vector_load %arg10[%get3A_257, %get3A_258] {strides = array<i32>} : memref<128x128xf32, #tpu.memory_space<vmem>>, vector<16xf32>,
      %sub3A_260 = arith.subf %add3A_256, %get3A_259 : vector<16xf32>
      %get3A_261 = arith.index_cast %scan3A_197 : i32 to index
      %get3A_262 = arith.constant 48 : index
      %get3A_263 = tpu.vector_load %arg11[%get3A_261, %get3A_262] {strides = array<i32>} : memref<128x128xf32, #tpu.memory_space<vmem>>, vector<16xf32>,
      %sub3A_264 = arith.subf %add3A_256, %get3A_263 : vector<16xf32>
      %mul3A_265 = arith.mulf %sub3A_260, %sub3A_260 : vector<16xf32>
      %add3A_266 = arith.addf %add3A_248, %mul3A_265 : vector<16xf32>
      %mul3A_267 = arith.mulf %sub3A_264, %sub3A_264 : vector<16xf32>
      %add3A_268 = arith.addf %add3A_250, %mul3A_267 : vector<16xf32>
      %get3A_269 = arith.index_cast %scan3A_197 : i32 to index
      %get3A_270 = arith.constant 64 : index
      %get3A_271 = tpu.vector_load %arg9[%get3A_269, %get3A_270] {strides = array<i32>} : memref<128x128xf32, #tpu.memory_space<vmem>>, vector<16xf32>,
      %add3A_272 = arith.constant 9.99999997E-7 : f32
      %add3A_273 = vector.broadcast %add3A_272 : f32 to vector<16xf32>
      %add3A_274 = arith.addf %get3A_271, %add3A_273 : vector<16xf32>
      %get3A_275 = arith.index_cast %scan3A_197 : i32 to index
      %get3A_276 = arith.constant 64 : index
      %get3A_277 = tpu.vector_load %arg10[%get3A_275, %get3A_276] {strides = array<i32>} : memref<128x128xf32, #tpu.memory_space<vmem>>, vector<16xf32>,
      %sub3A_278 = arith.subf %add3A_274, %get3A_277 : vector<16xf32>
      %get3A_279 = arith.index_cast %scan3A_197 : i32 to index
      %get3A_280 = arith.constant 64 : index
      %get3A_281 = tpu.vector_load %arg11[%get3A_279, %get3A_280] {strides = array<i32>} : memref<128x128xf32, #tpu.memory_space<vmem>>, vector<16xf32>,
      %sub3A_282 = arith.subf %add3A_274, %get3A_281 : vector<16xf32>
      %mul3A_283 = arith.mulf %sub3A_278, %sub3A_278 : vector<16xf32>
      %add3A_284 = arith.addf %add3A_266, %mul3A_283 : vector<16xf32>
      %mul3A_285 = arith.mulf %sub3A_282, %sub3A_282 : vector<16xf32>
      %add3A_286 = arith.addf %add3A_268, %mul3A_285 : vector<16xf32>
      %get3A_287 = arith.index_cast %scan3A_197 : i32 to index
      %get3A_288 = arith.constant 80 : index
      %get3A_289 = tpu.vector_load %arg9[%get3A_287, %get3A_288] {strides = array<i32>} : memref<128x128xf32, #tpu.memory_space<vmem>>, vector<16xf32>,
      %add3A_290 = arith.constant 9.99999997E-7 : f32
      %add3A_291 = vector.broadcast %add3A_290 : f32 to vector<16xf32>
      %add3A_292 = arith.addf %get3A_289, %add3A_291 : vector<16xf32>
      %get3A_293 = arith.index_cast %scan3A_197 : i32 to index
      %get3A_294 = arith.constant 80 : index
      %get3A_295 = tpu.vector_load %arg10[%get3A_293, %get3A_294] {strides = array<i32>} : memref<128x128xf32, #tpu.memory_space<vmem>>, vector<16xf32>,
      %sub3A_296 = arith.subf %add3A_292, %get3A_295 : vector<16xf32>
      %get3A_297 = arith.index_cast %scan3A_197 : i32 to index
      %get3A_298 = arith.constant 80 : index
      %get3A_299 = tpu.vector_load %arg11[%get3A_297, %get3A_298] {strides = array<i32>} : memref<128x128xf32, #tpu.memory_space<vmem>>, vector<16xf32>,
      %sub3A_300 = arith.subf %add3A_292, %get3A_299 : vector<16xf32>
      %mul3A_301 = arith.mulf %sub3A_296, %sub3A_296 : vector<16xf32>
      %add3A_302 = arith.addf %add3A_284, %mul3A_301 : vector<16xf32>
      %mul3A_303 = arith.mulf %sub3A_300, %sub3A_300 : vector<16xf32>
      %add3A_304 = arith.addf %add3A_286, %mul3A_303 : vector<16xf32>
      %get3A_305 = arith.index_cast %scan3A_197 : i32 to index
      %get3A_306 = arith.constant 96 : index
      %get3A_307 = tpu.vector_load %arg9[%get3A_305, %get3A_306] {strides = array<i32>} : memref<128x128xf32, #tpu.memory_space<vmem>>, vector<16xf32>,
      %add3A_308 = arith.constant 9.99999997E-7 : f32
      %add3A_309 = vector.broadcast %add3A_308 : f32 to vector<16xf32>
      %add3A_310 = arith.addf %get3A_307, %add3A_309 : vector<16xf32>
      %get3A_311 = arith.index_cast %scan3A_197 : i32 to index
      %get3A_312 = arith.constant 96 : index
      %get3A_313 = tpu.vector_load %arg10[%get3A_311, %get3A_312] {strides = array<i32>} : memref<128x128xf32, #tpu.memory_space<vmem>>, vector<16xf32>,
      %sub3A_314 = arith.subf %add3A_310, %get3A_313 : vector<16xf32>
      %get3A_315 = arith.index_cast %scan3A_197 : i32 to index
      %get3A_316 = arith.constant 96 : index
      %get3A_317 = tpu.vector_load %arg11[%get3A_315, %get3A_316] {strides = array<i32>} : memref<128x128xf32, #tpu.memory_space<vmem>>, vector<16xf32>,
      %sub3A_318 = arith.subf %add3A_310, %get3A_317 : vector<16xf32>
      %mul3A_319 = arith.mulf %sub3A_314, %sub3A_314 : vector<16xf32>
      %add3A_320 = arith.addf %add3A_302, %mul3A_319 : vector<16xf32>
      %mul3A_321 = arith.mulf %sub3A_318, %sub3A_318 : vector<16xf32>
      %add3A_322 = arith.addf %add3A_304, %mul3A_321 : vector<16xf32>
      %get3A_323 = arith.index_cast %scan3A_197 : i32 to index
      %get3A_324 = arith.constant 112 : index
      %get3A_325 = tpu.vector_load %arg9[%get3A_323, %get3A_324] {strides = array<i32>} : memref<128x128xf32, #tpu.memory_space<vmem>>, vector<16xf32>,
      %add3A_326 = arith.constant 9.99999997E-7 : f32
      %add3A_327 = vector.broadcast %add3A_326 : f32 to vector<16xf32>
      %add3A_328 = arith.addf %get3A_325, %add3A_327 : vector<16xf32>
      %get3A_329 = arith.index_cast %scan3A_197 : i32 to index
      %get3A_330 = arith.constant 112 : index
      %get3A_331 = tpu.vector_load %arg10[%get3A_329, %get3A_330] {strides = array<i32>} : memref<128x128xf32, #tpu.memory_space<vmem>>, vector<16xf32>,
      %sub3A_332 = arith.subf %add3A_328, %get3A_331 : vector<16xf32>
      %get3A_333 = arith.index_cast %scan3A_197 : i32 to index
      %get3A_334 = arith.constant 112 : index
      %get3A_335 = tpu.vector_load %arg11[%get3A_333, %get3A_334] {strides = array<i32>} : memref<128x128xf32, #tpu.memory_space<vmem>>, vector<16xf32>,
      %sub3A_336 = arith.subf %add3A_328, %get3A_335 : vector<16xf32>
      %mul3A_337 = arith.mulf %sub3A_332, %sub3A_332 : vector<16xf32>
      %add3A_338 = arith.addf %add3A_320, %mul3A_337 : vector<16xf32>
      %mul3A_339 = arith.mulf %sub3A_336, %sub3A_336 : vector<16xf32>
      %add3A_340 = arith.addf %add3A_322, %mul3A_339 : vector<16xf32>
      %mul3A_341 = arith.constant 16 : i32
      %mul3A_342 = arith.muli %scan3A_197, %mul3A_341 : i32
      %swap3A_343 = arith.index_cast %mul3A_342 : i32 to index
      %swap3A_344 = tpu.vector_load %arg15[%swap3A_343] {strides = array<i32>} : memref<2048xf32, #tpu.memory_space<vmem>>, vector<16xf32>,
      tpu.vector_store %arg15[%swap3A_343], %add3A_338 {strides = array<i32>} : memref<2048xf32, #tpu.memory_space<vmem>>, vector<16xf32>,
      %mul3A_345 = arith.constant 16 : i32
      %mul3A_346 = arith.muli %scan3A_197, %mul3A_345 : i32
      %swap3A_347 = arith.index_cast %mul3A_346 : i32 to index
      %swap3A_348 = tpu.vector_load %arg16[%swap3A_347] {strides = array<i32>} : memref<2048xf32, #tpu.memory_space<vmem>>, vector<16xf32>,
      tpu.vector_store %arg16[%swap3A_347], %add3A_340 {strides = array<i32>} : memref<2048xf32, #tpu.memory_space<vmem>>, vector<16xf32>,
      %scan3A_349 = arith.constant 0 : i32
      %scan3A_350 = arith.constant 1 : i32
      %scan3A_351 = arith.addi %scan3A_197, %scan3A_350 : i32
      %get3A_352 = arith.index_cast %scan3A_351 : i32 to index
      %get3A_353 = arith.constant 0 : index
      %get3A_354 = tpu.vector_load %arg9[%get3A_352, %get3A_353] {strides = array<i32>} : memref<128x128xf32, #tpu.memory_space<vmem>>, vector<16xf32>,
      %add3A_355 = arith.constant 9.99999997E-7 : f32
      %add3A_356 = vector.broadcast %add3A_355 : f32 to vector<16xf32>
      %add3A_357 = arith.addf %get3A_354, %add3A_356 : vector<16xf32>
      %get3A_358 = arith.index_cast %scan3A_351 : i32 to index
      %get3A_359 = arith.constant 0 : index
      %get3A_360 = tpu.vector_load %arg10[%get3A_358, %get3A_359] {strides = array<i32>} : memref<128x128xf32, #tpu.memory_space<vmem>>, vector<16xf32>,
      %sub3A_361 = arith.subf %add3A_357, %get3A_360 : vector<16xf32>
      %get3A_362 = arith.index_cast %scan3A_351 : i32 to index
      %get3A_363 = arith.constant 0 : index
      %get3A_364 = tpu.vector_load %arg11[%get3A_362, %get3A_363] {strides = array<i32>} : memref<128x128xf32, #tpu.memory_space<vmem>>, vector<16xf32>,
      %sub3A_365 = arith.subf %add3A_357, %get3A_364 : vector<16xf32>
      %mul3A_366 = arith.mulf %sub3A_361, %sub3A_361 : vector<16xf32>
      %add3A_367 = arith.addf %broadcast_in_dim3A_19, %mul3A_366 : vector<16xf32>
      %mul3A_368 = arith.mulf %sub3A_365, %sub3A_365 : vector<16xf32>
      %add3A_369 = arith.addf %broadcast_in_dim3A_19, %mul3A_368 : vector<16xf32>
      %get3A_370 = arith.index_cast %scan3A_351 : i32 to index
      %get3A_371 = arith.constant 16 : index
      %get3A_372 = tpu.vector_load %arg9[%get3A_370, %get3A_371] {strides = array<i32>} : memref<128x128xf32, #tpu.memory_space<vmem>>, vector<16xf32>,
      %add3A_373 = arith.constant 9.99999997E-7 : f32
      %add3A_374 = vector.broadcast %add3A_373 : f32 to vector<16xf32>
      %add3A_375 = arith.addf %get3A_372, %add3A_374 : vector<16xf32>
      %get3A_376 = arith.index_cast %scan3A_351 : i32 to index
      %get3A_377 = arith.constant 16 : index
      %get3A_378 = tpu.vector_load %arg10[%get3A_376, %get3A_377] {strides = array<i32>} : memref<128x128xf32, #tpu.memory_space<vmem>>, vector<16xf32>,
      %sub3A_379 = arith.subf %add3A_375, %get3A_378 : vector<16xf32>
      %get3A_380 = arith.index_cast %scan3A_351 : i32 to index
      %get3A_381 = arith.constant 16 : index
      %get3A_382 = tpu.vector_load %arg11[%get3A_380, %get3A_381] {strides = array<i32>} : memref<128x128xf32, #tpu.memory_space<vmem>>, vector<16xf32>,
      %sub3A_383 = arith.subf %add3A_375, %get3A_382 : vector<16xf32>
      %mul3A_384 = arith.mulf %sub3A_379, %sub3A_379 : vector<16xf32>
      %add3A_385 = arith.addf %add3A_367, %mul3A_384 : vector<16xf32>
      %mul3A_386 = arith.mulf %sub3A_383, %sub3A_383 : vector<16xf32>
      %add3A_387 = arith.addf %add3A_369, %mul3A_386 : vector<16xf32>
      %get3A_388 = arith.index_cast %scan3A_351 : i32 to index
      %get3A_389 = arith.constant 32 : index
      %get3A_390 = tpu.vector_load %arg9[%get3A_388, %get3A_389] {strides = array<i32>} : memref<128x128xf32, #tpu.memory_space<vmem>>, vector<16xf32>,
      %add3A_391 = arith.constant 9.99999997E-7 : f32
      %add3A_392 = vector.broadcast %add3A_391 : f32 to vector<16xf32>
      %add3A_393 = arith.addf %get3A_390, %add3A_392 : vector<16xf32>
      %get3A_394 = arith.index_cast %scan3A_351 : i32 to index
      %get3A_395 = arith.constant 32 : index
      %get3A_396 = tpu.vector_load %arg10[%get3A_394, %get3A_395] {strides = array<i32>} : memref<128x128xf32, #tpu.memory_space<vmem>>, vector<16xf32>,
      %sub3A_397 = arith.subf %add3A_393, %get3A_396 : vector<16xf32>
      %get3A_398 = arith.index_cast %scan3A_351 : i32 to index
      %get3A_399 = arith.constant 32 : index
      %get3A_400 = tpu.vector_load %arg11[%get3A_398, %get3A_399] {strides = array<i32>} : memref<128x128xf32, #tpu.memory_space<vmem>>, vector<16xf32>,
      %sub3A_401 = arith.subf %add3A_393, %get3A_400 : vector<16xf32>
      %mul3A_402 = arith.mulf %sub3A_397, %sub3A_397 : vector<16xf32>
      %add3A_403 = arith.addf %add3A_385, %mul3A_402 : vector<16xf32>
      %mul3A_404 = arith.mulf %sub3A_401, %sub3A_401 : vector<16xf32>
      %add3A_405 = arith.addf %add3A_387, %mul3A_404 : vector<16xf32>
      %get3A_406 = arith.index_cast %scan3A_351 : i32 to index
      %get3A_407 = arith.constant 48 : index
      %get3A_408 = tpu.vector_load %arg9[%get3A_406, %get3A_407] {strides = array<i32>} : memref<128x128xf32, #tpu.memory_space<vmem>>, vector<16xf32>,
      %add3A_409 = arith.constant 9.99999997E-7 : f32
      %add3A_410 = vector.broadcast %add3A_409 : f32 to vector<16xf32>
      %add3A_411 = arith.addf %get3A_408, %add3A_410 : vector<16xf32>
      %get3A_412 = arith.index_cast %scan3A_351 : i32 to index
      %get3A_413 = arith.constant 48 : index
      %get3A_414 = tpu.vector_load %arg10[%get3A_412, %get3A_413] {strides = array<i32>} : memref<128x128xf32, #tpu.memory_space<vmem>>, vector<16xf32>,
      %sub3A_415 = arith.subf %add3A_411, %get3A_414 : vector<16xf32>
      %get3A_416 = arith.index_cast %scan3A_351 : i32 to index
      %get3A_417 = arith.constant 48 : index
      %get3A_418 = tpu.vector_load %arg11[%get3A_416, %get3A_417] {strides = array<i32>} : memref<128x128xf32, #tpu.memory_space<vmem>>, vector<16xf32>,
      %sub3A_419 = arith.subf %add3A_411, %get3A_418 : vector<16xf32>
      %mul3A_420 = arith.mulf %sub3A_415, %sub3A_415 : vector<16xf32>
      %add3A_421 = arith.addf %add3A_403, %mul3A_420 : vector<16xf32>
      %mul3A_422 = arith.mulf %sub3A_419, %sub3A_419 : vector<16xf32>
      %add3A_423 = arith.addf %add3A_405, %mul3A_422 : vector<16xf32>
      %get3A_424 = arith.index_cast %scan3A_351 : i32 to index
      %get3A_425 = arith.constant 64 : index
      %get3A_426 = tpu.vector_load %arg9[%get3A_424, %get3A_425] {strides = array<i32>} : memref<128x128xf32, #tpu.memory_space<vmem>>, vector<16xf32>,
      %add3A_427 = arith.constant 9.99999997E-7 : f32
      %add3A_428 = vector.broadcast %add3A_427 : f32 to vector<16xf32>
      %add3A_429 = arith.addf %get3A_426, %add3A_428 : vector<16xf32>
      %get3A_430 = arith.index_cast %scan3A_351 : i32 to index
      %get3A_431 = arith.constant 64 : index
      %get3A_432 = tpu.vector_load %arg10[%get3A_430, %get3A_431] {strides = array<i32>} : memref<128x128xf32, #tpu.memory_space<vmem>>, vector<16xf32>,
      %sub3A_433 = arith.subf %add3A_429, %get3A_432 : vector<16xf32>
      %get3A_434 = arith.index_cast %scan3A_351 : i32 to index
      %get3A_435 = arith.constant 64 : index
      %get3A_436 = tpu.vector_load %arg11[%get3A_434, %get3A_435] {strides = array<i32>} : memref<128x128xf32, #tpu.memory_space<vmem>>, vector<16xf32>,
      %sub3A_437 = arith.subf %add3A_429, %get3A_436 : vector<16xf32>
      %mul3A_438 = arith.mulf %sub3A_433, %sub3A_433 : vector<16xf32>
      %add3A_439 = arith.addf %add3A_421, %mul3A_438 : vector<16xf32>
      %mul3A_440 = arith.mulf %sub3A_437, %sub3A_437 : vector<16xf32>
      %add3A_441 = arith.addf %add3A_423, %mul3A_440 : vector<16xf32>
      %get3A_442 = arith.index_cast %scan3A_351 : i32 to index
      %get3A_443 = arith.constant 80 : index
      %get3A_444 = tpu.vector_load %arg9[%get3A_442, %get3A_443] {strides = array<i32>} : memref<128x128xf32, #tpu.memory_space<vmem>>, vector<16xf32>,
      %add3A_445 = arith.constant 9.99999997E-7 : f32
      %add3A_446 = vector.broadcast %add3A_445 : f32 to vector<16xf32>
      %add3A_447 = arith.addf %get3A_444, %add3A_446 : vector<16xf32>
      %get3A_448 = arith.index_cast %scan3A_351 : i32 to index
      %get3A_449 = arith.constant 80 : index
      %get3A_450 = tpu.vector_load %arg10[%get3A_448, %get3A_449] {strides = array<i32>} : memref<128x128xf32, #tpu.memory_space<vmem>>, vector<16xf32>,
      %sub3A_451 = arith.subf %add3A_447, %get3A_450 : vector<16xf32>
      %get3A_452 = arith.index_cast %scan3A_351 : i32 to index
      %get3A_453 = arith.constant 80 : index
      %get3A_454 = tpu.vector_load %arg11[%get3A_452, %get3A_453] {strides = array<i32>} : memref<128x128xf32, #tpu.memory_space<vmem>>, vector<16xf32>,
      %sub3A_455 = arith.subf %add3A_447, %get3A_454 : vector<16xf32>
      %mul3A_456 = arith.mulf %sub3A_451, %sub3A_451 : vector<16xf32>
      %add3A_457 = arith.addf %add3A_439, %mul3A_456 : vector<16xf32>
      %mul3A_458 = arith.mulf %sub3A_455, %sub3A_455 : vector<16xf32>
      %add3A_459 = arith.addf %add3A_441, %mul3A_458 : vector<16xf32>
      %get3A_460 = arith.index_cast %scan3A_351 : i32 to index
      %get3A_461 = arith.constant 96 : index
      %get3A_462 = tpu.vector_load %arg9[%get3A_460, %get3A_461] {strides = array<i32>} : memref<128x128xf32, #tpu.memory_space<vmem>>, vector<16xf32>,
      %add3A_463 = arith.constant 9.99999997E-7 : f32
      %add3A_464 = vector.broadcast %add3A_463 : f32 to vector<16xf32>
      %add3A_465 = arith.addf %get3A_462, %add3A_464 : vector<16xf32>
      %get3A_466 = arith.index_cast %scan3A_351 : i32 to index
      %get3A_467 = arith.constant 96 : index
      %get3A_468 = tpu.vector_load %arg10[%get3A_466, %get3A_467] {strides = array<i32>} : memref<128x128xf32, #tpu.memory_space<vmem>>, vector<16xf32>,
      %sub3A_469 = arith.subf %add3A_465, %get3A_468 : vector<16xf32>
      %get3A_470 = arith.index_cast %scan3A_351 : i32 to index
      %get3A_471 = arith.constant 96 : index
      %get3A_472 = tpu.vector_load %arg11[%get3A_470, %get3A_471] {strides = array<i32>} : memref<128x128xf32, #tpu.memory_space<vmem>>, vector<16xf32>,
      %sub3A_473 = arith.subf %add3A_465, %get3A_472 : vector<16xf32>
      %mul3A_474 = arith.mulf %sub3A_469, %sub3A_469 : vector<16xf32>
      %add3A_475 = arith.addf %add3A_457, %mul3A_474 : vector<16xf32>
      %mul3A_476 = arith.mulf %sub3A_473, %sub3A_473 : vector<16xf32>
      %add3A_477 = arith.addf %add3A_459, %mul3A_476 : vector<16xf32>
      %get3A_478 = arith.index_cast %scan3A_351 : i32 to index
      %get3A_479 = arith.constant 112 : index
      %get3A_480 = tpu.vector_load %arg9[%get3A_478, %get3A_479] {strides = array<i32>} : memref<128x128xf32, #tpu.memory_space<vmem>>, vector<16xf32>,
      %add3A_481 = arith.constant 9.99999997E-7 : f32
      %add3A_482 = vector.broadcast %add3A_481 : f32 to vector<16xf32>
      %add3A_483 = arith.addf %get3A_480, %add3A_482 : vector<16xf32>
      %get3A_484 = arith.index_cast %scan3A_351 : i32 to index
      %get3A_485 = arith.constant 112 : index
      %get3A_486 = tpu.vector_load %arg10[%get3A_484, %get3A_485] {strides = array<i32>} : memref<128x128xf32, #tpu.memory_space<vmem>>, vector<16xf32>,
      %sub3A_487 = arith.subf %add3A_483, %get3A_486 : vector<16xf32>
      %get3A_488 = arith.index_cast %scan3A_351 : i32 to index
      %get3A_489 = arith.constant 112 : index
      %get3A_490 = tpu.vector_load %arg11[%get3A_488, %get3A_489] {strides = array<i32>} : memref<128x128xf32, #tpu.memory_space<vmem>>, vector<16xf32>,
      %sub3A_491 = arith.subf %add3A_483, %get3A_490 : vector<16xf32>
      %mul3A_492 = arith.mulf %sub3A_487, %sub3A_487 : vector<16xf32>
      %add3A_493 = arith.addf %add3A_475, %mul3A_492 : vector<16xf32>
      %mul3A_494 = arith.mulf %sub3A_491, %sub3A_491 : vector<16xf32>
      %add3A_495 = arith.addf %add3A_477, %mul3A_494 : vector<16xf32>
      %mul3A_496 = arith.constant 16 : i32
      %mul3A_497 = arith.muli %scan3A_351, %mul3A_496 : i32
      %swap3A_498 = arith.index_cast %mul3A_497 : i32 to index
      %swap3A_499 = tpu.vector_load %arg15[%swap3A_498] {strides = array<i32>} : memref<2048xf32, #tpu.memory_space<vmem>>, vector<16xf32>,
      tpu.vector_store %arg15[%swap3A_498], %add3A_493 {strides = array<i32>} : memref<2048xf32, #tpu.memory_space<vmem>>, vector<16xf32>,
      %mul3A_500 = arith.constant 16 : i32
      %mul3A_501 = arith.muli %scan3A_351, %mul3A_500 : i32
      %swap3A_502 = arith.index_cast %mul3A_501 : i32 to index
      %swap3A_503 = tpu.vector_load %arg16[%swap3A_502] {strides = array<i32>} : memref<2048xf32, #tpu.memory_space<vmem>>, vector<16xf32>,
      tpu.vector_store %arg16[%swap3A_502], %add3A_495 {strides = array<i32>} : memref<2048xf32, #tpu.memory_space<vmem>>, vector<16xf32>,
      %scan3A_504 = arith.constant 0 : i32
      %scan3A_505 = arith.constant 2 : i32
      %scan3A_506 = arith.addi %scan3A_197, %scan3A_505 : i32
      %get3A_507 = arith.index_cast %scan3A_506 : i32 to index
      %get3A_508 = arith.constant 0 : index
      %get3A_509 = tpu.vector_load %arg9[%get3A_507, %get3A_508] {strides = array<i32>} : memref<128x128xf32, #tpu.memory_space<vmem>>, vector<16xf32>,
      %add3A_510 = arith.constant 9.99999997E-7 : f32
      %add3A_511 = vector.broadcast %add3A_510 : f32 to vector<16xf32>
      %add3A_512 = arith.addf %get3A_509, %add3A_511 : vector<16xf32>
      %get3A_513 = arith.index_cast %scan3A_506 : i32 to index
      %get3A_514 = arith.constant 0 : index
      %get3A_515 = tpu.vector_load %arg10[%get3A_513, %get3A_514] {strides = array<i32>} : memref<128x128xf32, #tpu.memory_space<vmem>>, vector<16xf32>,
      %sub3A_516 = arith.subf %add3A_512, %get3A_515 : vector<16xf32>
      %get3A_517 = arith.index_cast %scan3A_506 : i32 to index
      %get3A_518 = arith.constant 0 : index
      %get3A_519 = tpu.vector_load %arg11[%get3A_517, %get3A_518] {strides = array<i32>} : memref<128x128xf32, #tpu.memory_space<vmem>>, vector<16xf32>,
      %sub3A_520 = arith.subf %add3A_512, %get3A_519 : vector<16xf32>
      %mul3A_521 = arith.mulf %sub3A_516, %sub3A_516 : vector<16xf32>
      %add3A_522 = arith.addf %broadcast_in_dim3A_19, %mul3A_521 : vector<16xf32>
      %mul3A_523 = arith.mulf %sub3A_520, %sub3A_520 : vector<16xf32>
      %add3A_524 = arith.addf %broadcast_in_dim3A_19, %mul3A_523 : vector<16xf32>
      %get3A_525 = arith.index_cast %scan3A_506 : i32 to index
      %get3A_526 = arith.constant 16 : index
      %get3A_527 = tpu.vector_load %arg9[%get3A_525, %get3A_526] {strides = array<i32>} : memref<128x128xf32, #tpu.memory_space<vmem>>, vector<16xf32>,
      %add3A_528 = arith.constant 9.99999997E-7 : f32
      %add3A_529 = vector.broadcast %add3A_528 : f32 to vector<16xf32>
      %add3A_530 = arith.addf %get3A_527, %add3A_529 : vector<16xf32>
      %get3A_531 = arith.index_cast %scan3A_506 : i32 to index
      %get3A_532 = arith.constant 16 : index
      %get3A_533 = tpu.vector_load %arg10[%get3A_531, %get3A_532] {strides = array<i32>} : memref<128x128xf32, #tpu.memory_space<vmem>>, vector<16xf32>,
      %sub3A_534 = arith.subf %add3A_530, %get3A_533 : vector<16xf32>
      %get3A_535 = arith.index_cast %scan3A_506 : i32 to index
      %get3A_536 = arith.constant 16 : index
      %get3A_537 = tpu.vector_load %arg11[%get3A_535, %get3A_536] {strides = array<i32>} : memref<128x128xf32, #tpu.memory_space<vmem>>, vector<16xf32>,
      %sub3A_538 = arith.subf %add3A_530, %get3A_537 : vector<16xf32>
      %mul3A_539 = arith.mulf %sub3A_534, %sub3A_534 : vector<16xf32>
      %add3A_540 = arith.addf %add3A_522, %mul3A_539 : vector<16xf32>
      %mul3A_541 = arith.mulf %sub3A_538, %sub3A_538 : vector<16xf32>
      %add3A_542 = arith.addf %add3A_524, %mul3A_541 : vector<16xf32>
      %get3A_543 = arith.index_cast %scan3A_506 : i32 to index
      %get3A_544 = arith.constant 32 : index
      %get3A_545 = tpu.vector_load %arg9[%get3A_543, %get3A_544] {strides = array<i32>} : memref<128x128xf32, #tpu.memory_space<vmem>>, vector<16xf32>,
      %add3A_546 = arith.constant 9.99999997E-7 : f32
      %add3A_547 = vector.broadcast %add3A_546 : f32 to vector<16xf32>
      %add3A_548 = arith.addf %get3A_545, %add3A_547 : vector<16xf32>
      %get3A_549 = arith.index_cast %scan3A_506 : i32 to index
      %get3A_550 = arith.constant 32 : index
      %get3A_551 = tpu.vector_load %arg10[%get3A_549, %get3A_550] {strides = array<i32>} : memref<128x128xf32, #tpu.memory_space<vmem>>, vector<16xf32>,
      %sub3A_552 = arith.subf %add3A_548, %get3A_551 : vector<16xf32>
      %get3A_553 = arith.index_cast %scan3A_506 : i32 to index
      %get3A_554 = arith.constant 32 : index
      %get3A_555 = tpu.vector_load %arg11[%get3A_553, %get3A_554] {strides = array<i32>} : memref<128x128xf32, #tpu.memory_space<vmem>>, vector<16xf32>,
      %sub3A_556 = arith.subf %add3A_548, %get3A_555 : vector<16xf32>
      %mul3A_557 = arith.mulf %sub3A_552, %sub3A_552 : vector<16xf32>
      %add3A_558 = arith.addf %add3A_540, %mul3A_557 : vector<16xf32>
      %mul3A_559 = arith.mulf %sub3A_556, %sub3A_556 : vector<16xf32>
      %add3A_560 = arith.addf %add3A_542, %mul3A_559 : vector<16xf32>
      %get3A_561 = arith.index_cast %scan3A_506 : i32 to index
      %get3A_562 = arith.constant 48 : index
      %get3A_563 = tpu.vector_load %arg9[%get3A_561, %get3A_562] {strides = array<i32>} : memref<128x128xf32, #tpu.memory_space<vmem>>, vector<16xf32>,
      %add3A_564 = arith.constant 9.99999997E-7 : f32
      %add3A_565 = vector.broadcast %add3A_564 : f32 to vector<16xf32>
      %add3A_566 = arith.addf %get3A_563, %add3A_565 : vector<16xf32>
      %get3A_567 = arith.index_cast %scan3A_506 : i32 to index
      %get3A_568 = arith.constant 48 : index
      %get3A_569 = tpu.vector_load %arg10[%get3A_567, %get3A_568] {strides = array<i32>} : memref<128x128xf32, #tpu.memory_space<vmem>>, vector<16xf32>,
      %sub3A_570 = arith.subf %add3A_566, %get3A_569 : vector<16xf32>
      %get3A_571 = arith.index_cast %scan3A_506 : i32 to index
      %get3A_572 = arith.constant 48 : index
      %get3A_573 = tpu.vector_load %arg11[%get3A_571, %get3A_572] {strides = array<i32>} : memref<128x128xf32, #tpu.memory_space<vmem>>, vector<16xf32>,
      %sub3A_574 = arith.subf %add3A_566, %get3A_573 : vector<16xf32>
      %mul3A_575 = arith.mulf %sub3A_570, %sub3A_570 : vector<16xf32>
      %add3A_576 = arith.addf %add3A_558, %mul3A_575 : vector<16xf32>
      %mul3A_577 = arith.mulf %sub3A_574, %sub3A_574 : vector<16xf32>
      %add3A_578 = arith.addf %add3A_560, %mul3A_577 : vector<16xf32>
      %get3A_579 = arith.index_cast %scan3A_506 : i32 to index
      %get3A_580 = arith.constant 64 : index
      %get3A_581 = tpu.vector_load %arg9[%get3A_579, %get3A_580] {strides = array<i32>} : memref<128x128xf32, #tpu.memory_space<vmem>>, vector<16xf32>,
      %add3A_582 = arith.constant 9.99999997E-7 : f32
      %add3A_583 = vector.broadcast %add3A_582 : f32 to vector<16xf32>
      %add3A_584 = arith.addf %get3A_581, %add3A_583 : vector<16xf32>
      %get3A_585 = arith.index_cast %scan3A_506 : i32 to index
      %get3A_586 = arith.constant 64 : index
      %get3A_587 = tpu.vector_load %arg10[%get3A_585, %get3A_586] {strides = array<i32>} : memref<128x128xf32, #tpu.memory_space<vmem>>, vector<16xf32>,
      %sub3A_588 = arith.subf %add3A_584, %get3A_587 : vector<16xf32>
      %get3A_589 = arith.index_cast %scan3A_506 : i32 to index
      %get3A_590 = arith.constant 64 : index
      %get3A_591 = tpu.vector_load %arg11[%get3A_589, %get3A_590] {strides = array<i32>} : memref<128x128xf32, #tpu.memory_space<vmem>>, vector<16xf32>,
      %sub3A_592 = arith.subf %add3A_584, %get3A_591 : vector<16xf32>
      %mul3A_593 = arith.mulf %sub3A_588, %sub3A_588 : vector<16xf32>
      %add3A_594 = arith.addf %add3A_576, %mul3A_593 : vector<16xf32>
      %mul3A_595 = arith.mulf %sub3A_592, %sub3A_592 : vector<16xf32>
      %add3A_596 = arith.addf %add3A_578, %mul3A_595 : vector<16xf32>
      %get3A_597 = arith.index_cast %scan3A_506 : i32 to index
      %get3A_598 = arith.constant 80 : index
      %get3A_599 = tpu.vector_load %arg9[%get3A_597, %get3A_598] {strides = array<i32>} : memref<128x128xf32, #tpu.memory_space<vmem>>, vector<16xf32>,
      %add3A_600 = arith.constant 9.99999997E-7 : f32
      %add3A_601 = vector.broadcast %add3A_600 : f32 to vector<16xf32>
      %add3A_602 = arith.addf %get3A_599, %add3A_601 : vector<16xf32>
      %get3A_603 = arith.index_cast %scan3A_506 : i32 to index
      %get3A_604 = arith.constant 80 : index
      %get3A_605 = tpu.vector_load %arg10[%get3A_603, %get3A_604] {strides = array<i32>} : memref<128x128xf32, #tpu.memory_space<vmem>>, vector<16xf32>,
      %sub3A_606 = arith.subf %add3A_602, %get3A_605 : vector<16xf32>
      %get3A_607 = arith.index_cast %scan3A_506 : i32 to index
      %get3A_608 = arith.constant 80 : index
      %get3A_609 = tpu.vector_load %arg11[%get3A_607, %get3A_608] {strides = array<i32>} : memref<128x128xf32, #tpu.memory_space<vmem>>, vector<16xf32>,
      %sub3A_610 = arith.subf %add3A_602, %get3A_609 : vector<16xf32>
      %mul3A_611 = arith.mulf %sub3A_606, %sub3A_606 : vector<16xf32>
      %add3A_612 = arith.addf %add3A_594, %mul3A_611 : vector<16xf32>
      %mul3A_613 = arith.mulf %sub3A_610, %sub3A_610 : vector<16xf32>
      %add3A_614 = arith.addf %add3A_596, %mul3A_613 : vector<16xf32>
      %get3A_615 = arith.index_cast %scan3A_506 : i32 to index
      %get3A_616 = arith.constant 96 : index
      %get3A_617 = tpu.vector_load %arg9[%get3A_615, %get3A_616] {strides = array<i32>} : memref<128x128xf32, #tpu.memory_space<vmem>>, vector<16xf32>,
      %add3A_618 = arith.constant 9.99999997E-7 : f32
      %add3A_619 = vector.broadcast %add3A_618 : f32 to vector<16xf32>
      %add3A_620 = arith.addf %get3A_617, %add3A_619 : vector<16xf32>
      %get3A_621 = arith.index_cast %scan3A_506 : i32 to index
      %get3A_622 = arith.constant 96 : index
      %get3A_623 = tpu.vector_load %arg10[%get3A_621, %get3A_622] {strides = array<i32>} : memref<128x128xf32, #tpu.memory_space<vmem>>, vector<16xf32>,
      %sub3A_624 = arith.subf %add3A_620, %get3A_623 : vector<16xf32>
      %get3A_625 = arith.index_cast %scan3A_506 : i32 to index
      %get3A_626 = arith.constant 96 : index
      %get3A_627 = tpu.vector_load %arg11[%get3A_625, %get3A_626] {strides = array<i32>} : memref<128x128xf32, #tpu.memory_space<vmem>>, vector<16xf32>,
      %sub3A_628 = arith.subf %add3A_620, %get3A_627 : vector<16xf32>
      %mul3A_629 = arith.mulf %sub3A_624, %sub3A_624 : vector<16xf32>
      %add3A_630 = arith.addf %add3A_612, %mul3A_629 : vector<16xf32>
      %mul3A_631 = arith.mulf %sub3A_628, %sub3A_628 : vector<16xf32>
      %add3A_632 = arith.addf %add3A_614, %mul3A_631 : vector<16xf32>
      %get3A_633 = arith.index_cast %scan3A_506 : i32 to index
      %get3A_634 = arith.constant 112 : index
      %get3A_635 = tpu.vector_load %arg9[%get3A_633, %get3A_634] {strides = array<i32>} : memref<128x128xf32, #tpu.memory_space<vmem>>, vector<16xf32>,
      %add3A_636 = arith.constant 9.99999997E-7 : f32
      %add3A_637 = vector.broadcast %add3A_636 : f32 to vector<16xf32>
      %add3A_638 = arith.addf %get3A_635, %add3A_637 : vector<16xf32>
      %get3A_639 = arith.index_cast %scan3A_506 : i32 to index
      %get3A_640 = arith.constant 112 : index
      %get3A_641 = tpu.vector_load %arg10[%get3A_639, %get3A_640] {strides = array<i32>} : memref<128x128xf32, #tpu.memory_space<vmem>>, vector<16xf32>,
      %sub3A_642 = arith.subf %add3A_638, %get3A_641 : vector<16xf32>
      %get3A_643 = arith.index_cast %scan3A_506 : i32 to index
      %get3A_644 = arith.constant 112 : index
      %get3A_645 = tpu.vector_load %arg11[%get3A_643, %get3A_644] {strides = array<i32>} : memref<128x128xf32, #tpu.memory_space<vmem>>, vector<16xf32>,
      %sub3A_646 = arith.subf %add3A_638, %get3A_645 : vector<16xf32>
      %mul3A_647 = arith.mulf %sub3A_642, %sub3A_642 : vector<16xf32>
      %add3A_648 = arith.addf %add3A_630, %mul3A_647 : vector<16xf32>
      %mul3A_649 = arith.mulf %sub3A_646, %sub3A_646 : vector<16xf32>
      %add3A_650 = arith.addf %add3A_632, %mul3A_649 : vector<16xf32>
      %mul3A_651 = arith.constant 16 : i32
      %mul3A_652 = arith.muli %scan3A_506, %mul3A_651 : i32
      %swap3A_653 = arith.index_cast %mul3A_652 : i32 to index
      %swap3A_654 = tpu.vector_load %arg15[%swap3A_653] {strides = array<i32>} : memref<2048xf32, #tpu.memory_space<vmem>>, vector<16xf32>,
      tpu.vector_store %arg15[%swap3A_653], %add3A_648 {strides = array<i32>} : memref<2048xf32, #tpu.memory_space<vmem>>, vector<16xf32>,
      %mul3A_655 = arith.constant 16 : i32
      %mul3A_656 = arith.muli %scan3A_506, %mul3A_655 : i32
      %swap3A_657 = arith.index_cast %mul3A_656 : i32 to index
      %swap3A_658 = tpu.vector_load %arg16[%swap3A_657] {strides = array<i32>} : memref<2048xf32, #tpu.memory_space<vmem>>, vector<16xf32>,
      tpu.vector_store %arg16[%swap3A_657], %add3A_650 {strides = array<i32>} : memref<2048xf32, #tpu.memory_space<vmem>>, vector<16xf32>,
      %scan3A_659 = arith.constant 0 : i32
      %scan3A_660 = arith.constant 3 : i32
      %scan3A_661 = arith.addi %scan3A_197, %scan3A_660 : i32
      %get3A_662 = arith.index_cast %scan3A_661 : i32 to index
      %get3A_663 = arith.constant 0 : index
      %get3A_664 = tpu.vector_load %arg9[%get3A_662, %get3A_663] {strides = array<i32>} : memref<128x128xf32, #tpu.memory_space<vmem>>, vector<16xf32>,
      %add3A_665 = arith.constant 9.99999997E-7 : f32
      %add3A_666 = vector.broadcast %add3A_665 : f32 to vector<16xf32>
      %add3A_667 = arith.addf %get3A_664, %add3A_666 : vector<16xf32>
      %get3A_668 = arith.index_cast %scan3A_661 : i32 to index
      %get3A_669 = arith.constant 0 : index
      %get3A_670 = tpu.vector_load %arg10[%get3A_668, %get3A_669] {strides = array<i32>} : memref<128x128xf32, #tpu.memory_space<vmem>>, vector<16xf32>,
      %sub3A_671 = arith.subf %add3A_667, %get3A_670 : vector<16xf32>
      %get3A_672 = arith.index_cast %scan3A_661 : i32 to index
      %get3A_673 = arith.constant 0 : index
      %get3A_674 = tpu.vector_load %arg11[%get3A_672, %get3A_673] {strides = array<i32>} : memref<128x128xf32, #tpu.memory_space<vmem>>, vector<16xf32>,
      %sub3A_675 = arith.subf %add3A_667, %get3A_674 : vector<16xf32>
      %mul3A_676 = arith.mulf %sub3A_671, %sub3A_671 : vector<16xf32>
      %add3A_677 = arith.addf %broadcast_in_dim3A_19, %mul3A_676 : vector<16xf32>
      %mul3A_678 = arith.mulf %sub3A_675, %sub3A_675 : vector<16xf32>
      %add3A_679 = arith.addf %broadcast_in_dim3A_19, %mul3A_678 : vector<16xf32>
      %get3A_680 = arith.index_cast %scan3A_661 : i32 to index
      %get3A_681 = arith.constant 16 : index
      %get3A_682 = tpu.vector_load %arg9[%get3A_680, %get3A_681] {strides = array<i32>} : memref<128x128xf32, #tpu.memory_space<vmem>>, vector<16xf32>,
      %add3A_683 = arith.constant 9.99999997E-7 : f32
      %add3A_684 = vector.broadcast %add3A_683 : f32 to vector<16xf32>
      %add3A_685 = arith.addf %get3A_682, %add3A_684 : vector<16xf32>
      %get3A_686 = arith.index_cast %scan3A_661 : i32 to index
      %get3A_687 = arith.constant 16 : index
      %get3A_688 = tpu.vector_load %arg10[%get3A_686, %get3A_687] {strides = array<i32>} : memref<128x128xf32, #tpu.memory_space<vmem>>, vector<16xf32>,
      %sub3A_689 = arith.subf %add3A_685, %get3A_688 : vector<16xf32>
      %get3A_690 = arith.index_cast %scan3A_661 : i32 to index
      %get3A_691 = arith.constant 16 : index
      %get3A_692 = tpu.vector_load %arg11[%get3A_690, %get3A_691] {strides = array<i32>} : memref<128x128xf32, #tpu.memory_space<vmem>>, vector<16xf32>,
      %sub3A_693 = arith.subf %add3A_685, %get3A_692 : vector<16xf32>
      %mul3A_694 = arith.mulf %sub3A_689, %sub3A_689 : vector<16xf32>
      %add3A_695 = arith.addf %add3A_677, %mul3A_694 : vector<16xf32>
      %mul3A_696 = arith.mulf %sub3A_693, %sub3A_693 : vector<16xf32>
      %add3A_697 = arith.addf %add3A_679, %mul3A_696 : vector<16xf32>
      %get3A_698 = arith.index_cast %scan3A_661 : i32 to index
      %get3A_699 = arith.constant 32 : index
      %get3A_700 = tpu.vector_load %arg9[%get3A_698, %get3A_699] {strides = array<i32>} : memref<128x128xf32, #tpu.memory_space<vmem>>, vector<16xf32>,
      %add3A_701 = arith.constant 9.99999997E-7 : f32
      %add3A_702 = vector.broadcast %add3A_701 : f32 to vector<16xf32>
      %add3A_703 = arith.addf %get3A_700, %add3A_702 : vector<16xf32>
      %get3A_704 = arith.index_cast %scan3A_661 : i32 to index
      %get3A_705 = arith.constant 32 : index
      %get3A_706 = tpu.vector_load %arg10[%get3A_704, %get3A_705] {strides = array<i32>} : memref<128x128xf32, #tpu.memory_space<vmem>>, vector<16xf32>,
      %sub3A_707 = arith.subf %add3A_703, %get3A_706 : vector<16xf32>
      %get3A_708 = arith.index_cast %scan3A_661 : i32 to index
      %get3A_709 = arith.constant 32 : index
      %get3A_710 = tpu.vector_load %arg11[%get3A_708, %get3A_709] {strides = array<i32>} : memref<128x128xf32, #tpu.memory_space<vmem>>, vector<16xf32>,
      %sub3A_711 = arith.subf %add3A_703, %get3A_710 : vector<16xf32>
      %mul3A_712 = arith.mulf %sub3A_707, %sub3A_707 : vector<16xf32>
      %add3A_713 = arith.addf %add3A_695, %mul3A_712 : vector<16xf32>
      %mul3A_714 = arith.mulf %sub3A_711, %sub3A_711 : vector<16xf32>
      %add3A_715 = arith.addf %add3A_697, %mul3A_714 : vector<16xf32>
      %get3A_716 = arith.index_cast %scan3A_661 : i32 to index
      %get3A_717 = arith.constant 48 : index
      %get3A_718 = tpu.vector_load %arg9[%get3A_716, %get3A_717] {strides = array<i32>} : memref<128x128xf32, #tpu.memory_space<vmem>>, vector<16xf32>,
      %add3A_719 = arith.constant 9.99999997E-7 : f32
      %add3A_720 = vector.broadcast %add3A_719 : f32 to vector<16xf32>
      %add3A_721 = arith.addf %get3A_718, %add3A_720 : vector<16xf32>
      %get3A_722 = arith.index_cast %scan3A_661 : i32 to index
      %get3A_723 = arith.constant 48 : index
      %get3A_724 = tpu.vector_load %arg10[%get3A_722, %get3A_723] {strides = array<i32>} : memref<128x128xf32, #tpu.memory_space<vmem>>, vector<16xf32>,
      %sub3A_725 = arith.subf %add3A_721, %get3A_724 : vector<16xf32>
      %get3A_726 = arith.index_cast %scan3A_661 : i32 to index
      %get3A_727 = arith.constant 48 : index
      %get3A_728 = tpu.vector_load %arg11[%get3A_726, %get3A_727] {strides = array<i32>} : memref<128x128xf32, #tpu.memory_space<vmem>>, vector<16xf32>,
      %sub3A_729 = arith.subf %add3A_721, %get3A_728 : vector<16xf32>
      %mul3A_730 = arith.mulf %sub3A_725, %sub3A_725 : vector<16xf32>
      %add3A_731 = arith.addf %add3A_713, %mul3A_730 : vector<16xf32>
      %mul3A_732 = arith.mulf %sub3A_729, %sub3A_729 : vector<16xf32>
      %add3A_733 = arith.addf %add3A_715, %mul3A_732 : vector<16xf32>
      %get3A_734 = arith.index_cast %scan3A_661 : i32 to index
      %get3A_735 = arith.constant 64 : index
      %get3A_736 = tpu.vector_load %arg9[%get3A_734, %get3A_735] {strides = array<i32>} : memref<128x128xf32, #tpu.memory_space<vmem>>, vector<16xf32>,
      %add3A_737 = arith.constant 9.99999997E-7 : f32
      %add3A_738 = vector.broadcast %add3A_737 : f32 to vector<16xf32>
      %add3A_739 = arith.addf %get3A_736, %add3A_738 : vector<16xf32>
      %get3A_740 = arith.index_cast %scan3A_661 : i32 to index
      %get3A_741 = arith.constant 64 : index
      %get3A_742 = tpu.vector_load %arg10[%get3A_740, %get3A_741] {strides = array<i32>} : memref<128x128xf32, #tpu.memory_space<vmem>>, vector<16xf32>,
      %sub3A_743 = arith.subf %add3A_739, %get3A_742 : vector<16xf32>
      %get3A_744 = arith.index_cast %scan3A_661 : i32 to index
      %get3A_745 = arith.constant 64 : index
      %get3A_746 = tpu.vector_load %arg11[%get3A_744, %get3A_745] {strides = array<i32>} : memref<128x128xf32, #tpu.memory_space<vmem>>, vector<16xf32>,
      %sub3A_747 = arith.subf %add3A_739, %get3A_746 : vector<16xf32>
      %mul3A_748 = arith.mulf %sub3A_743, %sub3A_743 : vector<16xf32>
      %add3A_749 = arith.addf %add3A_731, %mul3A_748 : vector<16xf32>
      %mul3A_750 = arith.mulf %sub3A_747, %sub3A_747 : vector<16xf32>
      %add3A_751 = arith.addf %add3A_733, %mul3A_750 : vector<16xf32>
      %get3A_752 = arith.index_cast %scan3A_661 : i32 to index
      %get3A_753 = arith.constant 80 : index
      %get3A_754 = tpu.vector_load %arg9[%get3A_752, %get3A_753] {strides = array<i32>} : memref<128x128xf32, #tpu.memory_space<vmem>>, vector<16xf32>,
      %add3A_755 = arith.constant 9.99999997E-7 : f32
      %add3A_756 = vector.broadcast %add3A_755 : f32 to vector<16xf32>
      %add3A_757 = arith.addf %get3A_754, %add3A_756 : vector<16xf32>
      %get3A_758 = arith.index_cast %scan3A_661 : i32 to index
      %get3A_759 = arith.constant 80 : index
      %get3A_760 = tpu.vector_load %arg10[%get3A_758, %get3A_759] {strides = array<i32>} : memref<128x128xf32, #tpu.memory_space<vmem>>, vector<16xf32>,
      %sub3A_761 = arith.subf %add3A_757, %get3A_760 : vector<16xf32>
      %get3A_762 = arith.index_cast %scan3A_661 : i32 to index
      %get3A_763 = arith.constant 80 : index
      %get3A_764 = tpu.vector_load %arg11[%get3A_762, %get3A_763] {strides = array<i32>} : memref<128x128xf32, #tpu.memory_space<vmem>>, vector<16xf32>,
      %sub3A_765 = arith.subf %add3A_757, %get3A_764 : vector<16xf32>
      %mul3A_766 = arith.mulf %sub3A_761, %sub3A_761 : vector<16xf32>
      %add3A_767 = arith.addf %add3A_749, %mul3A_766 : vector<16xf32>
      %mul3A_768 = arith.mulf %sub3A_765, %sub3A_765 : vector<16xf32>
      %add3A_769 = arith.addf %add3A_751, %mul3A_768 : vector<16xf32>
      %get3A_770 = arith.index_cast %scan3A_661 : i32 to index
      %get3A_771 = arith.constant 96 : index
      %get3A_772 = tpu.vector_load %arg9[%get3A_770, %get3A_771] {strides = array<i32>} : memref<128x128xf32, #tpu.memory_space<vmem>>, vector<16xf32>,
      %add3A_773 = arith.constant 9.99999997E-7 : f32
      %add3A_774 = vector.broadcast %add3A_773 : f32 to vector<16xf32>
      %add3A_775 = arith.addf %get3A_772, %add3A_774 : vector<16xf32>
      %get3A_776 = arith.index_cast %scan3A_661 : i32 to index
      %get3A_777 = arith.constant 96 : index
      %get3A_778 = tpu.vector_load %arg10[%get3A_776, %get3A_777] {strides = array<i32>} : memref<128x128xf32, #tpu.memory_space<vmem>>, vector<16xf32>,
      %sub3A_779 = arith.subf %add3A_775, %get3A_778 : vector<16xf32>
      %get3A_780 = arith.index_cast %scan3A_661 : i32 to index
      %get3A_781 = arith.constant 96 : index
      %get3A_782 = tpu.vector_load %arg11[%get3A_780, %get3A_781] {strides = array<i32>} : memref<128x128xf32, #tpu.memory_space<vmem>>, vector<16xf32>,
      %sub3A_783 = arith.subf %add3A_775, %get3A_782 : vector<16xf32>
      %mul3A_784 = arith.mulf %sub3A_779, %sub3A_779 : vector<16xf32>
      %add3A_785 = arith.addf %add3A_767, %mul3A_784 : vector<16xf32>
      %mul3A_786 = arith.mulf %sub3A_783, %sub3A_783 : vector<16xf32>
      %add3A_787 = arith.addf %add3A_769, %mul3A_786 : vector<16xf32>
      %get3A_788 = arith.index_cast %scan3A_661 : i32 to index
      %get3A_789 = arith.constant 112 : index
      %get3A_790 = tpu.vector_load %arg9[%get3A_788, %get3A_789] {strides = array<i32>} : memref<128x128xf32, #tpu.memory_space<vmem>>, vector<16xf32>,
      %add3A_791 = arith.constant 9.99999997E-7 : f32
      %add3A_792 = vector.broadcast %add3A_791 : f32 to vector<16xf32>
      %add3A_793 = arith.addf %get3A_790, %add3A_792 : vector<16xf32>
      %get3A_794 = arith.index_cast %scan3A_661 : i32 to index
      %get3A_795 = arith.constant 112 : index
      %get3A_796 = tpu.vector_load %arg10[%get3A_794, %get3A_795] {strides = array<i32>} : memref<128x128xf32, #tpu.memory_space<vmem>>, vector<16xf32>,
      %sub3A_797 = arith.subf %add3A_793, %get3A_796 : vector<16xf32>
      %get3A_798 = arith.index_cast %scan3A_661 : i32 to index
      %get3A_799 = arith.constant 112 : index
      %get3A_800 = tpu.vector_load %arg11[%get3A_798, %get3A_799] {strides = array<i32>} : memref<128x128xf32, #tpu.memory_space<vmem>>, vector<16xf32>,
      %sub3A_801 = arith.subf %add3A_793, %get3A_800 : vector<16xf32>
      %mul3A_802 = arith.mulf %sub3A_797, %sub3A_797 : vector<16xf32>
      %add3A_803 = arith.addf %add3A_785, %mul3A_802 : vector<16xf32>
      %mul3A_804 = arith.mulf %sub3A_801, %sub3A_801 : vector<16xf32>
      %add3A_805 = arith.addf %add3A_787, %mul3A_804 : vector<16xf32>
      %mul3A_806 = arith.constant 16 : i32
      %mul3A_807 = arith.muli %scan3A_661, %mul3A_806 : i32
      %swap3A_808 = arith.index_cast %mul3A_807 : i32 to index
      %swap3A_809 = tpu.vector_load %arg15[%swap3A_808] {strides = array<i32>} : memref<2048xf32, #tpu.memory_space<vmem>>, vector<16xf32>,
      tpu.vector_store %arg15[%swap3A_808], %add3A_803 {strides = array<i32>} : memref<2048xf32, #tpu.memory_space<vmem>>, vector<16xf32>,
      %mul3A_810 = arith.constant 16 : i32
      %mul3A_811 = arith.muli %scan3A_661, %mul3A_810 : i32
      %swap3A_812 = arith.index_cast %mul3A_811 : i32 to index
      %swap3A_813 = tpu.vector_load %arg16[%swap3A_812] {strides = array<i32>} : memref<2048xf32, #tpu.memory_space<vmem>>, vector<16xf32>,
      tpu.vector_store %arg16[%swap3A_812], %add3A_805 {strides = array<i32>} : memref<2048xf32, #tpu.memory_space<vmem>>, vector<16xf32>,
      %scan3A_814 = arith.constant 0 : i32
      scf.yield %scan3A_814 : i32
    }
    %scan3A_69 = arith.constant 128 : i32
    %scan3A_70 = arith.constant 0 : i32
    %scan3A_71 = arith.constant 8 : i32
    %scan3A_72 = arith.addi %scan3A_70, %scan3A_71 : i32
    %scan3A_73 = arith.constant 1 : i32
    %scan3A_74 = scf.for %scan3A_197 = %scan3A_70 to %scan3A_72 step %scan3A_73 iter_args(%scan3A_198 = %broadcast_in_dim3A_19) -> (vector<16xf32>)  : i32 {
      %mul3A_199 = arith.constant 16 : i32
      %mul3A_200 = arith.muli %scan3A_197, %mul3A_199 : i32
      %add3A_201 = vector.broadcast %mul3A_200 : i32 to vector<16xi32>
      %add3A_202 = arith.addi %add3A_201, %iota3A : vector<16xi32>
      %mul3A_203 = arith.constant 16 : i32
      %mul3A_204 = vector.broadcast %mul3A_203 : i32 to vector<16xi32>
      %mul3A_205 = arith.muli %add3A_202, %mul3A_204 : vector<16xi32>
      %add3A_206 = arith.constant 0 : i32
      %add3A_207 = vector.broadcast %add3A_206 : i32 to vector<16xi32>
      %add3A_208 = arith.addi %mul3A_205, %add3A_207 : vector<16xi32>
      %gather3A = tpu.vector_load_idx %arg15[%add3A_208] : memref<2048xf32, #tpu.memory_space<vmem>>[vector<16xi32>], vector<16xf32>,
      %add3A_209 = arith.addf %broadcast_in_dim3A_19, %gather3A : vector<16xf32>
      %add3A_210 = arith.constant 0 : i32
      %add3A_211 = vector.broadcast %add3A_210 : i32 to vector<16xi32>
      %add3A_212 = arith.addi %mul3A_205, %add3A_211 : vector<16xi32>
      %gather3A_213 = tpu.vector_load_idx %arg16[%add3A_212] : memref<2048xf32, #tpu.memory_space<vmem>>[vector<16xi32>], vector<16xf32>,
      %add3A_214 = arith.addf %broadcast_in_dim3A_19, %gather3A_213 : vector<16xf32>
      %add3A_215 = arith.constant 1 : i32
      %add3A_216 = vector.broadcast %add3A_215 : i32 to vector<16xi32>
      %add3A_217 = arith.addi %mul3A_205, %add3A_216 : vector<16xi32>
      %gather3A_218 = tpu.vector_load_idx %arg15[%add3A_217] : memref<2048xf32, #tpu.memory_space<vmem>>[vector<16xi32>], vector<16xf32>,
      %add3A_219 = arith.addf %add3A_209, %gather3A_218 : vector<16xf32>
      %add3A_220 = arith.constant 1 : i32
      %add3A_221 = vector.broadcast %add3A_220 : i32 to vector<16xi32>
      %add3A_222 = arith.addi %mul3A_205, %add3A_221 : vector<16xi32>
      %gather3A_223 = tpu.vector_load_idx %arg16[%add3A_222] : memref<2048xf32, #tpu.memory_space<vmem>>[vector<16xi32>], vector<16xf32>,
      %add3A_224 = arith.addf %add3A_214, %gather3A_223 : vector<16xf32>
      %add3A_225 = arith.constant 2 : i32
      %add3A_226 = vector.broadcast %add3A_225 : i32 to vector<16xi32>
      %add3A_227 = arith.addi %mul3A_205, %add3A_226 : vector<16xi32>
      %gather3A_228 = tpu.vector_load_idx %arg15[%add3A_227] : memref<2048xf32, #tpu.memory_space<vmem>>[vector<16xi32>], vector<16xf32>,
      %add3A_229 = arith.addf %add3A_219, %gather3A_228 : vector<16xf32>
      %add3A_230 = arith.constant 2 : i32
      %add3A_231 = vector.broadcast %add3A_230 : i32 to vector<16xi32>
      %add3A_232 = arith.addi %mul3A_205, %add3A_231 : vector<16xi32>
      %gather3A_233 = tpu.vector_load_idx %arg16[%add3A_232] : memref<2048xf32, #tpu.memory_space<vmem>>[vector<16xi32>], vector<16xf32>,
      %add3A_234 = arith.addf %add3A_224, %gather3A_233 : vector<16xf32>
      %add3A_235 = arith.constant 3 : i32
      %add3A_236 = vector.broadcast %add3A_235 : i32 to vector<16xi32>
      %add3A_237 = arith.addi %mul3A_205, %add3A_236 : vector<16xi32>
      %gather3A_238 = tpu.vector_load_idx %arg15[%add3A_237] : memref<2048xf32, #tpu.memory_space<vmem>>[vector<16xi32>], vector<16xf32>,
      %add3A_239 = arith.addf %add3A_229, %gather3A_238 : vector<16xf32>
      %add3A_240 = arith.constant 3 : i32
      %add3A_241 = vector.broadcast %add3A_240 : i32 to vector<16xi32>
      %add3A_242 = arith.addi %mul3A_205, %add3A_241 : vector<16xi32>
      %gather3A_243 = tpu.vector_load_idx %arg16[%add3A_242] : memref<2048xf32, #tpu.memory_space<vmem>>[vector<16xi32>], vector<16xf32>,
      %add3A_244 = arith.addf %add3A_234, %gather3A_243 : vector<16xf32>
      %add3A_245 = arith.constant 4 : i32
      %add3A_246 = vector.broadcast %add3A_245 : i32 to vector<16xi32>
      %add3A_247 = arith.addi %mul3A_205, %add3A_246 : vector<16xi32>
      %gather3A_248 = tpu.vector_load_idx %arg15[%add3A_247] : memref<2048xf32, #tpu.memory_space<vmem>>[vector<16xi32>], vector<16xf32>,
      %add3A_249 = arith.addf %add3A_239, %gather3A_248 : vector<16xf32>
      %add3A_250 = arith.constant 4 : i32
      %add3A_251 = vector.broadcast %add3A_250 : i32 to vector<16xi32>
      %add3A_252 = arith.addi %mul3A_205, %add3A_251 : vector<16xi32>
      %gather3A_253 = tpu.vector_load_idx %arg16[%add3A_252] : memref<2048xf32, #tpu.memory_space<vmem>>[vector<16xi32>], vector<16xf32>,
      %add3A_254 = arith.addf %add3A_244, %gather3A_253 : vector<16xf32>
      %add3A_255 = arith.constant 5 : i32
      %add3A_256 = vector.broadcast %add3A_255 : i32 to vector<16xi32>
      %add3A_257 = arith.addi %mul3A_205, %add3A_256 : vector<16xi32>
      %gather3A_258 = tpu.vector_load_idx %arg15[%add3A_257] : memref<2048xf32, #tpu.memory_space<vmem>>[vector<16xi32>], vector<16xf32>,
      %add3A_259 = arith.addf %add3A_249, %gather3A_258 : vector<16xf32>
      %add3A_260 = arith.constant 5 : i32
      %add3A_261 = vector.broadcast %add3A_260 : i32 to vector<16xi32>
      %add3A_262 = arith.addi %mul3A_205, %add3A_261 : vector<16xi32>
      %gather3A_263 = tpu.vector_load_idx %arg16[%add3A_262] : memref<2048xf32, #tpu.memory_space<vmem>>[vector<16xi32>], vector<16xf32>,
      %add3A_264 = arith.addf %add3A_254, %gather3A_263 : vector<16xf32>
      %add3A_265 = arith.constant 6 : i32
      %add3A_266 = vector.broadcast %add3A_265 : i32 to vector<16xi32>
      %add3A_267 = arith.addi %mul3A_205, %add3A_266 : vector<16xi32>
      %gather3A_268 = tpu.vector_load_idx %arg15[%add3A_267] : memref<2048xf32, #tpu.memory_space<vmem>>[vector<16xi32>], vector<16xf32>,
      %add3A_269 = arith.addf %add3A_259, %gather3A_268 : vector<16xf32>
      %add3A_270 = arith.constant 6 : i32
      %add3A_271 = vector.broadcast %add3A_270 : i32 to vector<16xi32>
      %add3A_272 = arith.addi %mul3A_205, %add3A_271 : vector<16xi32>
      %gather3A_273 = tpu.vector_load_idx %arg16[%add3A_272] : memref<2048xf32, #tpu.memory_space<vmem>>[vector<16xi32>], vector<16xf32>,
      %add3A_274 = arith.addf %add3A_264, %gather3A_273 : vector<16xf32>
      %add3A_275 = arith.constant 7 : i32
      %add3A_276 = vector.broadcast %add3A_275 : i32 to vector<16xi32>
      %add3A_277 = arith.addi %mul3A_205, %add3A_276 : vector<16xi32>
      %gather3A_278 = tpu.vector_load_idx %arg15[%add3A_277] : memref<2048xf32, #tpu.memory_space<vmem>>[vector<16xi32>], vector<16xf32>,
      %add3A_279 = arith.addf %add3A_269, %gather3A_278 : vector<16xf32>
      %add3A_280 = arith.constant 7 : i32
      %add3A_281 = vector.broadcast %add3A_280 : i32 to vector<16xi32>
      %add3A_282 = arith.addi %mul3A_205, %add3A_281 : vector<16xi32>
      %gather3A_283 = tpu.vector_load_idx %arg16[%add3A_282] : memref<2048xf32, #tpu.memory_space<vmem>>[vector<16xi32>], vector<16xf32>,
      %add3A_284 = arith.addf %add3A_274, %gather3A_283 : vector<16xf32>
      %add3A_285 = arith.constant 8 : i32
      %add3A_286 = vector.broadcast %add3A_285 : i32 to vector<16xi32>
      %add3A_287 = arith.addi %mul3A_205, %add3A_286 : vector<16xi32>
      %gather3A_288 = tpu.vector_load_idx %arg15[%add3A_287] : memref<2048xf32, #tpu.memory_space<vmem>>[vector<16xi32>], vector<16xf32>,
      %add3A_289 = arith.addf %add3A_279, %gather3A_288 : vector<16xf32>
      %add3A_290 = arith.constant 8 : i32
      %add3A_291 = vector.broadcast %add3A_290 : i32 to vector<16xi32>
      %add3A_292 = arith.addi %mul3A_205, %add3A_291 : vector<16xi32>
      %gather3A_293 = tpu.vector_load_idx %arg16[%add3A_292] : memref<2048xf32, #tpu.memory_space<vmem>>[vector<16xi32>], vector<16xf32>,
      %add3A_294 = arith.addf %add3A_284, %gather3A_293 : vector<16xf32>
      %add3A_295 = arith.constant 9 : i32
      %add3A_296 = vector.broadcast %add3A_295 : i32 to vector<16xi32>
      %add3A_297 = arith.addi %mul3A_205, %add3A_296 : vector<16xi32>
      %gather3A_298 = tpu.vector_load_idx %arg15[%add3A_297] : memref<2048xf32, #tpu.memory_space<vmem>>[vector<16xi32>], vector<16xf32>,
      %add3A_299 = arith.addf %add3A_289, %gather3A_298 : vector<16xf32>
      %add3A_300 = arith.constant 9 : i32
      %add3A_301 = vector.broadcast %add3A_300 : i32 to vector<16xi32>
      %add3A_302 = arith.addi %mul3A_205, %add3A_301 : vector<16xi32>
      %gather3A_303 = tpu.vector_load_idx %arg16[%add3A_302] : memref<2048xf32, #tpu.memory_space<vmem>>[vector<16xi32>], vector<16xf32>,
      %add3A_304 = arith.addf %add3A_294, %gather3A_303 : vector<16xf32>
      %add3A_305 = arith.constant 10 : i32
      %add3A_306 = vector.broadcast %add3A_305 : i32 to vector<16xi32>
      %add3A_307 = arith.addi %mul3A_205, %add3A_306 : vector<16xi32>
      %gather3A_308 = tpu.vector_load_idx %arg15[%add3A_307] : memref<2048xf32, #tpu.memory_space<vmem>>[vector<16xi32>], vector<16xf32>,
      %add3A_309 = arith.addf %add3A_299, %gather3A_308 : vector<16xf32>
      %add3A_310 = arith.constant 10 : i32
      %add3A_311 = vector.broadcast %add3A_310 : i32 to vector<16xi32>
      %add3A_312 = arith.addi %mul3A_205, %add3A_311 : vector<16xi32>
      %gather3A_313 = tpu.vector_load_idx %arg16[%add3A_312] : memref<2048xf32, #tpu.memory_space<vmem>>[vector<16xi32>], vector<16xf32>,
      %add3A_314 = arith.addf %add3A_304, %gather3A_313 : vector<16xf32>
      %add3A_315 = arith.constant 11 : i32
      %add3A_316 = vector.broadcast %add3A_315 : i32 to vector<16xi32>
      %add3A_317 = arith.addi %mul3A_205, %add3A_316 : vector<16xi32>
      %gather3A_318 = tpu.vector_load_idx %arg15[%add3A_317] : memref<2048xf32, #tpu.memory_space<vmem>>[vector<16xi32>], vector<16xf32>,
      %add3A_319 = arith.addf %add3A_309, %gather3A_318 : vector<16xf32>
      %add3A_320 = arith.constant 11 : i32
      %add3A_321 = vector.broadcast %add3A_320 : i32 to vector<16xi32>
      %add3A_322 = arith.addi %mul3A_205, %add3A_321 : vector<16xi32>
      %gather3A_323 = tpu.vector_load_idx %arg16[%add3A_322] : memref<2048xf32, #tpu.memory_space<vmem>>[vector<16xi32>], vector<16xf32>,
      %add3A_324 = arith.addf %add3A_314, %gather3A_323 : vector<16xf32>
      %add3A_325 = arith.constant 12 : i32
      %add3A_326 = vector.broadcast %add3A_325 : i32 to vector<16xi32>
      %add3A_327 = arith.addi %mul3A_205, %add3A_326 : vector<16xi32>
      %gather3A_328 = tpu.vector_load_idx %arg15[%add3A_327] : memref<2048xf32, #tpu.memory_space<vmem>>[vector<16xi32>], vector<16xf32>,
      %add3A_329 = arith.addf %add3A_319, %gather3A_328 : vector<16xf32>
      %add3A_330 = arith.constant 12 : i32
      %add3A_331 = vector.broadcast %add3A_330 : i32 to vector<16xi32>
      %add3A_332 = arith.addi %mul3A_205, %add3A_331 : vector<16xi32>
      %gather3A_333 = tpu.vector_load_idx %arg16[%add3A_332] : memref<2048xf32, #tpu.memory_space<vmem>>[vector<16xi32>], vector<16xf32>,
      %add3A_334 = arith.addf %add3A_324, %gather3A_333 : vector<16xf32>
      %add3A_335 = arith.constant 13 : i32
      %add3A_336 = vector.broadcast %add3A_335 : i32 to vector<16xi32>
      %add3A_337 = arith.addi %mul3A_205, %add3A_336 : vector<16xi32>
      %gather3A_338 = tpu.vector_load_idx %arg15[%add3A_337] : memref<2048xf32, #tpu.memory_space<vmem>>[vector<16xi32>], vector<16xf32>,
      %add3A_339 = arith.addf %add3A_329, %gather3A_338 : vector<16xf32>
      %add3A_340 = arith.constant 13 : i32
      %add3A_341 = vector.broadcast %add3A_340 : i32 to vector<16xi32>
      %add3A_342 = arith.addi %mul3A_205, %add3A_341 : vector<16xi32>
      %gather3A_343 = tpu.vector_load_idx %arg16[%add3A_342] : memref<2048xf32, #tpu.memory_space<vmem>>[vector<16xi32>], vector<16xf32>,
      %add3A_344 = arith.addf %add3A_334, %gather3A_343 : vector<16xf32>
      %add3A_345 = arith.constant 14 : i32
      %add3A_346 = vector.broadcast %add3A_345 : i32 to vector<16xi32>
      %add3A_347 = arith.addi %mul3A_205, %add3A_346 : vector<16xi32>
      %gather3A_348 = tpu.vector_load_idx %arg15[%add3A_347] : memref<2048xf32, #tpu.memory_space<vmem>>[vector<16xi32>], vector<16xf32>,
      %add3A_349 = arith.addf %add3A_339, %gather3A_348 : vector<16xf32>
      %add3A_350 = arith.constant 14 : i32
      %add3A_351 = vector.broadcast %add3A_350 : i32 to vector<16xi32>
      %add3A_352 = arith.addi %mul3A_205, %add3A_351 : vector<16xi32>
      %gather3A_353 = tpu.vector_load_idx %arg16[%add3A_352] : memref<2048xf32, #tpu.memory_space<vmem>>[vector<16xi32>], vector<16xf32>,
      %add3A_354 = arith.addf %add3A_344, %gather3A_353 : vector<16xf32>
      %add3A_355 = arith.constant 15 : i32
      %add3A_356 = vector.broadcast %add3A_355 : i32 to vector<16xi32>
      %add3A_357 = arith.addi %mul3A_205, %add3A_356 : vector<16xi32>
      %gather3A_358 = tpu.vector_load_idx %arg15[%add3A_357] : memref<2048xf32, #tpu.memory_space<vmem>>[vector<16xi32>], vector<16xf32>,
      %add3A_359 = arith.addf %add3A_349, %gather3A_358 : vector<16xf32>
      %add3A_360 = arith.constant 15 : i32
      %add3A_361 = vector.broadcast %add3A_360 : i32 to vector<16xi32>
      %add3A_362 = arith.addi %mul3A_205, %add3A_361 : vector<16xi32>
      %gather3A_363 = tpu.vector_load_idx %arg16[%add3A_362] : memref<2048xf32, #tpu.memory_space<vmem>>[vector<16xi32>], vector<16xf32>,
      %add3A_364 = arith.addf %add3A_354, %gather3A_363 : vector<16xf32>
      %max3A = arith.constant 1.000000e-30 : f32
      %max3A_365 = vector.broadcast %max3A : f32 to vector<16xf32>
      %max3A_366 = arith.maximumf %add3A_359, %max3A_365 : vector<16xf32>
      %bitcast3A = vector.bitcast %max3A_366 : vector<16xf32> to vector<16xi32>
      %shift_right_arithmetic3A = arith.constant 1 : i32
      %shift_right_arithmetic3A_367 = vector.broadcast %shift_right_arithmetic3A : i32 to vector<16xi32>
      %shift_right_arithmetic3A_368 = arith.shrsi %bitcast3A, %shift_right_arithmetic3A_367 : vector<16xi32>
      %add3A_369 = arith.constant 532487669 : i32
      %add3A_370 = vector.broadcast %add3A_369 : i32 to vector<16xi32>
      %add3A_371 = arith.addi %shift_right_arithmetic3A_368, %add3A_370 : vector<16xi32>
      %bitcast3A_372 = vector.bitcast %add3A_371 : vector<16xi32> to vector<16xf32>
      %div3A = arith.divf %max3A_366, %bitcast3A_372 : vector<16xf32>
      %add3A_373 = arith.addf %bitcast3A_372, %div3A : vector<16xf32>
      %mul3A_374 = arith.constant 5.000000e-01 : f32
      %mul3A_375 = vector.broadcast %mul3A_374 : f32 to vector<16xf32>
      %mul3A_376 = arith.mulf %mul3A_375, %add3A_373 : vector<16xf32>
      %div3A_377 = arith.divf %max3A_366, %mul3A_376 : vector<16xf32>
      %add3A_378 = arith.addf %mul3A_376, %div3A_377 : vector<16xf32>
      %mul3A_379 = arith.constant 5.000000e-01 : f32
      %mul3A_380 = vector.broadcast %mul3A_379 : f32 to vector<16xf32>
      %mul3A_381 = arith.mulf %mul3A_380, %add3A_378 : vector<16xf32>
      %div3A_382 = arith.divf %max3A_366, %mul3A_381 : vector<16xf32>
      %add3A_383 = arith.addf %mul3A_381, %div3A_382 : vector<16xf32>
      %mul3A_384 = arith.constant 5.000000e-01 : f32
      %mul3A_385 = vector.broadcast %mul3A_384 : f32 to vector<16xf32>
      %mul3A_386 = arith.mulf %mul3A_385, %add3A_383 : vector<16xf32>
      %max3A_387 = arith.constant 1.000000e-30 : f32
      %max3A_388 = vector.broadcast %max3A_387 : f32 to vector<16xf32>
      %max3A_389 = arith.maximumf %add3A_364, %max3A_388 : vector<16xf32>
      %bitcast3A_390 = vector.bitcast %max3A_389 : vector<16xf32> to vector<16xi32>
      %shift_right_arithmetic3A_391 = arith.constant 1 : i32
      %shift_right_arithmetic3A_392 = vector.broadcast %shift_right_arithmetic3A_391 : i32 to vector<16xi32>
      %shift_right_arithmetic3A_393 = arith.shrsi %bitcast3A_390, %shift_right_arithmetic3A_392 : vector<16xi32>
      %add3A_394 = arith.constant 532487669 : i32
      %add3A_395 = vector.broadcast %add3A_394 : i32 to vector<16xi32>
      %add3A_396 = arith.addi %shift_right_arithmetic3A_393, %add3A_395 : vector<16xi32>
      %bitcast3A_397 = vector.bitcast %add3A_396 : vector<16xi32> to vector<16xf32>
      %div3A_398 = arith.divf %max3A_389, %bitcast3A_397 : vector<16xf32>
      %add3A_399 = arith.addf %bitcast3A_397, %div3A_398 : vector<16xf32>
      %mul3A_400 = arith.constant 5.000000e-01 : f32
      %mul3A_401 = vector.broadcast %mul3A_400 : f32 to vector<16xf32>
      %mul3A_402 = arith.mulf %mul3A_401, %add3A_399 : vector<16xf32>
      %div3A_403 = arith.divf %max3A_389, %mul3A_402 : vector<16xf32>
      %add3A_404 = arith.addf %mul3A_402, %div3A_403 : vector<16xf32>
      %mul3A_405 = arith.constant 5.000000e-01 : f32
      %mul3A_406 = vector.broadcast %mul3A_405 : f32 to vector<16xf32>
      %mul3A_407 = arith.mulf %mul3A_406, %add3A_404 : vector<16xf32>
      %div3A_408 = arith.divf %max3A_389, %mul3A_407 : vector<16xf32>
      %add3A_409 = arith.addf %mul3A_407, %div3A_408 : vector<16xf32>
      %mul3A_410 = arith.constant 5.000000e-01 : f32
      %mul3A_411 = vector.broadcast %mul3A_410 : f32 to vector<16xf32>
      %mul3A_412 = arith.mulf %mul3A_411, %add3A_409 : vector<16xf32>
      %neg3A = arith.constant 0.000000e+00 : f32
      %neg3A_413 = vector.broadcast %neg3A : f32 to vector<16xf32>
      %neg3A_414 = arith.subf %neg3A_413, %mul3A_386 : vector<16xf32>
      %exp3A = math.exp %neg3A_414 : vector<16xf32>
      %sub3A = arith.constant 0.00999999977 : f32
      %sub3A_415 = vector.broadcast %sub3A : f32 to vector<16xf32>
      %sub3A_416 = arith.subf %sub3A_415, %exp3A : vector<16xf32>
      %neg3A_417 = arith.constant 0.000000e+00 : f32
      %neg3A_418 = vector.broadcast %neg3A_417 : f32 to vector<16xf32>
      %neg3A_419 = arith.subf %neg3A_418, %mul3A_412 : vector<16xf32>
      %exp3A_420 = math.exp %neg3A_419 : vector<16xf32>
      %add3A_421 = arith.addf %sub3A_416, %exp3A_420 : vector<16xf32>
      %max3A_422 = arith.constant 0.000000e+00 : f32
      %max3A_423 = vector.broadcast %max3A_422 : f32 to vector<16xf32>
      %max3A_424 = arith.maximumf %add3A_421, %max3A_423 : vector<16xf32>
      %add3A_425 = arith.addf %scan3A_198, %max3A_424 : vector<16xf32>
      scf.yield %add3A_425 : vector<16xf32>
    }
    %scan3A_75 = arith.constant 8 : i32
    %dma_start3A_76 = arith.constant 256 : i32
    %dma_start3A_77 = tpu.memref_slice %arg6[%dma_start3A_76] : memref<512xi32, #tpu.memory_space<vmem>> -> memref<128xi32, #tpu.memory_space<vmem>>
    %dma_start3A_78 = arith.constant 0 : i32
    %dma_start3A_79 = arith.constant 0 : i32
    %dma_start3A_80 = tpu.memref_slice %arg3[%dma_start3A_78, %dma_start3A_79] : memref<65536x128xf32, #tpu.memory_space<hbm>> -> memref<65536x128xf32, #tpu.memory_space<hbm>>
    tpu.enqueue_indirect_dma source(%dma_start3A_80 : memref<65536x128xf32, #tpu.memory_space<hbm>>) target(%arg9 : memref<128x128xf32, #tpu.memory_space<vmem>>) offsets(%dma_start3A_77 : memref<128xi32, #tpu.memory_space<vmem>>) semaphore(%arg18 : memref<!tpu.dma_semaphore, #tpu.memory_space<semaphore_mem>>)
    %dma_start3A_81 = arith.constant 256 : i32
    %dma_start3A_82 = tpu.memref_slice %arg7[%dma_start3A_81] : memref<512xi32, #tpu.memory_space<vmem>> -> memref<128xi32, #tpu.memory_space<vmem>>
    %dma_start3A_83 = arith.constant 0 : i32
    %dma_start3A_84 = arith.constant 0 : i32
    %dma_start3A_85 = tpu.memref_slice %arg4[%dma_start3A_83, %dma_start3A_84] : memref<65536x128xf32, #tpu.memory_space<hbm>> -> memref<65536x128xf32, #tpu.memory_space<hbm>>
    tpu.enqueue_indirect_dma source(%dma_start3A_85 : memref<65536x128xf32, #tpu.memory_space<hbm>>) target(%arg10 : memref<128x128xf32, #tpu.memory_space<vmem>>) offsets(%dma_start3A_82 : memref<128xi32, #tpu.memory_space<vmem>>) semaphore(%arg18 : memref<!tpu.dma_semaphore, #tpu.memory_space<semaphore_mem>>)
    %dma_start3A_86 = arith.constant 256 : i32
    %dma_start3A_87 = tpu.memref_slice %arg8[%dma_start3A_86] : memref<512xi32, #tpu.memory_space<vmem>> -> memref<128xi32, #tpu.memory_space<vmem>>
    %dma_start3A_88 = arith.constant 0 : i32
    %dma_start3A_89 = arith.constant 0 : i32
    %dma_start3A_90 = tpu.memref_slice %arg4[%dma_start3A_88, %dma_start3A_89] : memref<65536x128xf32, #tpu.memory_space<hbm>> -> memref<65536x128xf32, #tpu.memory_space<hbm>>
    tpu.enqueue_indirect_dma source(%dma_start3A_90 : memref<65536x128xf32, #tpu.memory_space<hbm>>) target(%arg11 : memref<128x128xf32, #tpu.memory_space<vmem>>) offsets(%dma_start3A_87 : memref<128xi32, #tpu.memory_space<vmem>>) semaphore(%arg18 : memref<!tpu.dma_semaphore, #tpu.memory_space<semaphore_mem>>)
    %dma_wait3A_91 = arith.constant 128 : i32
    %dma_wait3A_92 = tpu.memref_slice %arg6[%dma_wait3A_91] : memref<512xi32, #tpu.memory_space<vmem>> -> memref<128xi32, #tpu.memory_space<vmem>>
    %dma_wait3A_93 = arith.constant 0 : i32
    %dma_wait3A_94 = arith.constant 0 : i32
    %dma_wait3A_95 = tpu.memref_slice %arg3[%dma_wait3A_93, %dma_wait3A_94] : memref<65536x128xf32, #tpu.memory_space<hbm>> -> memref<65536x128xf32, #tpu.memory_space<hbm>>
    tpu.wait_indirect_dma semaphore(%arg19 : memref<!tpu.dma_semaphore, #tpu.memory_space<semaphore_mem>>) src(%dma_wait3A_95 : memref<65536x128xf32, #tpu.memory_space<hbm>>) dst(%arg12 : memref<128x128xf32, #tpu.memory_space<vmem>>)
    %dma_wait3A_96 = arith.constant 128 : i32
    %dma_wait3A_97 = tpu.memref_slice %arg7[%dma_wait3A_96] : memref<512xi32, #tpu.memory_space<vmem>> -> memref<128xi32, #tpu.memory_space<vmem>>
    %dma_wait3A_98 = arith.constant 0 : i32
    %dma_wait3A_99 = arith.constant 0 : i32
    %dma_wait3A_100 = tpu.memref_slice %arg4[%dma_wait3A_98, %dma_wait3A_99] : memref<65536x128xf32, #tpu.memory_space<hbm>> -> memref<65536x128xf32, #tpu.memory_space<hbm>>
    tpu.wait_indirect_dma semaphore(%arg19 : memref<!tpu.dma_semaphore, #tpu.memory_space<semaphore_mem>>) src(%dma_wait3A_100 : memref<65536x128xf32, #tpu.memory_space<hbm>>) dst(%arg13 : memref<128x128xf32, #tpu.memory_space<vmem>>)
    %dma_wait3A_101 = arith.constant 128 : i32
    %dma_wait3A_102 = tpu.memref_slice %arg8[%dma_wait3A_101] : memref<512xi32, #tpu.memory_space<vmem>> -> memref<128xi32, #tpu.memory_space<vmem>>
    %dma_wait3A_103 = arith.constant 0 : i32
    %dma_wait3A_104 = arith.constant 0 : i32
    %dma_wait3A_105 = tpu.memref_slice %arg4[%dma_wait3A_103, %dma_wait3A_104] : memref<65536x128xf32, #tpu.memory_space<hbm>> -> memref<65536x128xf32, #tpu.memory_space<hbm>>
    tpu.wait_indirect_dma semaphore(%arg19 : memref<!tpu.dma_semaphore, #tpu.memory_space<semaphore_mem>>) src(%dma_wait3A_105 : memref<65536x128xf32, #tpu.memory_space<hbm>>) dst(%arg14 : memref<128x128xf32, #tpu.memory_space<vmem>>)
    %scan3A_106 = arith.constant 0 : i32
    %scan3A_107 = arith.constant 0 : i32
    %scan3A_108 = arith.constant 128 : i32
    %scan3A_109 = arith.addi %scan3A_107, %scan3A_108 : i32
    %scan3A_110 = arith.constant 4 : i32
    %scan3A_111 = scf.for %scan3A_197 = %scan3A_107 to %scan3A_109 step %scan3A_110 iter_args(%scan3A_198 = %scan3A_106) -> (i32)  : i32 {
      %get3A = arith.index_cast %scan3A_197 : i32 to index
      %get3A_199 = arith.constant 0 : index
      %get3A_200 = tpu.vector_load %arg12[%get3A, %get3A_199] {strides = array<i32>} : memref<128x128xf32, #tpu.memory_space<vmem>>, vector<16xf32>,
      %add3A_201 = arith.constant 9.99999997E-7 : f32
      %add3A_202 = vector.broadcast %add3A_201 : f32 to vector<16xf32>
      %add3A_203 = arith.addf %get3A_200, %add3A_202 : vector<16xf32>
      %get3A_204 = arith.index_cast %scan3A_197 : i32 to index
      %get3A_205 = arith.constant 0 : index
      %get3A_206 = tpu.vector_load %arg13[%get3A_204, %get3A_205] {strides = array<i32>} : memref<128x128xf32, #tpu.memory_space<vmem>>, vector<16xf32>,
      %sub3A = arith.subf %add3A_203, %get3A_206 : vector<16xf32>
      %get3A_207 = arith.index_cast %scan3A_197 : i32 to index
      %get3A_208 = arith.constant 0 : index
      %get3A_209 = tpu.vector_load %arg14[%get3A_207, %get3A_208] {strides = array<i32>} : memref<128x128xf32, #tpu.memory_space<vmem>>, vector<16xf32>,
      %sub3A_210 = arith.subf %add3A_203, %get3A_209 : vector<16xf32>
      %mul3A_211 = arith.mulf %sub3A, %sub3A : vector<16xf32>
      %add3A_212 = arith.addf %broadcast_in_dim3A_19, %mul3A_211 : vector<16xf32>
      %mul3A_213 = arith.mulf %sub3A_210, %sub3A_210 : vector<16xf32>
      %add3A_214 = arith.addf %broadcast_in_dim3A_19, %mul3A_213 : vector<16xf32>
      %get3A_215 = arith.index_cast %scan3A_197 : i32 to index
      %get3A_216 = arith.constant 16 : index
      %get3A_217 = tpu.vector_load %arg12[%get3A_215, %get3A_216] {strides = array<i32>} : memref<128x128xf32, #tpu.memory_space<vmem>>, vector<16xf32>,
      %add3A_218 = arith.constant 9.99999997E-7 : f32
      %add3A_219 = vector.broadcast %add3A_218 : f32 to vector<16xf32>
      %add3A_220 = arith.addf %get3A_217, %add3A_219 : vector<16xf32>
      %get3A_221 = arith.index_cast %scan3A_197 : i32 to index
      %get3A_222 = arith.constant 16 : index
      %get3A_223 = tpu.vector_load %arg13[%get3A_221, %get3A_222] {strides = array<i32>} : memref<128x128xf32, #tpu.memory_space<vmem>>, vector<16xf32>,
      %sub3A_224 = arith.subf %add3A_220, %get3A_223 : vector<16xf32>
      %get3A_225 = arith.index_cast %scan3A_197 : i32 to index
      %get3A_226 = arith.constant 16 : index
      %get3A_227 = tpu.vector_load %arg14[%get3A_225, %get3A_226] {strides = array<i32>} : memref<128x128xf32, #tpu.memory_space<vmem>>, vector<16xf32>,
      %sub3A_228 = arith.subf %add3A_220, %get3A_227 : vector<16xf32>
      %mul3A_229 = arith.mulf %sub3A_224, %sub3A_224 : vector<16xf32>
      %add3A_230 = arith.addf %add3A_212, %mul3A_229 : vector<16xf32>
      %mul3A_231 = arith.mulf %sub3A_228, %sub3A_228 : vector<16xf32>
      %add3A_232 = arith.addf %add3A_214, %mul3A_231 : vector<16xf32>
      %get3A_233 = arith.index_cast %scan3A_197 : i32 to index
      %get3A_234 = arith.constant 32 : index
      %get3A_235 = tpu.vector_load %arg12[%get3A_233, %get3A_234] {strides = array<i32>} : memref<128x128xf32, #tpu.memory_space<vmem>>, vector<16xf32>,
      %add3A_236 = arith.constant 9.99999997E-7 : f32
      %add3A_237 = vector.broadcast %add3A_236 : f32 to vector<16xf32>
      %add3A_238 = arith.addf %get3A_235, %add3A_237 : vector<16xf32>
      %get3A_239 = arith.index_cast %scan3A_197 : i32 to index
      %get3A_240 = arith.constant 32 : index
      %get3A_241 = tpu.vector_load %arg13[%get3A_239, %get3A_240] {strides = array<i32>} : memref<128x128xf32, #tpu.memory_space<vmem>>, vector<16xf32>,
      %sub3A_242 = arith.subf %add3A_238, %get3A_241 : vector<16xf32>
      %get3A_243 = arith.index_cast %scan3A_197 : i32 to index
      %get3A_244 = arith.constant 32 : index
      %get3A_245 = tpu.vector_load %arg14[%get3A_243, %get3A_244] {strides = array<i32>} : memref<128x128xf32, #tpu.memory_space<vmem>>, vector<16xf32>,
      %sub3A_246 = arith.subf %add3A_238, %get3A_245 : vector<16xf32>
      %mul3A_247 = arith.mulf %sub3A_242, %sub3A_242 : vector<16xf32>
      %add3A_248 = arith.addf %add3A_230, %mul3A_247 : vector<16xf32>
      %mul3A_249 = arith.mulf %sub3A_246, %sub3A_246 : vector<16xf32>
      %add3A_250 = arith.addf %add3A_232, %mul3A_249 : vector<16xf32>
      %get3A_251 = arith.index_cast %scan3A_197 : i32 to index
      %get3A_252 = arith.constant 48 : index
      %get3A_253 = tpu.vector_load %arg12[%get3A_251, %get3A_252] {strides = array<i32>} : memref<128x128xf32, #tpu.memory_space<vmem>>, vector<16xf32>,
      %add3A_254 = arith.constant 9.99999997E-7 : f32
      %add3A_255 = vector.broadcast %add3A_254 : f32 to vector<16xf32>
      %add3A_256 = arith.addf %get3A_253, %add3A_255 : vector<16xf32>
      %get3A_257 = arith.index_cast %scan3A_197 : i32 to index
      %get3A_258 = arith.constant 48 : index
      %get3A_259 = tpu.vector_load %arg13[%get3A_257, %get3A_258] {strides = array<i32>} : memref<128x128xf32, #tpu.memory_space<vmem>>, vector<16xf32>,
      %sub3A_260 = arith.subf %add3A_256, %get3A_259 : vector<16xf32>
      %get3A_261 = arith.index_cast %scan3A_197 : i32 to index
      %get3A_262 = arith.constant 48 : index
      %get3A_263 = tpu.vector_load %arg14[%get3A_261, %get3A_262] {strides = array<i32>} : memref<128x128xf32, #tpu.memory_space<vmem>>, vector<16xf32>,
      %sub3A_264 = arith.subf %add3A_256, %get3A_263 : vector<16xf32>
      %mul3A_265 = arith.mulf %sub3A_260, %sub3A_260 : vector<16xf32>
      %add3A_266 = arith.addf %add3A_248, %mul3A_265 : vector<16xf32>
      %mul3A_267 = arith.mulf %sub3A_264, %sub3A_264 : vector<16xf32>
      %add3A_268 = arith.addf %add3A_250, %mul3A_267 : vector<16xf32>
      %get3A_269 = arith.index_cast %scan3A_197 : i32 to index
      %get3A_270 = arith.constant 64 : index
      %get3A_271 = tpu.vector_load %arg12[%get3A_269, %get3A_270] {strides = array<i32>} : memref<128x128xf32, #tpu.memory_space<vmem>>, vector<16xf32>,
      %add3A_272 = arith.constant 9.99999997E-7 : f32
      %add3A_273 = vector.broadcast %add3A_272 : f32 to vector<16xf32>
      %add3A_274 = arith.addf %get3A_271, %add3A_273 : vector<16xf32>
      %get3A_275 = arith.index_cast %scan3A_197 : i32 to index
      %get3A_276 = arith.constant 64 : index
      %get3A_277 = tpu.vector_load %arg13[%get3A_275, %get3A_276] {strides = array<i32>} : memref<128x128xf32, #tpu.memory_space<vmem>>, vector<16xf32>,
      %sub3A_278 = arith.subf %add3A_274, %get3A_277 : vector<16xf32>
      %get3A_279 = arith.index_cast %scan3A_197 : i32 to index
      %get3A_280 = arith.constant 64 : index
      %get3A_281 = tpu.vector_load %arg14[%get3A_279, %get3A_280] {strides = array<i32>} : memref<128x128xf32, #tpu.memory_space<vmem>>, vector<16xf32>,
      %sub3A_282 = arith.subf %add3A_274, %get3A_281 : vector<16xf32>
      %mul3A_283 = arith.mulf %sub3A_278, %sub3A_278 : vector<16xf32>
      %add3A_284 = arith.addf %add3A_266, %mul3A_283 : vector<16xf32>
      %mul3A_285 = arith.mulf %sub3A_282, %sub3A_282 : vector<16xf32>
      %add3A_286 = arith.addf %add3A_268, %mul3A_285 : vector<16xf32>
      %get3A_287 = arith.index_cast %scan3A_197 : i32 to index
      %get3A_288 = arith.constant 80 : index
      %get3A_289 = tpu.vector_load %arg12[%get3A_287, %get3A_288] {strides = array<i32>} : memref<128x128xf32, #tpu.memory_space<vmem>>, vector<16xf32>,
      %add3A_290 = arith.constant 9.99999997E-7 : f32
      %add3A_291 = vector.broadcast %add3A_290 : f32 to vector<16xf32>
      %add3A_292 = arith.addf %get3A_289, %add3A_291 : vector<16xf32>
      %get3A_293 = arith.index_cast %scan3A_197 : i32 to index
      %get3A_294 = arith.constant 80 : index
      %get3A_295 = tpu.vector_load %arg13[%get3A_293, %get3A_294] {strides = array<i32>} : memref<128x128xf32, #tpu.memory_space<vmem>>, vector<16xf32>,
      %sub3A_296 = arith.subf %add3A_292, %get3A_295 : vector<16xf32>
      %get3A_297 = arith.index_cast %scan3A_197 : i32 to index
      %get3A_298 = arith.constant 80 : index
      %get3A_299 = tpu.vector_load %arg14[%get3A_297, %get3A_298] {strides = array<i32>} : memref<128x128xf32, #tpu.memory_space<vmem>>, vector<16xf32>,
      %sub3A_300 = arith.subf %add3A_292, %get3A_299 : vector<16xf32>
      %mul3A_301 = arith.mulf %sub3A_296, %sub3A_296 : vector<16xf32>
      %add3A_302 = arith.addf %add3A_284, %mul3A_301 : vector<16xf32>
      %mul3A_303 = arith.mulf %sub3A_300, %sub3A_300 : vector<16xf32>
      %add3A_304 = arith.addf %add3A_286, %mul3A_303 : vector<16xf32>
      %get3A_305 = arith.index_cast %scan3A_197 : i32 to index
      %get3A_306 = arith.constant 96 : index
      %get3A_307 = tpu.vector_load %arg12[%get3A_305, %get3A_306] {strides = array<i32>} : memref<128x128xf32, #tpu.memory_space<vmem>>, vector<16xf32>,
      %add3A_308 = arith.constant 9.99999997E-7 : f32
      %add3A_309 = vector.broadcast %add3A_308 : f32 to vector<16xf32>
      %add3A_310 = arith.addf %get3A_307, %add3A_309 : vector<16xf32>
      %get3A_311 = arith.index_cast %scan3A_197 : i32 to index
      %get3A_312 = arith.constant 96 : index
      %get3A_313 = tpu.vector_load %arg13[%get3A_311, %get3A_312] {strides = array<i32>} : memref<128x128xf32, #tpu.memory_space<vmem>>, vector<16xf32>,
      %sub3A_314 = arith.subf %add3A_310, %get3A_313 : vector<16xf32>
      %get3A_315 = arith.index_cast %scan3A_197 : i32 to index
      %get3A_316 = arith.constant 96 : index
      %get3A_317 = tpu.vector_load %arg14[%get3A_315, %get3A_316] {strides = array<i32>} : memref<128x128xf32, #tpu.memory_space<vmem>>, vector<16xf32>,
      %sub3A_318 = arith.subf %add3A_310, %get3A_317 : vector<16xf32>
      %mul3A_319 = arith.mulf %sub3A_314, %sub3A_314 : vector<16xf32>
      %add3A_320 = arith.addf %add3A_302, %mul3A_319 : vector<16xf32>
      %mul3A_321 = arith.mulf %sub3A_318, %sub3A_318 : vector<16xf32>
      %add3A_322 = arith.addf %add3A_304, %mul3A_321 : vector<16xf32>
      %get3A_323 = arith.index_cast %scan3A_197 : i32 to index
      %get3A_324 = arith.constant 112 : index
      %get3A_325 = tpu.vector_load %arg12[%get3A_323, %get3A_324] {strides = array<i32>} : memref<128x128xf32, #tpu.memory_space<vmem>>, vector<16xf32>,
      %add3A_326 = arith.constant 9.99999997E-7 : f32
      %add3A_327 = vector.broadcast %add3A_326 : f32 to vector<16xf32>
      %add3A_328 = arith.addf %get3A_325, %add3A_327 : vector<16xf32>
      %get3A_329 = arith.index_cast %scan3A_197 : i32 to index
      %get3A_330 = arith.constant 112 : index
      %get3A_331 = tpu.vector_load %arg13[%get3A_329, %get3A_330] {strides = array<i32>} : memref<128x128xf32, #tpu.memory_space<vmem>>, vector<16xf32>,
      %sub3A_332 = arith.subf %add3A_328, %get3A_331 : vector<16xf32>
      %get3A_333 = arith.index_cast %scan3A_197 : i32 to index
      %get3A_334 = arith.constant 112 : index
      %get3A_335 = tpu.vector_load %arg14[%get3A_333, %get3A_334] {strides = array<i32>} : memref<128x128xf32, #tpu.memory_space<vmem>>, vector<16xf32>,
      %sub3A_336 = arith.subf %add3A_328, %get3A_335 : vector<16xf32>
      %mul3A_337 = arith.mulf %sub3A_332, %sub3A_332 : vector<16xf32>
      %add3A_338 = arith.addf %add3A_320, %mul3A_337 : vector<16xf32>
      %mul3A_339 = arith.mulf %sub3A_336, %sub3A_336 : vector<16xf32>
      %add3A_340 = arith.addf %add3A_322, %mul3A_339 : vector<16xf32>
      %mul3A_341 = arith.constant 16 : i32
      %mul3A_342 = arith.muli %scan3A_197, %mul3A_341 : i32
      %swap3A_343 = arith.index_cast %mul3A_342 : i32 to index
      %swap3A_344 = tpu.vector_load %arg15[%swap3A_343] {strides = array<i32>} : memref<2048xf32, #tpu.memory_space<vmem>>, vector<16xf32>,
      tpu.vector_store %arg15[%swap3A_343], %add3A_338 {strides = array<i32>} : memref<2048xf32, #tpu.memory_space<vmem>>, vector<16xf32>,
      %mul3A_345 = arith.constant 16 : i32
      %mul3A_346 = arith.muli %scan3A_197, %mul3A_345 : i32
      %swap3A_347 = arith.index_cast %mul3A_346 : i32 to index
      %swap3A_348 = tpu.vector_load %arg16[%swap3A_347] {strides = array<i32>} : memref<2048xf32, #tpu.memory_space<vmem>>, vector<16xf32>,
      tpu.vector_store %arg16[%swap3A_347], %add3A_340 {strides = array<i32>} : memref<2048xf32, #tpu.memory_space<vmem>>, vector<16xf32>,
      %scan3A_349 = arith.constant 0 : i32
      %scan3A_350 = arith.constant 1 : i32
      %scan3A_351 = arith.addi %scan3A_197, %scan3A_350 : i32
      %get3A_352 = arith.index_cast %scan3A_351 : i32 to index
      %get3A_353 = arith.constant 0 : index
      %get3A_354 = tpu.vector_load %arg12[%get3A_352, %get3A_353] {strides = array<i32>} : memref<128x128xf32, #tpu.memory_space<vmem>>, vector<16xf32>,
      %add3A_355 = arith.constant 9.99999997E-7 : f32
      %add3A_356 = vector.broadcast %add3A_355 : f32 to vector<16xf32>
      %add3A_357 = arith.addf %get3A_354, %add3A_356 : vector<16xf32>
      %get3A_358 = arith.index_cast %scan3A_351 : i32 to index
      %get3A_359 = arith.constant 0 : index
      %get3A_360 = tpu.vector_load %arg13[%get3A_358, %get3A_359] {strides = array<i32>} : memref<128x128xf32, #tpu.memory_space<vmem>>, vector<16xf32>,
      %sub3A_361 = arith.subf %add3A_357, %get3A_360 : vector<16xf32>
      %get3A_362 = arith.index_cast %scan3A_351 : i32 to index
      %get3A_363 = arith.constant 0 : index
      %get3A_364 = tpu.vector_load %arg14[%get3A_362, %get3A_363] {strides = array<i32>} : memref<128x128xf32, #tpu.memory_space<vmem>>, vector<16xf32>,
      %sub3A_365 = arith.subf %add3A_357, %get3A_364 : vector<16xf32>
      %mul3A_366 = arith.mulf %sub3A_361, %sub3A_361 : vector<16xf32>
      %add3A_367 = arith.addf %broadcast_in_dim3A_19, %mul3A_366 : vector<16xf32>
      %mul3A_368 = arith.mulf %sub3A_365, %sub3A_365 : vector<16xf32>
      %add3A_369 = arith.addf %broadcast_in_dim3A_19, %mul3A_368 : vector<16xf32>
      %get3A_370 = arith.index_cast %scan3A_351 : i32 to index
      %get3A_371 = arith.constant 16 : index
      %get3A_372 = tpu.vector_load %arg12[%get3A_370, %get3A_371] {strides = array<i32>} : memref<128x128xf32, #tpu.memory_space<vmem>>, vector<16xf32>,
      %add3A_373 = arith.constant 9.99999997E-7 : f32
      %add3A_374 = vector.broadcast %add3A_373 : f32 to vector<16xf32>
      %add3A_375 = arith.addf %get3A_372, %add3A_374 : vector<16xf32>
      %get3A_376 = arith.index_cast %scan3A_351 : i32 to index
      %get3A_377 = arith.constant 16 : index
      %get3A_378 = tpu.vector_load %arg13[%get3A_376, %get3A_377] {strides = array<i32>} : memref<128x128xf32, #tpu.memory_space<vmem>>, vector<16xf32>,
      %sub3A_379 = arith.subf %add3A_375, %get3A_378 : vector<16xf32>
      %get3A_380 = arith.index_cast %scan3A_351 : i32 to index
      %get3A_381 = arith.constant 16 : index
      %get3A_382 = tpu.vector_load %arg14[%get3A_380, %get3A_381] {strides = array<i32>} : memref<128x128xf32, #tpu.memory_space<vmem>>, vector<16xf32>,
      %sub3A_383 = arith.subf %add3A_375, %get3A_382 : vector<16xf32>
      %mul3A_384 = arith.mulf %sub3A_379, %sub3A_379 : vector<16xf32>
      %add3A_385 = arith.addf %add3A_367, %mul3A_384 : vector<16xf32>
      %mul3A_386 = arith.mulf %sub3A_383, %sub3A_383 : vector<16xf32>
      %add3A_387 = arith.addf %add3A_369, %mul3A_386 : vector<16xf32>
      %get3A_388 = arith.index_cast %scan3A_351 : i32 to index
      %get3A_389 = arith.constant 32 : index
      %get3A_390 = tpu.vector_load %arg12[%get3A_388, %get3A_389] {strides = array<i32>} : memref<128x128xf32, #tpu.memory_space<vmem>>, vector<16xf32>,
      %add3A_391 = arith.constant 9.99999997E-7 : f32
      %add3A_392 = vector.broadcast %add3A_391 : f32 to vector<16xf32>
      %add3A_393 = arith.addf %get3A_390, %add3A_392 : vector<16xf32>
      %get3A_394 = arith.index_cast %scan3A_351 : i32 to index
      %get3A_395 = arith.constant 32 : index
      %get3A_396 = tpu.vector_load %arg13[%get3A_394, %get3A_395] {strides = array<i32>} : memref<128x128xf32, #tpu.memory_space<vmem>>, vector<16xf32>,
      %sub3A_397 = arith.subf %add3A_393, %get3A_396 : vector<16xf32>
      %get3A_398 = arith.index_cast %scan3A_351 : i32 to index
      %get3A_399 = arith.constant 32 : index
      %get3A_400 = tpu.vector_load %arg14[%get3A_398, %get3A_399] {strides = array<i32>} : memref<128x128xf32, #tpu.memory_space<vmem>>, vector<16xf32>,
      %sub3A_401 = arith.subf %add3A_393, %get3A_400 : vector<16xf32>
      %mul3A_402 = arith.mulf %sub3A_397, %sub3A_397 : vector<16xf32>
      %add3A_403 = arith.addf %add3A_385, %mul3A_402 : vector<16xf32>
      %mul3A_404 = arith.mulf %sub3A_401, %sub3A_401 : vector<16xf32>
      %add3A_405 = arith.addf %add3A_387, %mul3A_404 : vector<16xf32>
      %get3A_406 = arith.index_cast %scan3A_351 : i32 to index
      %get3A_407 = arith.constant 48 : index
      %get3A_408 = tpu.vector_load %arg12[%get3A_406, %get3A_407] {strides = array<i32>} : memref<128x128xf32, #tpu.memory_space<vmem>>, vector<16xf32>,
      %add3A_409 = arith.constant 9.99999997E-7 : f32
      %add3A_410 = vector.broadcast %add3A_409 : f32 to vector<16xf32>
      %add3A_411 = arith.addf %get3A_408, %add3A_410 : vector<16xf32>
      %get3A_412 = arith.index_cast %scan3A_351 : i32 to index
      %get3A_413 = arith.constant 48 : index
      %get3A_414 = tpu.vector_load %arg13[%get3A_412, %get3A_413] {strides = array<i32>} : memref<128x128xf32, #tpu.memory_space<vmem>>, vector<16xf32>,
      %sub3A_415 = arith.subf %add3A_411, %get3A_414 : vector<16xf32>
      %get3A_416 = arith.index_cast %scan3A_351 : i32 to index
      %get3A_417 = arith.constant 48 : index
      %get3A_418 = tpu.vector_load %arg14[%get3A_416, %get3A_417] {strides = array<i32>} : memref<128x128xf32, #tpu.memory_space<vmem>>, vector<16xf32>,
      %sub3A_419 = arith.subf %add3A_411, %get3A_418 : vector<16xf32>
      %mul3A_420 = arith.mulf %sub3A_415, %sub3A_415 : vector<16xf32>
      %add3A_421 = arith.addf %add3A_403, %mul3A_420 : vector<16xf32>
      %mul3A_422 = arith.mulf %sub3A_419, %sub3A_419 : vector<16xf32>
      %add3A_423 = arith.addf %add3A_405, %mul3A_422 : vector<16xf32>
      %get3A_424 = arith.index_cast %scan3A_351 : i32 to index
      %get3A_425 = arith.constant 64 : index
      %get3A_426 = tpu.vector_load %arg12[%get3A_424, %get3A_425] {strides = array<i32>} : memref<128x128xf32, #tpu.memory_space<vmem>>, vector<16xf32>,
      %add3A_427 = arith.constant 9.99999997E-7 : f32
      %add3A_428 = vector.broadcast %add3A_427 : f32 to vector<16xf32>
      %add3A_429 = arith.addf %get3A_426, %add3A_428 : vector<16xf32>
      %get3A_430 = arith.index_cast %scan3A_351 : i32 to index
      %get3A_431 = arith.constant 64 : index
      %get3A_432 = tpu.vector_load %arg13[%get3A_430, %get3A_431] {strides = array<i32>} : memref<128x128xf32, #tpu.memory_space<vmem>>, vector<16xf32>,
      %sub3A_433 = arith.subf %add3A_429, %get3A_432 : vector<16xf32>
      %get3A_434 = arith.index_cast %scan3A_351 : i32 to index
      %get3A_435 = arith.constant 64 : index
      %get3A_436 = tpu.vector_load %arg14[%get3A_434, %get3A_435] {strides = array<i32>} : memref<128x128xf32, #tpu.memory_space<vmem>>, vector<16xf32>,
      %sub3A_437 = arith.subf %add3A_429, %get3A_436 : vector<16xf32>
      %mul3A_438 = arith.mulf %sub3A_433, %sub3A_433 : vector<16xf32>
      %add3A_439 = arith.addf %add3A_421, %mul3A_438 : vector<16xf32>
      %mul3A_440 = arith.mulf %sub3A_437, %sub3A_437 : vector<16xf32>
      %add3A_441 = arith.addf %add3A_423, %mul3A_440 : vector<16xf32>
      %get3A_442 = arith.index_cast %scan3A_351 : i32 to index
      %get3A_443 = arith.constant 80 : index
      %get3A_444 = tpu.vector_load %arg12[%get3A_442, %get3A_443] {strides = array<i32>} : memref<128x128xf32, #tpu.memory_space<vmem>>, vector<16xf32>,
      %add3A_445 = arith.constant 9.99999997E-7 : f32
      %add3A_446 = vector.broadcast %add3A_445 : f32 to vector<16xf32>
      %add3A_447 = arith.addf %get3A_444, %add3A_446 : vector<16xf32>
      %get3A_448 = arith.index_cast %scan3A_351 : i32 to index
      %get3A_449 = arith.constant 80 : index
      %get3A_450 = tpu.vector_load %arg13[%get3A_448, %get3A_449] {strides = array<i32>} : memref<128x128xf32, #tpu.memory_space<vmem>>, vector<16xf32>,
      %sub3A_451 = arith.subf %add3A_447, %get3A_450 : vector<16xf32>
      %get3A_452 = arith.index_cast %scan3A_351 : i32 to index
      %get3A_453 = arith.constant 80 : index
      %get3A_454 = tpu.vector_load %arg14[%get3A_452, %get3A_453] {strides = array<i32>} : memref<128x128xf32, #tpu.memory_space<vmem>>, vector<16xf32>,
      %sub3A_455 = arith.subf %add3A_447, %get3A_454 : vector<16xf32>
      %mul3A_456 = arith.mulf %sub3A_451, %sub3A_451 : vector<16xf32>
      %add3A_457 = arith.addf %add3A_439, %mul3A_456 : vector<16xf32>
      %mul3A_458 = arith.mulf %sub3A_455, %sub3A_455 : vector<16xf32>
      %add3A_459 = arith.addf %add3A_441, %mul3A_458 : vector<16xf32>
      %get3A_460 = arith.index_cast %scan3A_351 : i32 to index
      %get3A_461 = arith.constant 96 : index
      %get3A_462 = tpu.vector_load %arg12[%get3A_460, %get3A_461] {strides = array<i32>} : memref<128x128xf32, #tpu.memory_space<vmem>>, vector<16xf32>,
      %add3A_463 = arith.constant 9.99999997E-7 : f32
      %add3A_464 = vector.broadcast %add3A_463 : f32 to vector<16xf32>
      %add3A_465 = arith.addf %get3A_462, %add3A_464 : vector<16xf32>
      %get3A_466 = arith.index_cast %scan3A_351 : i32 to index
      %get3A_467 = arith.constant 96 : index
      %get3A_468 = tpu.vector_load %arg13[%get3A_466, %get3A_467] {strides = array<i32>} : memref<128x128xf32, #tpu.memory_space<vmem>>, vector<16xf32>,
      %sub3A_469 = arith.subf %add3A_465, %get3A_468 : vector<16xf32>
      %get3A_470 = arith.index_cast %scan3A_351 : i32 to index
      %get3A_471 = arith.constant 96 : index
      %get3A_472 = tpu.vector_load %arg14[%get3A_470, %get3A_471] {strides = array<i32>} : memref<128x128xf32, #tpu.memory_space<vmem>>, vector<16xf32>,
      %sub3A_473 = arith.subf %add3A_465, %get3A_472 : vector<16xf32>
      %mul3A_474 = arith.mulf %sub3A_469, %sub3A_469 : vector<16xf32>
      %add3A_475 = arith.addf %add3A_457, %mul3A_474 : vector<16xf32>
      %mul3A_476 = arith.mulf %sub3A_473, %sub3A_473 : vector<16xf32>
      %add3A_477 = arith.addf %add3A_459, %mul3A_476 : vector<16xf32>
      %get3A_478 = arith.index_cast %scan3A_351 : i32 to index
      %get3A_479 = arith.constant 112 : index
      %get3A_480 = tpu.vector_load %arg12[%get3A_478, %get3A_479] {strides = array<i32>} : memref<128x128xf32, #tpu.memory_space<vmem>>, vector<16xf32>,
      %add3A_481 = arith.constant 9.99999997E-7 : f32
      %add3A_482 = vector.broadcast %add3A_481 : f32 to vector<16xf32>
      %add3A_483 = arith.addf %get3A_480, %add3A_482 : vector<16xf32>
      %get3A_484 = arith.index_cast %scan3A_351 : i32 to index
      %get3A_485 = arith.constant 112 : index
      %get3A_486 = tpu.vector_load %arg13[%get3A_484, %get3A_485] {strides = array<i32>} : memref<128x128xf32, #tpu.memory_space<vmem>>, vector<16xf32>,
      %sub3A_487 = arith.subf %add3A_483, %get3A_486 : vector<16xf32>
      %get3A_488 = arith.index_cast %scan3A_351 : i32 to index
      %get3A_489 = arith.constant 112 : index
      %get3A_490 = tpu.vector_load %arg14[%get3A_488, %get3A_489] {strides = array<i32>} : memref<128x128xf32, #tpu.memory_space<vmem>>, vector<16xf32>,
      %sub3A_491 = arith.subf %add3A_483, %get3A_490 : vector<16xf32>
      %mul3A_492 = arith.mulf %sub3A_487, %sub3A_487 : vector<16xf32>
      %add3A_493 = arith.addf %add3A_475, %mul3A_492 : vector<16xf32>
      %mul3A_494 = arith.mulf %sub3A_491, %sub3A_491 : vector<16xf32>
      %add3A_495 = arith.addf %add3A_477, %mul3A_494 : vector<16xf32>
      %mul3A_496 = arith.constant 16 : i32
      %mul3A_497 = arith.muli %scan3A_351, %mul3A_496 : i32
      %swap3A_498 = arith.index_cast %mul3A_497 : i32 to index
      %swap3A_499 = tpu.vector_load %arg15[%swap3A_498] {strides = array<i32>} : memref<2048xf32, #tpu.memory_space<vmem>>, vector<16xf32>,
      tpu.vector_store %arg15[%swap3A_498], %add3A_493 {strides = array<i32>} : memref<2048xf32, #tpu.memory_space<vmem>>, vector<16xf32>,
      %mul3A_500 = arith.constant 16 : i32
      %mul3A_501 = arith.muli %scan3A_351, %mul3A_500 : i32
      %swap3A_502 = arith.index_cast %mul3A_501 : i32 to index
      %swap3A_503 = tpu.vector_load %arg16[%swap3A_502] {strides = array<i32>} : memref<2048xf32, #tpu.memory_space<vmem>>, vector<16xf32>,
      tpu.vector_store %arg16[%swap3A_502], %add3A_495 {strides = array<i32>} : memref<2048xf32, #tpu.memory_space<vmem>>, vector<16xf32>,
      %scan3A_504 = arith.constant 0 : i32
      %scan3A_505 = arith.constant 2 : i32
      %scan3A_506 = arith.addi %scan3A_197, %scan3A_505 : i32
      %get3A_507 = arith.index_cast %scan3A_506 : i32 to index
      %get3A_508 = arith.constant 0 : index
      %get3A_509 = tpu.vector_load %arg12[%get3A_507, %get3A_508] {strides = array<i32>} : memref<128x128xf32, #tpu.memory_space<vmem>>, vector<16xf32>,
      %add3A_510 = arith.constant 9.99999997E-7 : f32
      %add3A_511 = vector.broadcast %add3A_510 : f32 to vector<16xf32>
      %add3A_512 = arith.addf %get3A_509, %add3A_511 : vector<16xf32>
      %get3A_513 = arith.index_cast %scan3A_506 : i32 to index
      %get3A_514 = arith.constant 0 : index
      %get3A_515 = tpu.vector_load %arg13[%get3A_513, %get3A_514] {strides = array<i32>} : memref<128x128xf32, #tpu.memory_space<vmem>>, vector<16xf32>,
      %sub3A_516 = arith.subf %add3A_512, %get3A_515 : vector<16xf32>
      %get3A_517 = arith.index_cast %scan3A_506 : i32 to index
      %get3A_518 = arith.constant 0 : index
      %get3A_519 = tpu.vector_load %arg14[%get3A_517, %get3A_518] {strides = array<i32>} : memref<128x128xf32, #tpu.memory_space<vmem>>, vector<16xf32>,
      %sub3A_520 = arith.subf %add3A_512, %get3A_519 : vector<16xf32>
      %mul3A_521 = arith.mulf %sub3A_516, %sub3A_516 : vector<16xf32>
      %add3A_522 = arith.addf %broadcast_in_dim3A_19, %mul3A_521 : vector<16xf32>
      %mul3A_523 = arith.mulf %sub3A_520, %sub3A_520 : vector<16xf32>
      %add3A_524 = arith.addf %broadcast_in_dim3A_19, %mul3A_523 : vector<16xf32>
      %get3A_525 = arith.index_cast %scan3A_506 : i32 to index
      %get3A_526 = arith.constant 16 : index
      %get3A_527 = tpu.vector_load %arg12[%get3A_525, %get3A_526] {strides = array<i32>} : memref<128x128xf32, #tpu.memory_space<vmem>>, vector<16xf32>,
      %add3A_528 = arith.constant 9.99999997E-7 : f32
      %add3A_529 = vector.broadcast %add3A_528 : f32 to vector<16xf32>
      %add3A_530 = arith.addf %get3A_527, %add3A_529 : vector<16xf32>
      %get3A_531 = arith.index_cast %scan3A_506 : i32 to index
      %get3A_532 = arith.constant 16 : index
      %get3A_533 = tpu.vector_load %arg13[%get3A_531, %get3A_532] {strides = array<i32>} : memref<128x128xf32, #tpu.memory_space<vmem>>, vector<16xf32>,
      %sub3A_534 = arith.subf %add3A_530, %get3A_533 : vector<16xf32>
      %get3A_535 = arith.index_cast %scan3A_506 : i32 to index
      %get3A_536 = arith.constant 16 : index
      %get3A_537 = tpu.vector_load %arg14[%get3A_535, %get3A_536] {strides = array<i32>} : memref<128x128xf32, #tpu.memory_space<vmem>>, vector<16xf32>,
      %sub3A_538 = arith.subf %add3A_530, %get3A_537 : vector<16xf32>
      %mul3A_539 = arith.mulf %sub3A_534, %sub3A_534 : vector<16xf32>
      %add3A_540 = arith.addf %add3A_522, %mul3A_539 : vector<16xf32>
      %mul3A_541 = arith.mulf %sub3A_538, %sub3A_538 : vector<16xf32>
      %add3A_542 = arith.addf %add3A_524, %mul3A_541 : vector<16xf32>
      %get3A_543 = arith.index_cast %scan3A_506 : i32 to index
      %get3A_544 = arith.constant 32 : index
      %get3A_545 = tpu.vector_load %arg12[%get3A_543, %get3A_544] {strides = array<i32>} : memref<128x128xf32, #tpu.memory_space<vmem>>, vector<16xf32>,
      %add3A_546 = arith.constant 9.99999997E-7 : f32
      %add3A_547 = vector.broadcast %add3A_546 : f32 to vector<16xf32>
      %add3A_548 = arith.addf %get3A_545, %add3A_547 : vector<16xf32>
      %get3A_549 = arith.index_cast %scan3A_506 : i32 to index
      %get3A_550 = arith.constant 32 : index
      %get3A_551 = tpu.vector_load %arg13[%get3A_549, %get3A_550] {strides = array<i32>} : memref<128x128xf32, #tpu.memory_space<vmem>>, vector<16xf32>,
      %sub3A_552 = arith.subf %add3A_548, %get3A_551 : vector<16xf32>
      %get3A_553 = arith.index_cast %scan3A_506 : i32 to index
      %get3A_554 = arith.constant 32 : index
      %get3A_555 = tpu.vector_load %arg14[%get3A_553, %get3A_554] {strides = array<i32>} : memref<128x128xf32, #tpu.memory_space<vmem>>, vector<16xf32>,
      %sub3A_556 = arith.subf %add3A_548, %get3A_555 : vector<16xf32>
      %mul3A_557 = arith.mulf %sub3A_552, %sub3A_552 : vector<16xf32>
      %add3A_558 = arith.addf %add3A_540, %mul3A_557 : vector<16xf32>
      %mul3A_559 = arith.mulf %sub3A_556, %sub3A_556 : vector<16xf32>
      %add3A_560 = arith.addf %add3A_542, %mul3A_559 : vector<16xf32>
      %get3A_561 = arith.index_cast %scan3A_506 : i32 to index
      %get3A_562 = arith.constant 48 : index
      %get3A_563 = tpu.vector_load %arg12[%get3A_561, %get3A_562] {strides = array<i32>} : memref<128x128xf32, #tpu.memory_space<vmem>>, vector<16xf32>,
      %add3A_564 = arith.constant 9.99999997E-7 : f32
      %add3A_565 = vector.broadcast %add3A_564 : f32 to vector<16xf32>
      %add3A_566 = arith.addf %get3A_563, %add3A_565 : vector<16xf32>
      %get3A_567 = arith.index_cast %scan3A_506 : i32 to index
      %get3A_568 = arith.constant 48 : index
      %get3A_569 = tpu.vector_load %arg13[%get3A_567, %get3A_568] {strides = array<i32>} : memref<128x128xf32, #tpu.memory_space<vmem>>, vector<16xf32>,
      %sub3A_570 = arith.subf %add3A_566, %get3A_569 : vector<16xf32>
      %get3A_571 = arith.index_cast %scan3A_506 : i32 to index
      %get3A_572 = arith.constant 48 : index
      %get3A_573 = tpu.vector_load %arg14[%get3A_571, %get3A_572] {strides = array<i32>} : memref<128x128xf32, #tpu.memory_space<vmem>>, vector<16xf32>,
      %sub3A_574 = arith.subf %add3A_566, %get3A_573 : vector<16xf32>
      %mul3A_575 = arith.mulf %sub3A_570, %sub3A_570 : vector<16xf32>
      %add3A_576 = arith.addf %add3A_558, %mul3A_575 : vector<16xf32>
      %mul3A_577 = arith.mulf %sub3A_574, %sub3A_574 : vector<16xf32>
      %add3A_578 = arith.addf %add3A_560, %mul3A_577 : vector<16xf32>
      %get3A_579 = arith.index_cast %scan3A_506 : i32 to index
      %get3A_580 = arith.constant 64 : index
      %get3A_581 = tpu.vector_load %arg12[%get3A_579, %get3A_580] {strides = array<i32>} : memref<128x128xf32, #tpu.memory_space<vmem>>, vector<16xf32>,
      %add3A_582 = arith.constant 9.99999997E-7 : f32
      %add3A_583 = vector.broadcast %add3A_582 : f32 to vector<16xf32>
      %add3A_584 = arith.addf %get3A_581, %add3A_583 : vector<16xf32>
      %get3A_585 = arith.index_cast %scan3A_506 : i32 to index
      %get3A_586 = arith.constant 64 : index
      %get3A_587 = tpu.vector_load %arg13[%get3A_585, %get3A_586] {strides = array<i32>} : memref<128x128xf32, #tpu.memory_space<vmem>>, vector<16xf32>,
      %sub3A_588 = arith.subf %add3A_584, %get3A_587 : vector<16xf32>
      %get3A_589 = arith.index_cast %scan3A_506 : i32 to index
      %get3A_590 = arith.constant 64 : index
      %get3A_591 = tpu.vector_load %arg14[%get3A_589, %get3A_590] {strides = array<i32>} : memref<128x128xf32, #tpu.memory_space<vmem>>, vector<16xf32>,
      %sub3A_592 = arith.subf %add3A_584, %get3A_591 : vector<16xf32>
      %mul3A_593 = arith.mulf %sub3A_588, %sub3A_588 : vector<16xf32>
      %add3A_594 = arith.addf %add3A_576, %mul3A_593 : vector<16xf32>
      %mul3A_595 = arith.mulf %sub3A_592, %sub3A_592 : vector<16xf32>
      %add3A_596 = arith.addf %add3A_578, %mul3A_595 : vector<16xf32>
      %get3A_597 = arith.index_cast %scan3A_506 : i32 to index
      %get3A_598 = arith.constant 80 : index
      %get3A_599 = tpu.vector_load %arg12[%get3A_597, %get3A_598] {strides = array<i32>} : memref<128x128xf32, #tpu.memory_space<vmem>>, vector<16xf32>,
      %add3A_600 = arith.constant 9.99999997E-7 : f32
      %add3A_601 = vector.broadcast %add3A_600 : f32 to vector<16xf32>
      %add3A_602 = arith.addf %get3A_599, %add3A_601 : vector<16xf32>
      %get3A_603 = arith.index_cast %scan3A_506 : i32 to index
      %get3A_604 = arith.constant 80 : index
      %get3A_605 = tpu.vector_load %arg13[%get3A_603, %get3A_604] {strides = array<i32>} : memref<128x128xf32, #tpu.memory_space<vmem>>, vector<16xf32>,
      %sub3A_606 = arith.subf %add3A_602, %get3A_605 : vector<16xf32>
      %get3A_607 = arith.index_cast %scan3A_506 : i32 to index
      %get3A_608 = arith.constant 80 : index
      %get3A_609 = tpu.vector_load %arg14[%get3A_607, %get3A_608] {strides = array<i32>} : memref<128x128xf32, #tpu.memory_space<vmem>>, vector<16xf32>,
      %sub3A_610 = arith.subf %add3A_602, %get3A_609 : vector<16xf32>
      %mul3A_611 = arith.mulf %sub3A_606, %sub3A_606 : vector<16xf32>
      %add3A_612 = arith.addf %add3A_594, %mul3A_611 : vector<16xf32>
      %mul3A_613 = arith.mulf %sub3A_610, %sub3A_610 : vector<16xf32>
      %add3A_614 = arith.addf %add3A_596, %mul3A_613 : vector<16xf32>
      %get3A_615 = arith.index_cast %scan3A_506 : i32 to index
      %get3A_616 = arith.constant 96 : index
      %get3A_617 = tpu.vector_load %arg12[%get3A_615, %get3A_616] {strides = array<i32>} : memref<128x128xf32, #tpu.memory_space<vmem>>, vector<16xf32>,
      %add3A_618 = arith.constant 9.99999997E-7 : f32
      %add3A_619 = vector.broadcast %add3A_618 : f32 to vector<16xf32>
      %add3A_620 = arith.addf %get3A_617, %add3A_619 : vector<16xf32>
      %get3A_621 = arith.index_cast %scan3A_506 : i32 to index
      %get3A_622 = arith.constant 96 : index
      %get3A_623 = tpu.vector_load %arg13[%get3A_621, %get3A_622] {strides = array<i32>} : memref<128x128xf32, #tpu.memory_space<vmem>>, vector<16xf32>,
      %sub3A_624 = arith.subf %add3A_620, %get3A_623 : vector<16xf32>
      %get3A_625 = arith.index_cast %scan3A_506 : i32 to index
      %get3A_626 = arith.constant 96 : index
      %get3A_627 = tpu.vector_load %arg14[%get3A_625, %get3A_626] {strides = array<i32>} : memref<128x128xf32, #tpu.memory_space<vmem>>, vector<16xf32>,
      %sub3A_628 = arith.subf %add3A_620, %get3A_627 : vector<16xf32>
      %mul3A_629 = arith.mulf %sub3A_624, %sub3A_624 : vector<16xf32>
      %add3A_630 = arith.addf %add3A_612, %mul3A_629 : vector<16xf32>
      %mul3A_631 = arith.mulf %sub3A_628, %sub3A_628 : vector<16xf32>
      %add3A_632 = arith.addf %add3A_614, %mul3A_631 : vector<16xf32>
      %get3A_633 = arith.index_cast %scan3A_506 : i32 to index
      %get3A_634 = arith.constant 112 : index
      %get3A_635 = tpu.vector_load %arg12[%get3A_633, %get3A_634] {strides = array<i32>} : memref<128x128xf32, #tpu.memory_space<vmem>>, vector<16xf32>,
      %add3A_636 = arith.constant 9.99999997E-7 : f32
      %add3A_637 = vector.broadcast %add3A_636 : f32 to vector<16xf32>
      %add3A_638 = arith.addf %get3A_635, %add3A_637 : vector<16xf32>
      %get3A_639 = arith.index_cast %scan3A_506 : i32 to index
      %get3A_640 = arith.constant 112 : index
      %get3A_641 = tpu.vector_load %arg13[%get3A_639, %get3A_640] {strides = array<i32>} : memref<128x128xf32, #tpu.memory_space<vmem>>, vector<16xf32>,
      %sub3A_642 = arith.subf %add3A_638, %get3A_641 : vector<16xf32>
      %get3A_643 = arith.index_cast %scan3A_506 : i32 to index
      %get3A_644 = arith.constant 112 : index
      %get3A_645 = tpu.vector_load %arg14[%get3A_643, %get3A_644] {strides = array<i32>} : memref<128x128xf32, #tpu.memory_space<vmem>>, vector<16xf32>,
      %sub3A_646 = arith.subf %add3A_638, %get3A_645 : vector<16xf32>
      %mul3A_647 = arith.mulf %sub3A_642, %sub3A_642 : vector<16xf32>
      %add3A_648 = arith.addf %add3A_630, %mul3A_647 : vector<16xf32>
      %mul3A_649 = arith.mulf %sub3A_646, %sub3A_646 : vector<16xf32>
      %add3A_650 = arith.addf %add3A_632, %mul3A_649 : vector<16xf32>
      %mul3A_651 = arith.constant 16 : i32
      %mul3A_652 = arith.muli %scan3A_506, %mul3A_651 : i32
      %swap3A_653 = arith.index_cast %mul3A_652 : i32 to index
      %swap3A_654 = tpu.vector_load %arg15[%swap3A_653] {strides = array<i32>} : memref<2048xf32, #tpu.memory_space<vmem>>, vector<16xf32>,
      tpu.vector_store %arg15[%swap3A_653], %add3A_648 {strides = array<i32>} : memref<2048xf32, #tpu.memory_space<vmem>>, vector<16xf32>,
      %mul3A_655 = arith.constant 16 : i32
      %mul3A_656 = arith.muli %scan3A_506, %mul3A_655 : i32
      %swap3A_657 = arith.index_cast %mul3A_656 : i32 to index
      %swap3A_658 = tpu.vector_load %arg16[%swap3A_657] {strides = array<i32>} : memref<2048xf32, #tpu.memory_space<vmem>>, vector<16xf32>,
      tpu.vector_store %arg16[%swap3A_657], %add3A_650 {strides = array<i32>} : memref<2048xf32, #tpu.memory_space<vmem>>, vector<16xf32>,
      %scan3A_659 = arith.constant 0 : i32
      %scan3A_660 = arith.constant 3 : i32
      %scan3A_661 = arith.addi %scan3A_197, %scan3A_660 : i32
      %get3A_662 = arith.index_cast %scan3A_661 : i32 to index
      %get3A_663 = arith.constant 0 : index
      %get3A_664 = tpu.vector_load %arg12[%get3A_662, %get3A_663] {strides = array<i32>} : memref<128x128xf32, #tpu.memory_space<vmem>>, vector<16xf32>,
      %add3A_665 = arith.constant 9.99999997E-7 : f32
      %add3A_666 = vector.broadcast %add3A_665 : f32 to vector<16xf32>
      %add3A_667 = arith.addf %get3A_664, %add3A_666 : vector<16xf32>
      %get3A_668 = arith.index_cast %scan3A_661 : i32 to index
      %get3A_669 = arith.constant 0 : index
      %get3A_670 = tpu.vector_load %arg13[%get3A_668, %get3A_669] {strides = array<i32>} : memref<128x128xf32, #tpu.memory_space<vmem>>, vector<16xf32>,
      %sub3A_671 = arith.subf %add3A_667, %get3A_670 : vector<16xf32>
      %get3A_672 = arith.index_cast %scan3A_661 : i32 to index
      %get3A_673 = arith.constant 0 : index
      %get3A_674 = tpu.vector_load %arg14[%get3A_672, %get3A_673] {strides = array<i32>} : memref<128x128xf32, #tpu.memory_space<vmem>>, vector<16xf32>,
      %sub3A_675 = arith.subf %add3A_667, %get3A_674 : vector<16xf32>
      %mul3A_676 = arith.mulf %sub3A_671, %sub3A_671 : vector<16xf32>
      %add3A_677 = arith.addf %broadcast_in_dim3A_19, %mul3A_676 : vector<16xf32>
      %mul3A_678 = arith.mulf %sub3A_675, %sub3A_675 : vector<16xf32>
      %add3A_679 = arith.addf %broadcast_in_dim3A_19, %mul3A_678 : vector<16xf32>
      %get3A_680 = arith.index_cast %scan3A_661 : i32 to index
      %get3A_681 = arith.constant 16 : index
      %get3A_682 = tpu.vector_load %arg12[%get3A_680, %get3A_681] {strides = array<i32>} : memref<128x128xf32, #tpu.memory_space<vmem>>, vector<16xf32>,
      %add3A_683 = arith.constant 9.99999997E-7 : f32
      %add3A_684 = vector.broadcast %add3A_683 : f32 to vector<16xf32>
      %add3A_685 = arith.addf %get3A_682, %add3A_684 : vector<16xf32>
      %get3A_686 = arith.index_cast %scan3A_661 : i32 to index
      %get3A_687 = arith.constant 16 : index
      %get3A_688 = tpu.vector_load %arg13[%get3A_686, %get3A_687] {strides = array<i32>} : memref<128x128xf32, #tpu.memory_space<vmem>>, vector<16xf32>,
      %sub3A_689 = arith.subf %add3A_685, %get3A_688 : vector<16xf32>
      %get3A_690 = arith.index_cast %scan3A_661 : i32 to index
      %get3A_691 = arith.constant 16 : index
      %get3A_692 = tpu.vector_load %arg14[%get3A_690, %get3A_691] {strides = array<i32>} : memref<128x128xf32, #tpu.memory_space<vmem>>, vector<16xf32>,
      %sub3A_693 = arith.subf %add3A_685, %get3A_692 : vector<16xf32>
      %mul3A_694 = arith.mulf %sub3A_689, %sub3A_689 : vector<16xf32>
      %add3A_695 = arith.addf %add3A_677, %mul3A_694 : vector<16xf32>
      %mul3A_696 = arith.mulf %sub3A_693, %sub3A_693 : vector<16xf32>
      %add3A_697 = arith.addf %add3A_679, %mul3A_696 : vector<16xf32>
      %get3A_698 = arith.index_cast %scan3A_661 : i32 to index
      %get3A_699 = arith.constant 32 : index
      %get3A_700 = tpu.vector_load %arg12[%get3A_698, %get3A_699] {strides = array<i32>} : memref<128x128xf32, #tpu.memory_space<vmem>>, vector<16xf32>,
      %add3A_701 = arith.constant 9.99999997E-7 : f32
      %add3A_702 = vector.broadcast %add3A_701 : f32 to vector<16xf32>
      %add3A_703 = arith.addf %get3A_700, %add3A_702 : vector<16xf32>
      %get3A_704 = arith.index_cast %scan3A_661 : i32 to index
      %get3A_705 = arith.constant 32 : index
      %get3A_706 = tpu.vector_load %arg13[%get3A_704, %get3A_705] {strides = array<i32>} : memref<128x128xf32, #tpu.memory_space<vmem>>, vector<16xf32>,
      %sub3A_707 = arith.subf %add3A_703, %get3A_706 : vector<16xf32>
      %get3A_708 = arith.index_cast %scan3A_661 : i32 to index
      %get3A_709 = arith.constant 32 : index
      %get3A_710 = tpu.vector_load %arg14[%get3A_708, %get3A_709] {strides = array<i32>} : memref<128x128xf32, #tpu.memory_space<vmem>>, vector<16xf32>,
      %sub3A_711 = arith.subf %add3A_703, %get3A_710 : vector<16xf32>
      %mul3A_712 = arith.mulf %sub3A_707, %sub3A_707 : vector<16xf32>
      %add3A_713 = arith.addf %add3A_695, %mul3A_712 : vector<16xf32>
      %mul3A_714 = arith.mulf %sub3A_711, %sub3A_711 : vector<16xf32>
      %add3A_715 = arith.addf %add3A_697, %mul3A_714 : vector<16xf32>
      %get3A_716 = arith.index_cast %scan3A_661 : i32 to index
      %get3A_717 = arith.constant 48 : index
      %get3A_718 = tpu.vector_load %arg12[%get3A_716, %get3A_717] {strides = array<i32>} : memref<128x128xf32, #tpu.memory_space<vmem>>, vector<16xf32>,
      %add3A_719 = arith.constant 9.99999997E-7 : f32
      %add3A_720 = vector.broadcast %add3A_719 : f32 to vector<16xf32>
      %add3A_721 = arith.addf %get3A_718, %add3A_720 : vector<16xf32>
      %get3A_722 = arith.index_cast %scan3A_661 : i32 to index
      %get3A_723 = arith.constant 48 : index
      %get3A_724 = tpu.vector_load %arg13[%get3A_722, %get3A_723] {strides = array<i32>} : memref<128x128xf32, #tpu.memory_space<vmem>>, vector<16xf32>,
      %sub3A_725 = arith.subf %add3A_721, %get3A_724 : vector<16xf32>
      %get3A_726 = arith.index_cast %scan3A_661 : i32 to index
      %get3A_727 = arith.constant 48 : index
      %get3A_728 = tpu.vector_load %arg14[%get3A_726, %get3A_727] {strides = array<i32>} : memref<128x128xf32, #tpu.memory_space<vmem>>, vector<16xf32>,
      %sub3A_729 = arith.subf %add3A_721, %get3A_728 : vector<16xf32>
      %mul3A_730 = arith.mulf %sub3A_725, %sub3A_725 : vector<16xf32>
      %add3A_731 = arith.addf %add3A_713, %mul3A_730 : vector<16xf32>
      %mul3A_732 = arith.mulf %sub3A_729, %sub3A_729 : vector<16xf32>
      %add3A_733 = arith.addf %add3A_715, %mul3A_732 : vector<16xf32>
      %get3A_734 = arith.index_cast %scan3A_661 : i32 to index
      %get3A_735 = arith.constant 64 : index
      %get3A_736 = tpu.vector_load %arg12[%get3A_734, %get3A_735] {strides = array<i32>} : memref<128x128xf32, #tpu.memory_space<vmem>>, vector<16xf32>,
      %add3A_737 = arith.constant 9.99999997E-7 : f32
      %add3A_738 = vector.broadcast %add3A_737 : f32 to vector<16xf32>
      %add3A_739 = arith.addf %get3A_736, %add3A_738 : vector<16xf32>
      %get3A_740 = arith.index_cast %scan3A_661 : i32 to index
      %get3A_741 = arith.constant 64 : index
      %get3A_742 = tpu.vector_load %arg13[%get3A_740, %get3A_741] {strides = array<i32>} : memref<128x128xf32, #tpu.memory_space<vmem>>, vector<16xf32>,
      %sub3A_743 = arith.subf %add3A_739, %get3A_742 : vector<16xf32>
      %get3A_744 = arith.index_cast %scan3A_661 : i32 to index
      %get3A_745 = arith.constant 64 : index
      %get3A_746 = tpu.vector_load %arg14[%get3A_744, %get3A_745] {strides = array<i32>} : memref<128x128xf32, #tpu.memory_space<vmem>>, vector<16xf32>,
      %sub3A_747 = arith.subf %add3A_739, %get3A_746 : vector<16xf32>
      %mul3A_748 = arith.mulf %sub3A_743, %sub3A_743 : vector<16xf32>
      %add3A_749 = arith.addf %add3A_731, %mul3A_748 : vector<16xf32>
      %mul3A_750 = arith.mulf %sub3A_747, %sub3A_747 : vector<16xf32>
      %add3A_751 = arith.addf %add3A_733, %mul3A_750 : vector<16xf32>
      %get3A_752 = arith.index_cast %scan3A_661 : i32 to index
      %get3A_753 = arith.constant 80 : index
      %get3A_754 = tpu.vector_load %arg12[%get3A_752, %get3A_753] {strides = array<i32>} : memref<128x128xf32, #tpu.memory_space<vmem>>, vector<16xf32>,
      %add3A_755 = arith.constant 9.99999997E-7 : f32
      %add3A_756 = vector.broadcast %add3A_755 : f32 to vector<16xf32>
      %add3A_757 = arith.addf %get3A_754, %add3A_756 : vector<16xf32>
      %get3A_758 = arith.index_cast %scan3A_661 : i32 to index
      %get3A_759 = arith.constant 80 : index
      %get3A_760 = tpu.vector_load %arg13[%get3A_758, %get3A_759] {strides = array<i32>} : memref<128x128xf32, #tpu.memory_space<vmem>>, vector<16xf32>,
      %sub3A_761 = arith.subf %add3A_757, %get3A_760 : vector<16xf32>
      %get3A_762 = arith.index_cast %scan3A_661 : i32 to index
      %get3A_763 = arith.constant 80 : index
      %get3A_764 = tpu.vector_load %arg14[%get3A_762, %get3A_763] {strides = array<i32>} : memref<128x128xf32, #tpu.memory_space<vmem>>, vector<16xf32>,
      %sub3A_765 = arith.subf %add3A_757, %get3A_764 : vector<16xf32>
      %mul3A_766 = arith.mulf %sub3A_761, %sub3A_761 : vector<16xf32>
      %add3A_767 = arith.addf %add3A_749, %mul3A_766 : vector<16xf32>
      %mul3A_768 = arith.mulf %sub3A_765, %sub3A_765 : vector<16xf32>
      %add3A_769 = arith.addf %add3A_751, %mul3A_768 : vector<16xf32>
      %get3A_770 = arith.index_cast %scan3A_661 : i32 to index
      %get3A_771 = arith.constant 96 : index
      %get3A_772 = tpu.vector_load %arg12[%get3A_770, %get3A_771] {strides = array<i32>} : memref<128x128xf32, #tpu.memory_space<vmem>>, vector<16xf32>,
      %add3A_773 = arith.constant 9.99999997E-7 : f32
      %add3A_774 = vector.broadcast %add3A_773 : f32 to vector<16xf32>
      %add3A_775 = arith.addf %get3A_772, %add3A_774 : vector<16xf32>
      %get3A_776 = arith.index_cast %scan3A_661 : i32 to index
      %get3A_777 = arith.constant 96 : index
      %get3A_778 = tpu.vector_load %arg13[%get3A_776, %get3A_777] {strides = array<i32>} : memref<128x128xf32, #tpu.memory_space<vmem>>, vector<16xf32>,
      %sub3A_779 = arith.subf %add3A_775, %get3A_778 : vector<16xf32>
      %get3A_780 = arith.index_cast %scan3A_661 : i32 to index
      %get3A_781 = arith.constant 96 : index
      %get3A_782 = tpu.vector_load %arg14[%get3A_780, %get3A_781] {strides = array<i32>} : memref<128x128xf32, #tpu.memory_space<vmem>>, vector<16xf32>,
      %sub3A_783 = arith.subf %add3A_775, %get3A_782 : vector<16xf32>
      %mul3A_784 = arith.mulf %sub3A_779, %sub3A_779 : vector<16xf32>
      %add3A_785 = arith.addf %add3A_767, %mul3A_784 : vector<16xf32>
      %mul3A_786 = arith.mulf %sub3A_783, %sub3A_783 : vector<16xf32>
      %add3A_787 = arith.addf %add3A_769, %mul3A_786 : vector<16xf32>
      %get3A_788 = arith.index_cast %scan3A_661 : i32 to index
      %get3A_789 = arith.constant 112 : index
      %get3A_790 = tpu.vector_load %arg12[%get3A_788, %get3A_789] {strides = array<i32>} : memref<128x128xf32, #tpu.memory_space<vmem>>, vector<16xf32>,
      %add3A_791 = arith.constant 9.99999997E-7 : f32
      %add3A_792 = vector.broadcast %add3A_791 : f32 to vector<16xf32>
      %add3A_793 = arith.addf %get3A_790, %add3A_792 : vector<16xf32>
      %get3A_794 = arith.index_cast %scan3A_661 : i32 to index
      %get3A_795 = arith.constant 112 : index
      %get3A_796 = tpu.vector_load %arg13[%get3A_794, %get3A_795] {strides = array<i32>} : memref<128x128xf32, #tpu.memory_space<vmem>>, vector<16xf32>,
      %sub3A_797 = arith.subf %add3A_793, %get3A_796 : vector<16xf32>
      %get3A_798 = arith.index_cast %scan3A_661 : i32 to index
      %get3A_799 = arith.constant 112 : index
      %get3A_800 = tpu.vector_load %arg14[%get3A_798, %get3A_799] {strides = array<i32>} : memref<128x128xf32, #tpu.memory_space<vmem>>, vector<16xf32>,
      %sub3A_801 = arith.subf %add3A_793, %get3A_800 : vector<16xf32>
      %mul3A_802 = arith.mulf %sub3A_797, %sub3A_797 : vector<16xf32>
      %add3A_803 = arith.addf %add3A_785, %mul3A_802 : vector<16xf32>
      %mul3A_804 = arith.mulf %sub3A_801, %sub3A_801 : vector<16xf32>
      %add3A_805 = arith.addf %add3A_787, %mul3A_804 : vector<16xf32>
      %mul3A_806 = arith.constant 16 : i32
      %mul3A_807 = arith.muli %scan3A_661, %mul3A_806 : i32
      %swap3A_808 = arith.index_cast %mul3A_807 : i32 to index
      %swap3A_809 = tpu.vector_load %arg15[%swap3A_808] {strides = array<i32>} : memref<2048xf32, #tpu.memory_space<vmem>>, vector<16xf32>,
      tpu.vector_store %arg15[%swap3A_808], %add3A_803 {strides = array<i32>} : memref<2048xf32, #tpu.memory_space<vmem>>, vector<16xf32>,
      %mul3A_810 = arith.constant 16 : i32
      %mul3A_811 = arith.muli %scan3A_661, %mul3A_810 : i32
      %swap3A_812 = arith.index_cast %mul3A_811 : i32 to index
      %swap3A_813 = tpu.vector_load %arg16[%swap3A_812] {strides = array<i32>} : memref<2048xf32, #tpu.memory_space<vmem>>, vector<16xf32>,
      tpu.vector_store %arg16[%swap3A_812], %add3A_805 {strides = array<i32>} : memref<2048xf32, #tpu.memory_space<vmem>>, vector<16xf32>,
      %scan3A_814 = arith.constant 0 : i32
      scf.yield %scan3A_814 : i32
    }
    %scan3A_112 = arith.constant 128 : i32
    %scan3A_113 = arith.constant 0 : i32
    %scan3A_114 = arith.constant 8 : i32
    %scan3A_115 = arith.addi %scan3A_113, %scan3A_114 : i32
    %scan3A_116 = arith.constant 1 : i32
    %scan3A_117 = scf.for %scan3A_197 = %scan3A_113 to %scan3A_115 step %scan3A_116 iter_args(%scan3A_198 = %scan3A_74) -> (vector<16xf32>)  : i32 {
      %mul3A_199 = arith.constant 16 : i32
      %mul3A_200 = arith.muli %scan3A_197, %mul3A_199 : i32
      %add3A_201 = vector.broadcast %mul3A_200 : i32 to vector<16xi32>
      %add3A_202 = arith.addi %add3A_201, %iota3A : vector<16xi32>
      %mul3A_203 = arith.constant 16 : i32
      %mul3A_204 = vector.broadcast %mul3A_203 : i32 to vector<16xi32>
      %mul3A_205 = arith.muli %add3A_202, %mul3A_204 : vector<16xi32>
      %add3A_206 = arith.constant 0 : i32
      %add3A_207 = vector.broadcast %add3A_206 : i32 to vector<16xi32>
      %add3A_208 = arith.addi %mul3A_205, %add3A_207 : vector<16xi32>
      %gather3A = tpu.vector_load_idx %arg15[%add3A_208] : memref<2048xf32, #tpu.memory_space<vmem>>[vector<16xi32>], vector<16xf32>,
      %add3A_209 = arith.addf %broadcast_in_dim3A_19, %gather3A : vector<16xf32>
      %add3A_210 = arith.constant 0 : i32
      %add3A_211 = vector.broadcast %add3A_210 : i32 to vector<16xi32>
      %add3A_212 = arith.addi %mul3A_205, %add3A_211 : vector<16xi32>
      %gather3A_213 = tpu.vector_load_idx %arg16[%add3A_212] : memref<2048xf32, #tpu.memory_space<vmem>>[vector<16xi32>], vector<16xf32>,
      %add3A_214 = arith.addf %broadcast_in_dim3A_19, %gather3A_213 : vector<16xf32>
      %add3A_215 = arith.constant 1 : i32
      %add3A_216 = vector.broadcast %add3A_215 : i32 to vector<16xi32>
      %add3A_217 = arith.addi %mul3A_205, %add3A_216 : vector<16xi32>
      %gather3A_218 = tpu.vector_load_idx %arg15[%add3A_217] : memref<2048xf32, #tpu.memory_space<vmem>>[vector<16xi32>], vector<16xf32>,
      %add3A_219 = arith.addf %add3A_209, %gather3A_218 : vector<16xf32>
      %add3A_220 = arith.constant 1 : i32
      %add3A_221 = vector.broadcast %add3A_220 : i32 to vector<16xi32>
      %add3A_222 = arith.addi %mul3A_205, %add3A_221 : vector<16xi32>
      %gather3A_223 = tpu.vector_load_idx %arg16[%add3A_222] : memref<2048xf32, #tpu.memory_space<vmem>>[vector<16xi32>], vector<16xf32>,
      %add3A_224 = arith.addf %add3A_214, %gather3A_223 : vector<16xf32>
      %add3A_225 = arith.constant 2 : i32
      %add3A_226 = vector.broadcast %add3A_225 : i32 to vector<16xi32>
      %add3A_227 = arith.addi %mul3A_205, %add3A_226 : vector<16xi32>
      %gather3A_228 = tpu.vector_load_idx %arg15[%add3A_227] : memref<2048xf32, #tpu.memory_space<vmem>>[vector<16xi32>], vector<16xf32>,
      %add3A_229 = arith.addf %add3A_219, %gather3A_228 : vector<16xf32>
      %add3A_230 = arith.constant 2 : i32
      %add3A_231 = vector.broadcast %add3A_230 : i32 to vector<16xi32>
      %add3A_232 = arith.addi %mul3A_205, %add3A_231 : vector<16xi32>
      %gather3A_233 = tpu.vector_load_idx %arg16[%add3A_232] : memref<2048xf32, #tpu.memory_space<vmem>>[vector<16xi32>], vector<16xf32>,
      %add3A_234 = arith.addf %add3A_224, %gather3A_233 : vector<16xf32>
      %add3A_235 = arith.constant 3 : i32
      %add3A_236 = vector.broadcast %add3A_235 : i32 to vector<16xi32>
      %add3A_237 = arith.addi %mul3A_205, %add3A_236 : vector<16xi32>
      %gather3A_238 = tpu.vector_load_idx %arg15[%add3A_237] : memref<2048xf32, #tpu.memory_space<vmem>>[vector<16xi32>], vector<16xf32>,
      %add3A_239 = arith.addf %add3A_229, %gather3A_238 : vector<16xf32>
      %add3A_240 = arith.constant 3 : i32
      %add3A_241 = vector.broadcast %add3A_240 : i32 to vector<16xi32>
      %add3A_242 = arith.addi %mul3A_205, %add3A_241 : vector<16xi32>
      %gather3A_243 = tpu.vector_load_idx %arg16[%add3A_242] : memref<2048xf32, #tpu.memory_space<vmem>>[vector<16xi32>], vector<16xf32>,
      %add3A_244 = arith.addf %add3A_234, %gather3A_243 : vector<16xf32>
      %add3A_245 = arith.constant 4 : i32
      %add3A_246 = vector.broadcast %add3A_245 : i32 to vector<16xi32>
      %add3A_247 = arith.addi %mul3A_205, %add3A_246 : vector<16xi32>
      %gather3A_248 = tpu.vector_load_idx %arg15[%add3A_247] : memref<2048xf32, #tpu.memory_space<vmem>>[vector<16xi32>], vector<16xf32>,
      %add3A_249 = arith.addf %add3A_239, %gather3A_248 : vector<16xf32>
      %add3A_250 = arith.constant 4 : i32
      %add3A_251 = vector.broadcast %add3A_250 : i32 to vector<16xi32>
      %add3A_252 = arith.addi %mul3A_205, %add3A_251 : vector<16xi32>
      %gather3A_253 = tpu.vector_load_idx %arg16[%add3A_252] : memref<2048xf32, #tpu.memory_space<vmem>>[vector<16xi32>], vector<16xf32>,
      %add3A_254 = arith.addf %add3A_244, %gather3A_253 : vector<16xf32>
      %add3A_255 = arith.constant 5 : i32
      %add3A_256 = vector.broadcast %add3A_255 : i32 to vector<16xi32>
      %add3A_257 = arith.addi %mul3A_205, %add3A_256 : vector<16xi32>
      %gather3A_258 = tpu.vector_load_idx %arg15[%add3A_257] : memref<2048xf32, #tpu.memory_space<vmem>>[vector<16xi32>], vector<16xf32>,
      %add3A_259 = arith.addf %add3A_249, %gather3A_258 : vector<16xf32>
      %add3A_260 = arith.constant 5 : i32
      %add3A_261 = vector.broadcast %add3A_260 : i32 to vector<16xi32>
      %add3A_262 = arith.addi %mul3A_205, %add3A_261 : vector<16xi32>
      %gather3A_263 = tpu.vector_load_idx %arg16[%add3A_262] : memref<2048xf32, #tpu.memory_space<vmem>>[vector<16xi32>], vector<16xf32>,
      %add3A_264 = arith.addf %add3A_254, %gather3A_263 : vector<16xf32>
      %add3A_265 = arith.constant 6 : i32
      %add3A_266 = vector.broadcast %add3A_265 : i32 to vector<16xi32>
      %add3A_267 = arith.addi %mul3A_205, %add3A_266 : vector<16xi32>
      %gather3A_268 = tpu.vector_load_idx %arg15[%add3A_267] : memref<2048xf32, #tpu.memory_space<vmem>>[vector<16xi32>], vector<16xf32>,
      %add3A_269 = arith.addf %add3A_259, %gather3A_268 : vector<16xf32>
      %add3A_270 = arith.constant 6 : i32
      %add3A_271 = vector.broadcast %add3A_270 : i32 to vector<16xi32>
      %add3A_272 = arith.addi %mul3A_205, %add3A_271 : vector<16xi32>
      %gather3A_273 = tpu.vector_load_idx %arg16[%add3A_272] : memref<2048xf32, #tpu.memory_space<vmem>>[vector<16xi32>], vector<16xf32>,
      %add3A_274 = arith.addf %add3A_264, %gather3A_273 : vector<16xf32>
      %add3A_275 = arith.constant 7 : i32
      %add3A_276 = vector.broadcast %add3A_275 : i32 to vector<16xi32>
      %add3A_277 = arith.addi %mul3A_205, %add3A_276 : vector<16xi32>
      %gather3A_278 = tpu.vector_load_idx %arg15[%add3A_277] : memref<2048xf32, #tpu.memory_space<vmem>>[vector<16xi32>], vector<16xf32>,
      %add3A_279 = arith.addf %add3A_269, %gather3A_278 : vector<16xf32>
      %add3A_280 = arith.constant 7 : i32
      %add3A_281 = vector.broadcast %add3A_280 : i32 to vector<16xi32>
      %add3A_282 = arith.addi %mul3A_205, %add3A_281 : vector<16xi32>
      %gather3A_283 = tpu.vector_load_idx %arg16[%add3A_282] : memref<2048xf32, #tpu.memory_space<vmem>>[vector<16xi32>], vector<16xf32>,
      %add3A_284 = arith.addf %add3A_274, %gather3A_283 : vector<16xf32>
      %add3A_285 = arith.constant 8 : i32
      %add3A_286 = vector.broadcast %add3A_285 : i32 to vector<16xi32>
      %add3A_287 = arith.addi %mul3A_205, %add3A_286 : vector<16xi32>
      %gather3A_288 = tpu.vector_load_idx %arg15[%add3A_287] : memref<2048xf32, #tpu.memory_space<vmem>>[vector<16xi32>], vector<16xf32>,
      %add3A_289 = arith.addf %add3A_279, %gather3A_288 : vector<16xf32>
      %add3A_290 = arith.constant 8 : i32
      %add3A_291 = vector.broadcast %add3A_290 : i32 to vector<16xi32>
      %add3A_292 = arith.addi %mul3A_205, %add3A_291 : vector<16xi32>
      %gather3A_293 = tpu.vector_load_idx %arg16[%add3A_292] : memref<2048xf32, #tpu.memory_space<vmem>>[vector<16xi32>], vector<16xf32>,
      %add3A_294 = arith.addf %add3A_284, %gather3A_293 : vector<16xf32>
      %add3A_295 = arith.constant 9 : i32
      %add3A_296 = vector.broadcast %add3A_295 : i32 to vector<16xi32>
      %add3A_297 = arith.addi %mul3A_205, %add3A_296 : vector<16xi32>
      %gather3A_298 = tpu.vector_load_idx %arg15[%add3A_297] : memref<2048xf32, #tpu.memory_space<vmem>>[vector<16xi32>], vector<16xf32>,
      %add3A_299 = arith.addf %add3A_289, %gather3A_298 : vector<16xf32>
      %add3A_300 = arith.constant 9 : i32
      %add3A_301 = vector.broadcast %add3A_300 : i32 to vector<16xi32>
      %add3A_302 = arith.addi %mul3A_205, %add3A_301 : vector<16xi32>
      %gather3A_303 = tpu.vector_load_idx %arg16[%add3A_302] : memref<2048xf32, #tpu.memory_space<vmem>>[vector<16xi32>], vector<16xf32>,
      %add3A_304 = arith.addf %add3A_294, %gather3A_303 : vector<16xf32>
      %add3A_305 = arith.constant 10 : i32
      %add3A_306 = vector.broadcast %add3A_305 : i32 to vector<16xi32>
      %add3A_307 = arith.addi %mul3A_205, %add3A_306 : vector<16xi32>
      %gather3A_308 = tpu.vector_load_idx %arg15[%add3A_307] : memref<2048xf32, #tpu.memory_space<vmem>>[vector<16xi32>], vector<16xf32>,
      %add3A_309 = arith.addf %add3A_299, %gather3A_308 : vector<16xf32>
      %add3A_310 = arith.constant 10 : i32
      %add3A_311 = vector.broadcast %add3A_310 : i32 to vector<16xi32>
      %add3A_312 = arith.addi %mul3A_205, %add3A_311 : vector<16xi32>
      %gather3A_313 = tpu.vector_load_idx %arg16[%add3A_312] : memref<2048xf32, #tpu.memory_space<vmem>>[vector<16xi32>], vector<16xf32>,
      %add3A_314 = arith.addf %add3A_304, %gather3A_313 : vector<16xf32>
      %add3A_315 = arith.constant 11 : i32
      %add3A_316 = vector.broadcast %add3A_315 : i32 to vector<16xi32>
      %add3A_317 = arith.addi %mul3A_205, %add3A_316 : vector<16xi32>
      %gather3A_318 = tpu.vector_load_idx %arg15[%add3A_317] : memref<2048xf32, #tpu.memory_space<vmem>>[vector<16xi32>], vector<16xf32>,
      %add3A_319 = arith.addf %add3A_309, %gather3A_318 : vector<16xf32>
      %add3A_320 = arith.constant 11 : i32
      %add3A_321 = vector.broadcast %add3A_320 : i32 to vector<16xi32>
      %add3A_322 = arith.addi %mul3A_205, %add3A_321 : vector<16xi32>
      %gather3A_323 = tpu.vector_load_idx %arg16[%add3A_322] : memref<2048xf32, #tpu.memory_space<vmem>>[vector<16xi32>], vector<16xf32>,
      %add3A_324 = arith.addf %add3A_314, %gather3A_323 : vector<16xf32>
      %add3A_325 = arith.constant 12 : i32
      %add3A_326 = vector.broadcast %add3A_325 : i32 to vector<16xi32>
      %add3A_327 = arith.addi %mul3A_205, %add3A_326 : vector<16xi32>
      %gather3A_328 = tpu.vector_load_idx %arg15[%add3A_327] : memref<2048xf32, #tpu.memory_space<vmem>>[vector<16xi32>], vector<16xf32>,
      %add3A_329 = arith.addf %add3A_319, %gather3A_328 : vector<16xf32>
      %add3A_330 = arith.constant 12 : i32
      %add3A_331 = vector.broadcast %add3A_330 : i32 to vector<16xi32>
      %add3A_332 = arith.addi %mul3A_205, %add3A_331 : vector<16xi32>
      %gather3A_333 = tpu.vector_load_idx %arg16[%add3A_332] : memref<2048xf32, #tpu.memory_space<vmem>>[vector<16xi32>], vector<16xf32>,
      %add3A_334 = arith.addf %add3A_324, %gather3A_333 : vector<16xf32>
      %add3A_335 = arith.constant 13 : i32
      %add3A_336 = vector.broadcast %add3A_335 : i32 to vector<16xi32>
      %add3A_337 = arith.addi %mul3A_205, %add3A_336 : vector<16xi32>
      %gather3A_338 = tpu.vector_load_idx %arg15[%add3A_337] : memref<2048xf32, #tpu.memory_space<vmem>>[vector<16xi32>], vector<16xf32>,
      %add3A_339 = arith.addf %add3A_329, %gather3A_338 : vector<16xf32>
      %add3A_340 = arith.constant 13 : i32
      %add3A_341 = vector.broadcast %add3A_340 : i32 to vector<16xi32>
      %add3A_342 = arith.addi %mul3A_205, %add3A_341 : vector<16xi32>
      %gather3A_343 = tpu.vector_load_idx %arg16[%add3A_342] : memref<2048xf32, #tpu.memory_space<vmem>>[vector<16xi32>], vector<16xf32>,
      %add3A_344 = arith.addf %add3A_334, %gather3A_343 : vector<16xf32>
      %add3A_345 = arith.constant 14 : i32
      %add3A_346 = vector.broadcast %add3A_345 : i32 to vector<16xi32>
      %add3A_347 = arith.addi %mul3A_205, %add3A_346 : vector<16xi32>
      %gather3A_348 = tpu.vector_load_idx %arg15[%add3A_347] : memref<2048xf32, #tpu.memory_space<vmem>>[vector<16xi32>], vector<16xf32>,
      %add3A_349 = arith.addf %add3A_339, %gather3A_348 : vector<16xf32>
      %add3A_350 = arith.constant 14 : i32
      %add3A_351 = vector.broadcast %add3A_350 : i32 to vector<16xi32>
      %add3A_352 = arith.addi %mul3A_205, %add3A_351 : vector<16xi32>
      %gather3A_353 = tpu.vector_load_idx %arg16[%add3A_352] : memref<2048xf32, #tpu.memory_space<vmem>>[vector<16xi32>], vector<16xf32>,
      %add3A_354 = arith.addf %add3A_344, %gather3A_353 : vector<16xf32>
      %add3A_355 = arith.constant 15 : i32
      %add3A_356 = vector.broadcast %add3A_355 : i32 to vector<16xi32>
      %add3A_357 = arith.addi %mul3A_205, %add3A_356 : vector<16xi32>
      %gather3A_358 = tpu.vector_load_idx %arg15[%add3A_357] : memref<2048xf32, #tpu.memory_space<vmem>>[vector<16xi32>], vector<16xf32>,
      %add3A_359 = arith.addf %add3A_349, %gather3A_358 : vector<16xf32>
      %add3A_360 = arith.constant 15 : i32
      %add3A_361 = vector.broadcast %add3A_360 : i32 to vector<16xi32>
      %add3A_362 = arith.addi %mul3A_205, %add3A_361 : vector<16xi32>
      %gather3A_363 = tpu.vector_load_idx %arg16[%add3A_362] : memref<2048xf32, #tpu.memory_space<vmem>>[vector<16xi32>], vector<16xf32>,
      %add3A_364 = arith.addf %add3A_354, %gather3A_363 : vector<16xf32>
      %max3A = arith.constant 1.000000e-30 : f32
      %max3A_365 = vector.broadcast %max3A : f32 to vector<16xf32>
      %max3A_366 = arith.maximumf %add3A_359, %max3A_365 : vector<16xf32>
      %bitcast3A = vector.bitcast %max3A_366 : vector<16xf32> to vector<16xi32>
      %shift_right_arithmetic3A = arith.constant 1 : i32
      %shift_right_arithmetic3A_367 = vector.broadcast %shift_right_arithmetic3A : i32 to vector<16xi32>
      %shift_right_arithmetic3A_368 = arith.shrsi %bitcast3A, %shift_right_arithmetic3A_367 : vector<16xi32>
      %add3A_369 = arith.constant 532487669 : i32
      %add3A_370 = vector.broadcast %add3A_369 : i32 to vector<16xi32>
      %add3A_371 = arith.addi %shift_right_arithmetic3A_368, %add3A_370 : vector<16xi32>
      %bitcast3A_372 = vector.bitcast %add3A_371 : vector<16xi32> to vector<16xf32>
      %div3A = arith.divf %max3A_366, %bitcast3A_372 : vector<16xf32>
      %add3A_373 = arith.addf %bitcast3A_372, %div3A : vector<16xf32>
      %mul3A_374 = arith.constant 5.000000e-01 : f32
      %mul3A_375 = vector.broadcast %mul3A_374 : f32 to vector<16xf32>
      %mul3A_376 = arith.mulf %mul3A_375, %add3A_373 : vector<16xf32>
      %div3A_377 = arith.divf %max3A_366, %mul3A_376 : vector<16xf32>
      %add3A_378 = arith.addf %mul3A_376, %div3A_377 : vector<16xf32>
      %mul3A_379 = arith.constant 5.000000e-01 : f32
      %mul3A_380 = vector.broadcast %mul3A_379 : f32 to vector<16xf32>
      %mul3A_381 = arith.mulf %mul3A_380, %add3A_378 : vector<16xf32>
      %div3A_382 = arith.divf %max3A_366, %mul3A_381 : vector<16xf32>
      %add3A_383 = arith.addf %mul3A_381, %div3A_382 : vector<16xf32>
      %mul3A_384 = arith.constant 5.000000e-01 : f32
      %mul3A_385 = vector.broadcast %mul3A_384 : f32 to vector<16xf32>
      %mul3A_386 = arith.mulf %mul3A_385, %add3A_383 : vector<16xf32>
      %max3A_387 = arith.constant 1.000000e-30 : f32
      %max3A_388 = vector.broadcast %max3A_387 : f32 to vector<16xf32>
      %max3A_389 = arith.maximumf %add3A_364, %max3A_388 : vector<16xf32>
      %bitcast3A_390 = vector.bitcast %max3A_389 : vector<16xf32> to vector<16xi32>
      %shift_right_arithmetic3A_391 = arith.constant 1 : i32
      %shift_right_arithmetic3A_392 = vector.broadcast %shift_right_arithmetic3A_391 : i32 to vector<16xi32>
      %shift_right_arithmetic3A_393 = arith.shrsi %bitcast3A_390, %shift_right_arithmetic3A_392 : vector<16xi32>
      %add3A_394 = arith.constant 532487669 : i32
      %add3A_395 = vector.broadcast %add3A_394 : i32 to vector<16xi32>
      %add3A_396 = arith.addi %shift_right_arithmetic3A_393, %add3A_395 : vector<16xi32>
      %bitcast3A_397 = vector.bitcast %add3A_396 : vector<16xi32> to vector<16xf32>
      %div3A_398 = arith.divf %max3A_389, %bitcast3A_397 : vector<16xf32>
      %add3A_399 = arith.addf %bitcast3A_397, %div3A_398 : vector<16xf32>
      %mul3A_400 = arith.constant 5.000000e-01 : f32
      %mul3A_401 = vector.broadcast %mul3A_400 : f32 to vector<16xf32>
      %mul3A_402 = arith.mulf %mul3A_401, %add3A_399 : vector<16xf32>
      %div3A_403 = arith.divf %max3A_389, %mul3A_402 : vector<16xf32>
      %add3A_404 = arith.addf %mul3A_402, %div3A_403 : vector<16xf32>
      %mul3A_405 = arith.constant 5.000000e-01 : f32
      %mul3A_406 = vector.broadcast %mul3A_405 : f32 to vector<16xf32>
      %mul3A_407 = arith.mulf %mul3A_406, %add3A_404 : vector<16xf32>
      %div3A_408 = arith.divf %max3A_389, %mul3A_407 : vector<16xf32>
      %add3A_409 = arith.addf %mul3A_407, %div3A_408 : vector<16xf32>
      %mul3A_410 = arith.constant 5.000000e-01 : f32
      %mul3A_411 = vector.broadcast %mul3A_410 : f32 to vector<16xf32>
      %mul3A_412 = arith.mulf %mul3A_411, %add3A_409 : vector<16xf32>
      %neg3A = arith.constant 0.000000e+00 : f32
      %neg3A_413 = vector.broadcast %neg3A : f32 to vector<16xf32>
      %neg3A_414 = arith.subf %neg3A_413, %mul3A_386 : vector<16xf32>
      %exp3A = math.exp %neg3A_414 : vector<16xf32>
      %sub3A = arith.constant 0.00999999977 : f32
      %sub3A_415 = vector.broadcast %sub3A : f32 to vector<16xf32>
      %sub3A_416 = arith.subf %sub3A_415, %exp3A : vector<16xf32>
      %neg3A_417 = arith.constant 0.000000e+00 : f32
      %neg3A_418 = vector.broadcast %neg3A_417 : f32 to vector<16xf32>
      %neg3A_419 = arith.subf %neg3A_418, %mul3A_412 : vector<16xf32>
      %exp3A_420 = math.exp %neg3A_419 : vector<16xf32>
      %add3A_421 = arith.addf %sub3A_416, %exp3A_420 : vector<16xf32>
      %max3A_422 = arith.constant 0.000000e+00 : f32
      %max3A_423 = vector.broadcast %max3A_422 : f32 to vector<16xf32>
      %max3A_424 = arith.maximumf %add3A_421, %max3A_423 : vector<16xf32>
      %add3A_425 = arith.addf %scan3A_198, %max3A_424 : vector<16xf32>
      scf.yield %add3A_425 : vector<16xf32>
    }
    %scan3A_118 = arith.constant 8 : i32
    %dma_start3A_119 = arith.constant 384 : i32
    %dma_start3A_120 = tpu.memref_slice %arg6[%dma_start3A_119] : memref<512xi32, #tpu.memory_space<vmem>> -> memref<128xi32, #tpu.memory_space<vmem>>
    %dma_start3A_121 = arith.constant 0 : i32
    %dma_start3A_122 = arith.constant 0 : i32
    %dma_start3A_123 = tpu.memref_slice %arg3[%dma_start3A_121, %dma_start3A_122] : memref<65536x128xf32, #tpu.memory_space<hbm>> -> memref<65536x128xf32, #tpu.memory_space<hbm>>
    tpu.enqueue_indirect_dma source(%dma_start3A_123 : memref<65536x128xf32, #tpu.memory_space<hbm>>) target(%arg12 : memref<128x128xf32, #tpu.memory_space<vmem>>) offsets(%dma_start3A_120 : memref<128xi32, #tpu.memory_space<vmem>>) semaphore(%arg19 : memref<!tpu.dma_semaphore, #tpu.memory_space<semaphore_mem>>)
    %dma_start3A_124 = arith.constant 384 : i32
    %dma_start3A_125 = tpu.memref_slice %arg7[%dma_start3A_124] : memref<512xi32, #tpu.memory_space<vmem>> -> memref<128xi32, #tpu.memory_space<vmem>>
    %dma_start3A_126 = arith.constant 0 : i32
    %dma_start3A_127 = arith.constant 0 : i32
    %dma_start3A_128 = tpu.memref_slice %arg4[%dma_start3A_126, %dma_start3A_127] : memref<65536x128xf32, #tpu.memory_space<hbm>> -> memref<65536x128xf32, #tpu.memory_space<hbm>>
    tpu.enqueue_indirect_dma source(%dma_start3A_128 : memref<65536x128xf32, #tpu.memory_space<hbm>>) target(%arg13 : memref<128x128xf32, #tpu.memory_space<vmem>>) offsets(%dma_start3A_125 : memref<128xi32, #tpu.memory_space<vmem>>) semaphore(%arg19 : memref<!tpu.dma_semaphore, #tpu.memory_space<semaphore_mem>>)
    %dma_start3A_129 = arith.constant 384 : i32
    %dma_start3A_130 = tpu.memref_slice %arg8[%dma_start3A_129] : memref<512xi32, #tpu.memory_space<vmem>> -> memref<128xi32, #tpu.memory_space<vmem>>
    %dma_start3A_131 = arith.constant 0 : i32
    %dma_start3A_132 = arith.constant 0 : i32
    %dma_start3A_133 = tpu.memref_slice %arg4[%dma_start3A_131, %dma_start3A_132] : memref<65536x128xf32, #tpu.memory_space<hbm>> -> memref<65536x128xf32, #tpu.memory_space<hbm>>
    tpu.enqueue_indirect_dma source(%dma_start3A_133 : memref<65536x128xf32, #tpu.memory_space<hbm>>) target(%arg14 : memref<128x128xf32, #tpu.memory_space<vmem>>) offsets(%dma_start3A_130 : memref<128xi32, #tpu.memory_space<vmem>>) semaphore(%arg19 : memref<!tpu.dma_semaphore, #tpu.memory_space<semaphore_mem>>)
    %dma_wait3A_134 = arith.constant 256 : i32
    %dma_wait3A_135 = tpu.memref_slice %arg6[%dma_wait3A_134] : memref<512xi32, #tpu.memory_space<vmem>> -> memref<128xi32, #tpu.memory_space<vmem>>
    %dma_wait3A_136 = arith.constant 0 : i32
    %dma_wait3A_137 = arith.constant 0 : i32
    %dma_wait3A_138 = tpu.memref_slice %arg3[%dma_wait3A_136, %dma_wait3A_137] : memref<65536x128xf32, #tpu.memory_space<hbm>> -> memref<65536x128xf32, #tpu.memory_space<hbm>>
    tpu.wait_indirect_dma semaphore(%arg18 : memref<!tpu.dma_semaphore, #tpu.memory_space<semaphore_mem>>) src(%dma_wait3A_138 : memref<65536x128xf32, #tpu.memory_space<hbm>>) dst(%arg9 : memref<128x128xf32, #tpu.memory_space<vmem>>)
    %dma_wait3A_139 = arith.constant 256 : i32
    %dma_wait3A_140 = tpu.memref_slice %arg7[%dma_wait3A_139] : memref<512xi32, #tpu.memory_space<vmem>> -> memref<128xi32, #tpu.memory_space<vmem>>
    %dma_wait3A_141 = arith.constant 0 : i32
    %dma_wait3A_142 = arith.constant 0 : i32
    %dma_wait3A_143 = tpu.memref_slice %arg4[%dma_wait3A_141, %dma_wait3A_142] : memref<65536x128xf32, #tpu.memory_space<hbm>> -> memref<65536x128xf32, #tpu.memory_space<hbm>>
    tpu.wait_indirect_dma semaphore(%arg18 : memref<!tpu.dma_semaphore, #tpu.memory_space<semaphore_mem>>) src(%dma_wait3A_143 : memref<65536x128xf32, #tpu.memory_space<hbm>>) dst(%arg10 : memref<128x128xf32, #tpu.memory_space<vmem>>)
    %dma_wait3A_144 = arith.constant 256 : i32
    %dma_wait3A_145 = tpu.memref_slice %arg8[%dma_wait3A_144] : memref<512xi32, #tpu.memory_space<vmem>> -> memref<128xi32, #tpu.memory_space<vmem>>
    %dma_wait3A_146 = arith.constant 0 : i32
    %dma_wait3A_147 = arith.constant 0 : i32
    %dma_wait3A_148 = tpu.memref_slice %arg4[%dma_wait3A_146, %dma_wait3A_147] : memref<65536x128xf32, #tpu.memory_space<hbm>> -> memref<65536x128xf32, #tpu.memory_space<hbm>>
    tpu.wait_indirect_dma semaphore(%arg18 : memref<!tpu.dma_semaphore, #tpu.memory_space<semaphore_mem>>) src(%dma_wait3A_148 : memref<65536x128xf32, #tpu.memory_space<hbm>>) dst(%arg11 : memref<128x128xf32, #tpu.memory_space<vmem>>)
    %scan3A_149 = arith.constant 0 : i32
    %scan3A_150 = arith.constant 0 : i32
    %scan3A_151 = arith.constant 128 : i32
    %scan3A_152 = arith.addi %scan3A_150, %scan3A_151 : i32
    %scan3A_153 = arith.constant 4 : i32
    %scan3A_154 = scf.for %scan3A_197 = %scan3A_150 to %scan3A_152 step %scan3A_153 iter_args(%scan3A_198 = %scan3A_149) -> (i32)  : i32 {
      %get3A = arith.index_cast %scan3A_197 : i32 to index
      %get3A_199 = arith.constant 0 : index
      %get3A_200 = tpu.vector_load %arg9[%get3A, %get3A_199] {strides = array<i32>} : memref<128x128xf32, #tpu.memory_space<vmem>>, vector<16xf32>,
      %add3A_201 = arith.constant 9.99999997E-7 : f32
      %add3A_202 = vector.broadcast %add3A_201 : f32 to vector<16xf32>
      %add3A_203 = arith.addf %get3A_200, %add3A_202 : vector<16xf32>
      %get3A_204 = arith.index_cast %scan3A_197 : i32 to index
      %get3A_205 = arith.constant 0 : index
      %get3A_206 = tpu.vector_load %arg10[%get3A_204, %get3A_205] {strides = array<i32>} : memref<128x128xf32, #tpu.memory_space<vmem>>, vector<16xf32>,
      %sub3A = arith.subf %add3A_203, %get3A_206 : vector<16xf32>
      %get3A_207 = arith.index_cast %scan3A_197 : i32 to index
      %get3A_208 = arith.constant 0 : index
      %get3A_209 = tpu.vector_load %arg11[%get3A_207, %get3A_208] {strides = array<i32>} : memref<128x128xf32, #tpu.memory_space<vmem>>, vector<16xf32>,
      %sub3A_210 = arith.subf %add3A_203, %get3A_209 : vector<16xf32>
      %mul3A_211 = arith.mulf %sub3A, %sub3A : vector<16xf32>
      %add3A_212 = arith.addf %broadcast_in_dim3A_19, %mul3A_211 : vector<16xf32>
      %mul3A_213 = arith.mulf %sub3A_210, %sub3A_210 : vector<16xf32>
      %add3A_214 = arith.addf %broadcast_in_dim3A_19, %mul3A_213 : vector<16xf32>
      %get3A_215 = arith.index_cast %scan3A_197 : i32 to index
      %get3A_216 = arith.constant 16 : index
      %get3A_217 = tpu.vector_load %arg9[%get3A_215, %get3A_216] {strides = array<i32>} : memref<128x128xf32, #tpu.memory_space<vmem>>, vector<16xf32>,
      %add3A_218 = arith.constant 9.99999997E-7 : f32
      %add3A_219 = vector.broadcast %add3A_218 : f32 to vector<16xf32>
      %add3A_220 = arith.addf %get3A_217, %add3A_219 : vector<16xf32>
      %get3A_221 = arith.index_cast %scan3A_197 : i32 to index
      %get3A_222 = arith.constant 16 : index
      %get3A_223 = tpu.vector_load %arg10[%get3A_221, %get3A_222] {strides = array<i32>} : memref<128x128xf32, #tpu.memory_space<vmem>>, vector<16xf32>,
      %sub3A_224 = arith.subf %add3A_220, %get3A_223 : vector<16xf32>
      %get3A_225 = arith.index_cast %scan3A_197 : i32 to index
      %get3A_226 = arith.constant 16 : index
      %get3A_227 = tpu.vector_load %arg11[%get3A_225, %get3A_226] {strides = array<i32>} : memref<128x128xf32, #tpu.memory_space<vmem>>, vector<16xf32>,
      %sub3A_228 = arith.subf %add3A_220, %get3A_227 : vector<16xf32>
      %mul3A_229 = arith.mulf %sub3A_224, %sub3A_224 : vector<16xf32>
      %add3A_230 = arith.addf %add3A_212, %mul3A_229 : vector<16xf32>
      %mul3A_231 = arith.mulf %sub3A_228, %sub3A_228 : vector<16xf32>
      %add3A_232 = arith.addf %add3A_214, %mul3A_231 : vector<16xf32>
      %get3A_233 = arith.index_cast %scan3A_197 : i32 to index
      %get3A_234 = arith.constant 32 : index
      %get3A_235 = tpu.vector_load %arg9[%get3A_233, %get3A_234] {strides = array<i32>} : memref<128x128xf32, #tpu.memory_space<vmem>>, vector<16xf32>,
      %add3A_236 = arith.constant 9.99999997E-7 : f32
      %add3A_237 = vector.broadcast %add3A_236 : f32 to vector<16xf32>
      %add3A_238 = arith.addf %get3A_235, %add3A_237 : vector<16xf32>
      %get3A_239 = arith.index_cast %scan3A_197 : i32 to index
      %get3A_240 = arith.constant 32 : index
      %get3A_241 = tpu.vector_load %arg10[%get3A_239, %get3A_240] {strides = array<i32>} : memref<128x128xf32, #tpu.memory_space<vmem>>, vector<16xf32>,
      %sub3A_242 = arith.subf %add3A_238, %get3A_241 : vector<16xf32>
      %get3A_243 = arith.index_cast %scan3A_197 : i32 to index
      %get3A_244 = arith.constant 32 : index
      %get3A_245 = tpu.vector_load %arg11[%get3A_243, %get3A_244] {strides = array<i32>} : memref<128x128xf32, #tpu.memory_space<vmem>>, vector<16xf32>,
      %sub3A_246 = arith.subf %add3A_238, %get3A_245 : vector<16xf32>
      %mul3A_247 = arith.mulf %sub3A_242, %sub3A_242 : vector<16xf32>
      %add3A_248 = arith.addf %add3A_230, %mul3A_247 : vector<16xf32>
      %mul3A_249 = arith.mulf %sub3A_246, %sub3A_246 : vector<16xf32>
      %add3A_250 = arith.addf %add3A_232, %mul3A_249 : vector<16xf32>
      %get3A_251 = arith.index_cast %scan3A_197 : i32 to index
      %get3A_252 = arith.constant 48 : index
      %get3A_253 = tpu.vector_load %arg9[%get3A_251, %get3A_252] {strides = array<i32>} : memref<128x128xf32, #tpu.memory_space<vmem>>, vector<16xf32>,
      %add3A_254 = arith.constant 9.99999997E-7 : f32
      %add3A_255 = vector.broadcast %add3A_254 : f32 to vector<16xf32>
      %add3A_256 = arith.addf %get3A_253, %add3A_255 : vector<16xf32>
      %get3A_257 = arith.index_cast %scan3A_197 : i32 to index
      %get3A_258 = arith.constant 48 : index
      %get3A_259 = tpu.vector_load %arg10[%get3A_257, %get3A_258] {strides = array<i32>} : memref<128x128xf32, #tpu.memory_space<vmem>>, vector<16xf32>,
      %sub3A_260 = arith.subf %add3A_256, %get3A_259 : vector<16xf32>
      %get3A_261 = arith.index_cast %scan3A_197 : i32 to index
      %get3A_262 = arith.constant 48 : index
      %get3A_263 = tpu.vector_load %arg11[%get3A_261, %get3A_262] {strides = array<i32>} : memref<128x128xf32, #tpu.memory_space<vmem>>, vector<16xf32>,
      %sub3A_264 = arith.subf %add3A_256, %get3A_263 : vector<16xf32>
      %mul3A_265 = arith.mulf %sub3A_260, %sub3A_260 : vector<16xf32>
      %add3A_266 = arith.addf %add3A_248, %mul3A_265 : vector<16xf32>
      %mul3A_267 = arith.mulf %sub3A_264, %sub3A_264 : vector<16xf32>
      %add3A_268 = arith.addf %add3A_250, %mul3A_267 : vector<16xf32>
      %get3A_269 = arith.index_cast %scan3A_197 : i32 to index
      %get3A_270 = arith.constant 64 : index
      %get3A_271 = tpu.vector_load %arg9[%get3A_269, %get3A_270] {strides = array<i32>} : memref<128x128xf32, #tpu.memory_space<vmem>>, vector<16xf32>,
      %add3A_272 = arith.constant 9.99999997E-7 : f32
      %add3A_273 = vector.broadcast %add3A_272 : f32 to vector<16xf32>
      %add3A_274 = arith.addf %get3A_271, %add3A_273 : vector<16xf32>
      %get3A_275 = arith.index_cast %scan3A_197 : i32 to index
      %get3A_276 = arith.constant 64 : index
      %get3A_277 = tpu.vector_load %arg10[%get3A_275, %get3A_276] {strides = array<i32>} : memref<128x128xf32, #tpu.memory_space<vmem>>, vector<16xf32>,
      %sub3A_278 = arith.subf %add3A_274, %get3A_277 : vector<16xf32>
      %get3A_279 = arith.index_cast %scan3A_197 : i32 to index
      %get3A_280 = arith.constant 64 : index
      %get3A_281 = tpu.vector_load %arg11[%get3A_279, %get3A_280] {strides = array<i32>} : memref<128x128xf32, #tpu.memory_space<vmem>>, vector<16xf32>,
      %sub3A_282 = arith.subf %add3A_274, %get3A_281 : vector<16xf32>
      %mul3A_283 = arith.mulf %sub3A_278, %sub3A_278 : vector<16xf32>
      %add3A_284 = arith.addf %add3A_266, %mul3A_283 : vector<16xf32>
      %mul3A_285 = arith.mulf %sub3A_282, %sub3A_282 : vector<16xf32>
      %add3A_286 = arith.addf %add3A_268, %mul3A_285 : vector<16xf32>
      %get3A_287 = arith.index_cast %scan3A_197 : i32 to index
      %get3A_288 = arith.constant 80 : index
      %get3A_289 = tpu.vector_load %arg9[%get3A_287, %get3A_288] {strides = array<i32>} : memref<128x128xf32, #tpu.memory_space<vmem>>, vector<16xf32>,
      %add3A_290 = arith.constant 9.99999997E-7 : f32
      %add3A_291 = vector.broadcast %add3A_290 : f32 to vector<16xf32>
      %add3A_292 = arith.addf %get3A_289, %add3A_291 : vector<16xf32>
      %get3A_293 = arith.index_cast %scan3A_197 : i32 to index
      %get3A_294 = arith.constant 80 : index
      %get3A_295 = tpu.vector_load %arg10[%get3A_293, %get3A_294] {strides = array<i32>} : memref<128x128xf32, #tpu.memory_space<vmem>>, vector<16xf32>,
      %sub3A_296 = arith.subf %add3A_292, %get3A_295 : vector<16xf32>
      %get3A_297 = arith.index_cast %scan3A_197 : i32 to index
      %get3A_298 = arith.constant 80 : index
      %get3A_299 = tpu.vector_load %arg11[%get3A_297, %get3A_298] {strides = array<i32>} : memref<128x128xf32, #tpu.memory_space<vmem>>, vector<16xf32>,
      %sub3A_300 = arith.subf %add3A_292, %get3A_299 : vector<16xf32>
      %mul3A_301 = arith.mulf %sub3A_296, %sub3A_296 : vector<16xf32>
      %add3A_302 = arith.addf %add3A_284, %mul3A_301 : vector<16xf32>
      %mul3A_303 = arith.mulf %sub3A_300, %sub3A_300 : vector<16xf32>
      %add3A_304 = arith.addf %add3A_286, %mul3A_303 : vector<16xf32>
      %get3A_305 = arith.index_cast %scan3A_197 : i32 to index
      %get3A_306 = arith.constant 96 : index
      %get3A_307 = tpu.vector_load %arg9[%get3A_305, %get3A_306] {strides = array<i32>} : memref<128x128xf32, #tpu.memory_space<vmem>>, vector<16xf32>,
      %add3A_308 = arith.constant 9.99999997E-7 : f32
      %add3A_309 = vector.broadcast %add3A_308 : f32 to vector<16xf32>
      %add3A_310 = arith.addf %get3A_307, %add3A_309 : vector<16xf32>
      %get3A_311 = arith.index_cast %scan3A_197 : i32 to index
      %get3A_312 = arith.constant 96 : index
      %get3A_313 = tpu.vector_load %arg10[%get3A_311, %get3A_312] {strides = array<i32>} : memref<128x128xf32, #tpu.memory_space<vmem>>, vector<16xf32>,
      %sub3A_314 = arith.subf %add3A_310, %get3A_313 : vector<16xf32>
      %get3A_315 = arith.index_cast %scan3A_197 : i32 to index
      %get3A_316 = arith.constant 96 : index
      %get3A_317 = tpu.vector_load %arg11[%get3A_315, %get3A_316] {strides = array<i32>} : memref<128x128xf32, #tpu.memory_space<vmem>>, vector<16xf32>,
      %sub3A_318 = arith.subf %add3A_310, %get3A_317 : vector<16xf32>
      %mul3A_319 = arith.mulf %sub3A_314, %sub3A_314 : vector<16xf32>
      %add3A_320 = arith.addf %add3A_302, %mul3A_319 : vector<16xf32>
      %mul3A_321 = arith.mulf %sub3A_318, %sub3A_318 : vector<16xf32>
      %add3A_322 = arith.addf %add3A_304, %mul3A_321 : vector<16xf32>
      %get3A_323 = arith.index_cast %scan3A_197 : i32 to index
      %get3A_324 = arith.constant 112 : index
      %get3A_325 = tpu.vector_load %arg9[%get3A_323, %get3A_324] {strides = array<i32>} : memref<128x128xf32, #tpu.memory_space<vmem>>, vector<16xf32>,
      %add3A_326 = arith.constant 9.99999997E-7 : f32
      %add3A_327 = vector.broadcast %add3A_326 : f32 to vector<16xf32>
      %add3A_328 = arith.addf %get3A_325, %add3A_327 : vector<16xf32>
      %get3A_329 = arith.index_cast %scan3A_197 : i32 to index
      %get3A_330 = arith.constant 112 : index
      %get3A_331 = tpu.vector_load %arg10[%get3A_329, %get3A_330] {strides = array<i32>} : memref<128x128xf32, #tpu.memory_space<vmem>>, vector<16xf32>,
      %sub3A_332 = arith.subf %add3A_328, %get3A_331 : vector<16xf32>
      %get3A_333 = arith.index_cast %scan3A_197 : i32 to index
      %get3A_334 = arith.constant 112 : index
      %get3A_335 = tpu.vector_load %arg11[%get3A_333, %get3A_334] {strides = array<i32>} : memref<128x128xf32, #tpu.memory_space<vmem>>, vector<16xf32>,
      %sub3A_336 = arith.subf %add3A_328, %get3A_335 : vector<16xf32>
      %mul3A_337 = arith.mulf %sub3A_332, %sub3A_332 : vector<16xf32>
      %add3A_338 = arith.addf %add3A_320, %mul3A_337 : vector<16xf32>
      %mul3A_339 = arith.mulf %sub3A_336, %sub3A_336 : vector<16xf32>
      %add3A_340 = arith.addf %add3A_322, %mul3A_339 : vector<16xf32>
      %mul3A_341 = arith.constant 16 : i32
      %mul3A_342 = arith.muli %scan3A_197, %mul3A_341 : i32
      %swap3A_343 = arith.index_cast %mul3A_342 : i32 to index
      %swap3A_344 = tpu.vector_load %arg15[%swap3A_343] {strides = array<i32>} : memref<2048xf32, #tpu.memory_space<vmem>>, vector<16xf32>,
      tpu.vector_store %arg15[%swap3A_343], %add3A_338 {strides = array<i32>} : memref<2048xf32, #tpu.memory_space<vmem>>, vector<16xf32>,
      %mul3A_345 = arith.constant 16 : i32
      %mul3A_346 = arith.muli %scan3A_197, %mul3A_345 : i32
      %swap3A_347 = arith.index_cast %mul3A_346 : i32 to index
      %swap3A_348 = tpu.vector_load %arg16[%swap3A_347] {strides = array<i32>} : memref<2048xf32, #tpu.memory_space<vmem>>, vector<16xf32>,
      tpu.vector_store %arg16[%swap3A_347], %add3A_340 {strides = array<i32>} : memref<2048xf32, #tpu.memory_space<vmem>>, vector<16xf32>,
      %scan3A_349 = arith.constant 0 : i32
      %scan3A_350 = arith.constant 1 : i32
      %scan3A_351 = arith.addi %scan3A_197, %scan3A_350 : i32
      %get3A_352 = arith.index_cast %scan3A_351 : i32 to index
      %get3A_353 = arith.constant 0 : index
      %get3A_354 = tpu.vector_load %arg9[%get3A_352, %get3A_353] {strides = array<i32>} : memref<128x128xf32, #tpu.memory_space<vmem>>, vector<16xf32>,
      %add3A_355 = arith.constant 9.99999997E-7 : f32
      %add3A_356 = vector.broadcast %add3A_355 : f32 to vector<16xf32>
      %add3A_357 = arith.addf %get3A_354, %add3A_356 : vector<16xf32>
      %get3A_358 = arith.index_cast %scan3A_351 : i32 to index
      %get3A_359 = arith.constant 0 : index
      %get3A_360 = tpu.vector_load %arg10[%get3A_358, %get3A_359] {strides = array<i32>} : memref<128x128xf32, #tpu.memory_space<vmem>>, vector<16xf32>,
      %sub3A_361 = arith.subf %add3A_357, %get3A_360 : vector<16xf32>
      %get3A_362 = arith.index_cast %scan3A_351 : i32 to index
      %get3A_363 = arith.constant 0 : index
      %get3A_364 = tpu.vector_load %arg11[%get3A_362, %get3A_363] {strides = array<i32>} : memref<128x128xf32, #tpu.memory_space<vmem>>, vector<16xf32>,
      %sub3A_365 = arith.subf %add3A_357, %get3A_364 : vector<16xf32>
      %mul3A_366 = arith.mulf %sub3A_361, %sub3A_361 : vector<16xf32>
      %add3A_367 = arith.addf %broadcast_in_dim3A_19, %mul3A_366 : vector<16xf32>
      %mul3A_368 = arith.mulf %sub3A_365, %sub3A_365 : vector<16xf32>
      %add3A_369 = arith.addf %broadcast_in_dim3A_19, %mul3A_368 : vector<16xf32>
      %get3A_370 = arith.index_cast %scan3A_351 : i32 to index
      %get3A_371 = arith.constant 16 : index
      %get3A_372 = tpu.vector_load %arg9[%get3A_370, %get3A_371] {strides = array<i32>} : memref<128x128xf32, #tpu.memory_space<vmem>>, vector<16xf32>,
      %add3A_373 = arith.constant 9.99999997E-7 : f32
      %add3A_374 = vector.broadcast %add3A_373 : f32 to vector<16xf32>
      %add3A_375 = arith.addf %get3A_372, %add3A_374 : vector<16xf32>
      %get3A_376 = arith.index_cast %scan3A_351 : i32 to index
      %get3A_377 = arith.constant 16 : index
      %get3A_378 = tpu.vector_load %arg10[%get3A_376, %get3A_377] {strides = array<i32>} : memref<128x128xf32, #tpu.memory_space<vmem>>, vector<16xf32>,
      %sub3A_379 = arith.subf %add3A_375, %get3A_378 : vector<16xf32>
      %get3A_380 = arith.index_cast %scan3A_351 : i32 to index
      %get3A_381 = arith.constant 16 : index
      %get3A_382 = tpu.vector_load %arg11[%get3A_380, %get3A_381] {strides = array<i32>} : memref<128x128xf32, #tpu.memory_space<vmem>>, vector<16xf32>,
      %sub3A_383 = arith.subf %add3A_375, %get3A_382 : vector<16xf32>
      %mul3A_384 = arith.mulf %sub3A_379, %sub3A_379 : vector<16xf32>
      %add3A_385 = arith.addf %add3A_367, %mul3A_384 : vector<16xf32>
      %mul3A_386 = arith.mulf %sub3A_383, %sub3A_383 : vector<16xf32>
      %add3A_387 = arith.addf %add3A_369, %mul3A_386 : vector<16xf32>
      %get3A_388 = arith.index_cast %scan3A_351 : i32 to index
      %get3A_389 = arith.constant 32 : index
      %get3A_390 = tpu.vector_load %arg9[%get3A_388, %get3A_389] {strides = array<i32>} : memref<128x128xf32, #tpu.memory_space<vmem>>, vector<16xf32>,
      %add3A_391 = arith.constant 9.99999997E-7 : f32
      %add3A_392 = vector.broadcast %add3A_391 : f32 to vector<16xf32>
      %add3A_393 = arith.addf %get3A_390, %add3A_392 : vector<16xf32>
      %get3A_394 = arith.index_cast %scan3A_351 : i32 to index
      %get3A_395 = arith.constant 32 : index
      %get3A_396 = tpu.vector_load %arg10[%get3A_394, %get3A_395] {strides = array<i32>} : memref<128x128xf32, #tpu.memory_space<vmem>>, vector<16xf32>,
      %sub3A_397 = arith.subf %add3A_393, %get3A_396 : vector<16xf32>
      %get3A_398 = arith.index_cast %scan3A_351 : i32 to index
      %get3A_399 = arith.constant 32 : index
      %get3A_400 = tpu.vector_load %arg11[%get3A_398, %get3A_399] {strides = array<i32>} : memref<128x128xf32, #tpu.memory_space<vmem>>, vector<16xf32>,
      %sub3A_401 = arith.subf %add3A_393, %get3A_400 : vector<16xf32>
      %mul3A_402 = arith.mulf %sub3A_397, %sub3A_397 : vector<16xf32>
      %add3A_403 = arith.addf %add3A_385, %mul3A_402 : vector<16xf32>
      %mul3A_404 = arith.mulf %sub3A_401, %sub3A_401 : vector<16xf32>
      %add3A_405 = arith.addf %add3A_387, %mul3A_404 : vector<16xf32>
      %get3A_406 = arith.index_cast %scan3A_351 : i32 to index
      %get3A_407 = arith.constant 48 : index
      %get3A_408 = tpu.vector_load %arg9[%get3A_406, %get3A_407] {strides = array<i32>} : memref<128x128xf32, #tpu.memory_space<vmem>>, vector<16xf32>,
      %add3A_409 = arith.constant 9.99999997E-7 : f32
      %add3A_410 = vector.broadcast %add3A_409 : f32 to vector<16xf32>
      %add3A_411 = arith.addf %get3A_408, %add3A_410 : vector<16xf32>
      %get3A_412 = arith.index_cast %scan3A_351 : i32 to index
      %get3A_413 = arith.constant 48 : index
      %get3A_414 = tpu.vector_load %arg10[%get3A_412, %get3A_413] {strides = array<i32>} : memref<128x128xf32, #tpu.memory_space<vmem>>, vector<16xf32>,
      %sub3A_415 = arith.subf %add3A_411, %get3A_414 : vector<16xf32>
      %get3A_416 = arith.index_cast %scan3A_351 : i32 to index
      %get3A_417 = arith.constant 48 : index
      %get3A_418 = tpu.vector_load %arg11[%get3A_416, %get3A_417] {strides = array<i32>} : memref<128x128xf32, #tpu.memory_space<vmem>>, vector<16xf32>,
      %sub3A_419 = arith.subf %add3A_411, %get3A_418 : vector<16xf32>
      %mul3A_420 = arith.mulf %sub3A_415, %sub3A_415 : vector<16xf32>
      %add3A_421 = arith.addf %add3A_403, %mul3A_420 : vector<16xf32>
      %mul3A_422 = arith.mulf %sub3A_419, %sub3A_419 : vector<16xf32>
      %add3A_423 = arith.addf %add3A_405, %mul3A_422 : vector<16xf32>
      %get3A_424 = arith.index_cast %scan3A_351 : i32 to index
      %get3A_425 = arith.constant 64 : index
      %get3A_426 = tpu.vector_load %arg9[%get3A_424, %get3A_425] {strides = array<i32>} : memref<128x128xf32, #tpu.memory_space<vmem>>, vector<16xf32>,
      %add3A_427 = arith.constant 9.99999997E-7 : f32
      %add3A_428 = vector.broadcast %add3A_427 : f32 to vector<16xf32>
      %add3A_429 = arith.addf %get3A_426, %add3A_428 : vector<16xf32>
      %get3A_430 = arith.index_cast %scan3A_351 : i32 to index
      %get3A_431 = arith.constant 64 : index
      %get3A_432 = tpu.vector_load %arg10[%get3A_430, %get3A_431] {strides = array<i32>} : memref<128x128xf32, #tpu.memory_space<vmem>>, vector<16xf32>,
      %sub3A_433 = arith.subf %add3A_429, %get3A_432 : vector<16xf32>
      %get3A_434 = arith.index_cast %scan3A_351 : i32 to index
      %get3A_435 = arith.constant 64 : index
      %get3A_436 = tpu.vector_load %arg11[%get3A_434, %get3A_435] {strides = array<i32>} : memref<128x128xf32, #tpu.memory_space<vmem>>, vector<16xf32>,
      %sub3A_437 = arith.subf %add3A_429, %get3A_436 : vector<16xf32>
      %mul3A_438 = arith.mulf %sub3A_433, %sub3A_433 : vector<16xf32>
      %add3A_439 = arith.addf %add3A_421, %mul3A_438 : vector<16xf32>
      %mul3A_440 = arith.mulf %sub3A_437, %sub3A_437 : vector<16xf32>
      %add3A_441 = arith.addf %add3A_423, %mul3A_440 : vector<16xf32>
      %get3A_442 = arith.index_cast %scan3A_351 : i32 to index
      %get3A_443 = arith.constant 80 : index
      %get3A_444 = tpu.vector_load %arg9[%get3A_442, %get3A_443] {strides = array<i32>} : memref<128x128xf32, #tpu.memory_space<vmem>>, vector<16xf32>,
      %add3A_445 = arith.constant 9.99999997E-7 : f32
      %add3A_446 = vector.broadcast %add3A_445 : f32 to vector<16xf32>
      %add3A_447 = arith.addf %get3A_444, %add3A_446 : vector<16xf32>
      %get3A_448 = arith.index_cast %scan3A_351 : i32 to index
      %get3A_449 = arith.constant 80 : index
      %get3A_450 = tpu.vector_load %arg10[%get3A_448, %get3A_449] {strides = array<i32>} : memref<128x128xf32, #tpu.memory_space<vmem>>, vector<16xf32>,
      %sub3A_451 = arith.subf %add3A_447, %get3A_450 : vector<16xf32>
      %get3A_452 = arith.index_cast %scan3A_351 : i32 to index
      %get3A_453 = arith.constant 80 : index
      %get3A_454 = tpu.vector_load %arg11[%get3A_452, %get3A_453] {strides = array<i32>} : memref<128x128xf32, #tpu.memory_space<vmem>>, vector<16xf32>,
      %sub3A_455 = arith.subf %add3A_447, %get3A_454 : vector<16xf32>
      %mul3A_456 = arith.mulf %sub3A_451, %sub3A_451 : vector<16xf32>
      %add3A_457 = arith.addf %add3A_439, %mul3A_456 : vector<16xf32>
      %mul3A_458 = arith.mulf %sub3A_455, %sub3A_455 : vector<16xf32>
      %add3A_459 = arith.addf %add3A_441, %mul3A_458 : vector<16xf32>
      %get3A_460 = arith.index_cast %scan3A_351 : i32 to index
      %get3A_461 = arith.constant 96 : index
      %get3A_462 = tpu.vector_load %arg9[%get3A_460, %get3A_461] {strides = array<i32>} : memref<128x128xf32, #tpu.memory_space<vmem>>, vector<16xf32>,
      %add3A_463 = arith.constant 9.99999997E-7 : f32
      %add3A_464 = vector.broadcast %add3A_463 : f32 to vector<16xf32>
      %add3A_465 = arith.addf %get3A_462, %add3A_464 : vector<16xf32>
      %get3A_466 = arith.index_cast %scan3A_351 : i32 to index
      %get3A_467 = arith.constant 96 : index
      %get3A_468 = tpu.vector_load %arg10[%get3A_466, %get3A_467] {strides = array<i32>} : memref<128x128xf32, #tpu.memory_space<vmem>>, vector<16xf32>,
      %sub3A_469 = arith.subf %add3A_465, %get3A_468 : vector<16xf32>
      %get3A_470 = arith.index_cast %scan3A_351 : i32 to index
      %get3A_471 = arith.constant 96 : index
      %get3A_472 = tpu.vector_load %arg11[%get3A_470, %get3A_471] {strides = array<i32>} : memref<128x128xf32, #tpu.memory_space<vmem>>, vector<16xf32>,
      %sub3A_473 = arith.subf %add3A_465, %get3A_472 : vector<16xf32>
      %mul3A_474 = arith.mulf %sub3A_469, %sub3A_469 : vector<16xf32>
      %add3A_475 = arith.addf %add3A_457, %mul3A_474 : vector<16xf32>
      %mul3A_476 = arith.mulf %sub3A_473, %sub3A_473 : vector<16xf32>
      %add3A_477 = arith.addf %add3A_459, %mul3A_476 : vector<16xf32>
      %get3A_478 = arith.index_cast %scan3A_351 : i32 to index
      %get3A_479 = arith.constant 112 : index
      %get3A_480 = tpu.vector_load %arg9[%get3A_478, %get3A_479] {strides = array<i32>} : memref<128x128xf32, #tpu.memory_space<vmem>>, vector<16xf32>,
      %add3A_481 = arith.constant 9.99999997E-7 : f32
      %add3A_482 = vector.broadcast %add3A_481 : f32 to vector<16xf32>
      %add3A_483 = arith.addf %get3A_480, %add3A_482 : vector<16xf32>
      %get3A_484 = arith.index_cast %scan3A_351 : i32 to index
      %get3A_485 = arith.constant 112 : index
      %get3A_486 = tpu.vector_load %arg10[%get3A_484, %get3A_485] {strides = array<i32>} : memref<128x128xf32, #tpu.memory_space<vmem>>, vector<16xf32>,
      %sub3A_487 = arith.subf %add3A_483, %get3A_486 : vector<16xf32>
      %get3A_488 = arith.index_cast %scan3A_351 : i32 to index
      %get3A_489 = arith.constant 112 : index
      %get3A_490 = tpu.vector_load %arg11[%get3A_488, %get3A_489] {strides = array<i32>} : memref<128x128xf32, #tpu.memory_space<vmem>>, vector<16xf32>,
      %sub3A_491 = arith.subf %add3A_483, %get3A_490 : vector<16xf32>
      %mul3A_492 = arith.mulf %sub3A_487, %sub3A_487 : vector<16xf32>
      %add3A_493 = arith.addf %add3A_475, %mul3A_492 : vector<16xf32>
      %mul3A_494 = arith.mulf %sub3A_491, %sub3A_491 : vector<16xf32>
      %add3A_495 = arith.addf %add3A_477, %mul3A_494 : vector<16xf32>
      %mul3A_496 = arith.constant 16 : i32
      %mul3A_497 = arith.muli %scan3A_351, %mul3A_496 : i32
      %swap3A_498 = arith.index_cast %mul3A_497 : i32 to index
      %swap3A_499 = tpu.vector_load %arg15[%swap3A_498] {strides = array<i32>} : memref<2048xf32, #tpu.memory_space<vmem>>, vector<16xf32>,
      tpu.vector_store %arg15[%swap3A_498], %add3A_493 {strides = array<i32>} : memref<2048xf32, #tpu.memory_space<vmem>>, vector<16xf32>,
      %mul3A_500 = arith.constant 16 : i32
      %mul3A_501 = arith.muli %scan3A_351, %mul3A_500 : i32
      %swap3A_502 = arith.index_cast %mul3A_501 : i32 to index
      %swap3A_503 = tpu.vector_load %arg16[%swap3A_502] {strides = array<i32>} : memref<2048xf32, #tpu.memory_space<vmem>>, vector<16xf32>,
      tpu.vector_store %arg16[%swap3A_502], %add3A_495 {strides = array<i32>} : memref<2048xf32, #tpu.memory_space<vmem>>, vector<16xf32>,
      %scan3A_504 = arith.constant 0 : i32
      %scan3A_505 = arith.constant 2 : i32
      %scan3A_506 = arith.addi %scan3A_197, %scan3A_505 : i32
      %get3A_507 = arith.index_cast %scan3A_506 : i32 to index
      %get3A_508 = arith.constant 0 : index
      %get3A_509 = tpu.vector_load %arg9[%get3A_507, %get3A_508] {strides = array<i32>} : memref<128x128xf32, #tpu.memory_space<vmem>>, vector<16xf32>,
      %add3A_510 = arith.constant 9.99999997E-7 : f32
      %add3A_511 = vector.broadcast %add3A_510 : f32 to vector<16xf32>
      %add3A_512 = arith.addf %get3A_509, %add3A_511 : vector<16xf32>
      %get3A_513 = arith.index_cast %scan3A_506 : i32 to index
      %get3A_514 = arith.constant 0 : index
      %get3A_515 = tpu.vector_load %arg10[%get3A_513, %get3A_514] {strides = array<i32>} : memref<128x128xf32, #tpu.memory_space<vmem>>, vector<16xf32>,
      %sub3A_516 = arith.subf %add3A_512, %get3A_515 : vector<16xf32>
      %get3A_517 = arith.index_cast %scan3A_506 : i32 to index
      %get3A_518 = arith.constant 0 : index
      %get3A_519 = tpu.vector_load %arg11[%get3A_517, %get3A_518] {strides = array<i32>} : memref<128x128xf32, #tpu.memory_space<vmem>>, vector<16xf32>,
      %sub3A_520 = arith.subf %add3A_512, %get3A_519 : vector<16xf32>
      %mul3A_521 = arith.mulf %sub3A_516, %sub3A_516 : vector<16xf32>
      %add3A_522 = arith.addf %broadcast_in_dim3A_19, %mul3A_521 : vector<16xf32>
      %mul3A_523 = arith.mulf %sub3A_520, %sub3A_520 : vector<16xf32>
      %add3A_524 = arith.addf %broadcast_in_dim3A_19, %mul3A_523 : vector<16xf32>
      %get3A_525 = arith.index_cast %scan3A_506 : i32 to index
      %get3A_526 = arith.constant 16 : index
      %get3A_527 = tpu.vector_load %arg9[%get3A_525, %get3A_526] {strides = array<i32>} : memref<128x128xf32, #tpu.memory_space<vmem>>, vector<16xf32>,
      %add3A_528 = arith.constant 9.99999997E-7 : f32
      %add3A_529 = vector.broadcast %add3A_528 : f32 to vector<16xf32>
      %add3A_530 = arith.addf %get3A_527, %add3A_529 : vector<16xf32>
      %get3A_531 = arith.index_cast %scan3A_506 : i32 to index
      %get3A_532 = arith.constant 16 : index
      %get3A_533 = tpu.vector_load %arg10[%get3A_531, %get3A_532] {strides = array<i32>} : memref<128x128xf32, #tpu.memory_space<vmem>>, vector<16xf32>,
      %sub3A_534 = arith.subf %add3A_530, %get3A_533 : vector<16xf32>
      %get3A_535 = arith.index_cast %scan3A_506 : i32 to index
      %get3A_536 = arith.constant 16 : index
      %get3A_537 = tpu.vector_load %arg11[%get3A_535, %get3A_536] {strides = array<i32>} : memref<128x128xf32, #tpu.memory_space<vmem>>, vector<16xf32>,
      %sub3A_538 = arith.subf %add3A_530, %get3A_537 : vector<16xf32>
      %mul3A_539 = arith.mulf %sub3A_534, %sub3A_534 : vector<16xf32>
      %add3A_540 = arith.addf %add3A_522, %mul3A_539 : vector<16xf32>
      %mul3A_541 = arith.mulf %sub3A_538, %sub3A_538 : vector<16xf32>
      %add3A_542 = arith.addf %add3A_524, %mul3A_541 : vector<16xf32>
      %get3A_543 = arith.index_cast %scan3A_506 : i32 to index
      %get3A_544 = arith.constant 32 : index
      %get3A_545 = tpu.vector_load %arg9[%get3A_543, %get3A_544] {strides = array<i32>} : memref<128x128xf32, #tpu.memory_space<vmem>>, vector<16xf32>,
      %add3A_546 = arith.constant 9.99999997E-7 : f32
      %add3A_547 = vector.broadcast %add3A_546 : f32 to vector<16xf32>
      %add3A_548 = arith.addf %get3A_545, %add3A_547 : vector<16xf32>
      %get3A_549 = arith.index_cast %scan3A_506 : i32 to index
      %get3A_550 = arith.constant 32 : index
      %get3A_551 = tpu.vector_load %arg10[%get3A_549, %get3A_550] {strides = array<i32>} : memref<128x128xf32, #tpu.memory_space<vmem>>, vector<16xf32>,
      %sub3A_552 = arith.subf %add3A_548, %get3A_551 : vector<16xf32>
      %get3A_553 = arith.index_cast %scan3A_506 : i32 to index
      %get3A_554 = arith.constant 32 : index
      %get3A_555 = tpu.vector_load %arg11[%get3A_553, %get3A_554] {strides = array<i32>} : memref<128x128xf32, #tpu.memory_space<vmem>>, vector<16xf32>,
      %sub3A_556 = arith.subf %add3A_548, %get3A_555 : vector<16xf32>
      %mul3A_557 = arith.mulf %sub3A_552, %sub3A_552 : vector<16xf32>
      %add3A_558 = arith.addf %add3A_540, %mul3A_557 : vector<16xf32>
      %mul3A_559 = arith.mulf %sub3A_556, %sub3A_556 : vector<16xf32>
      %add3A_560 = arith.addf %add3A_542, %mul3A_559 : vector<16xf32>
      %get3A_561 = arith.index_cast %scan3A_506 : i32 to index
      %get3A_562 = arith.constant 48 : index
      %get3A_563 = tpu.vector_load %arg9[%get3A_561, %get3A_562] {strides = array<i32>} : memref<128x128xf32, #tpu.memory_space<vmem>>, vector<16xf32>,
      %add3A_564 = arith.constant 9.99999997E-7 : f32
      %add3A_565 = vector.broadcast %add3A_564 : f32 to vector<16xf32>
      %add3A_566 = arith.addf %get3A_563, %add3A_565 : vector<16xf32>
      %get3A_567 = arith.index_cast %scan3A_506 : i32 to index
      %get3A_568 = arith.constant 48 : index
      %get3A_569 = tpu.vector_load %arg10[%get3A_567, %get3A_568] {strides = array<i32>} : memref<128x128xf32, #tpu.memory_space<vmem>>, vector<16xf32>,
      %sub3A_570 = arith.subf %add3A_566, %get3A_569 : vector<16xf32>
      %get3A_571 = arith.index_cast %scan3A_506 : i32 to index
      %get3A_572 = arith.constant 48 : index
      %get3A_573 = tpu.vector_load %arg11[%get3A_571, %get3A_572] {strides = array<i32>} : memref<128x128xf32, #tpu.memory_space<vmem>>, vector<16xf32>,
      %sub3A_574 = arith.subf %add3A_566, %get3A_573 : vector<16xf32>
      %mul3A_575 = arith.mulf %sub3A_570, %sub3A_570 : vector<16xf32>
      %add3A_576 = arith.addf %add3A_558, %mul3A_575 : vector<16xf32>
      %mul3A_577 = arith.mulf %sub3A_574, %sub3A_574 : vector<16xf32>
      %add3A_578 = arith.addf %add3A_560, %mul3A_577 : vector<16xf32>
      %get3A_579 = arith.index_cast %scan3A_506 : i32 to index
      %get3A_580 = arith.constant 64 : index
      %get3A_581 = tpu.vector_load %arg9[%get3A_579, %get3A_580] {strides = array<i32>} : memref<128x128xf32, #tpu.memory_space<vmem>>, vector<16xf32>,
      %add3A_582 = arith.constant 9.99999997E-7 : f32
      %add3A_583 = vector.broadcast %add3A_582 : f32 to vector<16xf32>
      %add3A_584 = arith.addf %get3A_581, %add3A_583 : vector<16xf32>
      %get3A_585 = arith.index_cast %scan3A_506 : i32 to index
      %get3A_586 = arith.constant 64 : index
      %get3A_587 = tpu.vector_load %arg10[%get3A_585, %get3A_586] {strides = array<i32>} : memref<128x128xf32, #tpu.memory_space<vmem>>, vector<16xf32>,
      %sub3A_588 = arith.subf %add3A_584, %get3A_587 : vector<16xf32>
      %get3A_589 = arith.index_cast %scan3A_506 : i32 to index
      %get3A_590 = arith.constant 64 : index
      %get3A_591 = tpu.vector_load %arg11[%get3A_589, %get3A_590] {strides = array<i32>} : memref<128x128xf32, #tpu.memory_space<vmem>>, vector<16xf32>,
      %sub3A_592 = arith.subf %add3A_584, %get3A_591 : vector<16xf32>
      %mul3A_593 = arith.mulf %sub3A_588, %sub3A_588 : vector<16xf32>
      %add3A_594 = arith.addf %add3A_576, %mul3A_593 : vector<16xf32>
      %mul3A_595 = arith.mulf %sub3A_592, %sub3A_592 : vector<16xf32>
      %add3A_596 = arith.addf %add3A_578, %mul3A_595 : vector<16xf32>
      %get3A_597 = arith.index_cast %scan3A_506 : i32 to index
      %get3A_598 = arith.constant 80 : index
      %get3A_599 = tpu.vector_load %arg9[%get3A_597, %get3A_598] {strides = array<i32>} : memref<128x128xf32, #tpu.memory_space<vmem>>, vector<16xf32>,
      %add3A_600 = arith.constant 9.99999997E-7 : f32
      %add3A_601 = vector.broadcast %add3A_600 : f32 to vector<16xf32>
      %add3A_602 = arith.addf %get3A_599, %add3A_601 : vector<16xf32>
      %get3A_603 = arith.index_cast %scan3A_506 : i32 to index
      %get3A_604 = arith.constant 80 : index
      %get3A_605 = tpu.vector_load %arg10[%get3A_603, %get3A_604] {strides = array<i32>} : memref<128x128xf32, #tpu.memory_space<vmem>>, vector<16xf32>,
      %sub3A_606 = arith.subf %add3A_602, %get3A_605 : vector<16xf32>
      %get3A_607 = arith.index_cast %scan3A_506 : i32 to index
      %get3A_608 = arith.constant 80 : index
      %get3A_609 = tpu.vector_load %arg11[%get3A_607, %get3A_608] {strides = array<i32>} : memref<128x128xf32, #tpu.memory_space<vmem>>, vector<16xf32>,
      %sub3A_610 = arith.subf %add3A_602, %get3A_609 : vector<16xf32>
      %mul3A_611 = arith.mulf %sub3A_606, %sub3A_606 : vector<16xf32>
      %add3A_612 = arith.addf %add3A_594, %mul3A_611 : vector<16xf32>
      %mul3A_613 = arith.mulf %sub3A_610, %sub3A_610 : vector<16xf32>
      %add3A_614 = arith.addf %add3A_596, %mul3A_613 : vector<16xf32>
      %get3A_615 = arith.index_cast %scan3A_506 : i32 to index
      %get3A_616 = arith.constant 96 : index
      %get3A_617 = tpu.vector_load %arg9[%get3A_615, %get3A_616] {strides = array<i32>} : memref<128x128xf32, #tpu.memory_space<vmem>>, vector<16xf32>,
      %add3A_618 = arith.constant 9.99999997E-7 : f32
      %add3A_619 = vector.broadcast %add3A_618 : f32 to vector<16xf32>
      %add3A_620 = arith.addf %get3A_617, %add3A_619 : vector<16xf32>
      %get3A_621 = arith.index_cast %scan3A_506 : i32 to index
      %get3A_622 = arith.constant 96 : index
      %get3A_623 = tpu.vector_load %arg10[%get3A_621, %get3A_622] {strides = array<i32>} : memref<128x128xf32, #tpu.memory_space<vmem>>, vector<16xf32>,
      %sub3A_624 = arith.subf %add3A_620, %get3A_623 : vector<16xf32>
      %get3A_625 = arith.index_cast %scan3A_506 : i32 to index
      %get3A_626 = arith.constant 96 : index
      %get3A_627 = tpu.vector_load %arg11[%get3A_625, %get3A_626] {strides = array<i32>} : memref<128x128xf32, #tpu.memory_space<vmem>>, vector<16xf32>,
      %sub3A_628 = arith.subf %add3A_620, %get3A_627 : vector<16xf32>
      %mul3A_629 = arith.mulf %sub3A_624, %sub3A_624 : vector<16xf32>
      %add3A_630 = arith.addf %add3A_612, %mul3A_629 : vector<16xf32>
      %mul3A_631 = arith.mulf %sub3A_628, %sub3A_628 : vector<16xf32>
      %add3A_632 = arith.addf %add3A_614, %mul3A_631 : vector<16xf32>
      %get3A_633 = arith.index_cast %scan3A_506 : i32 to index
      %get3A_634 = arith.constant 112 : index
      %get3A_635 = tpu.vector_load %arg9[%get3A_633, %get3A_634] {strides = array<i32>} : memref<128x128xf32, #tpu.memory_space<vmem>>, vector<16xf32>,
      %add3A_636 = arith.constant 9.99999997E-7 : f32
      %add3A_637 = vector.broadcast %add3A_636 : f32 to vector<16xf32>
      %add3A_638 = arith.addf %get3A_635, %add3A_637 : vector<16xf32>
      %get3A_639 = arith.index_cast %scan3A_506 : i32 to index
      %get3A_640 = arith.constant 112 : index
      %get3A_641 = tpu.vector_load %arg10[%get3A_639, %get3A_640] {strides = array<i32>} : memref<128x128xf32, #tpu.memory_space<vmem>>, vector<16xf32>,
      %sub3A_642 = arith.subf %add3A_638, %get3A_641 : vector<16xf32>
      %get3A_643 = arith.index_cast %scan3A_506 : i32 to index
      %get3A_644 = arith.constant 112 : index
      %get3A_645 = tpu.vector_load %arg11[%get3A_643, %get3A_644] {strides = array<i32>} : memref<128x128xf32, #tpu.memory_space<vmem>>, vector<16xf32>,
      %sub3A_646 = arith.subf %add3A_638, %get3A_645 : vector<16xf32>
      %mul3A_647 = arith.mulf %sub3A_642, %sub3A_642 : vector<16xf32>
      %add3A_648 = arith.addf %add3A_630, %mul3A_647 : vector<16xf32>
      %mul3A_649 = arith.mulf %sub3A_646, %sub3A_646 : vector<16xf32>
      %add3A_650 = arith.addf %add3A_632, %mul3A_649 : vector<16xf32>
      %mul3A_651 = arith.constant 16 : i32
      %mul3A_652 = arith.muli %scan3A_506, %mul3A_651 : i32
      %swap3A_653 = arith.index_cast %mul3A_652 : i32 to index
      %swap3A_654 = tpu.vector_load %arg15[%swap3A_653] {strides = array<i32>} : memref<2048xf32, #tpu.memory_space<vmem>>, vector<16xf32>,
      tpu.vector_store %arg15[%swap3A_653], %add3A_648 {strides = array<i32>} : memref<2048xf32, #tpu.memory_space<vmem>>, vector<16xf32>,
      %mul3A_655 = arith.constant 16 : i32
      %mul3A_656 = arith.muli %scan3A_506, %mul3A_655 : i32
      %swap3A_657 = arith.index_cast %mul3A_656 : i32 to index
      %swap3A_658 = tpu.vector_load %arg16[%swap3A_657] {strides = array<i32>} : memref<2048xf32, #tpu.memory_space<vmem>>, vector<16xf32>,
      tpu.vector_store %arg16[%swap3A_657], %add3A_650 {strides = array<i32>} : memref<2048xf32, #tpu.memory_space<vmem>>, vector<16xf32>,
      %scan3A_659 = arith.constant 0 : i32
      %scan3A_660 = arith.constant 3 : i32
      %scan3A_661 = arith.addi %scan3A_197, %scan3A_660 : i32
      %get3A_662 = arith.index_cast %scan3A_661 : i32 to index
      %get3A_663 = arith.constant 0 : index
      %get3A_664 = tpu.vector_load %arg9[%get3A_662, %get3A_663] {strides = array<i32>} : memref<128x128xf32, #tpu.memory_space<vmem>>, vector<16xf32>,
      %add3A_665 = arith.constant 9.99999997E-7 : f32
      %add3A_666 = vector.broadcast %add3A_665 : f32 to vector<16xf32>
      %add3A_667 = arith.addf %get3A_664, %add3A_666 : vector<16xf32>
      %get3A_668 = arith.index_cast %scan3A_661 : i32 to index
      %get3A_669 = arith.constant 0 : index
      %get3A_670 = tpu.vector_load %arg10[%get3A_668, %get3A_669] {strides = array<i32>} : memref<128x128xf32, #tpu.memory_space<vmem>>, vector<16xf32>,
      %sub3A_671 = arith.subf %add3A_667, %get3A_670 : vector<16xf32>
      %get3A_672 = arith.index_cast %scan3A_661 : i32 to index
      %get3A_673 = arith.constant 0 : index
      %get3A_674 = tpu.vector_load %arg11[%get3A_672, %get3A_673] {strides = array<i32>} : memref<128x128xf32, #tpu.memory_space<vmem>>, vector<16xf32>,
      %sub3A_675 = arith.subf %add3A_667, %get3A_674 : vector<16xf32>
      %mul3A_676 = arith.mulf %sub3A_671, %sub3A_671 : vector<16xf32>
      %add3A_677 = arith.addf %broadcast_in_dim3A_19, %mul3A_676 : vector<16xf32>
      %mul3A_678 = arith.mulf %sub3A_675, %sub3A_675 : vector<16xf32>
      %add3A_679 = arith.addf %broadcast_in_dim3A_19, %mul3A_678 : vector<16xf32>
      %get3A_680 = arith.index_cast %scan3A_661 : i32 to index
      %get3A_681 = arith.constant 16 : index
      %get3A_682 = tpu.vector_load %arg9[%get3A_680, %get3A_681] {strides = array<i32>} : memref<128x128xf32, #tpu.memory_space<vmem>>, vector<16xf32>,
      %add3A_683 = arith.constant 9.99999997E-7 : f32
      %add3A_684 = vector.broadcast %add3A_683 : f32 to vector<16xf32>
      %add3A_685 = arith.addf %get3A_682, %add3A_684 : vector<16xf32>
      %get3A_686 = arith.index_cast %scan3A_661 : i32 to index
      %get3A_687 = arith.constant 16 : index
      %get3A_688 = tpu.vector_load %arg10[%get3A_686, %get3A_687] {strides = array<i32>} : memref<128x128xf32, #tpu.memory_space<vmem>>, vector<16xf32>,
      %sub3A_689 = arith.subf %add3A_685, %get3A_688 : vector<16xf32>
      %get3A_690 = arith.index_cast %scan3A_661 : i32 to index
      %get3A_691 = arith.constant 16 : index
      %get3A_692 = tpu.vector_load %arg11[%get3A_690, %get3A_691] {strides = array<i32>} : memref<128x128xf32, #tpu.memory_space<vmem>>, vector<16xf32>,
      %sub3A_693 = arith.subf %add3A_685, %get3A_692 : vector<16xf32>
      %mul3A_694 = arith.mulf %sub3A_689, %sub3A_689 : vector<16xf32>
      %add3A_695 = arith.addf %add3A_677, %mul3A_694 : vector<16xf32>
      %mul3A_696 = arith.mulf %sub3A_693, %sub3A_693 : vector<16xf32>
      %add3A_697 = arith.addf %add3A_679, %mul3A_696 : vector<16xf32>
      %get3A_698 = arith.index_cast %scan3A_661 : i32 to index
      %get3A_699 = arith.constant 32 : index
      %get3A_700 = tpu.vector_load %arg9[%get3A_698, %get3A_699] {strides = array<i32>} : memref<128x128xf32, #tpu.memory_space<vmem>>, vector<16xf32>,
      %add3A_701 = arith.constant 9.99999997E-7 : f32
      %add3A_702 = vector.broadcast %add3A_701 : f32 to vector<16xf32>
      %add3A_703 = arith.addf %get3A_700, %add3A_702 : vector<16xf32>
      %get3A_704 = arith.index_cast %scan3A_661 : i32 to index
      %get3A_705 = arith.constant 32 : index
      %get3A_706 = tpu.vector_load %arg10[%get3A_704, %get3A_705] {strides = array<i32>} : memref<128x128xf32, #tpu.memory_space<vmem>>, vector<16xf32>,
      %sub3A_707 = arith.subf %add3A_703, %get3A_706 : vector<16xf32>
      %get3A_708 = arith.index_cast %scan3A_661 : i32 to index
      %get3A_709 = arith.constant 32 : index
      %get3A_710 = tpu.vector_load %arg11[%get3A_708, %get3A_709] {strides = array<i32>} : memref<128x128xf32, #tpu.memory_space<vmem>>, vector<16xf32>,
      %sub3A_711 = arith.subf %add3A_703, %get3A_710 : vector<16xf32>
      %mul3A_712 = arith.mulf %sub3A_707, %sub3A_707 : vector<16xf32>
      %add3A_713 = arith.addf %add3A_695, %mul3A_712 : vector<16xf32>
      %mul3A_714 = arith.mulf %sub3A_711, %sub3A_711 : vector<16xf32>
      %add3A_715 = arith.addf %add3A_697, %mul3A_714 : vector<16xf32>
      %get3A_716 = arith.index_cast %scan3A_661 : i32 to index
      %get3A_717 = arith.constant 48 : index
      %get3A_718 = tpu.vector_load %arg9[%get3A_716, %get3A_717] {strides = array<i32>} : memref<128x128xf32, #tpu.memory_space<vmem>>, vector<16xf32>,
      %add3A_719 = arith.constant 9.99999997E-7 : f32
      %add3A_720 = vector.broadcast %add3A_719 : f32 to vector<16xf32>
      %add3A_721 = arith.addf %get3A_718, %add3A_720 : vector<16xf32>
      %get3A_722 = arith.index_cast %scan3A_661 : i32 to index
      %get3A_723 = arith.constant 48 : index
      %get3A_724 = tpu.vector_load %arg10[%get3A_722, %get3A_723] {strides = array<i32>} : memref<128x128xf32, #tpu.memory_space<vmem>>, vector<16xf32>,
      %sub3A_725 = arith.subf %add3A_721, %get3A_724 : vector<16xf32>
      %get3A_726 = arith.index_cast %scan3A_661 : i32 to index
      %get3A_727 = arith.constant 48 : index
      %get3A_728 = tpu.vector_load %arg11[%get3A_726, %get3A_727] {strides = array<i32>} : memref<128x128xf32, #tpu.memory_space<vmem>>, vector<16xf32>,
      %sub3A_729 = arith.subf %add3A_721, %get3A_728 : vector<16xf32>
      %mul3A_730 = arith.mulf %sub3A_725, %sub3A_725 : vector<16xf32>
      %add3A_731 = arith.addf %add3A_713, %mul3A_730 : vector<16xf32>
      %mul3A_732 = arith.mulf %sub3A_729, %sub3A_729 : vector<16xf32>
      %add3A_733 = arith.addf %add3A_715, %mul3A_732 : vector<16xf32>
      %get3A_734 = arith.index_cast %scan3A_661 : i32 to index
      %get3A_735 = arith.constant 64 : index
      %get3A_736 = tpu.vector_load %arg9[%get3A_734, %get3A_735] {strides = array<i32>} : memref<128x128xf32, #tpu.memory_space<vmem>>, vector<16xf32>,
      %add3A_737 = arith.constant 9.99999997E-7 : f32
      %add3A_738 = vector.broadcast %add3A_737 : f32 to vector<16xf32>
      %add3A_739 = arith.addf %get3A_736, %add3A_738 : vector<16xf32>
      %get3A_740 = arith.index_cast %scan3A_661 : i32 to index
      %get3A_741 = arith.constant 64 : index
      %get3A_742 = tpu.vector_load %arg10[%get3A_740, %get3A_741] {strides = array<i32>} : memref<128x128xf32, #tpu.memory_space<vmem>>, vector<16xf32>,
      %sub3A_743 = arith.subf %add3A_739, %get3A_742 : vector<16xf32>
      %get3A_744 = arith.index_cast %scan3A_661 : i32 to index
      %get3A_745 = arith.constant 64 : index
      %get3A_746 = tpu.vector_load %arg11[%get3A_744, %get3A_745] {strides = array<i32>} : memref<128x128xf32, #tpu.memory_space<vmem>>, vector<16xf32>,
      %sub3A_747 = arith.subf %add3A_739, %get3A_746 : vector<16xf32>
      %mul3A_748 = arith.mulf %sub3A_743, %sub3A_743 : vector<16xf32>
      %add3A_749 = arith.addf %add3A_731, %mul3A_748 : vector<16xf32>
      %mul3A_750 = arith.mulf %sub3A_747, %sub3A_747 : vector<16xf32>
      %add3A_751 = arith.addf %add3A_733, %mul3A_750 : vector<16xf32>
      %get3A_752 = arith.index_cast %scan3A_661 : i32 to index
      %get3A_753 = arith.constant 80 : index
      %get3A_754 = tpu.vector_load %arg9[%get3A_752, %get3A_753] {strides = array<i32>} : memref<128x128xf32, #tpu.memory_space<vmem>>, vector<16xf32>,
      %add3A_755 = arith.constant 9.99999997E-7 : f32
      %add3A_756 = vector.broadcast %add3A_755 : f32 to vector<16xf32>
      %add3A_757 = arith.addf %get3A_754, %add3A_756 : vector<16xf32>
      %get3A_758 = arith.index_cast %scan3A_661 : i32 to index
      %get3A_759 = arith.constant 80 : index
      %get3A_760 = tpu.vector_load %arg10[%get3A_758, %get3A_759] {strides = array<i32>} : memref<128x128xf32, #tpu.memory_space<vmem>>, vector<16xf32>,
      %sub3A_761 = arith.subf %add3A_757, %get3A_760 : vector<16xf32>
      %get3A_762 = arith.index_cast %scan3A_661 : i32 to index
      %get3A_763 = arith.constant 80 : index
      %get3A_764 = tpu.vector_load %arg11[%get3A_762, %get3A_763] {strides = array<i32>} : memref<128x128xf32, #tpu.memory_space<vmem>>, vector<16xf32>,
      %sub3A_765 = arith.subf %add3A_757, %get3A_764 : vector<16xf32>
      %mul3A_766 = arith.mulf %sub3A_761, %sub3A_761 : vector<16xf32>
      %add3A_767 = arith.addf %add3A_749, %mul3A_766 : vector<16xf32>
      %mul3A_768 = arith.mulf %sub3A_765, %sub3A_765 : vector<16xf32>
      %add3A_769 = arith.addf %add3A_751, %mul3A_768 : vector<16xf32>
      %get3A_770 = arith.index_cast %scan3A_661 : i32 to index
      %get3A_771 = arith.constant 96 : index
      %get3A_772 = tpu.vector_load %arg9[%get3A_770, %get3A_771] {strides = array<i32>} : memref<128x128xf32, #tpu.memory_space<vmem>>, vector<16xf32>,
      %add3A_773 = arith.constant 9.99999997E-7 : f32
      %add3A_774 = vector.broadcast %add3A_773 : f32 to vector<16xf32>
      %add3A_775 = arith.addf %get3A_772, %add3A_774 : vector<16xf32>
      %get3A_776 = arith.index_cast %scan3A_661 : i32 to index
      %get3A_777 = arith.constant 96 : index
      %get3A_778 = tpu.vector_load %arg10[%get3A_776, %get3A_777] {strides = array<i32>} : memref<128x128xf32, #tpu.memory_space<vmem>>, vector<16xf32>,
      %sub3A_779 = arith.subf %add3A_775, %get3A_778 : vector<16xf32>
      %get3A_780 = arith.index_cast %scan3A_661 : i32 to index
      %get3A_781 = arith.constant 96 : index
      %get3A_782 = tpu.vector_load %arg11[%get3A_780, %get3A_781] {strides = array<i32>} : memref<128x128xf32, #tpu.memory_space<vmem>>, vector<16xf32>,
      %sub3A_783 = arith.subf %add3A_775, %get3A_782 : vector<16xf32>
      %mul3A_784 = arith.mulf %sub3A_779, %sub3A_779 : vector<16xf32>
      %add3A_785 = arith.addf %add3A_767, %mul3A_784 : vector<16xf32>
      %mul3A_786 = arith.mulf %sub3A_783, %sub3A_783 : vector<16xf32>
      %add3A_787 = arith.addf %add3A_769, %mul3A_786 : vector<16xf32>
      %get3A_788 = arith.index_cast %scan3A_661 : i32 to index
      %get3A_789 = arith.constant 112 : index
      %get3A_790 = tpu.vector_load %arg9[%get3A_788, %get3A_789] {strides = array<i32>} : memref<128x128xf32, #tpu.memory_space<vmem>>, vector<16xf32>,
      %add3A_791 = arith.constant 9.99999997E-7 : f32
      %add3A_792 = vector.broadcast %add3A_791 : f32 to vector<16xf32>
      %add3A_793 = arith.addf %get3A_790, %add3A_792 : vector<16xf32>
      %get3A_794 = arith.index_cast %scan3A_661 : i32 to index
      %get3A_795 = arith.constant 112 : index
      %get3A_796 = tpu.vector_load %arg10[%get3A_794, %get3A_795] {strides = array<i32>} : memref<128x128xf32, #tpu.memory_space<vmem>>, vector<16xf32>,
      %sub3A_797 = arith.subf %add3A_793, %get3A_796 : vector<16xf32>
      %get3A_798 = arith.index_cast %scan3A_661 : i32 to index
      %get3A_799 = arith.constant 112 : index
      %get3A_800 = tpu.vector_load %arg11[%get3A_798, %get3A_799] {strides = array<i32>} : memref<128x128xf32, #tpu.memory_space<vmem>>, vector<16xf32>,
      %sub3A_801 = arith.subf %add3A_793, %get3A_800 : vector<16xf32>
      %mul3A_802 = arith.mulf %sub3A_797, %sub3A_797 : vector<16xf32>
      %add3A_803 = arith.addf %add3A_785, %mul3A_802 : vector<16xf32>
      %mul3A_804 = arith.mulf %sub3A_801, %sub3A_801 : vector<16xf32>
      %add3A_805 = arith.addf %add3A_787, %mul3A_804 : vector<16xf32>
      %mul3A_806 = arith.constant 16 : i32
      %mul3A_807 = arith.muli %scan3A_661, %mul3A_806 : i32
      %swap3A_808 = arith.index_cast %mul3A_807 : i32 to index
      %swap3A_809 = tpu.vector_load %arg15[%swap3A_808] {strides = array<i32>} : memref<2048xf32, #tpu.memory_space<vmem>>, vector<16xf32>,
      tpu.vector_store %arg15[%swap3A_808], %add3A_803 {strides = array<i32>} : memref<2048xf32, #tpu.memory_space<vmem>>, vector<16xf32>,
      %mul3A_810 = arith.constant 16 : i32
      %mul3A_811 = arith.muli %scan3A_661, %mul3A_810 : i32
      %swap3A_812 = arith.index_cast %mul3A_811 : i32 to index
      %swap3A_813 = tpu.vector_load %arg16[%swap3A_812] {strides = array<i32>} : memref<2048xf32, #tpu.memory_space<vmem>>, vector<16xf32>,
      tpu.vector_store %arg16[%swap3A_812], %add3A_805 {strides = array<i32>} : memref<2048xf32, #tpu.memory_space<vmem>>, vector<16xf32>,
      %scan3A_814 = arith.constant 0 : i32
      scf.yield %scan3A_814 : i32
    }
    %scan3A_155 = arith.constant 128 : i32
    %scan3A_156 = arith.constant 0 : i32
    %scan3A_157 = arith.constant 8 : i32
    %scan3A_158 = arith.addi %scan3A_156, %scan3A_157 : i32
    %scan3A_159 = arith.constant 1 : i32
    %scan3A_160 = scf.for %scan3A_197 = %scan3A_156 to %scan3A_158 step %scan3A_159 iter_args(%scan3A_198 = %scan3A_117) -> (vector<16xf32>)  : i32 {
      %mul3A_199 = arith.constant 16 : i32
      %mul3A_200 = arith.muli %scan3A_197, %mul3A_199 : i32
      %add3A_201 = vector.broadcast %mul3A_200 : i32 to vector<16xi32>
      %add3A_202 = arith.addi %add3A_201, %iota3A : vector<16xi32>
      %mul3A_203 = arith.constant 16 : i32
      %mul3A_204 = vector.broadcast %mul3A_203 : i32 to vector<16xi32>
      %mul3A_205 = arith.muli %add3A_202, %mul3A_204 : vector<16xi32>
      %add3A_206 = arith.constant 0 : i32
      %add3A_207 = vector.broadcast %add3A_206 : i32 to vector<16xi32>
      %add3A_208 = arith.addi %mul3A_205, %add3A_207 : vector<16xi32>
      %gather3A = tpu.vector_load_idx %arg15[%add3A_208] : memref<2048xf32, #tpu.memory_space<vmem>>[vector<16xi32>], vector<16xf32>,
      %add3A_209 = arith.addf %broadcast_in_dim3A_19, %gather3A : vector<16xf32>
      %add3A_210 = arith.constant 0 : i32
      %add3A_211 = vector.broadcast %add3A_210 : i32 to vector<16xi32>
      %add3A_212 = arith.addi %mul3A_205, %add3A_211 : vector<16xi32>
      %gather3A_213 = tpu.vector_load_idx %arg16[%add3A_212] : memref<2048xf32, #tpu.memory_space<vmem>>[vector<16xi32>], vector<16xf32>,
      %add3A_214 = arith.addf %broadcast_in_dim3A_19, %gather3A_213 : vector<16xf32>
      %add3A_215 = arith.constant 1 : i32
      %add3A_216 = vector.broadcast %add3A_215 : i32 to vector<16xi32>
      %add3A_217 = arith.addi %mul3A_205, %add3A_216 : vector<16xi32>
      %gather3A_218 = tpu.vector_load_idx %arg15[%add3A_217] : memref<2048xf32, #tpu.memory_space<vmem>>[vector<16xi32>], vector<16xf32>,
      %add3A_219 = arith.addf %add3A_209, %gather3A_218 : vector<16xf32>
      %add3A_220 = arith.constant 1 : i32
      %add3A_221 = vector.broadcast %add3A_220 : i32 to vector<16xi32>
      %add3A_222 = arith.addi %mul3A_205, %add3A_221 : vector<16xi32>
      %gather3A_223 = tpu.vector_load_idx %arg16[%add3A_222] : memref<2048xf32, #tpu.memory_space<vmem>>[vector<16xi32>], vector<16xf32>,
      %add3A_224 = arith.addf %add3A_214, %gather3A_223 : vector<16xf32>
      %add3A_225 = arith.constant 2 : i32
      %add3A_226 = vector.broadcast %add3A_225 : i32 to vector<16xi32>
      %add3A_227 = arith.addi %mul3A_205, %add3A_226 : vector<16xi32>
      %gather3A_228 = tpu.vector_load_idx %arg15[%add3A_227] : memref<2048xf32, #tpu.memory_space<vmem>>[vector<16xi32>], vector<16xf32>,
      %add3A_229 = arith.addf %add3A_219, %gather3A_228 : vector<16xf32>
      %add3A_230 = arith.constant 2 : i32
      %add3A_231 = vector.broadcast %add3A_230 : i32 to vector<16xi32>
      %add3A_232 = arith.addi %mul3A_205, %add3A_231 : vector<16xi32>
      %gather3A_233 = tpu.vector_load_idx %arg16[%add3A_232] : memref<2048xf32, #tpu.memory_space<vmem>>[vector<16xi32>], vector<16xf32>,
      %add3A_234 = arith.addf %add3A_224, %gather3A_233 : vector<16xf32>
      %add3A_235 = arith.constant 3 : i32
      %add3A_236 = vector.broadcast %add3A_235 : i32 to vector<16xi32>
      %add3A_237 = arith.addi %mul3A_205, %add3A_236 : vector<16xi32>
      %gather3A_238 = tpu.vector_load_idx %arg15[%add3A_237] : memref<2048xf32, #tpu.memory_space<vmem>>[vector<16xi32>], vector<16xf32>,
      %add3A_239 = arith.addf %add3A_229, %gather3A_238 : vector<16xf32>
      %add3A_240 = arith.constant 3 : i32
      %add3A_241 = vector.broadcast %add3A_240 : i32 to vector<16xi32>
      %add3A_242 = arith.addi %mul3A_205, %add3A_241 : vector<16xi32>
      %gather3A_243 = tpu.vector_load_idx %arg16[%add3A_242] : memref<2048xf32, #tpu.memory_space<vmem>>[vector<16xi32>], vector<16xf32>,
      %add3A_244 = arith.addf %add3A_234, %gather3A_243 : vector<16xf32>
      %add3A_245 = arith.constant 4 : i32
      %add3A_246 = vector.broadcast %add3A_245 : i32 to vector<16xi32>
      %add3A_247 = arith.addi %mul3A_205, %add3A_246 : vector<16xi32>
      %gather3A_248 = tpu.vector_load_idx %arg15[%add3A_247] : memref<2048xf32, #tpu.memory_space<vmem>>[vector<16xi32>], vector<16xf32>,
      %add3A_249 = arith.addf %add3A_239, %gather3A_248 : vector<16xf32>
      %add3A_250 = arith.constant 4 : i32
      %add3A_251 = vector.broadcast %add3A_250 : i32 to vector<16xi32>
      %add3A_252 = arith.addi %mul3A_205, %add3A_251 : vector<16xi32>
      %gather3A_253 = tpu.vector_load_idx %arg16[%add3A_252] : memref<2048xf32, #tpu.memory_space<vmem>>[vector<16xi32>], vector<16xf32>,
      %add3A_254 = arith.addf %add3A_244, %gather3A_253 : vector<16xf32>
      %add3A_255 = arith.constant 5 : i32
      %add3A_256 = vector.broadcast %add3A_255 : i32 to vector<16xi32>
      %add3A_257 = arith.addi %mul3A_205, %add3A_256 : vector<16xi32>
      %gather3A_258 = tpu.vector_load_idx %arg15[%add3A_257] : memref<2048xf32, #tpu.memory_space<vmem>>[vector<16xi32>], vector<16xf32>,
      %add3A_259 = arith.addf %add3A_249, %gather3A_258 : vector<16xf32>
      %add3A_260 = arith.constant 5 : i32
      %add3A_261 = vector.broadcast %add3A_260 : i32 to vector<16xi32>
      %add3A_262 = arith.addi %mul3A_205, %add3A_261 : vector<16xi32>
      %gather3A_263 = tpu.vector_load_idx %arg16[%add3A_262] : memref<2048xf32, #tpu.memory_space<vmem>>[vector<16xi32>], vector<16xf32>,
      %add3A_264 = arith.addf %add3A_254, %gather3A_263 : vector<16xf32>
      %add3A_265 = arith.constant 6 : i32
      %add3A_266 = vector.broadcast %add3A_265 : i32 to vector<16xi32>
      %add3A_267 = arith.addi %mul3A_205, %add3A_266 : vector<16xi32>
      %gather3A_268 = tpu.vector_load_idx %arg15[%add3A_267] : memref<2048xf32, #tpu.memory_space<vmem>>[vector<16xi32>], vector<16xf32>,
      %add3A_269 = arith.addf %add3A_259, %gather3A_268 : vector<16xf32>
      %add3A_270 = arith.constant 6 : i32
      %add3A_271 = vector.broadcast %add3A_270 : i32 to vector<16xi32>
      %add3A_272 = arith.addi %mul3A_205, %add3A_271 : vector<16xi32>
      %gather3A_273 = tpu.vector_load_idx %arg16[%add3A_272] : memref<2048xf32, #tpu.memory_space<vmem>>[vector<16xi32>], vector<16xf32>,
      %add3A_274 = arith.addf %add3A_264, %gather3A_273 : vector<16xf32>
      %add3A_275 = arith.constant 7 : i32
      %add3A_276 = vector.broadcast %add3A_275 : i32 to vector<16xi32>
      %add3A_277 = arith.addi %mul3A_205, %add3A_276 : vector<16xi32>
      %gather3A_278 = tpu.vector_load_idx %arg15[%add3A_277] : memref<2048xf32, #tpu.memory_space<vmem>>[vector<16xi32>], vector<16xf32>,
      %add3A_279 = arith.addf %add3A_269, %gather3A_278 : vector<16xf32>
      %add3A_280 = arith.constant 7 : i32
      %add3A_281 = vector.broadcast %add3A_280 : i32 to vector<16xi32>
      %add3A_282 = arith.addi %mul3A_205, %add3A_281 : vector<16xi32>
      %gather3A_283 = tpu.vector_load_idx %arg16[%add3A_282] : memref<2048xf32, #tpu.memory_space<vmem>>[vector<16xi32>], vector<16xf32>,
      %add3A_284 = arith.addf %add3A_274, %gather3A_283 : vector<16xf32>
      %add3A_285 = arith.constant 8 : i32
      %add3A_286 = vector.broadcast %add3A_285 : i32 to vector<16xi32>
      %add3A_287 = arith.addi %mul3A_205, %add3A_286 : vector<16xi32>
      %gather3A_288 = tpu.vector_load_idx %arg15[%add3A_287] : memref<2048xf32, #tpu.memory_space<vmem>>[vector<16xi32>], vector<16xf32>,
      %add3A_289 = arith.addf %add3A_279, %gather3A_288 : vector<16xf32>
      %add3A_290 = arith.constant 8 : i32
      %add3A_291 = vector.broadcast %add3A_290 : i32 to vector<16xi32>
      %add3A_292 = arith.addi %mul3A_205, %add3A_291 : vector<16xi32>
      %gather3A_293 = tpu.vector_load_idx %arg16[%add3A_292] : memref<2048xf32, #tpu.memory_space<vmem>>[vector<16xi32>], vector<16xf32>,
      %add3A_294 = arith.addf %add3A_284, %gather3A_293 : vector<16xf32>
      %add3A_295 = arith.constant 9 : i32
      %add3A_296 = vector.broadcast %add3A_295 : i32 to vector<16xi32>
      %add3A_297 = arith.addi %mul3A_205, %add3A_296 : vector<16xi32>
      %gather3A_298 = tpu.vector_load_idx %arg15[%add3A_297] : memref<2048xf32, #tpu.memory_space<vmem>>[vector<16xi32>], vector<16xf32>,
      %add3A_299 = arith.addf %add3A_289, %gather3A_298 : vector<16xf32>
      %add3A_300 = arith.constant 9 : i32
      %add3A_301 = vector.broadcast %add3A_300 : i32 to vector<16xi32>
      %add3A_302 = arith.addi %mul3A_205, %add3A_301 : vector<16xi32>
      %gather3A_303 = tpu.vector_load_idx %arg16[%add3A_302] : memref<2048xf32, #tpu.memory_space<vmem>>[vector<16xi32>], vector<16xf32>,
      %add3A_304 = arith.addf %add3A_294, %gather3A_303 : vector<16xf32>
      %add3A_305 = arith.constant 10 : i32
      %add3A_306 = vector.broadcast %add3A_305 : i32 to vector<16xi32>
      %add3A_307 = arith.addi %mul3A_205, %add3A_306 : vector<16xi32>
      %gather3A_308 = tpu.vector_load_idx %arg15[%add3A_307] : memref<2048xf32, #tpu.memory_space<vmem>>[vector<16xi32>], vector<16xf32>,
      %add3A_309 = arith.addf %add3A_299, %gather3A_308 : vector<16xf32>
      %add3A_310 = arith.constant 10 : i32
      %add3A_311 = vector.broadcast %add3A_310 : i32 to vector<16xi32>
      %add3A_312 = arith.addi %mul3A_205, %add3A_311 : vector<16xi32>
      %gather3A_313 = tpu.vector_load_idx %arg16[%add3A_312] : memref<2048xf32, #tpu.memory_space<vmem>>[vector<16xi32>], vector<16xf32>,
      %add3A_314 = arith.addf %add3A_304, %gather3A_313 : vector<16xf32>
      %add3A_315 = arith.constant 11 : i32
      %add3A_316 = vector.broadcast %add3A_315 : i32 to vector<16xi32>
      %add3A_317 = arith.addi %mul3A_205, %add3A_316 : vector<16xi32>
      %gather3A_318 = tpu.vector_load_idx %arg15[%add3A_317] : memref<2048xf32, #tpu.memory_space<vmem>>[vector<16xi32>], vector<16xf32>,
      %add3A_319 = arith.addf %add3A_309, %gather3A_318 : vector<16xf32>
      %add3A_320 = arith.constant 11 : i32
      %add3A_321 = vector.broadcast %add3A_320 : i32 to vector<16xi32>
      %add3A_322 = arith.addi %mul3A_205, %add3A_321 : vector<16xi32>
      %gather3A_323 = tpu.vector_load_idx %arg16[%add3A_322] : memref<2048xf32, #tpu.memory_space<vmem>>[vector<16xi32>], vector<16xf32>,
      %add3A_324 = arith.addf %add3A_314, %gather3A_323 : vector<16xf32>
      %add3A_325 = arith.constant 12 : i32
      %add3A_326 = vector.broadcast %add3A_325 : i32 to vector<16xi32>
      %add3A_327 = arith.addi %mul3A_205, %add3A_326 : vector<16xi32>
      %gather3A_328 = tpu.vector_load_idx %arg15[%add3A_327] : memref<2048xf32, #tpu.memory_space<vmem>>[vector<16xi32>], vector<16xf32>,
      %add3A_329 = arith.addf %add3A_319, %gather3A_328 : vector<16xf32>
      %add3A_330 = arith.constant 12 : i32
      %add3A_331 = vector.broadcast %add3A_330 : i32 to vector<16xi32>
      %add3A_332 = arith.addi %mul3A_205, %add3A_331 : vector<16xi32>
      %gather3A_333 = tpu.vector_load_idx %arg16[%add3A_332] : memref<2048xf32, #tpu.memory_space<vmem>>[vector<16xi32>], vector<16xf32>,
      %add3A_334 = arith.addf %add3A_324, %gather3A_333 : vector<16xf32>
      %add3A_335 = arith.constant 13 : i32
      %add3A_336 = vector.broadcast %add3A_335 : i32 to vector<16xi32>
      %add3A_337 = arith.addi %mul3A_205, %add3A_336 : vector<16xi32>
      %gather3A_338 = tpu.vector_load_idx %arg15[%add3A_337] : memref<2048xf32, #tpu.memory_space<vmem>>[vector<16xi32>], vector<16xf32>,
      %add3A_339 = arith.addf %add3A_329, %gather3A_338 : vector<16xf32>
      %add3A_340 = arith.constant 13 : i32
      %add3A_341 = vector.broadcast %add3A_340 : i32 to vector<16xi32>
      %add3A_342 = arith.addi %mul3A_205, %add3A_341 : vector<16xi32>
      %gather3A_343 = tpu.vector_load_idx %arg16[%add3A_342] : memref<2048xf32, #tpu.memory_space<vmem>>[vector<16xi32>], vector<16xf32>,
      %add3A_344 = arith.addf %add3A_334, %gather3A_343 : vector<16xf32>
      %add3A_345 = arith.constant 14 : i32
      %add3A_346 = vector.broadcast %add3A_345 : i32 to vector<16xi32>
      %add3A_347 = arith.addi %mul3A_205, %add3A_346 : vector<16xi32>
      %gather3A_348 = tpu.vector_load_idx %arg15[%add3A_347] : memref<2048xf32, #tpu.memory_space<vmem>>[vector<16xi32>], vector<16xf32>,
      %add3A_349 = arith.addf %add3A_339, %gather3A_348 : vector<16xf32>
      %add3A_350 = arith.constant 14 : i32
      %add3A_351 = vector.broadcast %add3A_350 : i32 to vector<16xi32>
      %add3A_352 = arith.addi %mul3A_205, %add3A_351 : vector<16xi32>
      %gather3A_353 = tpu.vector_load_idx %arg16[%add3A_352] : memref<2048xf32, #tpu.memory_space<vmem>>[vector<16xi32>], vector<16xf32>,
      %add3A_354 = arith.addf %add3A_344, %gather3A_353 : vector<16xf32>
      %add3A_355 = arith.constant 15 : i32
      %add3A_356 = vector.broadcast %add3A_355 : i32 to vector<16xi32>
      %add3A_357 = arith.addi %mul3A_205, %add3A_356 : vector<16xi32>
      %gather3A_358 = tpu.vector_load_idx %arg15[%add3A_357] : memref<2048xf32, #tpu.memory_space<vmem>>[vector<16xi32>], vector<16xf32>,
      %add3A_359 = arith.addf %add3A_349, %gather3A_358 : vector<16xf32>
      %add3A_360 = arith.constant 15 : i32
      %add3A_361 = vector.broadcast %add3A_360 : i32 to vector<16xi32>
      %add3A_362 = arith.addi %mul3A_205, %add3A_361 : vector<16xi32>
      %gather3A_363 = tpu.vector_load_idx %arg16[%add3A_362] : memref<2048xf32, #tpu.memory_space<vmem>>[vector<16xi32>], vector<16xf32>,
      %add3A_364 = arith.addf %add3A_354, %gather3A_363 : vector<16xf32>
      %max3A = arith.constant 1.000000e-30 : f32
      %max3A_365 = vector.broadcast %max3A : f32 to vector<16xf32>
      %max3A_366 = arith.maximumf %add3A_359, %max3A_365 : vector<16xf32>
      %bitcast3A = vector.bitcast %max3A_366 : vector<16xf32> to vector<16xi32>
      %shift_right_arithmetic3A = arith.constant 1 : i32
      %shift_right_arithmetic3A_367 = vector.broadcast %shift_right_arithmetic3A : i32 to vector<16xi32>
      %shift_right_arithmetic3A_368 = arith.shrsi %bitcast3A, %shift_right_arithmetic3A_367 : vector<16xi32>
      %add3A_369 = arith.constant 532487669 : i32
      %add3A_370 = vector.broadcast %add3A_369 : i32 to vector<16xi32>
      %add3A_371 = arith.addi %shift_right_arithmetic3A_368, %add3A_370 : vector<16xi32>
      %bitcast3A_372 = vector.bitcast %add3A_371 : vector<16xi32> to vector<16xf32>
      %div3A = arith.divf %max3A_366, %bitcast3A_372 : vector<16xf32>
      %add3A_373 = arith.addf %bitcast3A_372, %div3A : vector<16xf32>
      %mul3A_374 = arith.constant 5.000000e-01 : f32
      %mul3A_375 = vector.broadcast %mul3A_374 : f32 to vector<16xf32>
      %mul3A_376 = arith.mulf %mul3A_375, %add3A_373 : vector<16xf32>
      %div3A_377 = arith.divf %max3A_366, %mul3A_376 : vector<16xf32>
      %add3A_378 = arith.addf %mul3A_376, %div3A_377 : vector<16xf32>
      %mul3A_379 = arith.constant 5.000000e-01 : f32
      %mul3A_380 = vector.broadcast %mul3A_379 : f32 to vector<16xf32>
      %mul3A_381 = arith.mulf %mul3A_380, %add3A_378 : vector<16xf32>
      %div3A_382 = arith.divf %max3A_366, %mul3A_381 : vector<16xf32>
      %add3A_383 = arith.addf %mul3A_381, %div3A_382 : vector<16xf32>
      %mul3A_384 = arith.constant 5.000000e-01 : f32
      %mul3A_385 = vector.broadcast %mul3A_384 : f32 to vector<16xf32>
      %mul3A_386 = arith.mulf %mul3A_385, %add3A_383 : vector<16xf32>
      %max3A_387 = arith.constant 1.000000e-30 : f32
      %max3A_388 = vector.broadcast %max3A_387 : f32 to vector<16xf32>
      %max3A_389 = arith.maximumf %add3A_364, %max3A_388 : vector<16xf32>
      %bitcast3A_390 = vector.bitcast %max3A_389 : vector<16xf32> to vector<16xi32>
      %shift_right_arithmetic3A_391 = arith.constant 1 : i32
      %shift_right_arithmetic3A_392 = vector.broadcast %shift_right_arithmetic3A_391 : i32 to vector<16xi32>
      %shift_right_arithmetic3A_393 = arith.shrsi %bitcast3A_390, %shift_right_arithmetic3A_392 : vector<16xi32>
      %add3A_394 = arith.constant 532487669 : i32
      %add3A_395 = vector.broadcast %add3A_394 : i32 to vector<16xi32>
      %add3A_396 = arith.addi %shift_right_arithmetic3A_393, %add3A_395 : vector<16xi32>
      %bitcast3A_397 = vector.bitcast %add3A_396 : vector<16xi32> to vector<16xf32>
      %div3A_398 = arith.divf %max3A_389, %bitcast3A_397 : vector<16xf32>
      %add3A_399 = arith.addf %bitcast3A_397, %div3A_398 : vector<16xf32>
      %mul3A_400 = arith.constant 5.000000e-01 : f32
      %mul3A_401 = vector.broadcast %mul3A_400 : f32 to vector<16xf32>
      %mul3A_402 = arith.mulf %mul3A_401, %add3A_399 : vector<16xf32>
      %div3A_403 = arith.divf %max3A_389, %mul3A_402 : vector<16xf32>
      %add3A_404 = arith.addf %mul3A_402, %div3A_403 : vector<16xf32>
      %mul3A_405 = arith.constant 5.000000e-01 : f32
      %mul3A_406 = vector.broadcast %mul3A_405 : f32 to vector<16xf32>
      %mul3A_407 = arith.mulf %mul3A_406, %add3A_404 : vector<16xf32>
      %div3A_408 = arith.divf %max3A_389, %mul3A_407 : vector<16xf32>
      %add3A_409 = arith.addf %mul3A_407, %div3A_408 : vector<16xf32>
      %mul3A_410 = arith.constant 5.000000e-01 : f32
      %mul3A_411 = vector.broadcast %mul3A_410 : f32 to vector<16xf32>
      %mul3A_412 = arith.mulf %mul3A_411, %add3A_409 : vector<16xf32>
      %neg3A = arith.constant 0.000000e+00 : f32
      %neg3A_413 = vector.broadcast %neg3A : f32 to vector<16xf32>
      %neg3A_414 = arith.subf %neg3A_413, %mul3A_386 : vector<16xf32>
      %exp3A = math.exp %neg3A_414 : vector<16xf32>
      %sub3A = arith.constant 0.00999999977 : f32
      %sub3A_415 = vector.broadcast %sub3A : f32 to vector<16xf32>
      %sub3A_416 = arith.subf %sub3A_415, %exp3A : vector<16xf32>
      %neg3A_417 = arith.constant 0.000000e+00 : f32
      %neg3A_418 = vector.broadcast %neg3A_417 : f32 to vector<16xf32>
      %neg3A_419 = arith.subf %neg3A_418, %mul3A_412 : vector<16xf32>
      %exp3A_420 = math.exp %neg3A_419 : vector<16xf32>
      %add3A_421 = arith.addf %sub3A_416, %exp3A_420 : vector<16xf32>
      %max3A_422 = arith.constant 0.000000e+00 : f32
      %max3A_423 = vector.broadcast %max3A_422 : f32 to vector<16xf32>
      %max3A_424 = arith.maximumf %add3A_421, %max3A_423 : vector<16xf32>
      %add3A_425 = arith.addf %scan3A_198, %max3A_424 : vector<16xf32>
      scf.yield %add3A_425 : vector<16xf32>
    }
    %scan3A_161 = arith.constant 8 : i32
    %dma_wait3A_162 = arith.constant 384 : i32
    %dma_wait3A_163 = tpu.memref_slice %arg6[%dma_wait3A_162] : memref<512xi32, #tpu.memory_space<vmem>> -> memref<128xi32, #tpu.memory_space<vmem>>
    %dma_wait3A_164 = arith.constant 0 : i32
    %dma_wait3A_165 = arith.constant 0 : i32
    %dma_wait3A_166 = tpu.memref_slice %arg3[%dma_wait3A_164, %dma_wait3A_165] : memref<65536x128xf32, #tpu.memory_space<hbm>> -> memref<65536x128xf32, #tpu.memory_space<hbm>>
    tpu.wait_indirect_dma semaphore(%arg19 : memref<!tpu.dma_semaphore, #tpu.memory_space<semaphore_mem>>) src(%dma_wait3A_166 : memref<65536x128xf32, #tpu.memory_space<hbm>>) dst(%arg12 : memref<128x128xf32, #tpu.memory_space<vmem>>)
    %dma_wait3A_167 = arith.constant 384 : i32
    %dma_wait3A_168 = tpu.memref_slice %arg7[%dma_wait3A_167] : memref<512xi32, #tpu.memory_space<vmem>> -> memref<128xi32, #tpu.memory_space<vmem>>
    %dma_wait3A_169 = arith.constant 0 : i32
    %dma_wait3A_170 = arith.constant 0 : i32
    %dma_wait3A_171 = tpu.memref_slice %arg4[%dma_wait3A_169, %dma_wait3A_170] : memref<65536x128xf32, #tpu.memory_space<hbm>> -> memref<65536x128xf32, #tpu.memory_space<hbm>>
    tpu.wait_indirect_dma semaphore(%arg19 : memref<!tpu.dma_semaphore, #tpu.memory_space<semaphore_mem>>) src(%dma_wait3A_171 : memref<65536x128xf32, #tpu.memory_space<hbm>>) dst(%arg13 : memref<128x128xf32, #tpu.memory_space<vmem>>)
    %dma_wait3A_172 = arith.constant 384 : i32
    %dma_wait3A_173 = tpu.memref_slice %arg8[%dma_wait3A_172] : memref<512xi32, #tpu.memory_space<vmem>> -> memref<128xi32, #tpu.memory_space<vmem>>
    %dma_wait3A_174 = arith.constant 0 : i32
    %dma_wait3A_175 = arith.constant 0 : i32
    %dma_wait3A_176 = tpu.memref_slice %arg4[%dma_wait3A_174, %dma_wait3A_175] : memref<65536x128xf32, #tpu.memory_space<hbm>> -> memref<65536x128xf32, #tpu.memory_space<hbm>>
    tpu.wait_indirect_dma semaphore(%arg19 : memref<!tpu.dma_semaphore, #tpu.memory_space<semaphore_mem>>) src(%dma_wait3A_176 : memref<65536x128xf32, #tpu.memory_space<hbm>>) dst(%arg14 : memref<128x128xf32, #tpu.memory_space<vmem>>)
    %scan3A_177 = arith.constant 0 : i32
    %scan3A_178 = arith.constant 0 : i32
    %scan3A_179 = arith.constant 128 : i32
    %scan3A_180 = arith.addi %scan3A_178, %scan3A_179 : i32
    %scan3A_181 = arith.constant 4 : i32
    %scan3A_182 = scf.for %scan3A_197 = %scan3A_178 to %scan3A_180 step %scan3A_181 iter_args(%scan3A_198 = %scan3A_177) -> (i32)  : i32 {
      %get3A = arith.index_cast %scan3A_197 : i32 to index
      %get3A_199 = arith.constant 0 : index
      %get3A_200 = tpu.vector_load %arg12[%get3A, %get3A_199] {strides = array<i32>} : memref<128x128xf32, #tpu.memory_space<vmem>>, vector<16xf32>,
      %add3A_201 = arith.constant 9.99999997E-7 : f32
      %add3A_202 = vector.broadcast %add3A_201 : f32 to vector<16xf32>
      %add3A_203 = arith.addf %get3A_200, %add3A_202 : vector<16xf32>
      %get3A_204 = arith.index_cast %scan3A_197 : i32 to index
      %get3A_205 = arith.constant 0 : index
      %get3A_206 = tpu.vector_load %arg13[%get3A_204, %get3A_205] {strides = array<i32>} : memref<128x128xf32, #tpu.memory_space<vmem>>, vector<16xf32>,
      %sub3A = arith.subf %add3A_203, %get3A_206 : vector<16xf32>
      %get3A_207 = arith.index_cast %scan3A_197 : i32 to index
      %get3A_208 = arith.constant 0 : index
      %get3A_209 = tpu.vector_load %arg14[%get3A_207, %get3A_208] {strides = array<i32>} : memref<128x128xf32, #tpu.memory_space<vmem>>, vector<16xf32>,
      %sub3A_210 = arith.subf %add3A_203, %get3A_209 : vector<16xf32>
      %mul3A_211 = arith.mulf %sub3A, %sub3A : vector<16xf32>
      %add3A_212 = arith.addf %broadcast_in_dim3A_19, %mul3A_211 : vector<16xf32>
      %mul3A_213 = arith.mulf %sub3A_210, %sub3A_210 : vector<16xf32>
      %add3A_214 = arith.addf %broadcast_in_dim3A_19, %mul3A_213 : vector<16xf32>
      %get3A_215 = arith.index_cast %scan3A_197 : i32 to index
      %get3A_216 = arith.constant 16 : index
      %get3A_217 = tpu.vector_load %arg12[%get3A_215, %get3A_216] {strides = array<i32>} : memref<128x128xf32, #tpu.memory_space<vmem>>, vector<16xf32>,
      %add3A_218 = arith.constant 9.99999997E-7 : f32
      %add3A_219 = vector.broadcast %add3A_218 : f32 to vector<16xf32>
      %add3A_220 = arith.addf %get3A_217, %add3A_219 : vector<16xf32>
      %get3A_221 = arith.index_cast %scan3A_197 : i32 to index
      %get3A_222 = arith.constant 16 : index
      %get3A_223 = tpu.vector_load %arg13[%get3A_221, %get3A_222] {strides = array<i32>} : memref<128x128xf32, #tpu.memory_space<vmem>>, vector<16xf32>,
      %sub3A_224 = arith.subf %add3A_220, %get3A_223 : vector<16xf32>
      %get3A_225 = arith.index_cast %scan3A_197 : i32 to index
      %get3A_226 = arith.constant 16 : index
      %get3A_227 = tpu.vector_load %arg14[%get3A_225, %get3A_226] {strides = array<i32>} : memref<128x128xf32, #tpu.memory_space<vmem>>, vector<16xf32>,
      %sub3A_228 = arith.subf %add3A_220, %get3A_227 : vector<16xf32>
      %mul3A_229 = arith.mulf %sub3A_224, %sub3A_224 : vector<16xf32>
      %add3A_230 = arith.addf %add3A_212, %mul3A_229 : vector<16xf32>
      %mul3A_231 = arith.mulf %sub3A_228, %sub3A_228 : vector<16xf32>
      %add3A_232 = arith.addf %add3A_214, %mul3A_231 : vector<16xf32>
      %get3A_233 = arith.index_cast %scan3A_197 : i32 to index
      %get3A_234 = arith.constant 32 : index
      %get3A_235 = tpu.vector_load %arg12[%get3A_233, %get3A_234] {strides = array<i32>} : memref<128x128xf32, #tpu.memory_space<vmem>>, vector<16xf32>,
      %add3A_236 = arith.constant 9.99999997E-7 : f32
      %add3A_237 = vector.broadcast %add3A_236 : f32 to vector<16xf32>
      %add3A_238 = arith.addf %get3A_235, %add3A_237 : vector<16xf32>
      %get3A_239 = arith.index_cast %scan3A_197 : i32 to index
      %get3A_240 = arith.constant 32 : index
      %get3A_241 = tpu.vector_load %arg13[%get3A_239, %get3A_240] {strides = array<i32>} : memref<128x128xf32, #tpu.memory_space<vmem>>, vector<16xf32>,
      %sub3A_242 = arith.subf %add3A_238, %get3A_241 : vector<16xf32>
      %get3A_243 = arith.index_cast %scan3A_197 : i32 to index
      %get3A_244 = arith.constant 32 : index
      %get3A_245 = tpu.vector_load %arg14[%get3A_243, %get3A_244] {strides = array<i32>} : memref<128x128xf32, #tpu.memory_space<vmem>>, vector<16xf32>,
      %sub3A_246 = arith.subf %add3A_238, %get3A_245 : vector<16xf32>
      %mul3A_247 = arith.mulf %sub3A_242, %sub3A_242 : vector<16xf32>
      %add3A_248 = arith.addf %add3A_230, %mul3A_247 : vector<16xf32>
      %mul3A_249 = arith.mulf %sub3A_246, %sub3A_246 : vector<16xf32>
      %add3A_250 = arith.addf %add3A_232, %mul3A_249 : vector<16xf32>
      %get3A_251 = arith.index_cast %scan3A_197 : i32 to index
      %get3A_252 = arith.constant 48 : index
      %get3A_253 = tpu.vector_load %arg12[%get3A_251, %get3A_252] {strides = array<i32>} : memref<128x128xf32, #tpu.memory_space<vmem>>, vector<16xf32>,
      %add3A_254 = arith.constant 9.99999997E-7 : f32
      %add3A_255 = vector.broadcast %add3A_254 : f32 to vector<16xf32>
      %add3A_256 = arith.addf %get3A_253, %add3A_255 : vector<16xf32>
      %get3A_257 = arith.index_cast %scan3A_197 : i32 to index
      %get3A_258 = arith.constant 48 : index
      %get3A_259 = tpu.vector_load %arg13[%get3A_257, %get3A_258] {strides = array<i32>} : memref<128x128xf32, #tpu.memory_space<vmem>>, vector<16xf32>,
      %sub3A_260 = arith.subf %add3A_256, %get3A_259 : vector<16xf32>
      %get3A_261 = arith.index_cast %scan3A_197 : i32 to index
      %get3A_262 = arith.constant 48 : index
      %get3A_263 = tpu.vector_load %arg14[%get3A_261, %get3A_262] {strides = array<i32>} : memref<128x128xf32, #tpu.memory_space<vmem>>, vector<16xf32>,
      %sub3A_264 = arith.subf %add3A_256, %get3A_263 : vector<16xf32>
      %mul3A_265 = arith.mulf %sub3A_260, %sub3A_260 : vector<16xf32>
      %add3A_266 = arith.addf %add3A_248, %mul3A_265 : vector<16xf32>
      %mul3A_267 = arith.mulf %sub3A_264, %sub3A_264 : vector<16xf32>
      %add3A_268 = arith.addf %add3A_250, %mul3A_267 : vector<16xf32>
      %get3A_269 = arith.index_cast %scan3A_197 : i32 to index
      %get3A_270 = arith.constant 64 : index
      %get3A_271 = tpu.vector_load %arg12[%get3A_269, %get3A_270] {strides = array<i32>} : memref<128x128xf32, #tpu.memory_space<vmem>>, vector<16xf32>,
      %add3A_272 = arith.constant 9.99999997E-7 : f32
      %add3A_273 = vector.broadcast %add3A_272 : f32 to vector<16xf32>
      %add3A_274 = arith.addf %get3A_271, %add3A_273 : vector<16xf32>
      %get3A_275 = arith.index_cast %scan3A_197 : i32 to index
      %get3A_276 = arith.constant 64 : index
      %get3A_277 = tpu.vector_load %arg13[%get3A_275, %get3A_276] {strides = array<i32>} : memref<128x128xf32, #tpu.memory_space<vmem>>, vector<16xf32>,
      %sub3A_278 = arith.subf %add3A_274, %get3A_277 : vector<16xf32>
      %get3A_279 = arith.index_cast %scan3A_197 : i32 to index
      %get3A_280 = arith.constant 64 : index
      %get3A_281 = tpu.vector_load %arg14[%get3A_279, %get3A_280] {strides = array<i32>} : memref<128x128xf32, #tpu.memory_space<vmem>>, vector<16xf32>,
      %sub3A_282 = arith.subf %add3A_274, %get3A_281 : vector<16xf32>
      %mul3A_283 = arith.mulf %sub3A_278, %sub3A_278 : vector<16xf32>
      %add3A_284 = arith.addf %add3A_266, %mul3A_283 : vector<16xf32>
      %mul3A_285 = arith.mulf %sub3A_282, %sub3A_282 : vector<16xf32>
      %add3A_286 = arith.addf %add3A_268, %mul3A_285 : vector<16xf32>
      %get3A_287 = arith.index_cast %scan3A_197 : i32 to index
      %get3A_288 = arith.constant 80 : index
      %get3A_289 = tpu.vector_load %arg12[%get3A_287, %get3A_288] {strides = array<i32>} : memref<128x128xf32, #tpu.memory_space<vmem>>, vector<16xf32>,
      %add3A_290 = arith.constant 9.99999997E-7 : f32
      %add3A_291 = vector.broadcast %add3A_290 : f32 to vector<16xf32>
      %add3A_292 = arith.addf %get3A_289, %add3A_291 : vector<16xf32>
      %get3A_293 = arith.index_cast %scan3A_197 : i32 to index
      %get3A_294 = arith.constant 80 : index
      %get3A_295 = tpu.vector_load %arg13[%get3A_293, %get3A_294] {strides = array<i32>} : memref<128x128xf32, #tpu.memory_space<vmem>>, vector<16xf32>,
      %sub3A_296 = arith.subf %add3A_292, %get3A_295 : vector<16xf32>
      %get3A_297 = arith.index_cast %scan3A_197 : i32 to index
      %get3A_298 = arith.constant 80 : index
      %get3A_299 = tpu.vector_load %arg14[%get3A_297, %get3A_298] {strides = array<i32>} : memref<128x128xf32, #tpu.memory_space<vmem>>, vector<16xf32>,
      %sub3A_300 = arith.subf %add3A_292, %get3A_299 : vector<16xf32>
      %mul3A_301 = arith.mulf %sub3A_296, %sub3A_296 : vector<16xf32>
      %add3A_302 = arith.addf %add3A_284, %mul3A_301 : vector<16xf32>
      %mul3A_303 = arith.mulf %sub3A_300, %sub3A_300 : vector<16xf32>
      %add3A_304 = arith.addf %add3A_286, %mul3A_303 : vector<16xf32>
      %get3A_305 = arith.index_cast %scan3A_197 : i32 to index
      %get3A_306 = arith.constant 96 : index
      %get3A_307 = tpu.vector_load %arg12[%get3A_305, %get3A_306] {strides = array<i32>} : memref<128x128xf32, #tpu.memory_space<vmem>>, vector<16xf32>,
      %add3A_308 = arith.constant 9.99999997E-7 : f32
      %add3A_309 = vector.broadcast %add3A_308 : f32 to vector<16xf32>
      %add3A_310 = arith.addf %get3A_307, %add3A_309 : vector<16xf32>
      %get3A_311 = arith.index_cast %scan3A_197 : i32 to index
      %get3A_312 = arith.constant 96 : index
      %get3A_313 = tpu.vector_load %arg13[%get3A_311, %get3A_312] {strides = array<i32>} : memref<128x128xf32, #tpu.memory_space<vmem>>, vector<16xf32>,
      %sub3A_314 = arith.subf %add3A_310, %get3A_313 : vector<16xf32>
      %get3A_315 = arith.index_cast %scan3A_197 : i32 to index
      %get3A_316 = arith.constant 96 : index
      %get3A_317 = tpu.vector_load %arg14[%get3A_315, %get3A_316] {strides = array<i32>} : memref<128x128xf32, #tpu.memory_space<vmem>>, vector<16xf32>,
      %sub3A_318 = arith.subf %add3A_310, %get3A_317 : vector<16xf32>
      %mul3A_319 = arith.mulf %sub3A_314, %sub3A_314 : vector<16xf32>
      %add3A_320 = arith.addf %add3A_302, %mul3A_319 : vector<16xf32>
      %mul3A_321 = arith.mulf %sub3A_318, %sub3A_318 : vector<16xf32>
      %add3A_322 = arith.addf %add3A_304, %mul3A_321 : vector<16xf32>
      %get3A_323 = arith.index_cast %scan3A_197 : i32 to index
      %get3A_324 = arith.constant 112 : index
      %get3A_325 = tpu.vector_load %arg12[%get3A_323, %get3A_324] {strides = array<i32>} : memref<128x128xf32, #tpu.memory_space<vmem>>, vector<16xf32>,
      %add3A_326 = arith.constant 9.99999997E-7 : f32
      %add3A_327 = vector.broadcast %add3A_326 : f32 to vector<16xf32>
      %add3A_328 = arith.addf %get3A_325, %add3A_327 : vector<16xf32>
      %get3A_329 = arith.index_cast %scan3A_197 : i32 to index
      %get3A_330 = arith.constant 112 : index
      %get3A_331 = tpu.vector_load %arg13[%get3A_329, %get3A_330] {strides = array<i32>} : memref<128x128xf32, #tpu.memory_space<vmem>>, vector<16xf32>,
      %sub3A_332 = arith.subf %add3A_328, %get3A_331 : vector<16xf32>
      %get3A_333 = arith.index_cast %scan3A_197 : i32 to index
      %get3A_334 = arith.constant 112 : index
      %get3A_335 = tpu.vector_load %arg14[%get3A_333, %get3A_334] {strides = array<i32>} : memref<128x128xf32, #tpu.memory_space<vmem>>, vector<16xf32>,
      %sub3A_336 = arith.subf %add3A_328, %get3A_335 : vector<16xf32>
      %mul3A_337 = arith.mulf %sub3A_332, %sub3A_332 : vector<16xf32>
      %add3A_338 = arith.addf %add3A_320, %mul3A_337 : vector<16xf32>
      %mul3A_339 = arith.mulf %sub3A_336, %sub3A_336 : vector<16xf32>
      %add3A_340 = arith.addf %add3A_322, %mul3A_339 : vector<16xf32>
      %mul3A_341 = arith.constant 16 : i32
      %mul3A_342 = arith.muli %scan3A_197, %mul3A_341 : i32
      %swap3A_343 = arith.index_cast %mul3A_342 : i32 to index
      %swap3A_344 = tpu.vector_load %arg15[%swap3A_343] {strides = array<i32>} : memref<2048xf32, #tpu.memory_space<vmem>>, vector<16xf32>,
      tpu.vector_store %arg15[%swap3A_343], %add3A_338 {strides = array<i32>} : memref<2048xf32, #tpu.memory_space<vmem>>, vector<16xf32>,
      %mul3A_345 = arith.constant 16 : i32
      %mul3A_346 = arith.muli %scan3A_197, %mul3A_345 : i32
      %swap3A_347 = arith.index_cast %mul3A_346 : i32 to index
      %swap3A_348 = tpu.vector_load %arg16[%swap3A_347] {strides = array<i32>} : memref<2048xf32, #tpu.memory_space<vmem>>, vector<16xf32>,
      tpu.vector_store %arg16[%swap3A_347], %add3A_340 {strides = array<i32>} : memref<2048xf32, #tpu.memory_space<vmem>>, vector<16xf32>,
      %scan3A_349 = arith.constant 0 : i32
      %scan3A_350 = arith.constant 1 : i32
      %scan3A_351 = arith.addi %scan3A_197, %scan3A_350 : i32
      %get3A_352 = arith.index_cast %scan3A_351 : i32 to index
      %get3A_353 = arith.constant 0 : index
      %get3A_354 = tpu.vector_load %arg12[%get3A_352, %get3A_353] {strides = array<i32>} : memref<128x128xf32, #tpu.memory_space<vmem>>, vector<16xf32>,
      %add3A_355 = arith.constant 9.99999997E-7 : f32
      %add3A_356 = vector.broadcast %add3A_355 : f32 to vector<16xf32>
      %add3A_357 = arith.addf %get3A_354, %add3A_356 : vector<16xf32>
      %get3A_358 = arith.index_cast %scan3A_351 : i32 to index
      %get3A_359 = arith.constant 0 : index
      %get3A_360 = tpu.vector_load %arg13[%get3A_358, %get3A_359] {strides = array<i32>} : memref<128x128xf32, #tpu.memory_space<vmem>>, vector<16xf32>,
      %sub3A_361 = arith.subf %add3A_357, %get3A_360 : vector<16xf32>
      %get3A_362 = arith.index_cast %scan3A_351 : i32 to index
      %get3A_363 = arith.constant 0 : index
      %get3A_364 = tpu.vector_load %arg14[%get3A_362, %get3A_363] {strides = array<i32>} : memref<128x128xf32, #tpu.memory_space<vmem>>, vector<16xf32>,
      %sub3A_365 = arith.subf %add3A_357, %get3A_364 : vector<16xf32>
      %mul3A_366 = arith.mulf %sub3A_361, %sub3A_361 : vector<16xf32>
      %add3A_367 = arith.addf %broadcast_in_dim3A_19, %mul3A_366 : vector<16xf32>
      %mul3A_368 = arith.mulf %sub3A_365, %sub3A_365 : vector<16xf32>
      %add3A_369 = arith.addf %broadcast_in_dim3A_19, %mul3A_368 : vector<16xf32>
      %get3A_370 = arith.index_cast %scan3A_351 : i32 to index
      %get3A_371 = arith.constant 16 : index
      %get3A_372 = tpu.vector_load %arg12[%get3A_370, %get3A_371] {strides = array<i32>} : memref<128x128xf32, #tpu.memory_space<vmem>>, vector<16xf32>,
      %add3A_373 = arith.constant 9.99999997E-7 : f32
      %add3A_374 = vector.broadcast %add3A_373 : f32 to vector<16xf32>
      %add3A_375 = arith.addf %get3A_372, %add3A_374 : vector<16xf32>
      %get3A_376 = arith.index_cast %scan3A_351 : i32 to index
      %get3A_377 = arith.constant 16 : index
      %get3A_378 = tpu.vector_load %arg13[%get3A_376, %get3A_377] {strides = array<i32>} : memref<128x128xf32, #tpu.memory_space<vmem>>, vector<16xf32>,
      %sub3A_379 = arith.subf %add3A_375, %get3A_378 : vector<16xf32>
      %get3A_380 = arith.index_cast %scan3A_351 : i32 to index
      %get3A_381 = arith.constant 16 : index
      %get3A_382 = tpu.vector_load %arg14[%get3A_380, %get3A_381] {strides = array<i32>} : memref<128x128xf32, #tpu.memory_space<vmem>>, vector<16xf32>,
      %sub3A_383 = arith.subf %add3A_375, %get3A_382 : vector<16xf32>
      %mul3A_384 = arith.mulf %sub3A_379, %sub3A_379 : vector<16xf32>
      %add3A_385 = arith.addf %add3A_367, %mul3A_384 : vector<16xf32>
      %mul3A_386 = arith.mulf %sub3A_383, %sub3A_383 : vector<16xf32>
      %add3A_387 = arith.addf %add3A_369, %mul3A_386 : vector<16xf32>
      %get3A_388 = arith.index_cast %scan3A_351 : i32 to index
      %get3A_389 = arith.constant 32 : index
      %get3A_390 = tpu.vector_load %arg12[%get3A_388, %get3A_389] {strides = array<i32>} : memref<128x128xf32, #tpu.memory_space<vmem>>, vector<16xf32>,
      %add3A_391 = arith.constant 9.99999997E-7 : f32
      %add3A_392 = vector.broadcast %add3A_391 : f32 to vector<16xf32>
      %add3A_393 = arith.addf %get3A_390, %add3A_392 : vector<16xf32>
      %get3A_394 = arith.index_cast %scan3A_351 : i32 to index
      %get3A_395 = arith.constant 32 : index
      %get3A_396 = tpu.vector_load %arg13[%get3A_394, %get3A_395] {strides = array<i32>} : memref<128x128xf32, #tpu.memory_space<vmem>>, vector<16xf32>,
      %sub3A_397 = arith.subf %add3A_393, %get3A_396 : vector<16xf32>
      %get3A_398 = arith.index_cast %scan3A_351 : i32 to index
      %get3A_399 = arith.constant 32 : index
      %get3A_400 = tpu.vector_load %arg14[%get3A_398, %get3A_399] {strides = array<i32>} : memref<128x128xf32, #tpu.memory_space<vmem>>, vector<16xf32>,
      %sub3A_401 = arith.subf %add3A_393, %get3A_400 : vector<16xf32>
      %mul3A_402 = arith.mulf %sub3A_397, %sub3A_397 : vector<16xf32>
      %add3A_403 = arith.addf %add3A_385, %mul3A_402 : vector<16xf32>
      %mul3A_404 = arith.mulf %sub3A_401, %sub3A_401 : vector<16xf32>
      %add3A_405 = arith.addf %add3A_387, %mul3A_404 : vector<16xf32>
      %get3A_406 = arith.index_cast %scan3A_351 : i32 to index
      %get3A_407 = arith.constant 48 : index
      %get3A_408 = tpu.vector_load %arg12[%get3A_406, %get3A_407] {strides = array<i32>} : memref<128x128xf32, #tpu.memory_space<vmem>>, vector<16xf32>,
      %add3A_409 = arith.constant 9.99999997E-7 : f32
      %add3A_410 = vector.broadcast %add3A_409 : f32 to vector<16xf32>
      %add3A_411 = arith.addf %get3A_408, %add3A_410 : vector<16xf32>
      %get3A_412 = arith.index_cast %scan3A_351 : i32 to index
      %get3A_413 = arith.constant 48 : index
      %get3A_414 = tpu.vector_load %arg13[%get3A_412, %get3A_413] {strides = array<i32>} : memref<128x128xf32, #tpu.memory_space<vmem>>, vector<16xf32>,
      %sub3A_415 = arith.subf %add3A_411, %get3A_414 : vector<16xf32>
      %get3A_416 = arith.index_cast %scan3A_351 : i32 to index
      %get3A_417 = arith.constant 48 : index
      %get3A_418 = tpu.vector_load %arg14[%get3A_416, %get3A_417] {strides = array<i32>} : memref<128x128xf32, #tpu.memory_space<vmem>>, vector<16xf32>,
      %sub3A_419 = arith.subf %add3A_411, %get3A_418 : vector<16xf32>
      %mul3A_420 = arith.mulf %sub3A_415, %sub3A_415 : vector<16xf32>
      %add3A_421 = arith.addf %add3A_403, %mul3A_420 : vector<16xf32>
      %mul3A_422 = arith.mulf %sub3A_419, %sub3A_419 : vector<16xf32>
      %add3A_423 = arith.addf %add3A_405, %mul3A_422 : vector<16xf32>
      %get3A_424 = arith.index_cast %scan3A_351 : i32 to index
      %get3A_425 = arith.constant 64 : index
      %get3A_426 = tpu.vector_load %arg12[%get3A_424, %get3A_425] {strides = array<i32>} : memref<128x128xf32, #tpu.memory_space<vmem>>, vector<16xf32>,
      %add3A_427 = arith.constant 9.99999997E-7 : f32
      %add3A_428 = vector.broadcast %add3A_427 : f32 to vector<16xf32>
      %add3A_429 = arith.addf %get3A_426, %add3A_428 : vector<16xf32>
      %get3A_430 = arith.index_cast %scan3A_351 : i32 to index
      %get3A_431 = arith.constant 64 : index
      %get3A_432 = tpu.vector_load %arg13[%get3A_430, %get3A_431] {strides = array<i32>} : memref<128x128xf32, #tpu.memory_space<vmem>>, vector<16xf32>,
      %sub3A_433 = arith.subf %add3A_429, %get3A_432 : vector<16xf32>
      %get3A_434 = arith.index_cast %scan3A_351 : i32 to index
      %get3A_435 = arith.constant 64 : index
      %get3A_436 = tpu.vector_load %arg14[%get3A_434, %get3A_435] {strides = array<i32>} : memref<128x128xf32, #tpu.memory_space<vmem>>, vector<16xf32>,
      %sub3A_437 = arith.subf %add3A_429, %get3A_436 : vector<16xf32>
      %mul3A_438 = arith.mulf %sub3A_433, %sub3A_433 : vector<16xf32>
      %add3A_439 = arith.addf %add3A_421, %mul3A_438 : vector<16xf32>
      %mul3A_440 = arith.mulf %sub3A_437, %sub3A_437 : vector<16xf32>
      %add3A_441 = arith.addf %add3A_423, %mul3A_440 : vector<16xf32>
      %get3A_442 = arith.index_cast %scan3A_351 : i32 to index
      %get3A_443 = arith.constant 80 : index
      %get3A_444 = tpu.vector_load %arg12[%get3A_442, %get3A_443] {strides = array<i32>} : memref<128x128xf32, #tpu.memory_space<vmem>>, vector<16xf32>,
      %add3A_445 = arith.constant 9.99999997E-7 : f32
      %add3A_446 = vector.broadcast %add3A_445 : f32 to vector<16xf32>
      %add3A_447 = arith.addf %get3A_444, %add3A_446 : vector<16xf32>
      %get3A_448 = arith.index_cast %scan3A_351 : i32 to index
      %get3A_449 = arith.constant 80 : index
      %get3A_450 = tpu.vector_load %arg13[%get3A_448, %get3A_449] {strides = array<i32>} : memref<128x128xf32, #tpu.memory_space<vmem>>, vector<16xf32>,
      %sub3A_451 = arith.subf %add3A_447, %get3A_450 : vector<16xf32>
      %get3A_452 = arith.index_cast %scan3A_351 : i32 to index
      %get3A_453 = arith.constant 80 : index
      %get3A_454 = tpu.vector_load %arg14[%get3A_452, %get3A_453] {strides = array<i32>} : memref<128x128xf32, #tpu.memory_space<vmem>>, vector<16xf32>,
      %sub3A_455 = arith.subf %add3A_447, %get3A_454 : vector<16xf32>
      %mul3A_456 = arith.mulf %sub3A_451, %sub3A_451 : vector<16xf32>
      %add3A_457 = arith.addf %add3A_439, %mul3A_456 : vector<16xf32>
      %mul3A_458 = arith.mulf %sub3A_455, %sub3A_455 : vector<16xf32>
      %add3A_459 = arith.addf %add3A_441, %mul3A_458 : vector<16xf32>
      %get3A_460 = arith.index_cast %scan3A_351 : i32 to index
      %get3A_461 = arith.constant 96 : index
      %get3A_462 = tpu.vector_load %arg12[%get3A_460, %get3A_461] {strides = array<i32>} : memref<128x128xf32, #tpu.memory_space<vmem>>, vector<16xf32>,
      %add3A_463 = arith.constant 9.99999997E-7 : f32
      %add3A_464 = vector.broadcast %add3A_463 : f32 to vector<16xf32>
      %add3A_465 = arith.addf %get3A_462, %add3A_464 : vector<16xf32>
      %get3A_466 = arith.index_cast %scan3A_351 : i32 to index
      %get3A_467 = arith.constant 96 : index
      %get3A_468 = tpu.vector_load %arg13[%get3A_466, %get3A_467] {strides = array<i32>} : memref<128x128xf32, #tpu.memory_space<vmem>>, vector<16xf32>,
      %sub3A_469 = arith.subf %add3A_465, %get3A_468 : vector<16xf32>
      %get3A_470 = arith.index_cast %scan3A_351 : i32 to index
      %get3A_471 = arith.constant 96 : index
      %get3A_472 = tpu.vector_load %arg14[%get3A_470, %get3A_471] {strides = array<i32>} : memref<128x128xf32, #tpu.memory_space<vmem>>, vector<16xf32>,
      %sub3A_473 = arith.subf %add3A_465, %get3A_472 : vector<16xf32>
      %mul3A_474 = arith.mulf %sub3A_469, %sub3A_469 : vector<16xf32>
      %add3A_475 = arith.addf %add3A_457, %mul3A_474 : vector<16xf32>
      %mul3A_476 = arith.mulf %sub3A_473, %sub3A_473 : vector<16xf32>
      %add3A_477 = arith.addf %add3A_459, %mul3A_476 : vector<16xf32>
      %get3A_478 = arith.index_cast %scan3A_351 : i32 to index
      %get3A_479 = arith.constant 112 : index
      %get3A_480 = tpu.vector_load %arg12[%get3A_478, %get3A_479] {strides = array<i32>} : memref<128x128xf32, #tpu.memory_space<vmem>>, vector<16xf32>,
      %add3A_481 = arith.constant 9.99999997E-7 : f32
      %add3A_482 = vector.broadcast %add3A_481 : f32 to vector<16xf32>
      %add3A_483 = arith.addf %get3A_480, %add3A_482 : vector<16xf32>
      %get3A_484 = arith.index_cast %scan3A_351 : i32 to index
      %get3A_485 = arith.constant 112 : index
      %get3A_486 = tpu.vector_load %arg13[%get3A_484, %get3A_485] {strides = array<i32>} : memref<128x128xf32, #tpu.memory_space<vmem>>, vector<16xf32>,
      %sub3A_487 = arith.subf %add3A_483, %get3A_486 : vector<16xf32>
      %get3A_488 = arith.index_cast %scan3A_351 : i32 to index
      %get3A_489 = arith.constant 112 : index
      %get3A_490 = tpu.vector_load %arg14[%get3A_488, %get3A_489] {strides = array<i32>} : memref<128x128xf32, #tpu.memory_space<vmem>>, vector<16xf32>,
      %sub3A_491 = arith.subf %add3A_483, %get3A_490 : vector<16xf32>
      %mul3A_492 = arith.mulf %sub3A_487, %sub3A_487 : vector<16xf32>
      %add3A_493 = arith.addf %add3A_475, %mul3A_492 : vector<16xf32>
      %mul3A_494 = arith.mulf %sub3A_491, %sub3A_491 : vector<16xf32>
      %add3A_495 = arith.addf %add3A_477, %mul3A_494 : vector<16xf32>
      %mul3A_496 = arith.constant 16 : i32
      %mul3A_497 = arith.muli %scan3A_351, %mul3A_496 : i32
      %swap3A_498 = arith.index_cast %mul3A_497 : i32 to index
      %swap3A_499 = tpu.vector_load %arg15[%swap3A_498] {strides = array<i32>} : memref<2048xf32, #tpu.memory_space<vmem>>, vector<16xf32>,
      tpu.vector_store %arg15[%swap3A_498], %add3A_493 {strides = array<i32>} : memref<2048xf32, #tpu.memory_space<vmem>>, vector<16xf32>,
      %mul3A_500 = arith.constant 16 : i32
      %mul3A_501 = arith.muli %scan3A_351, %mul3A_500 : i32
      %swap3A_502 = arith.index_cast %mul3A_501 : i32 to index
      %swap3A_503 = tpu.vector_load %arg16[%swap3A_502] {strides = array<i32>} : memref<2048xf32, #tpu.memory_space<vmem>>, vector<16xf32>,
      tpu.vector_store %arg16[%swap3A_502], %add3A_495 {strides = array<i32>} : memref<2048xf32, #tpu.memory_space<vmem>>, vector<16xf32>,
      %scan3A_504 = arith.constant 0 : i32
      %scan3A_505 = arith.constant 2 : i32
      %scan3A_506 = arith.addi %scan3A_197, %scan3A_505 : i32
      %get3A_507 = arith.index_cast %scan3A_506 : i32 to index
      %get3A_508 = arith.constant 0 : index
      %get3A_509 = tpu.vector_load %arg12[%get3A_507, %get3A_508] {strides = array<i32>} : memref<128x128xf32, #tpu.memory_space<vmem>>, vector<16xf32>,
      %add3A_510 = arith.constant 9.99999997E-7 : f32
      %add3A_511 = vector.broadcast %add3A_510 : f32 to vector<16xf32>
      %add3A_512 = arith.addf %get3A_509, %add3A_511 : vector<16xf32>
      %get3A_513 = arith.index_cast %scan3A_506 : i32 to index
      %get3A_514 = arith.constant 0 : index
      %get3A_515 = tpu.vector_load %arg13[%get3A_513, %get3A_514] {strides = array<i32>} : memref<128x128xf32, #tpu.memory_space<vmem>>, vector<16xf32>,
      %sub3A_516 = arith.subf %add3A_512, %get3A_515 : vector<16xf32>
      %get3A_517 = arith.index_cast %scan3A_506 : i32 to index
      %get3A_518 = arith.constant 0 : index
      %get3A_519 = tpu.vector_load %arg14[%get3A_517, %get3A_518] {strides = array<i32>} : memref<128x128xf32, #tpu.memory_space<vmem>>, vector<16xf32>,
      %sub3A_520 = arith.subf %add3A_512, %get3A_519 : vector<16xf32>
      %mul3A_521 = arith.mulf %sub3A_516, %sub3A_516 : vector<16xf32>
      %add3A_522 = arith.addf %broadcast_in_dim3A_19, %mul3A_521 : vector<16xf32>
      %mul3A_523 = arith.mulf %sub3A_520, %sub3A_520 : vector<16xf32>
      %add3A_524 = arith.addf %broadcast_in_dim3A_19, %mul3A_523 : vector<16xf32>
      %get3A_525 = arith.index_cast %scan3A_506 : i32 to index
      %get3A_526 = arith.constant 16 : index
      %get3A_527 = tpu.vector_load %arg12[%get3A_525, %get3A_526] {strides = array<i32>} : memref<128x128xf32, #tpu.memory_space<vmem>>, vector<16xf32>,
      %add3A_528 = arith.constant 9.99999997E-7 : f32
      %add3A_529 = vector.broadcast %add3A_528 : f32 to vector<16xf32>
      %add3A_530 = arith.addf %get3A_527, %add3A_529 : vector<16xf32>
      %get3A_531 = arith.index_cast %scan3A_506 : i32 to index
      %get3A_532 = arith.constant 16 : index
      %get3A_533 = tpu.vector_load %arg13[%get3A_531, %get3A_532] {strides = array<i32>} : memref<128x128xf32, #tpu.memory_space<vmem>>, vector<16xf32>,
      %sub3A_534 = arith.subf %add3A_530, %get3A_533 : vector<16xf32>
      %get3A_535 = arith.index_cast %scan3A_506 : i32 to index
      %get3A_536 = arith.constant 16 : index
      %get3A_537 = tpu.vector_load %arg14[%get3A_535, %get3A_536] {strides = array<i32>} : memref<128x128xf32, #tpu.memory_space<vmem>>, vector<16xf32>,
      %sub3A_538 = arith.subf %add3A_530, %get3A_537 : vector<16xf32>
      %mul3A_539 = arith.mulf %sub3A_534, %sub3A_534 : vector<16xf32>
      %add3A_540 = arith.addf %add3A_522, %mul3A_539 : vector<16xf32>
      %mul3A_541 = arith.mulf %sub3A_538, %sub3A_538 : vector<16xf32>
      %add3A_542 = arith.addf %add3A_524, %mul3A_541 : vector<16xf32>
      %get3A_543 = arith.index_cast %scan3A_506 : i32 to index
      %get3A_544 = arith.constant 32 : index
      %get3A_545 = tpu.vector_load %arg12[%get3A_543, %get3A_544] {strides = array<i32>} : memref<128x128xf32, #tpu.memory_space<vmem>>, vector<16xf32>,
      %add3A_546 = arith.constant 9.99999997E-7 : f32
      %add3A_547 = vector.broadcast %add3A_546 : f32 to vector<16xf32>
      %add3A_548 = arith.addf %get3A_545, %add3A_547 : vector<16xf32>
      %get3A_549 = arith.index_cast %scan3A_506 : i32 to index
      %get3A_550 = arith.constant 32 : index
      %get3A_551 = tpu.vector_load %arg13[%get3A_549, %get3A_550] {strides = array<i32>} : memref<128x128xf32, #tpu.memory_space<vmem>>, vector<16xf32>,
      %sub3A_552 = arith.subf %add3A_548, %get3A_551 : vector<16xf32>
      %get3A_553 = arith.index_cast %scan3A_506 : i32 to index
      %get3A_554 = arith.constant 32 : index
      %get3A_555 = tpu.vector_load %arg14[%get3A_553, %get3A_554] {strides = array<i32>} : memref<128x128xf32, #tpu.memory_space<vmem>>, vector<16xf32>,
      %sub3A_556 = arith.subf %add3A_548, %get3A_555 : vector<16xf32>
      %mul3A_557 = arith.mulf %sub3A_552, %sub3A_552 : vector<16xf32>
      %add3A_558 = arith.addf %add3A_540, %mul3A_557 : vector<16xf32>
      %mul3A_559 = arith.mulf %sub3A_556, %sub3A_556 : vector<16xf32>
      %add3A_560 = arith.addf %add3A_542, %mul3A_559 : vector<16xf32>
      %get3A_561 = arith.index_cast %scan3A_506 : i32 to index
      %get3A_562 = arith.constant 48 : index
      %get3A_563 = tpu.vector_load %arg12[%get3A_561, %get3A_562] {strides = array<i32>} : memref<128x128xf32, #tpu.memory_space<vmem>>, vector<16xf32>,
      %add3A_564 = arith.constant 9.99999997E-7 : f32
      %add3A_565 = vector.broadcast %add3A_564 : f32 to vector<16xf32>
      %add3A_566 = arith.addf %get3A_563, %add3A_565 : vector<16xf32>
      %get3A_567 = arith.index_cast %scan3A_506 : i32 to index
      %get3A_568 = arith.constant 48 : index
      %get3A_569 = tpu.vector_load %arg13[%get3A_567, %get3A_568] {strides = array<i32>} : memref<128x128xf32, #tpu.memory_space<vmem>>, vector<16xf32>,
      %sub3A_570 = arith.subf %add3A_566, %get3A_569 : vector<16xf32>
      %get3A_571 = arith.index_cast %scan3A_506 : i32 to index
      %get3A_572 = arith.constant 48 : index
      %get3A_573 = tpu.vector_load %arg14[%get3A_571, %get3A_572] {strides = array<i32>} : memref<128x128xf32, #tpu.memory_space<vmem>>, vector<16xf32>,
      %sub3A_574 = arith.subf %add3A_566, %get3A_573 : vector<16xf32>
      %mul3A_575 = arith.mulf %sub3A_570, %sub3A_570 : vector<16xf32>
      %add3A_576 = arith.addf %add3A_558, %mul3A_575 : vector<16xf32>
      %mul3A_577 = arith.mulf %sub3A_574, %sub3A_574 : vector<16xf32>
      %add3A_578 = arith.addf %add3A_560, %mul3A_577 : vector<16xf32>
      %get3A_579 = arith.index_cast %scan3A_506 : i32 to index
      %get3A_580 = arith.constant 64 : index
      %get3A_581 = tpu.vector_load %arg12[%get3A_579, %get3A_580] {strides = array<i32>} : memref<128x128xf32, #tpu.memory_space<vmem>>, vector<16xf32>,
      %add3A_582 = arith.constant 9.99999997E-7 : f32
      %add3A_583 = vector.broadcast %add3A_582 : f32 to vector<16xf32>
      %add3A_584 = arith.addf %get3A_581, %add3A_583 : vector<16xf32>
      %get3A_585 = arith.index_cast %scan3A_506 : i32 to index
      %get3A_586 = arith.constant 64 : index
      %get3A_587 = tpu.vector_load %arg13[%get3A_585, %get3A_586] {strides = array<i32>} : memref<128x128xf32, #tpu.memory_space<vmem>>, vector<16xf32>,
      %sub3A_588 = arith.subf %add3A_584, %get3A_587 : vector<16xf32>
      %get3A_589 = arith.index_cast %scan3A_506 : i32 to index
      %get3A_590 = arith.constant 64 : index
      %get3A_591 = tpu.vector_load %arg14[%get3A_589, %get3A_590] {strides = array<i32>} : memref<128x128xf32, #tpu.memory_space<vmem>>, vector<16xf32>,
      %sub3A_592 = arith.subf %add3A_584, %get3A_591 : vector<16xf32>
      %mul3A_593 = arith.mulf %sub3A_588, %sub3A_588 : vector<16xf32>
      %add3A_594 = arith.addf %add3A_576, %mul3A_593 : vector<16xf32>
      %mul3A_595 = arith.mulf %sub3A_592, %sub3A_592 : vector<16xf32>
      %add3A_596 = arith.addf %add3A_578, %mul3A_595 : vector<16xf32>
      %get3A_597 = arith.index_cast %scan3A_506 : i32 to index
      %get3A_598 = arith.constant 80 : index
      %get3A_599 = tpu.vector_load %arg12[%get3A_597, %get3A_598] {strides = array<i32>} : memref<128x128xf32, #tpu.memory_space<vmem>>, vector<16xf32>,
      %add3A_600 = arith.constant 9.99999997E-7 : f32
      %add3A_601 = vector.broadcast %add3A_600 : f32 to vector<16xf32>
      %add3A_602 = arith.addf %get3A_599, %add3A_601 : vector<16xf32>
      %get3A_603 = arith.index_cast %scan3A_506 : i32 to index
      %get3A_604 = arith.constant 80 : index
      %get3A_605 = tpu.vector_load %arg13[%get3A_603, %get3A_604] {strides = array<i32>} : memref<128x128xf32, #tpu.memory_space<vmem>>, vector<16xf32>,
      %sub3A_606 = arith.subf %add3A_602, %get3A_605 : vector<16xf32>
      %get3A_607 = arith.index_cast %scan3A_506 : i32 to index
      %get3A_608 = arith.constant 80 : index
      %get3A_609 = tpu.vector_load %arg14[%get3A_607, %get3A_608] {strides = array<i32>} : memref<128x128xf32, #tpu.memory_space<vmem>>, vector<16xf32>,
      %sub3A_610 = arith.subf %add3A_602, %get3A_609 : vector<16xf32>
      %mul3A_611 = arith.mulf %sub3A_606, %sub3A_606 : vector<16xf32>
      %add3A_612 = arith.addf %add3A_594, %mul3A_611 : vector<16xf32>
      %mul3A_613 = arith.mulf %sub3A_610, %sub3A_610 : vector<16xf32>
      %add3A_614 = arith.addf %add3A_596, %mul3A_613 : vector<16xf32>
      %get3A_615 = arith.index_cast %scan3A_506 : i32 to index
      %get3A_616 = arith.constant 96 : index
      %get3A_617 = tpu.vector_load %arg12[%get3A_615, %get3A_616] {strides = array<i32>} : memref<128x128xf32, #tpu.memory_space<vmem>>, vector<16xf32>,
      %add3A_618 = arith.constant 9.99999997E-7 : f32
      %add3A_619 = vector.broadcast %add3A_618 : f32 to vector<16xf32>
      %add3A_620 = arith.addf %get3A_617, %add3A_619 : vector<16xf32>
      %get3A_621 = arith.index_cast %scan3A_506 : i32 to index
      %get3A_622 = arith.constant 96 : index
      %get3A_623 = tpu.vector_load %arg13[%get3A_621, %get3A_622] {strides = array<i32>} : memref<128x128xf32, #tpu.memory_space<vmem>>, vector<16xf32>,
      %sub3A_624 = arith.subf %add3A_620, %get3A_623 : vector<16xf32>
      %get3A_625 = arith.index_cast %scan3A_506 : i32 to index
      %get3A_626 = arith.constant 96 : index
      %get3A_627 = tpu.vector_load %arg14[%get3A_625, %get3A_626] {strides = array<i32>} : memref<128x128xf32, #tpu.memory_space<vmem>>, vector<16xf32>,
      %sub3A_628 = arith.subf %add3A_620, %get3A_627 : vector<16xf32>
      %mul3A_629 = arith.mulf %sub3A_624, %sub3A_624 : vector<16xf32>
      %add3A_630 = arith.addf %add3A_612, %mul3A_629 : vector<16xf32>
      %mul3A_631 = arith.mulf %sub3A_628, %sub3A_628 : vector<16xf32>
      %add3A_632 = arith.addf %add3A_614, %mul3A_631 : vector<16xf32>
      %get3A_633 = arith.index_cast %scan3A_506 : i32 to index
      %get3A_634 = arith.constant 112 : index
      %get3A_635 = tpu.vector_load %arg12[%get3A_633, %get3A_634] {strides = array<i32>} : memref<128x128xf32, #tpu.memory_space<vmem>>, vector<16xf32>,
      %add3A_636 = arith.constant 9.99999997E-7 : f32
      %add3A_637 = vector.broadcast %add3A_636 : f32 to vector<16xf32>
      %add3A_638 = arith.addf %get3A_635, %add3A_637 : vector<16xf32>
      %get3A_639 = arith.index_cast %scan3A_506 : i32 to index
      %get3A_640 = arith.constant 112 : index
      %get3A_641 = tpu.vector_load %arg13[%get3A_639, %get3A_640] {strides = array<i32>} : memref<128x128xf32, #tpu.memory_space<vmem>>, vector<16xf32>,
      %sub3A_642 = arith.subf %add3A_638, %get3A_641 : vector<16xf32>
      %get3A_643 = arith.index_cast %scan3A_506 : i32 to index
      %get3A_644 = arith.constant 112 : index
      %get3A_645 = tpu.vector_load %arg14[%get3A_643, %get3A_644] {strides = array<i32>} : memref<128x128xf32, #tpu.memory_space<vmem>>, vector<16xf32>,
      %sub3A_646 = arith.subf %add3A_638, %get3A_645 : vector<16xf32>
      %mul3A_647 = arith.mulf %sub3A_642, %sub3A_642 : vector<16xf32>
      %add3A_648 = arith.addf %add3A_630, %mul3A_647 : vector<16xf32>
      %mul3A_649 = arith.mulf %sub3A_646, %sub3A_646 : vector<16xf32>
      %add3A_650 = arith.addf %add3A_632, %mul3A_649 : vector<16xf32>
      %mul3A_651 = arith.constant 16 : i32
      %mul3A_652 = arith.muli %scan3A_506, %mul3A_651 : i32
      %swap3A_653 = arith.index_cast %mul3A_652 : i32 to index
      %swap3A_654 = tpu.vector_load %arg15[%swap3A_653] {strides = array<i32>} : memref<2048xf32, #tpu.memory_space<vmem>>, vector<16xf32>,
      tpu.vector_store %arg15[%swap3A_653], %add3A_648 {strides = array<i32>} : memref<2048xf32, #tpu.memory_space<vmem>>, vector<16xf32>,
      %mul3A_655 = arith.constant 16 : i32
      %mul3A_656 = arith.muli %scan3A_506, %mul3A_655 : i32
      %swap3A_657 = arith.index_cast %mul3A_656 : i32 to index
      %swap3A_658 = tpu.vector_load %arg16[%swap3A_657] {strides = array<i32>} : memref<2048xf32, #tpu.memory_space<vmem>>, vector<16xf32>,
      tpu.vector_store %arg16[%swap3A_657], %add3A_650 {strides = array<i32>} : memref<2048xf32, #tpu.memory_space<vmem>>, vector<16xf32>,
      %scan3A_659 = arith.constant 0 : i32
      %scan3A_660 = arith.constant 3 : i32
      %scan3A_661 = arith.addi %scan3A_197, %scan3A_660 : i32
      %get3A_662 = arith.index_cast %scan3A_661 : i32 to index
      %get3A_663 = arith.constant 0 : index
      %get3A_664 = tpu.vector_load %arg12[%get3A_662, %get3A_663] {strides = array<i32>} : memref<128x128xf32, #tpu.memory_space<vmem>>, vector<16xf32>,
      %add3A_665 = arith.constant 9.99999997E-7 : f32
      %add3A_666 = vector.broadcast %add3A_665 : f32 to vector<16xf32>
      %add3A_667 = arith.addf %get3A_664, %add3A_666 : vector<16xf32>
      %get3A_668 = arith.index_cast %scan3A_661 : i32 to index
      %get3A_669 = arith.constant 0 : index
      %get3A_670 = tpu.vector_load %arg13[%get3A_668, %get3A_669] {strides = array<i32>} : memref<128x128xf32, #tpu.memory_space<vmem>>, vector<16xf32>,
      %sub3A_671 = arith.subf %add3A_667, %get3A_670 : vector<16xf32>
      %get3A_672 = arith.index_cast %scan3A_661 : i32 to index
      %get3A_673 = arith.constant 0 : index
      %get3A_674 = tpu.vector_load %arg14[%get3A_672, %get3A_673] {strides = array<i32>} : memref<128x128xf32, #tpu.memory_space<vmem>>, vector<16xf32>,
      %sub3A_675 = arith.subf %add3A_667, %get3A_674 : vector<16xf32>
      %mul3A_676 = arith.mulf %sub3A_671, %sub3A_671 : vector<16xf32>
      %add3A_677 = arith.addf %broadcast_in_dim3A_19, %mul3A_676 : vector<16xf32>
      %mul3A_678 = arith.mulf %sub3A_675, %sub3A_675 : vector<16xf32>
      %add3A_679 = arith.addf %broadcast_in_dim3A_19, %mul3A_678 : vector<16xf32>
      %get3A_680 = arith.index_cast %scan3A_661 : i32 to index
      %get3A_681 = arith.constant 16 : index
      %get3A_682 = tpu.vector_load %arg12[%get3A_680, %get3A_681] {strides = array<i32>} : memref<128x128xf32, #tpu.memory_space<vmem>>, vector<16xf32>,
      %add3A_683 = arith.constant 9.99999997E-7 : f32
      %add3A_684 = vector.broadcast %add3A_683 : f32 to vector<16xf32>
      %add3A_685 = arith.addf %get3A_682, %add3A_684 : vector<16xf32>
      %get3A_686 = arith.index_cast %scan3A_661 : i32 to index
      %get3A_687 = arith.constant 16 : index
      %get3A_688 = tpu.vector_load %arg13[%get3A_686, %get3A_687] {strides = array<i32>} : memref<128x128xf32, #tpu.memory_space<vmem>>, vector<16xf32>,
      %sub3A_689 = arith.subf %add3A_685, %get3A_688 : vector<16xf32>
      %get3A_690 = arith.index_cast %scan3A_661 : i32 to index
      %get3A_691 = arith.constant 16 : index
      %get3A_692 = tpu.vector_load %arg14[%get3A_690, %get3A_691] {strides = array<i32>} : memref<128x128xf32, #tpu.memory_space<vmem>>, vector<16xf32>,
      %sub3A_693 = arith.subf %add3A_685, %get3A_692 : vector<16xf32>
      %mul3A_694 = arith.mulf %sub3A_689, %sub3A_689 : vector<16xf32>
      %add3A_695 = arith.addf %add3A_677, %mul3A_694 : vector<16xf32>
      %mul3A_696 = arith.mulf %sub3A_693, %sub3A_693 : vector<16xf32>
      %add3A_697 = arith.addf %add3A_679, %mul3A_696 : vector<16xf32>
      %get3A_698 = arith.index_cast %scan3A_661 : i32 to index
      %get3A_699 = arith.constant 32 : index
      %get3A_700 = tpu.vector_load %arg12[%get3A_698, %get3A_699] {strides = array<i32>} : memref<128x128xf32, #tpu.memory_space<vmem>>, vector<16xf32>,
      %add3A_701 = arith.constant 9.99999997E-7 : f32
      %add3A_702 = vector.broadcast %add3A_701 : f32 to vector<16xf32>
      %add3A_703 = arith.addf %get3A_700, %add3A_702 : vector<16xf32>
      %get3A_704 = arith.index_cast %scan3A_661 : i32 to index
      %get3A_705 = arith.constant 32 : index
      %get3A_706 = tpu.vector_load %arg13[%get3A_704, %get3A_705] {strides = array<i32>} : memref<128x128xf32, #tpu.memory_space<vmem>>, vector<16xf32>,
      %sub3A_707 = arith.subf %add3A_703, %get3A_706 : vector<16xf32>
      %get3A_708 = arith.index_cast %scan3A_661 : i32 to index
      %get3A_709 = arith.constant 32 : index
      %get3A_710 = tpu.vector_load %arg14[%get3A_708, %get3A_709] {strides = array<i32>} : memref<128x128xf32, #tpu.memory_space<vmem>>, vector<16xf32>,
      %sub3A_711 = arith.subf %add3A_703, %get3A_710 : vector<16xf32>
      %mul3A_712 = arith.mulf %sub3A_707, %sub3A_707 : vector<16xf32>
      %add3A_713 = arith.addf %add3A_695, %mul3A_712 : vector<16xf32>
      %mul3A_714 = arith.mulf %sub3A_711, %sub3A_711 : vector<16xf32>
      %add3A_715 = arith.addf %add3A_697, %mul3A_714 : vector<16xf32>
      %get3A_716 = arith.index_cast %scan3A_661 : i32 to index
      %get3A_717 = arith.constant 48 : index
      %get3A_718 = tpu.vector_load %arg12[%get3A_716, %get3A_717] {strides = array<i32>} : memref<128x128xf32, #tpu.memory_space<vmem>>, vector<16xf32>,
      %add3A_719 = arith.constant 9.99999997E-7 : f32
      %add3A_720 = vector.broadcast %add3A_719 : f32 to vector<16xf32>
      %add3A_721 = arith.addf %get3A_718, %add3A_720 : vector<16xf32>
      %get3A_722 = arith.index_cast %scan3A_661 : i32 to index
      %get3A_723 = arith.constant 48 : index
      %get3A_724 = tpu.vector_load %arg13[%get3A_722, %get3A_723] {strides = array<i32>} : memref<128x128xf32, #tpu.memory_space<vmem>>, vector<16xf32>,
      %sub3A_725 = arith.subf %add3A_721, %get3A_724 : vector<16xf32>
      %get3A_726 = arith.index_cast %scan3A_661 : i32 to index
      %get3A_727 = arith.constant 48 : index
      %get3A_728 = tpu.vector_load %arg14[%get3A_726, %get3A_727] {strides = array<i32>} : memref<128x128xf32, #tpu.memory_space<vmem>>, vector<16xf32>,
      %sub3A_729 = arith.subf %add3A_721, %get3A_728 : vector<16xf32>
      %mul3A_730 = arith.mulf %sub3A_725, %sub3A_725 : vector<16xf32>
      %add3A_731 = arith.addf %add3A_713, %mul3A_730 : vector<16xf32>
      %mul3A_732 = arith.mulf %sub3A_729, %sub3A_729 : vector<16xf32>
      %add3A_733 = arith.addf %add3A_715, %mul3A_732 : vector<16xf32>
      %get3A_734 = arith.index_cast %scan3A_661 : i32 to index
      %get3A_735 = arith.constant 64 : index
      %get3A_736 = tpu.vector_load %arg12[%get3A_734, %get3A_735] {strides = array<i32>} : memref<128x128xf32, #tpu.memory_space<vmem>>, vector<16xf32>,
      %add3A_737 = arith.constant 9.99999997E-7 : f32
      %add3A_738 = vector.broadcast %add3A_737 : f32 to vector<16xf32>
      %add3A_739 = arith.addf %get3A_736, %add3A_738 : vector<16xf32>
      %get3A_740 = arith.index_cast %scan3A_661 : i32 to index
      %get3A_741 = arith.constant 64 : index
      %get3A_742 = tpu.vector_load %arg13[%get3A_740, %get3A_741] {strides = array<i32>} : memref<128x128xf32, #tpu.memory_space<vmem>>, vector<16xf32>,
      %sub3A_743 = arith.subf %add3A_739, %get3A_742 : vector<16xf32>
      %get3A_744 = arith.index_cast %scan3A_661 : i32 to index
      %get3A_745 = arith.constant 64 : index
      %get3A_746 = tpu.vector_load %arg14[%get3A_744, %get3A_745] {strides = array<i32>} : memref<128x128xf32, #tpu.memory_space<vmem>>, vector<16xf32>,
      %sub3A_747 = arith.subf %add3A_739, %get3A_746 : vector<16xf32>
      %mul3A_748 = arith.mulf %sub3A_743, %sub3A_743 : vector<16xf32>
      %add3A_749 = arith.addf %add3A_731, %mul3A_748 : vector<16xf32>
      %mul3A_750 = arith.mulf %sub3A_747, %sub3A_747 : vector<16xf32>
      %add3A_751 = arith.addf %add3A_733, %mul3A_750 : vector<16xf32>
      %get3A_752 = arith.index_cast %scan3A_661 : i32 to index
      %get3A_753 = arith.constant 80 : index
      %get3A_754 = tpu.vector_load %arg12[%get3A_752, %get3A_753] {strides = array<i32>} : memref<128x128xf32, #tpu.memory_space<vmem>>, vector<16xf32>,
      %add3A_755 = arith.constant 9.99999997E-7 : f32
      %add3A_756 = vector.broadcast %add3A_755 : f32 to vector<16xf32>
      %add3A_757 = arith.addf %get3A_754, %add3A_756 : vector<16xf32>
      %get3A_758 = arith.index_cast %scan3A_661 : i32 to index
      %get3A_759 = arith.constant 80 : index
      %get3A_760 = tpu.vector_load %arg13[%get3A_758, %get3A_759] {strides = array<i32>} : memref<128x128xf32, #tpu.memory_space<vmem>>, vector<16xf32>,
      %sub3A_761 = arith.subf %add3A_757, %get3A_760 : vector<16xf32>
      %get3A_762 = arith.index_cast %scan3A_661 : i32 to index
      %get3A_763 = arith.constant 80 : index
      %get3A_764 = tpu.vector_load %arg14[%get3A_762, %get3A_763] {strides = array<i32>} : memref<128x128xf32, #tpu.memory_space<vmem>>, vector<16xf32>,
      %sub3A_765 = arith.subf %add3A_757, %get3A_764 : vector<16xf32>
      %mul3A_766 = arith.mulf %sub3A_761, %sub3A_761 : vector<16xf32>
      %add3A_767 = arith.addf %add3A_749, %mul3A_766 : vector<16xf32>
      %mul3A_768 = arith.mulf %sub3A_765, %sub3A_765 : vector<16xf32>
      %add3A_769 = arith.addf %add3A_751, %mul3A_768 : vector<16xf32>
      %get3A_770 = arith.index_cast %scan3A_661 : i32 to index
      %get3A_771 = arith.constant 96 : index
      %get3A_772 = tpu.vector_load %arg12[%get3A_770, %get3A_771] {strides = array<i32>} : memref<128x128xf32, #tpu.memory_space<vmem>>, vector<16xf32>,
      %add3A_773 = arith.constant 9.99999997E-7 : f32
      %add3A_774 = vector.broadcast %add3A_773 : f32 to vector<16xf32>
      %add3A_775 = arith.addf %get3A_772, %add3A_774 : vector<16xf32>
      %get3A_776 = arith.index_cast %scan3A_661 : i32 to index
      %get3A_777 = arith.constant 96 : index
      %get3A_778 = tpu.vector_load %arg13[%get3A_776, %get3A_777] {strides = array<i32>} : memref<128x128xf32, #tpu.memory_space<vmem>>, vector<16xf32>,
      %sub3A_779 = arith.subf %add3A_775, %get3A_778 : vector<16xf32>
      %get3A_780 = arith.index_cast %scan3A_661 : i32 to index
      %get3A_781 = arith.constant 96 : index
      %get3A_782 = tpu.vector_load %arg14[%get3A_780, %get3A_781] {strides = array<i32>} : memref<128x128xf32, #tpu.memory_space<vmem>>, vector<16xf32>,
      %sub3A_783 = arith.subf %add3A_775, %get3A_782 : vector<16xf32>
      %mul3A_784 = arith.mulf %sub3A_779, %sub3A_779 : vector<16xf32>
      %add3A_785 = arith.addf %add3A_767, %mul3A_784 : vector<16xf32>
      %mul3A_786 = arith.mulf %sub3A_783, %sub3A_783 : vector<16xf32>
      %add3A_787 = arith.addf %add3A_769, %mul3A_786 : vector<16xf32>
      %get3A_788 = arith.index_cast %scan3A_661 : i32 to index
      %get3A_789 = arith.constant 112 : index
      %get3A_790 = tpu.vector_load %arg12[%get3A_788, %get3A_789] {strides = array<i32>} : memref<128x128xf32, #tpu.memory_space<vmem>>, vector<16xf32>,
      %add3A_791 = arith.constant 9.99999997E-7 : f32
      %add3A_792 = vector.broadcast %add3A_791 : f32 to vector<16xf32>
      %add3A_793 = arith.addf %get3A_790, %add3A_792 : vector<16xf32>
      %get3A_794 = arith.index_cast %scan3A_661 : i32 to index
      %get3A_795 = arith.constant 112 : index
      %get3A_796 = tpu.vector_load %arg13[%get3A_794, %get3A_795] {strides = array<i32>} : memref<128x128xf32, #tpu.memory_space<vmem>>, vector<16xf32>,
      %sub3A_797 = arith.subf %add3A_793, %get3A_796 : vector<16xf32>
      %get3A_798 = arith.index_cast %scan3A_661 : i32 to index
      %get3A_799 = arith.constant 112 : index
      %get3A_800 = tpu.vector_load %arg14[%get3A_798, %get3A_799] {strides = array<i32>} : memref<128x128xf32, #tpu.memory_space<vmem>>, vector<16xf32>,
      %sub3A_801 = arith.subf %add3A_793, %get3A_800 : vector<16xf32>
      %mul3A_802 = arith.mulf %sub3A_797, %sub3A_797 : vector<16xf32>
      %add3A_803 = arith.addf %add3A_785, %mul3A_802 : vector<16xf32>
      %mul3A_804 = arith.mulf %sub3A_801, %sub3A_801 : vector<16xf32>
      %add3A_805 = arith.addf %add3A_787, %mul3A_804 : vector<16xf32>
      %mul3A_806 = arith.constant 16 : i32
      %mul3A_807 = arith.muli %scan3A_661, %mul3A_806 : i32
      %swap3A_808 = arith.index_cast %mul3A_807 : i32 to index
      %swap3A_809 = tpu.vector_load %arg15[%swap3A_808] {strides = array<i32>} : memref<2048xf32, #tpu.memory_space<vmem>>, vector<16xf32>,
      tpu.vector_store %arg15[%swap3A_808], %add3A_803 {strides = array<i32>} : memref<2048xf32, #tpu.memory_space<vmem>>, vector<16xf32>,
      %mul3A_810 = arith.constant 16 : i32
      %mul3A_811 = arith.muli %scan3A_661, %mul3A_810 : i32
      %swap3A_812 = arith.index_cast %mul3A_811 : i32 to index
      %swap3A_813 = tpu.vector_load %arg16[%swap3A_812] {strides = array<i32>} : memref<2048xf32, #tpu.memory_space<vmem>>, vector<16xf32>,
      tpu.vector_store %arg16[%swap3A_812], %add3A_805 {strides = array<i32>} : memref<2048xf32, #tpu.memory_space<vmem>>, vector<16xf32>,
      %scan3A_814 = arith.constant 0 : i32
      scf.yield %scan3A_814 : i32
    }
    %scan3A_183 = arith.constant 128 : i32
    %scan3A_184 = arith.constant 0 : i32
    %scan3A_185 = arith.constant 8 : i32
    %scan3A_186 = arith.addi %scan3A_184, %scan3A_185 : i32
    %scan3A_187 = arith.constant 1 : i32
    %scan3A_188 = scf.for %scan3A_197 = %scan3A_184 to %scan3A_186 step %scan3A_187 iter_args(%scan3A_198 = %scan3A_160) -> (vector<16xf32>)  : i32 {
      %mul3A_199 = arith.constant 16 : i32
      %mul3A_200 = arith.muli %scan3A_197, %mul3A_199 : i32
      %add3A_201 = vector.broadcast %mul3A_200 : i32 to vector<16xi32>
      %add3A_202 = arith.addi %add3A_201, %iota3A : vector<16xi32>
      %mul3A_203 = arith.constant 16 : i32
      %mul3A_204 = vector.broadcast %mul3A_203 : i32 to vector<16xi32>
      %mul3A_205 = arith.muli %add3A_202, %mul3A_204 : vector<16xi32>
      %add3A_206 = arith.constant 0 : i32
      %add3A_207 = vector.broadcast %add3A_206 : i32 to vector<16xi32>
      %add3A_208 = arith.addi %mul3A_205, %add3A_207 : vector<16xi32>
      %gather3A = tpu.vector_load_idx %arg15[%add3A_208] : memref<2048xf32, #tpu.memory_space<vmem>>[vector<16xi32>], vector<16xf32>,
      %add3A_209 = arith.addf %broadcast_in_dim3A_19, %gather3A : vector<16xf32>
      %add3A_210 = arith.constant 0 : i32
      %add3A_211 = vector.broadcast %add3A_210 : i32 to vector<16xi32>
      %add3A_212 = arith.addi %mul3A_205, %add3A_211 : vector<16xi32>
      %gather3A_213 = tpu.vector_load_idx %arg16[%add3A_212] : memref<2048xf32, #tpu.memory_space<vmem>>[vector<16xi32>], vector<16xf32>,
      %add3A_214 = arith.addf %broadcast_in_dim3A_19, %gather3A_213 : vector<16xf32>
      %add3A_215 = arith.constant 1 : i32
      %add3A_216 = vector.broadcast %add3A_215 : i32 to vector<16xi32>
      %add3A_217 = arith.addi %mul3A_205, %add3A_216 : vector<16xi32>
      %gather3A_218 = tpu.vector_load_idx %arg15[%add3A_217] : memref<2048xf32, #tpu.memory_space<vmem>>[vector<16xi32>], vector<16xf32>,
      %add3A_219 = arith.addf %add3A_209, %gather3A_218 : vector<16xf32>
      %add3A_220 = arith.constant 1 : i32
      %add3A_221 = vector.broadcast %add3A_220 : i32 to vector<16xi32>
      %add3A_222 = arith.addi %mul3A_205, %add3A_221 : vector<16xi32>
      %gather3A_223 = tpu.vector_load_idx %arg16[%add3A_222] : memref<2048xf32, #tpu.memory_space<vmem>>[vector<16xi32>], vector<16xf32>,
      %add3A_224 = arith.addf %add3A_214, %gather3A_223 : vector<16xf32>
      %add3A_225 = arith.constant 2 : i32
      %add3A_226 = vector.broadcast %add3A_225 : i32 to vector<16xi32>
      %add3A_227 = arith.addi %mul3A_205, %add3A_226 : vector<16xi32>
      %gather3A_228 = tpu.vector_load_idx %arg15[%add3A_227] : memref<2048xf32, #tpu.memory_space<vmem>>[vector<16xi32>], vector<16xf32>,
      %add3A_229 = arith.addf %add3A_219, %gather3A_228 : vector<16xf32>
      %add3A_230 = arith.constant 2 : i32
      %add3A_231 = vector.broadcast %add3A_230 : i32 to vector<16xi32>
      %add3A_232 = arith.addi %mul3A_205, %add3A_231 : vector<16xi32>
      %gather3A_233 = tpu.vector_load_idx %arg16[%add3A_232] : memref<2048xf32, #tpu.memory_space<vmem>>[vector<16xi32>], vector<16xf32>,
      %add3A_234 = arith.addf %add3A_224, %gather3A_233 : vector<16xf32>
      %add3A_235 = arith.constant 3 : i32
      %add3A_236 = vector.broadcast %add3A_235 : i32 to vector<16xi32>
      %add3A_237 = arith.addi %mul3A_205, %add3A_236 : vector<16xi32>
      %gather3A_238 = tpu.vector_load_idx %arg15[%add3A_237] : memref<2048xf32, #tpu.memory_space<vmem>>[vector<16xi32>], vector<16xf32>,
      %add3A_239 = arith.addf %add3A_229, %gather3A_238 : vector<16xf32>
      %add3A_240 = arith.constant 3 : i32
      %add3A_241 = vector.broadcast %add3A_240 : i32 to vector<16xi32>
      %add3A_242 = arith.addi %mul3A_205, %add3A_241 : vector<16xi32>
      %gather3A_243 = tpu.vector_load_idx %arg16[%add3A_242] : memref<2048xf32, #tpu.memory_space<vmem>>[vector<16xi32>], vector<16xf32>,
      %add3A_244 = arith.addf %add3A_234, %gather3A_243 : vector<16xf32>
      %add3A_245 = arith.constant 4 : i32
      %add3A_246 = vector.broadcast %add3A_245 : i32 to vector<16xi32>
      %add3A_247 = arith.addi %mul3A_205, %add3A_246 : vector<16xi32>
      %gather3A_248 = tpu.vector_load_idx %arg15[%add3A_247] : memref<2048xf32, #tpu.memory_space<vmem>>[vector<16xi32>], vector<16xf32>,
      %add3A_249 = arith.addf %add3A_239, %gather3A_248 : vector<16xf32>
      %add3A_250 = arith.constant 4 : i32
      %add3A_251 = vector.broadcast %add3A_250 : i32 to vector<16xi32>
      %add3A_252 = arith.addi %mul3A_205, %add3A_251 : vector<16xi32>
      %gather3A_253 = tpu.vector_load_idx %arg16[%add3A_252] : memref<2048xf32, #tpu.memory_space<vmem>>[vector<16xi32>], vector<16xf32>,
      %add3A_254 = arith.addf %add3A_244, %gather3A_253 : vector<16xf32>
      %add3A_255 = arith.constant 5 : i32
      %add3A_256 = vector.broadcast %add3A_255 : i32 to vector<16xi32>
      %add3A_257 = arith.addi %mul3A_205, %add3A_256 : vector<16xi32>
      %gather3A_258 = tpu.vector_load_idx %arg15[%add3A_257] : memref<2048xf32, #tpu.memory_space<vmem>>[vector<16xi32>], vector<16xf32>,
      %add3A_259 = arith.addf %add3A_249, %gather3A_258 : vector<16xf32>
      %add3A_260 = arith.constant 5 : i32
      %add3A_261 = vector.broadcast %add3A_260 : i32 to vector<16xi32>
      %add3A_262 = arith.addi %mul3A_205, %add3A_261 : vector<16xi32>
      %gather3A_263 = tpu.vector_load_idx %arg16[%add3A_262] : memref<2048xf32, #tpu.memory_space<vmem>>[vector<16xi32>], vector<16xf32>,
      %add3A_264 = arith.addf %add3A_254, %gather3A_263 : vector<16xf32>
      %add3A_265 = arith.constant 6 : i32
      %add3A_266 = vector.broadcast %add3A_265 : i32 to vector<16xi32>
      %add3A_267 = arith.addi %mul3A_205, %add3A_266 : vector<16xi32>
      %gather3A_268 = tpu.vector_load_idx %arg15[%add3A_267] : memref<2048xf32, #tpu.memory_space<vmem>>[vector<16xi32>], vector<16xf32>,
      %add3A_269 = arith.addf %add3A_259, %gather3A_268 : vector<16xf32>
      %add3A_270 = arith.constant 6 : i32
      %add3A_271 = vector.broadcast %add3A_270 : i32 to vector<16xi32>
      %add3A_272 = arith.addi %mul3A_205, %add3A_271 : vector<16xi32>
      %gather3A_273 = tpu.vector_load_idx %arg16[%add3A_272] : memref<2048xf32, #tpu.memory_space<vmem>>[vector<16xi32>], vector<16xf32>,
      %add3A_274 = arith.addf %add3A_264, %gather3A_273 : vector<16xf32>
      %add3A_275 = arith.constant 7 : i32
      %add3A_276 = vector.broadcast %add3A_275 : i32 to vector<16xi32>
      %add3A_277 = arith.addi %mul3A_205, %add3A_276 : vector<16xi32>
      %gather3A_278 = tpu.vector_load_idx %arg15[%add3A_277] : memref<2048xf32, #tpu.memory_space<vmem>>[vector<16xi32>], vector<16xf32>,
      %add3A_279 = arith.addf %add3A_269, %gather3A_278 : vector<16xf32>
      %add3A_280 = arith.constant 7 : i32
      %add3A_281 = vector.broadcast %add3A_280 : i32 to vector<16xi32>
      %add3A_282 = arith.addi %mul3A_205, %add3A_281 : vector<16xi32>
      %gather3A_283 = tpu.vector_load_idx %arg16[%add3A_282] : memref<2048xf32, #tpu.memory_space<vmem>>[vector<16xi32>], vector<16xf32>,
      %add3A_284 = arith.addf %add3A_274, %gather3A_283 : vector<16xf32>
      %add3A_285 = arith.constant 8 : i32
      %add3A_286 = vector.broadcast %add3A_285 : i32 to vector<16xi32>
      %add3A_287 = arith.addi %mul3A_205, %add3A_286 : vector<16xi32>
      %gather3A_288 = tpu.vector_load_idx %arg15[%add3A_287] : memref<2048xf32, #tpu.memory_space<vmem>>[vector<16xi32>], vector<16xf32>,
      %add3A_289 = arith.addf %add3A_279, %gather3A_288 : vector<16xf32>
      %add3A_290 = arith.constant 8 : i32
      %add3A_291 = vector.broadcast %add3A_290 : i32 to vector<16xi32>
      %add3A_292 = arith.addi %mul3A_205, %add3A_291 : vector<16xi32>
      %gather3A_293 = tpu.vector_load_idx %arg16[%add3A_292] : memref<2048xf32, #tpu.memory_space<vmem>>[vector<16xi32>], vector<16xf32>,
      %add3A_294 = arith.addf %add3A_284, %gather3A_293 : vector<16xf32>
      %add3A_295 = arith.constant 9 : i32
      %add3A_296 = vector.broadcast %add3A_295 : i32 to vector<16xi32>
      %add3A_297 = arith.addi %mul3A_205, %add3A_296 : vector<16xi32>
      %gather3A_298 = tpu.vector_load_idx %arg15[%add3A_297] : memref<2048xf32, #tpu.memory_space<vmem>>[vector<16xi32>], vector<16xf32>,
      %add3A_299 = arith.addf %add3A_289, %gather3A_298 : vector<16xf32>
      %add3A_300 = arith.constant 9 : i32
      %add3A_301 = vector.broadcast %add3A_300 : i32 to vector<16xi32>
      %add3A_302 = arith.addi %mul3A_205, %add3A_301 : vector<16xi32>
      %gather3A_303 = tpu.vector_load_idx %arg16[%add3A_302] : memref<2048xf32, #tpu.memory_space<vmem>>[vector<16xi32>], vector<16xf32>,
      %add3A_304 = arith.addf %add3A_294, %gather3A_303 : vector<16xf32>
      %add3A_305 = arith.constant 10 : i32
      %add3A_306 = vector.broadcast %add3A_305 : i32 to vector<16xi32>
      %add3A_307 = arith.addi %mul3A_205, %add3A_306 : vector<16xi32>
      %gather3A_308 = tpu.vector_load_idx %arg15[%add3A_307] : memref<2048xf32, #tpu.memory_space<vmem>>[vector<16xi32>], vector<16xf32>,
      %add3A_309 = arith.addf %add3A_299, %gather3A_308 : vector<16xf32>
      %add3A_310 = arith.constant 10 : i32
      %add3A_311 = vector.broadcast %add3A_310 : i32 to vector<16xi32>
      %add3A_312 = arith.addi %mul3A_205, %add3A_311 : vector<16xi32>
      %gather3A_313 = tpu.vector_load_idx %arg16[%add3A_312] : memref<2048xf32, #tpu.memory_space<vmem>>[vector<16xi32>], vector<16xf32>,
      %add3A_314 = arith.addf %add3A_304, %gather3A_313 : vector<16xf32>
      %add3A_315 = arith.constant 11 : i32
      %add3A_316 = vector.broadcast %add3A_315 : i32 to vector<16xi32>
      %add3A_317 = arith.addi %mul3A_205, %add3A_316 : vector<16xi32>
      %gather3A_318 = tpu.vector_load_idx %arg15[%add3A_317] : memref<2048xf32, #tpu.memory_space<vmem>>[vector<16xi32>], vector<16xf32>,
      %add3A_319 = arith.addf %add3A_309, %gather3A_318 : vector<16xf32>
      %add3A_320 = arith.constant 11 : i32
      %add3A_321 = vector.broadcast %add3A_320 : i32 to vector<16xi32>
      %add3A_322 = arith.addi %mul3A_205, %add3A_321 : vector<16xi32>
      %gather3A_323 = tpu.vector_load_idx %arg16[%add3A_322] : memref<2048xf32, #tpu.memory_space<vmem>>[vector<16xi32>], vector<16xf32>,
      %add3A_324 = arith.addf %add3A_314, %gather3A_323 : vector<16xf32>
      %add3A_325 = arith.constant 12 : i32
      %add3A_326 = vector.broadcast %add3A_325 : i32 to vector<16xi32>
      %add3A_327 = arith.addi %mul3A_205, %add3A_326 : vector<16xi32>
      %gather3A_328 = tpu.vector_load_idx %arg15[%add3A_327] : memref<2048xf32, #tpu.memory_space<vmem>>[vector<16xi32>], vector<16xf32>,
      %add3A_329 = arith.addf %add3A_319, %gather3A_328 : vector<16xf32>
      %add3A_330 = arith.constant 12 : i32
      %add3A_331 = vector.broadcast %add3A_330 : i32 to vector<16xi32>
      %add3A_332 = arith.addi %mul3A_205, %add3A_331 : vector<16xi32>
      %gather3A_333 = tpu.vector_load_idx %arg16[%add3A_332] : memref<2048xf32, #tpu.memory_space<vmem>>[vector<16xi32>], vector<16xf32>,
      %add3A_334 = arith.addf %add3A_324, %gather3A_333 : vector<16xf32>
      %add3A_335 = arith.constant 13 : i32
      %add3A_336 = vector.broadcast %add3A_335 : i32 to vector<16xi32>
      %add3A_337 = arith.addi %mul3A_205, %add3A_336 : vector<16xi32>
      %gather3A_338 = tpu.vector_load_idx %arg15[%add3A_337] : memref<2048xf32, #tpu.memory_space<vmem>>[vector<16xi32>], vector<16xf32>,
      %add3A_339 = arith.addf %add3A_329, %gather3A_338 : vector<16xf32>
      %add3A_340 = arith.constant 13 : i32
      %add3A_341 = vector.broadcast %add3A_340 : i32 to vector<16xi32>
      %add3A_342 = arith.addi %mul3A_205, %add3A_341 : vector<16xi32>
      %gather3A_343 = tpu.vector_load_idx %arg16[%add3A_342] : memref<2048xf32, #tpu.memory_space<vmem>>[vector<16xi32>], vector<16xf32>,
      %add3A_344 = arith.addf %add3A_334, %gather3A_343 : vector<16xf32>
      %add3A_345 = arith.constant 14 : i32
      %add3A_346 = vector.broadcast %add3A_345 : i32 to vector<16xi32>
      %add3A_347 = arith.addi %mul3A_205, %add3A_346 : vector<16xi32>
      %gather3A_348 = tpu.vector_load_idx %arg15[%add3A_347] : memref<2048xf32, #tpu.memory_space<vmem>>[vector<16xi32>], vector<16xf32>,
      %add3A_349 = arith.addf %add3A_339, %gather3A_348 : vector<16xf32>
      %add3A_350 = arith.constant 14 : i32
      %add3A_351 = vector.broadcast %add3A_350 : i32 to vector<16xi32>
      %add3A_352 = arith.addi %mul3A_205, %add3A_351 : vector<16xi32>
      %gather3A_353 = tpu.vector_load_idx %arg16[%add3A_352] : memref<2048xf32, #tpu.memory_space<vmem>>[vector<16xi32>], vector<16xf32>,
      %add3A_354 = arith.addf %add3A_344, %gather3A_353 : vector<16xf32>
      %add3A_355 = arith.constant 15 : i32
      %add3A_356 = vector.broadcast %add3A_355 : i32 to vector<16xi32>
      %add3A_357 = arith.addi %mul3A_205, %add3A_356 : vector<16xi32>
      %gather3A_358 = tpu.vector_load_idx %arg15[%add3A_357] : memref<2048xf32, #tpu.memory_space<vmem>>[vector<16xi32>], vector<16xf32>,
      %add3A_359 = arith.addf %add3A_349, %gather3A_358 : vector<16xf32>
      %add3A_360 = arith.constant 15 : i32
      %add3A_361 = vector.broadcast %add3A_360 : i32 to vector<16xi32>
      %add3A_362 = arith.addi %mul3A_205, %add3A_361 : vector<16xi32>
      %gather3A_363 = tpu.vector_load_idx %arg16[%add3A_362] : memref<2048xf32, #tpu.memory_space<vmem>>[vector<16xi32>], vector<16xf32>,
      %add3A_364 = arith.addf %add3A_354, %gather3A_363 : vector<16xf32>
      %max3A = arith.constant 1.000000e-30 : f32
      %max3A_365 = vector.broadcast %max3A : f32 to vector<16xf32>
      %max3A_366 = arith.maximumf %add3A_359, %max3A_365 : vector<16xf32>
      %bitcast3A = vector.bitcast %max3A_366 : vector<16xf32> to vector<16xi32>
      %shift_right_arithmetic3A = arith.constant 1 : i32
      %shift_right_arithmetic3A_367 = vector.broadcast %shift_right_arithmetic3A : i32 to vector<16xi32>
      %shift_right_arithmetic3A_368 = arith.shrsi %bitcast3A, %shift_right_arithmetic3A_367 : vector<16xi32>
      %add3A_369 = arith.constant 532487669 : i32
      %add3A_370 = vector.broadcast %add3A_369 : i32 to vector<16xi32>
      %add3A_371 = arith.addi %shift_right_arithmetic3A_368, %add3A_370 : vector<16xi32>
      %bitcast3A_372 = vector.bitcast %add3A_371 : vector<16xi32> to vector<16xf32>
      %div3A = arith.divf %max3A_366, %bitcast3A_372 : vector<16xf32>
      %add3A_373 = arith.addf %bitcast3A_372, %div3A : vector<16xf32>
      %mul3A_374 = arith.constant 5.000000e-01 : f32
      %mul3A_375 = vector.broadcast %mul3A_374 : f32 to vector<16xf32>
      %mul3A_376 = arith.mulf %mul3A_375, %add3A_373 : vector<16xf32>
      %div3A_377 = arith.divf %max3A_366, %mul3A_376 : vector<16xf32>
      %add3A_378 = arith.addf %mul3A_376, %div3A_377 : vector<16xf32>
      %mul3A_379 = arith.constant 5.000000e-01 : f32
      %mul3A_380 = vector.broadcast %mul3A_379 : f32 to vector<16xf32>
      %mul3A_381 = arith.mulf %mul3A_380, %add3A_378 : vector<16xf32>
      %div3A_382 = arith.divf %max3A_366, %mul3A_381 : vector<16xf32>
      %add3A_383 = arith.addf %mul3A_381, %div3A_382 : vector<16xf32>
      %mul3A_384 = arith.constant 5.000000e-01 : f32
      %mul3A_385 = vector.broadcast %mul3A_384 : f32 to vector<16xf32>
      %mul3A_386 = arith.mulf %mul3A_385, %add3A_383 : vector<16xf32>
      %max3A_387 = arith.constant 1.000000e-30 : f32
      %max3A_388 = vector.broadcast %max3A_387 : f32 to vector<16xf32>
      %max3A_389 = arith.maximumf %add3A_364, %max3A_388 : vector<16xf32>
      %bitcast3A_390 = vector.bitcast %max3A_389 : vector<16xf32> to vector<16xi32>
      %shift_right_arithmetic3A_391 = arith.constant 1 : i32
      %shift_right_arithmetic3A_392 = vector.broadcast %shift_right_arithmetic3A_391 : i32 to vector<16xi32>
      %shift_right_arithmetic3A_393 = arith.shrsi %bitcast3A_390, %shift_right_arithmetic3A_392 : vector<16xi32>
      %add3A_394 = arith.constant 532487669 : i32
      %add3A_395 = vector.broadcast %add3A_394 : i32 to vector<16xi32>
      %add3A_396 = arith.addi %shift_right_arithmetic3A_393, %add3A_395 : vector<16xi32>
      %bitcast3A_397 = vector.bitcast %add3A_396 : vector<16xi32> to vector<16xf32>
      %div3A_398 = arith.divf %max3A_389, %bitcast3A_397 : vector<16xf32>
      %add3A_399 = arith.addf %bitcast3A_397, %div3A_398 : vector<16xf32>
      %mul3A_400 = arith.constant 5.000000e-01 : f32
      %mul3A_401 = vector.broadcast %mul3A_400 : f32 to vector<16xf32>
      %mul3A_402 = arith.mulf %mul3A_401, %add3A_399 : vector<16xf32>
      %div3A_403 = arith.divf %max3A_389, %mul3A_402 : vector<16xf32>
      %add3A_404 = arith.addf %mul3A_402, %div3A_403 : vector<16xf32>
      %mul3A_405 = arith.constant 5.000000e-01 : f32
      %mul3A_406 = vector.broadcast %mul3A_405 : f32 to vector<16xf32>
      %mul3A_407 = arith.mulf %mul3A_406, %add3A_404 : vector<16xf32>
      %div3A_408 = arith.divf %max3A_389, %mul3A_407 : vector<16xf32>
      %add3A_409 = arith.addf %mul3A_407, %div3A_408 : vector<16xf32>
      %mul3A_410 = arith.constant 5.000000e-01 : f32
      %mul3A_411 = vector.broadcast %mul3A_410 : f32 to vector<16xf32>
      %mul3A_412 = arith.mulf %mul3A_411, %add3A_409 : vector<16xf32>
      %neg3A = arith.constant 0.000000e+00 : f32
      %neg3A_413 = vector.broadcast %neg3A : f32 to vector<16xf32>
      %neg3A_414 = arith.subf %neg3A_413, %mul3A_386 : vector<16xf32>
      %exp3A = math.exp %neg3A_414 : vector<16xf32>
      %sub3A = arith.constant 0.00999999977 : f32
      %sub3A_415 = vector.broadcast %sub3A : f32 to vector<16xf32>
      %sub3A_416 = arith.subf %sub3A_415, %exp3A : vector<16xf32>
      %neg3A_417 = arith.constant 0.000000e+00 : f32
      %neg3A_418 = vector.broadcast %neg3A_417 : f32 to vector<16xf32>
      %neg3A_419 = arith.subf %neg3A_418, %mul3A_412 : vector<16xf32>
      %exp3A_420 = math.exp %neg3A_419 : vector<16xf32>
      %add3A_421 = arith.addf %sub3A_416, %exp3A_420 : vector<16xf32>
      %max3A_422 = arith.constant 0.000000e+00 : f32
      %max3A_423 = vector.broadcast %max3A_422 : f32 to vector<16xf32>
      %max3A_424 = arith.maximumf %add3A_421, %max3A_423 : vector<16xf32>
      %add3A_425 = arith.addf %scan3A_198, %max3A_424 : vector<16xf32>
      scf.yield %add3A_425 : vector<16xf32>
    }
    %scan3A_189 = arith.constant 8 : i32
    %reduce_sum3A = arith.constant true
    %reduce_sum3A_190 = vector.broadcast %reduce_sum3A : i1 to vector<16xi1>
    %reduce_sum3A_191 = tpu.scan <sum>, %scan3A_188 masked %reduce_sum3A_190 : vector<16xf32>, vector<16xi1> -> vector<16xf32>
    %reduce_sum3A_192 = vector.extract %reduce_sum3A_191[15] : f32 from vector<16xf32>
    %mul3A_193 = arith.constant 1.000000e-01 : f32
    %mul3A_194 = arith.mulf %reduce_sum3A_192, %mul3A_193 : f32
    %broadcast_in_dim3A_195 = vector.broadcast %mul3A_194 : f32 to vector<16xf32>
    %swap3A = arith.constant 0 : index
    %swap3A_196 = tpu.vector_load %arg17[%swap3A] {strides = array<i32>} : memref<16xf32, #tpu.memory_space<vmem>>, vector<16xf32>,
    tpu.vector_store %arg17[%swap3A], %broadcast_in_dim3A_195 {strides = array<i32>} : memref<16xf32, #tpu.memory_space<vmem>>, vector<16xf32>,
    "tpu.region"() ({
      %run_scoped3A = tpu.sem_alloc : memref<!tpu.dma_semaphore, #tpu.memory_space<semaphore_mem>>
      %dma_start3A_197 = arith.constant 0 : i32
      %dma_start3A_198 = tpu.memref_slice %arg5[%add3A, %dma_start3A_197] : memref<32x16xf32, #tpu.memory_space<hbm>> -> memref<1x16xf32, #tpu.memory_space<hbm>>
      %dma_start3A_199 = tpu.memref_squeeze %dma_start3A_198 : memref<1x16xf32, #tpu.memory_space<hbm>> -> memref<16xf32, #tpu.memory_space<hbm>>
      %dma_start3A_200 = arith.constant 0 : i32
      %dma_start3A_201 = tpu.memref_slice %arg5[%add3A, %dma_start3A_200] : memref<32x16xf32, #tpu.memory_space<hbm>> -> memref<1x16xf32, #tpu.memory_space<hbm>>
      %dma_start3A_202 = tpu.memref_squeeze %dma_start3A_201 : memref<1x16xf32, #tpu.memory_space<hbm>> -> memref<16xf32, #tpu.memory_space<hbm>>
      tpu.enqueue_dma source(%arg17 : memref<16xf32, #tpu.memory_space<vmem>>) target(%dma_start3A_202 : memref<16xf32, #tpu.memory_space<hbm>>) target_semaphore(%run_scoped3A : memref<!tpu.dma_semaphore, #tpu.memory_space<semaphore_mem>>)
      %dma_wait3A_203 = arith.constant 0 : i32
      %dma_wait3A_204 = tpu.memref_slice %arg5[%add3A, %dma_wait3A_203] : memref<32x16xf32, #tpu.memory_space<hbm>> -> memref<1x16xf32, #tpu.memory_space<hbm>>
      %dma_wait3A_205 = tpu.memref_squeeze %dma_wait3A_204 : memref<1x16xf32, #tpu.memory_space<hbm>> -> memref<16xf32, #tpu.memory_space<hbm>>
      %dma_wait3A_206 = arith.constant 0 : i32
      %dma_wait3A_207 = tpu.memref_slice %arg5[%add3A, %dma_wait3A_206] : memref<32x16xf32, #tpu.memory_space<hbm>> -> memref<1x16xf32, #tpu.memory_space<hbm>>
      %dma_wait3A_208 = tpu.memref_squeeze %dma_wait3A_207 : memref<1x16xf32, #tpu.memory_space<hbm>> -> memref<16xf32, #tpu.memory_space<hbm>>
      tpu.wait_dma2 semaphore(%run_scoped3A : memref<!tpu.dma_semaphore, #tpu.memory_space<semaphore_mem>>) src(%arg17 : memref<16xf32, #tpu.memory_space<vmem>>) dst(%dma_wait3A_208 : memref<16xf32, #tpu.memory_space<hbm>>)
      tpu.yield
    }) : () -> ()
    return
  }
}

</mosaic_0001>

<sc_bundles>
// kernel: kernel.3.cloned.1.call-start
scs
__scs_entry_jumppad:
0x0: {  	(pc) =	sbr.rel $0x88, $3  }
0x1: {  	(tag) =	ssettag $0x0;
	lr =	simm.s32 $0x1  }
0x2: {  	[smem:$0x3F9E] =	sst lr;
	_ =	strace $0xD0000000  }
0x3: {  	_ = 	snop  }
0x4: {  	_ = 	snop  }
0x5: {  	_ = 	snop  }
0x6: {  	_ = 	snop  }
0x7: {  	_ = 	snop  }
__scs_overlays_trampoline_lowered:
0x8: {  	[smem:$0x3FAD] =	sst s0  }
0x9: {  	[smem:$0x3FAE] =	sst s1  }
0xa: {  	[smem:$0x3FAF] =	sst s2  }
0xb: {  	[smem:$0x3FB0] =	sst s3  }
0xc: {  	[smem:$0x3FB1] =	sst s4  }
0xd: {  	[smem:$0x3FB2] =	sst s5  }
0xe: {  	[smem:$0x3FB3] =	sst s6  }
0xf: {  	[smem:$0x3FB4] =	sst s7  }
0x10: {  	[smem:$0x3FB5] =	sst s8  }
0x11: {  	[smem:$0x3FB6] =	sst s9;
	s0 =	simm.s32 @!p0 $0x0  }
0x12: {  	s1 =	sld [smem:$0x3F9C];
	s0 =	simm.s32 @p0 $0x1  }
0x13: {  	[smem:$0x3FB7] =	sst s0;
	s0 =	simm.s32 @!p1 $0x0  }
0x14: {  	s2 =	sld [smem:$0x3F9B];
	s0 =	simm.s32 @p1 $0x1  }
0x15: {  	[smem:$0x3FB8] =	sst s0;
	s0 =	simm.s32 @!p2 $0x0  }
0x16: {  	s3 =	sld [smem:$0x3FDB];
	s0 =	simm.s32 @p2 $0x1  }
0x17: {  	s4 =	simm.s32 $0x1BF5;
	[smem:$0x3FBA] =	sst s0  }
0x18: {  	s0 =	sld [smem:$0x3F9D];
	_ =	swait.ge [sflag:s4], $0x0  }
0x19: {  	s7 =	sld [smem:$0x3F9E]  }
0x1a: {  	s8 =	sadd.s32 $0xFFFFE003, lr  }
0x1b: {  	s9 =	sadd.s32 $0xFFFFFEF7, lr;
	s5 =	simm.s32 $0xFFFFFFFF;
	p2 =	slt.u32 s8, $0xFFFFF086  }
0x1c: {  	p1 =	slt.u32 s9, $0xF7A;
	s5 =	simm.s32 @!p2 $0x0  }
0x1d: {  	s5 =	simm.s32 @p1 $0x1;
	p0 =	seq.s32 s7, s2  }
0x1e: {  	s7 =	smul.u32 @!p0 $0xF7A, s2;
	p2 =	seq.s32 @!p0 s5, $0x0  }
0x1f: {  	s9 =	smul.u32 $0xF7A, s1;
	s8 =	simm.s32 @!p0 $0x1BF5;
	p2 =	por !p2, p0  }
0x20: {  	[sflag:s8] =	ssyncset.s32 @!p0 $0xFFFFF086;
	s6 =	sadd.s32 @!p0 s3, s7;
	s7 =	simm.s32 @!p0 $0x108  }
0x21: {  	s3 =	sadd.s32 s3, s9;
	s6 =	sadd.s32 @!p0 $0x88, s6;
	s7 =	simm.s32 @p2 $0x1082  }
0x22: {  	[simem:s7], [sflag:s8] =	dma.local @!p0 [hbm:s6], $0xF7A  }
0x23: {  	s9 =	sor.u32 $0xD0000000, s2;
	s6 =	simm.s32 $0x108;
	_ =	swait.ge @!p0 [sflag:s8], $0x0  }
0x24: {  	s3 =	sadd.s32 $0x88, s3;
	s6 =	simm.s32 @!p1 $0x1082;
	[sflag:s4] =	ssyncset.s32 $0xFFFFF086  }
0x25: {  	[simem:s6], [sflag:s4] =	dma.local [hbm:s3], $0xF7A  }
0x26: {  	[smem:$0x3F9E] =	sst s1;
	(tag) =	ssettag s2;
	_ =	strace s9  }
0x27: {  	s1 =	sld [smem:$0x3FAE]  }
0x28: {  	s2 =	sld [smem:$0x3FAF]  }
0x29: {  	s4 =	sld [smem:$0x3FB1]  }
0x2a: {  	p0 =	seq.s32 s5, $0x0;
	s5 =	sld [smem:$0x3FB2]  }
0x2b: {  	s6 =	sld [smem:$0x3FB3]  }
0x2c: {  	s7 =	sld [smem:$0x3FB4]  }
0x2d: {  	s3 =	simm.s32 $0x108;
	s8 =	sld [smem:$0x3FB5]  }
0x2e: {  	s3 =	simm.s32 @!p0 $0x1082;
	s9 =	sld [smem:$0x3FB6]  }
0x2f: {  	lr =	sadd.s32 s0, s3;
	s0 =	sld [smem:$0x3FAD]  }
0x30: {  	s3 =	sld [smem:$0x3FB0]  }
0x31: {  	[smem:$0x3FB9] =	sst s10  }
0x32: {  	s10 =	sld [smem:$0x3FB7];
	_ =	sdelay $0x3  }
0x33: {  	p0 =	seq.s32 s10, $0x1;
	s10 =	sld [smem:$0x3FB9];
	_ =	sdelay $0x3  }
0x34: {  	[smem:$0x3FB9] =	sst s10  }
0x35: {  	s10 =	sld [smem:$0x3FB8];
	_ =	sdelay $0x3  }
0x36: {  	p1 =	seq.s32 s10, $0x1;
	s10 =	sld [smem:$0x3FB9];
	_ =	sdelay $0x3  }
0x37: {  	[smem:$0x3FB9] =	sst s10  }
0x38: {  	s10 =	sld [smem:$0x3FBA]  }
0x39: {  	_ = 	snop;
	(pc) =	sbr.ind lr, $3  }
0x3a: {  	_ = 	snop  }
0x3b: {  	_ = 	snop  }
0x3c: {  	p2 =	seq.s32 s10, $0x1;
	s10 =	sld [smem:$0x3FB9]  }
0x3d: {  	_ =	shalt  }
0x3e: {  	_ =	shalt  }
0x3f: {  	_ =	shalt  }
0x40: {  	_ =	shalt  }
0x41: {  	_ =	shalt  }
0x42: {  	_ =	shalt  }
0x43: {  	_ =	shalt  }
0x44: {  	_ =	shalt  }
0x45: {  	_ =	shalt  }
0x46: {  	_ =	shalt  }
0x47: {  	_ =	shalt  }
0x48: {  	_ =	shalt  }
0x49: {  	_ =	shalt  }
0x4a: {  	_ =	shalt  }
0x4b: {  	_ =	shalt  }
0x4c: {  	_ =	shalt  }
0x4d: {  	_ =	shalt  }
0x4e: {  	_ =	shalt  }
0x4f: {  	_ =	shalt  }
0x50: {  	_ =	shalt  }
0x51: {  	_ =	shalt  }
0x52: {  	_ =	shalt  }
0x53: {  	_ =	shalt  }
0x54: {  	_ =	shalt  }
0x55: {  	_ =	shalt  }
0x56: {  	_ =	shalt  }
0x57: {  	_ =	shalt  }
0x58: {  	_ =	shalt  }
0x59: {  	_ =	shalt  }
0x5a: {  	_ =	shalt  }
0x5b: {  	_ =	shalt  }
0x5c: {  	_ =	shalt  }
0x5d: {  	_ =	shalt  }
0x5e: {  	_ =	shalt  }
0x5f: {  	_ =	shalt  }
0x60: {  	_ =	shalt  }
0x61: {  	_ =	shalt  }
0x62: {  	_ =	shalt  }
0x63: {  	_ =	shalt  }
0x64: {  	_ =	shalt  }
0x65: {  	_ =	shalt  }
0x66: {  	_ =	shalt  }
0x67: {  	_ =	shalt  }
0x68: {  	_ =	shalt  }
0x69: {  	_ =	shalt  }
0x6a: {  	_ =	shalt  }
0x6b: {  	_ =	shalt  }
0x6c: {  	_ =	shalt  }
0x6d: {  	_ =	shalt  }
0x6e: {  	_ =	shalt  }
0x6f: {  	_ =	shalt  }
0x70: {  	_ =	shalt  }
0x71: {  	_ =	shalt  }
0x72: {  	_ =	shalt  }
0x73: {  	_ =	shalt  }
0x74: {  	_ =	shalt  }
0x75: {  	_ =	shalt  }
0x76: {  	_ =	shalt  }
0x77: {  	_ =	shalt  }
0x78: {  	_ =	shalt  }
0x79: {  	_ =	shalt  }
0x7a: {  	_ =	shalt  }
0x7b: {  	_ =	shalt  }
0x7c: {  	_ =	shalt  }
0x7d: {  	_ =	shalt  }
0x7e: {  	_ =	shalt  }
0x7f: {  	_ =	shalt  }
0x80: {  	_ =	shalt  }
0x81: {  	_ =	shalt  }
0x82: {  	_ =	shalt  }
0x83: {  	_ =	shalt  }
0x84: {  	_ =	shalt  }
0x85: {  	_ =	shalt  }
0x86: {  	_ =	shalt  }
0x87: {  	_ =	shalt  }
.Lfunc_end0:
.L_simem_size_0:
called_computation_lowered:
.L_overlay_start_0:
0x88: {  	s2 =	sld [smem:$0x3FD9]  }
0x89: {  	s3 =	sld [smem:$0x3FFE];
	_ =	sdelay $0x1  }
0x8a: {  	s1 =	srdreg.scid  }
0x8b: {  	s0 =	sand.u32 $0x1, s1  }
0x8c: {  	s17 =	sshll.u32 s0, $0xA;
	s2 =	sadd.s32 s3, s2  }
0x8d: {  	s2 =	sadd.s32 s2, s17  }
0x8e: {  	[smem:$0x3FC5] =	sst s2  }
0x8f: {  	_ = 	snop  }
0x90: {  	s2 =	sld [smem:$0x3FC8]  }
0x91: {  	s18 =	sld [smem:$0x3FC7];
	(tm) =	ssettm $0x1  }
0x92: {  	s4 =	sld [smem:$0x3FFB];
	_ =	sdelay $0x3  }
0x93: {  	_ =	strace s4  }
0x94: {  	s4 =	sld [smem:$0x3FFC];
	_ =	sdelay $0x3  }
0x95: {  	_ =	strace s4  }
0x96: {  	s4 =	sld [smem:$0x3FFD];
	_ =	sdelay $0x3  }
0x97: {  	_ =	strace s4  }
0x98: {  	_ =	strace $0x8FFFFFFF  }
0x99: {  	s19 =	sld [smem:$0x3FDB];
	_ =	sdelay $0x1  }
0x9a: {  	s5 =	simm.s32 $_scs_section_size  }
0x9b: {  	s6 =	simm.s32 $_size__tile_overlayer_lowered;
	s7 =	simm.s32 $_tile_overlayer_lowered  }
0x9c: {  	s22 =	simm.s32 $0x1BFF;
	s21 =	sshll.u32 s7, $0x1;
	s4 =	sadd.s32 s5, s19  }
0x9d: {  	s8 =	simm.s32 $0x0;
	s20 =	sshll.u32 s6, $0x1;
	s6 =	sadd.s32 s21, s4  }
0x9e: {  	[timem:s8], [sflag:s22] =	dma.local [hbm:s6], s20  }
0x9f: {  	_ =	swait.ge [sflag:s22], s20  }
0xa0: {  	s5 =	ssub.s32 $0x0, s20;
	[sflag:s22] =	ssyncset.done $0x0  }
0xa1: {  	[sflag:s22] =	ssyncadd.s32 s5;
	_ =	sdelay $0x1  }
0xa2: {  	s23 =	simm.s32 $0x1B8B  }
0xa3: {  	_ =	swait.ge [sflag:s23], $0x1  }
0xa4: {  	[sflag:s23] =	ssyncset.done $0x0  }
0xa5: {  	s25 =	simm.s32 $0x1B8E;
	s24 =	sld [smem:$0x3FFE];
	[sflag:s23] =	ssyncadd.s32 $0xFFFFFFFF  }
0xa6: {  	s26 =	simm.s32 $execute0_lowered;
	[smem:$0x3FD2] =	sst s25  }
0xa7: {  	s6 =	sshll.u32 s26, $0x1;
	_ =	strace $0x80000046;
	[dreg:$0x1] =	wrdreg $0xFFFFFFFF  }
0xa8: {  	s28 =	simm.s32 $_size_execute0_lowered;
	s4 =	sadd.s32 s4, s6;
	[dreg:$0x0] =	wrdreg $0x0  }
0xa9: {  	s6 =	sshll.u32 s28, $0x1;
	[dreg:$0x2] =	wrdreg s4  }
0xaa: {  	[dreg:$0x3] =	wrdreg s6  }
0xab: {  	[dreg:$0x4] =	wrdreg $0xC0  }
0xac: {  	_ =	task [dreg:s8], $0x5FFFF  }
0xad: {  	[dreg:$0x1] =	wrdreg $0xFFFFFFFF  }
0xae: {  	[dreg:$0x0] =	wrdreg $0x60  }
0xaf: {  	[dreg:$0x2] =	wrdreg s24  }
0xb0: {  	[dreg:$0x3] =	wrdreg s2  }
0xb1: {  	[dreg:$0x4] =	wrdreg s18  }
0xb2: {  	[dreg:$0x5] =	wrdreg $0x9  }
0xb3: {  	_ =	task.clear_ibuf [dreg:s8], $0x6FFFF;
	_ =	strace $0x90000046  }
0xb4: {  	s29 =	simm.s32 $0x9;
	_ =	strace $0x80000048  }
0xb5: {  	_ =	swait.ge [sflag:s29], $0x1  }
0xb6: {  	[sflag:s29] =	ssyncadd.s32 $0xFFFFFFFF  }
0xb7: {  	_ =	strace $0x90000048  }
0xb8: {  	_ =	sfence  }
0xb9: {  	s30 =	sld [smem:$0x0];
	_ =	sdelay $0x2  }
0xba: {  	s31 =	sshll.u32 s1, $0xD;
	s1 =	sshrl.u32 s1, $0x2  }
0xbb: {  	s3 =	sand.u32 $0x4000, s31;
	s1 =	sadd.s32 s1, s30  }
0xbc: {  	s0 =	sor.u32 s3, s0;
	s1 =	sshll.u32 s1, $0x11  }
0xbd: {  	s0 =	sor.u32 s1, s0  }
0xbe: {  	s0 =	sadd.s32 $0x8F2B, s0  }
0xbf: {  	[sflag:s0] =	ssyncadd.remote.s32 $0x1  }
0xc0: {  	_ =	sfence.sel $0xFFFF  }
0xc1: {  	[dreg:$0x0] =	wrdreg $0xFFFFFFFF;
	(pc) =	sbr.abs _section_cstart, $3  }
0xc2: {  	[dreg:$0x1] =	wrdreg $0xFFFFFFFF  }
0xc3: {  	_ =	task.clear_ibuf [dreg:s8], $0x2FFFF;
	_ =	strace $0x9FFFFFFF  }
0xc4: {  	(tm) =	ssettm $0x7FFFFFFF  }
0xc5: {  	_ =	shalt  }
tec
execute0_lowered:
.L_overlay_start_1:
0x0: {  	(tag) =	ssettag $0x1  }
0x1: {  	s0 =	rddreg [dreg:$0x0]  }
0x2: {  	s1 =	rddreg [dreg:$0x1]  }
0x3: {  	s2 =	rddreg [dreg:$0x2];
	s3 =	srdreg.scid;
	s4 =	simm.s32 $0x0  }
0x4: {  	s6 =	stileid.u32;
	s10 =	simm.s32 $0x3;
	s11 =	simm.s32 $0x200  }
0x5: {  	s12 =	simm.s32 $0x400;
	s13 =	simm.s32 $0x80;
	s14 =	simm.s32 $0x600  }
0x6: {  	s15 =	simm.s32 $0x4600;
	s16 =	simm.s32 $0x8600;
	s17 =	simm.s32 $0xC600  }
0x7: {  	s19 =	simm.s32 $0x10600;
	s21 =	simm.s32 $0x14600;
	s22 =	simm.s32 $0x1  }
0x8: {  	s23 =	simm.s32 $0x18600;
	s24 =	simm.s32 $0x18E00;
	s3 =	sand.u32 $0x1, s3  }
0x9: {  	s29 =	simm.s32 $0x2;
	[smem:$0x7FF] =	sst s4;
	s5 =	sshll.u32 s3, $0x4  }
0xa: {  	_ =	strace $0x80000047;
	s3 =	ssub.s32 $0x2, s3;
	s8 =	sor.u32 s6, s5  }
0xb: {  	s6 =	sshll.u32 s6, $0x4;
	s30 =	sshrl.u32 s3, $0x1;
	s5 =	sshll.u32 s8, $0x6  }
0xc: {  	s28 =	sand.u32 $0x70, s6;
	s31 =	sshll.u32 s8, $0x4;
	s3 =	ssub.s32 s3, s30  }
0xd: {  	s18 =	sshll.u32 s8, $0xB;
	s7 =	sadd.s32 s5, s0;
	s0 =	sadd.s32 s28, s0  }
0xe: {  	s9 =	sand.u32 $0x180, s31;
	v0 =	vmov s18;
	s18 =	simm.s32 $0x0;
	s5 =	sadd.s32 $0x200, s7  }
0xf: {  	v1 =	vlaneseq.u32;
	s6 =	sadd.s32 $0xA00, s7;
	s7 =	sadd.s32 $0x1200, s7;
	s0 =	sadd.s32 s9, s0  }
0x10: {  	v1 =	vmul.u32 $0x10, v1;
	s9 =	smax.u32 s3, $0x1;
	s3 =	simm.s32 $0x19600;
	s8 =	sadd.s32 $0x1A00, s0  }
.LBB2_1:
0x11: {  	[tilespmem:s4], [sflag:$0x3] =	stream.linear.gather [hbm4b:s5+s4], $0x200, $0x38;
	[tilespmem:$0x19680] =	vst v63  }
0x12: {  	_ =	swait.ge [sflag:s10], $0x200  }
0x13: {  	[sflag:s10] =	ssyncset.done $0x0  }
0x14: {  	[sflag:s10] =	ssyncadd.s32 $0xFFFFFE00  }
0x15: {  	[tilespmem:s11], [sflag:$0x3] =	stream.linear.gather [hbm4b:s6+s4], $0x200, $0x38;
	[tilespmem:$0x19680] =	vst v63  }
0x16: {  	_ =	swait.ge [sflag:s10], $0x200  }
0x17: {  	[sflag:s10] =	ssyncset.done $0x0  }
0x18: {  	[sflag:s10] =	ssyncadd.s32 $0xFFFFFE00  }
0x19: {  	[tilespmem:s12], [sflag:$0x3] =	stream.linear.gather [hbm4b:s7+s4], $0x200, $0x38;
	[tilespmem:$0x19680] =	vst v63  }
0x1a: {  	_ =	swait.ge [sflag:s10], $0x200  }
0x1b: {  	[sflag:s10] =	ssyncset.done $0x0  }
0x1c: {  	s20 =	simm.s32 $0x0;
	[sflag:s10] =	ssyncadd.s32 $0xFFFFFE00  }
0x1d: {  	v3 =	vld [tilespmem:s20+$0x0]  }
0x1e: {  	s25 =	simm.s32 $0x40;
	v2 =	vld [tilespmem:s20+$0x200]  }
.LBB2_2:
0x1f: {  	p0 =	sne.s32 s25, $0x7C0;
	v4 =	vld [tilespmem:s20+$0x400];
	_ =	sdelay $0x1  }
.Ltmp0:
0x20: {  	(pc) =	sbr.rel @p0 .LBB2_2-.Ltmp0, $4  }
0x21: {  	v3 =	vadd.s32 v0, v3  }
0x22: {  	s0 =	sshra.s32 s25, $0x2;
	[tilespmem:s20+$0x0] =	vst v3;
	v2 =	vadd.s32 v0, v2  }
0x23: {  	v3 =	vld [tilespmem:s0+$0x0];
	[tilespmem:s20+$0x200] =	vst v2;
	v4 =	vadd.s32 v0, v4  }
0x24: {  	s25 =	sadd.s32 $0x40, s25;
	v2 =	vld [tilespmem:s0+$0x200];
	[tilespmem:s20+$0x400] =	vst v4;
	s20 =	smov.u32 s0  }
0x25: {  	v4 =	vld [tilespmem:s20+$0x400];
	_ =	sdelay $0x2  }
0x26: {  	v3 =	vadd.s32 v0, v3  }
0x27: {  	[tilespmem:s20+$0x0] =	vst v3;
	v2 =	vadd.s32 v0, v2  }
0x28: {  	[tilespmem:s20+$0x200] =	vst v2;
	v2 =	vadd.s32 v0, v4  }
0x29: {  	[tilespmem:s20+$0x400] =	vst v2  }
0x2a: {  	[tilespmem:s14], [sflag:$0x1] =	stream.indirect.gather [hbm4b:s1+s13], $0x80, s4, s13, $0xb8;
	[tilespmem:$0x19680] =	vst v63  }
0x2b: {  	_ = 	snop  }
0x2c: {  	[tilespmem:s15], [sflag:$0x1] =	stream.indirect.gather [hbm4b:s2+s13], $0x80, s11, s13, $0xb8;
	[tilespmem:$0x19680] =	vst v63  }
0x2d: {  	_ = 	snop  }
0x2e: {  	[tilespmem:s16], [sflag:$0x1] =	stream.indirect.gather [hbm4b:s2+s13], $0x80, s12, s13, $0xb8;
	[tilespmem:$0x19680] =	vst v63  }
0x2f: {  	_ = 	snop  }
0x30: {  	[tilespmem:s17], [sflag:$0x2] =	stream.indirect.gather [hbm4b:s1+s13], $0x80, s13, s13, $0xb8;
	[tilespmem:$0x19680] =	vst v63  }
0x31: {  	s0 =	simm.s32 $0x280  }
0x32: {  	[tilespmem:s19], [sflag:$0x2] =	stream.indirect.gather [hbm4b:s2+s13], $0x80, s0, s13, $0xb8;
	[tilespmem:$0x19680] =	vst v63  }
0x33: {  	s26 =	simm.s32 $0x480  }
0x34: {  	[tilespmem:s21], [sflag:$0x2] =	stream.indirect.gather [hbm4b:s2+s13], $0x80, s26, s13, $0xb8;
	[tilespmem:$0x19680] =	vst v63  }
0x35: {  	_ =	swait.ge [sflag:s22], $0x4000  }
0x36: {  	[sflag:s22] =	ssyncset.done $0x0  }
0x37: {  	[sflag:s22] =	ssyncadd.s32 $0xFFFFC000  }
0x38: {  	_ =	swait.ge [sflag:s22], $0x4000  }
0x39: {  	[sflag:s22] =	ssyncset.done $0x0  }
0x3a: {  	[sflag:s22] =	ssyncadd.s32 $0xFFFFC000  }
0x3b: {  	s25 =	simm.s32 $0x18620;
	s28 =	simm.s32 $0x700;
	_ =	swait.ge [sflag:s22], $0x4000  }
0x3c: {  	s30 =	simm.s32 $0x4700;
	s31 =	simm.s32 $0x8700;
	[sflag:s22] =	ssyncset.done $0x0  }
0x3d: {  	s20 =	simm.s32 $0xFFFFFFFC;
	s26 =	simm.s32 $0x18E20;
	[sflag:s22] =	ssyncadd.s32 $0xFFFFC000  }
.LBB2_4:
0x3e: {  	v2 =	vld [tilespmem:s28+$0xFFFFFF00]  }
0x3f: {  	v3 =	vld [tilespmem:s30+$0xFFFFFF00]  }
0x40: {  	v4 =	vld [tilespmem:s31+$0xFFFFFF00]  }
0x41: {  	v5 =	vld [tilespmem:s28+$0xFFFFFF10]  }
0x42: {  	v6 =	vld [tilespmem:s30+$0xFFFFFF10]  }
0x43: {  	v8 =	vld [tilespmem:s28+$0xFFFFFF20]  }
0x44: {  	v11 =	vld [tilespmem:s28+$0xFFFFFF30]  }
0x45: {  	v15 =	vld [tilespmem:s28+$0xFFFFFF50]  }
0x46: {  	v16 =	vld [tilespmem:s28+$0xFFFFFF70]  }
0x47: {  	v7 =	vld [tilespmem:s31+$0xFFFFFF10]  }
0x48: {  	v9 =	vld [tilespmem:s30+$0xFFFFFF20]  }
0x49: {  	v10 =	vld [tilespmem:s31+$0xFFFFFF20];
	v2 =	vadd.f32 $9.999999970e-07, v2;
	v5 =	vadd.f32 $9.999999970e-07, v5  }
0x4a: {  	v12 =	vld [tilespmem:s30+$0xFFFFFF30];
	v53 =	vadd.f32 $9.999999970e-07, v8;
	v11 =	vadd.f32 $9.999999970e-07, v11  }
0x4b: {  	v13 =	vld [tilespmem:s31+$0xFFFFFF30];
	v17 =	vadd.f32 $9.999999970e-07, v15;
	v25 =	vadd.f32 $9.999999970e-07, v16  }
0x4c: {  	v52 =	vld [tilespmem:s28+$0xFFFFFF40];
	v3 =	vsub.f32 v2, v3;
	v2 =	vsub.f32 v2, v4  }
0x4d: {  	v56 =	vld [tilespmem:s30+$0xFFFFFF50];
	v51 =	vsub.f32 v5, v6;
	v5 =	vsub.f32 v5, v7  }
0x4e: {  	v54 =	vld [tilespmem:s30+$0xFFFFFF40];
	v9 =	vsub.f32 v53, v9;
	v55 =	vsub.f32 v53, v10  }
0x4f: {  	v14 =	vld [tilespmem:s31+$0xFFFFFF40];
	v58 =	vsub.f32 v11, v12;
	v3 =	vmul.f32 v3, v3;
	v4 =	vmul.f32 v51, v51  }
0x50: {  	v60 =	vld [tilespmem:s28+$0xFFFFFF60];
	v11 =	vsub.f32 v11, v13;
	v2 =	vmul.f32 v2, v2;
	v5 =	vmul.f32 v5, v5  }
0x51: {  	v59 =	vld [tilespmem:s31+$0xFFFFFF50];
	v6 =	vadd.f32 $9.999999970e-07, v52;
	v57 =	vmul.f32 v9, v9;
	v3 =	vadd.f32 v4, v3  }
0x52: {  	v62 =	vld [tilespmem:s30+$0xFFFFFF60];
	v7 =	vsub.f32 v17, v56;
	v2 =	vadd.f32 v5, v2;
	v4 =	vmul.f32 v55, v55  }
0x53: {  	v18 =	vld [tilespmem:s31+$0xFFFFFF60];
	v61 =	vmul.f32 v58, v58;
	v8 =	vsub.f32 v6, v54;
	v3 =	vadd.f32 v57, v3  }
0x54: {  	v21 =	vld [tilespmem:s30+$0xFFFFFF70];
	v63 =	vmul.f32 v11, v11;
	v19 =	vsub.f32 v6, v14;
	v2 =	vadd.f32 v4, v2  }
0x55: {  	v22 =	vld [tilespmem:s31+$0xFFFFFF70];
	v12 =	vadd.f32 $9.999999970e-07, v60;
	v20 =	vmul.f32 v8, v8;
	v3 =	vadd.f32 v61, v3  }
0x56: {  	v5 =	vsub.f32 v17, v59;
	v4 =	vmul.f32 v19, v19;
	v2 =	vadd.f32 v63, v2  }
0x57: {  	v23 =	vmul.f32 v7, v7;
	v24 =	vsub.f32 v12, v62;
	v3 =	vadd.f32 v20, v3  }
0x58: {  	v27 =	vsub.f32 v12, v18;
	v26 =	vmul.f32 v5, v5;
	v2 =	vadd.f32 v4, v2  }
0x59: {  	v29 =	vsub.f32 v25, v21;
	v28 =	vmul.f32 v24, v24;
	v3 =	vadd.f32 v23, v3  }
0x5a: {  	v31 =	vsub.f32 v25, v22;
	v30 =	vmul.f32 v27, v27;
	v2 =	vadd.f32 v26, v2  }
0x5b: {  	v32 =	vmul.f32 v29, v29;
	v3 =	vadd.f32 v28, v3  }
0x5c: {  	v33 =	vmul.f32 v31, v31;
	v2 =	vadd.f32 v30, v2  }
0x5d: {  	v3 =	vadd.f32 v32, v3  }
0x5e: {  	v2 =	vadd.f32 v33, v2  }
0x5f: {  	[tilespmem:s25+$0xFFFFFFE0] =	vst v3  }
0x60: {  	[tilespmem:s26+$0xFFFFFFE0] =	vst v2  }
0x61: {  	v2 =	vld [tilespmem:s28+$0xFFFFFF80]  }
0x62: {  	v3 =	vld [tilespmem:s30+$0xFFFFFF80]  }
0x63: {  	v34 =	vld [tilespmem:s31+$0xFFFFFF80]  }
0x64: {  	v35 =	vld [tilespmem:s28+$0xFFFFFF90]  }
0x65: {  	v38 =	vld [tilespmem:s28+$0xFFFFFFA0]  }
0x66: {  	v41 =	vld [tilespmem:s28+$0xFFFFFFB0]  }
0x67: {  	v45 =	vld [tilespmem:s28+$0xFFFFFFC0]  }
0x68: {  	v49 =	vld [tilespmem:s28+$0xFFFFFFD0]  }
0x69: {  	v55 =	vld [tilespmem:s28+$0xFFFFFFE0]  }
0x6a: {  	v59 =	vld [tilespmem:s28+$0xFFFFFFF0]  }
0x6b: {  	v36 =	vld [tilespmem:s30+$0xFFFFFF90]  }
0x6c: {  	v37 =	vld [tilespmem:s31+$0xFFFFFF90];
	v2 =	vadd.f32 $9.999999970e-07, v2;
	v5 =	vadd.f32 $9.999999970e-07, v35  }
0x6d: {  	v39 =	vld [tilespmem:s30+$0xFFFFFFA0];
	v46 =	vadd.f32 $9.999999970e-07, v38;
	v11 =	vadd.f32 $9.999999970e-07, v41  }
0x6e: {  	v40 =	vld [tilespmem:s31+$0xFFFFFFA0];
	v6 =	vadd.f32 $9.999999970e-07, v45;
	v60 =	vadd.f32 $9.999999970e-07, v49  }
0x6f: {  	v42 =	vld [tilespmem:s30+$0xFFFFFFB0];
	v12 =	vadd.f32 $9.999999970e-07, v55;
	v20 =	vadd.f32 $9.999999970e-07, v59  }
0x70: {  	v43 =	vld [tilespmem:s31+$0xFFFFFFB0];
	v3 =	vsub.f32 v2, v3;
	v44 =	vsub.f32 v5, v36  }
0x71: {  	v47 =	vld [tilespmem:s30+$0xFFFFFFC0];
	v2 =	vsub.f32 v2, v34;
	v5 =	vsub.f32 v5, v37  }
0x72: {  	v48 =	vld [tilespmem:s31+$0xFFFFFFC0];
	v9 =	vsub.f32 v46, v39;
	v3 =	vmul.f32 v3, v3;
	v4 =	vmul.f32 v44, v44  }
0x73: {  	v51 =	vld [tilespmem:s30+$0xFFFFFFD0];
	v50 =	vsub.f32 v46, v40;
	v2 =	vmul.f32 v2, v2;
	v5 =	vmul.f32 v5, v5  }
0x74: {  	v54 =	vld [tilespmem:s31+$0xFFFFFFD0];
	v53 =	vsub.f32 v11, v42;
	v52 =	vmul.f32 v9, v9;
	v3 =	vadd.f32 v4, v3  }
0x75: {  	v57 =	vld [tilespmem:s30+$0xFFFFFFE0];
	v11 =	vsub.f32 v11, v43;
	v2 =	vadd.f32 v5, v2;
	v4 =	vmul.f32 v50, v50  }
0x76: {  	v61 =	vld [tilespmem:s31+$0xFFFFFFE0];
	v8 =	vsub.f32 v6, v47;
	v56 =	vmul.f32 v53, v53;
	v3 =	vadd.f32 v52, v3  }
0x77: {  	v16 =	vld [tilespmem:s30+$0xFFFFFFF0];
	v62 =	vsub.f32 v6, v48;
	v58 =	vmul.f32 v11, v11;
	v2 =	vadd.f32 v4, v2  }
0x78: {  	v17 =	vld [tilespmem:s31+$0xFFFFFFF0];
	v7 =	vsub.f32 v60, v51;
	v63 =	vmul.f32 v8, v8;
	v3 =	vadd.f32 v56, v3  }
0x79: {  	v5 =	vsub.f32 v60, v54;
	v4 =	vmul.f32 v62, v62;
	v2 =	vadd.f32 v58, v2  }
0x7a: {  	v19 =	vsub.f32 v12, v57;
	v18 =	vmul.f32 v7, v7;
	v3 =	vadd.f32 v63, v3  }
0x7b: {  	v22 =	vsub.f32 v12, v61;
	v21 =	vmul.f32 v5, v5;
	v2 =	vadd.f32 v4, v2  }
0x7c: {  	v24 =	vsub.f32 v20, v16;
	v23 =	vmul.f32 v19, v19;
	v3 =	vadd.f32 v18, v3  }
0x7d: {  	v26 =	vsub.f32 v20, v17;
	v25 =	vmul.f32 v22, v22;
	v2 =	vadd.f32 v21, v2  }
0x7e: {  	v27 =	vmul.f32 v24, v24;
	v3 =	vadd.f32 v23, v3  }
0x7f: {  	v28 =	vmul.f32 v26, v26;
	v2 =	vadd.f32 v25, v2  }
0x80: {  	v3 =	vadd.f32 v27, v3  }
0x81: {  	v2 =	vadd.f32 v28, v2  }
0x82: {  	[tilespmem:s25+$0xFFFFFFF0] =	vst v3  }
0x83: {  	[tilespmem:s26+$0xFFFFFFF0] =	vst v2  }
0x84: {  	v2 =	vld [tilespmem:s28+$0x0]  }
0x85: {  	v3 =	vld [tilespmem:s30+$0x0]  }
0x86: {  	v29 =	vld [tilespmem:s31+$0x0]  }
0x87: {  	v30 =	vld [tilespmem:s28+$0x10]  }
0x88: {  	v33 =	vld [tilespmem:s28+$0x20]  }
0x89: {  	v36 =	vld [tilespmem:s28+$0x30]  }
0x8a: {  	v40 =	vld [tilespmem:s28+$0x40]  }
0x8b: {  	v44 =	vld [tilespmem:s28+$0x50]  }
0x8c: {  	v50 =	vld [tilespmem:s28+$0x60]  }
0x8d: {  	v54 =	vld [tilespmem:s28+$0x70]  }
0x8e: {  	v31 =	vld [tilespmem:s30+$0x10]  }
0x8f: {  	v32 =	vld [tilespmem:s31+$0x10];
	v2 =	vadd.f32 $9.999999970e-07, v2;
	v5 =	vadd.f32 $9.999999970e-07, v30  }
0x90: {  	v34 =	vld [tilespmem:s30+$0x20];
	v41 =	vadd.f32 $9.999999970e-07, v33;
	v11 =	vadd.f32 $9.999999970e-07, v36  }
0x91: {  	v35 =	vld [tilespmem:s31+$0x20];
	v6 =	vadd.f32 $9.999999970e-07, v40;
	v55 =	vadd.f32 $9.999999970e-07, v44  }
0x92: {  	v37 =	vld [tilespmem:s30+$0x30];
	v12 =	vadd.f32 $9.999999970e-07, v50;
	v63 =	vadd.f32 $9.999999970e-07, v54  }
0x93: {  	v38 =	vld [tilespmem:s31+$0x30];
	v3 =	vsub.f32 v2, v3;
	v39 =	vsub.f32 v5, v31  }
0x94: {  	v42 =	vld [tilespmem:s30+$0x40];
	v2 =	vsub.f32 v2, v29;
	v5 =	vsub.f32 v5, v32  }
0x95: {  	v43 =	vld [tilespmem:s31+$0x40];
	v9 =	vsub.f32 v41, v34;
	v3 =	vmul.f32 v3, v3;
	v4 =	vmul.f32 v39, v39  }
0x96: {  	v46 =	vld [tilespmem:s30+$0x50];
	v45 =	vsub.f32 v41, v35;
	v2 =	vmul.f32 v2, v2;
	v5 =	vmul.f32 v5, v5  }
0x97: {  	v49 =	vld [tilespmem:s31+$0x50];
	v48 =	vsub.f32 v11, v37;
	v47 =	vmul.f32 v9, v9;
	v3 =	vadd.f32 v4, v3  }
0x98: {  	v52 =	vld [tilespmem:s30+$0x60];
	v11 =	vsub.f32 v11, v38;
	v2 =	vadd.f32 v5, v2;
	v4 =	vmul.f32 v45, v45  }
0x99: {  	v56 =	vld [tilespmem:s31+$0x60];
	v8 =	vsub.f32 v6, v42;
	v51 =	vmul.f32 v48, v48;
	v3 =	vadd.f32 v47, v3  }
0x9a: {  	v59 =	vld [tilespmem:s30+$0x70];
	v57 =	vsub.f32 v6, v43;
	v53 =	vmul.f32 v11, v11;
	v2 =	vadd.f32 v4, v2  }
0x9b: {  	v60 =	vld [tilespmem:s31+$0x70];
	v7 =	vsub.f32 v55, v46;
	v58 =	vmul.f32 v8, v8;
	v3 =	vadd.f32 v51, v3  }
0x9c: {  	v5 =	vsub.f32 v55, v49;
	v4 =	vmul.f32 v57, v57;
	v2 =	vadd.f32 v53, v2  }
0x9d: {  	v62 =	vsub.f32 v12, v52;
	v61 =	vmul.f32 v7, v7;
	v3 =	vadd.f32 v58, v3  }
0x9e: {  	v16 =	vsub.f32 v12, v56;
	v15 =	vmul.f32 v5, v5;
	v2 =	vadd.f32 v4, v2  }
0x9f: {  	v18 =	vsub.f32 v63, v59;
	v17 =	vmul.f32 v62, v62;
	v3 =	vadd.f32 v61, v3  }
0xa0: {  	v20 =	vsub.f32 v63, v60;
	v19 =	vmul.f32 v16, v16;
	v2 =	vadd.f32 v15, v2  }
0xa1: {  	v21 =	vmul.f32 v18, v18;
	v3 =	vadd.f32 v17, v3  }
0xa2: {  	v22 =	vmul.f32 v20, v20;
	v2 =	vadd.f32 v19, v2  }
0xa3: {  	v3 =	vadd.f32 v21, v3  }
0xa4: {  	v2 =	vadd.f32 v22, v2  }
0xa5: {  	[tilespmem:s25+$0x0] =	vst v3  }
0xa6: {  	[tilespmem:s26+$0x0] =	vst v2  }
0xa7: {  	v2 =	vld [tilespmem:s28+$0x80]  }
0xa8: {  	v3 =	vld [tilespmem:s30+$0x80]  }
0xa9: {  	v23 =	vld [tilespmem:s31+$0x80]  }
0xaa: {  	v24 =	vld [tilespmem:s28+$0x90]  }
0xab: {  	v27 =	vld [tilespmem:s28+$0xA0]  }
0xac: {  	v30 =	vld [tilespmem:s28+$0xB0]  }
0xad: {  	v34 =	vld [tilespmem:s28+$0xC0]  }
0xae: {  	v38 =	vld [tilespmem:s28+$0xD0]  }
0xaf: {  	v44 =	vld [tilespmem:s28+$0xE0]  }
0xb0: {  	v48 =	vld [tilespmem:s28+$0xF0]  }
0xb1: {  	v25 =	vld [tilespmem:s30+$0x90]  }
0xb2: {  	v26 =	vld [tilespmem:s31+$0x90];
	v2 =	vadd.f32 $9.999999970e-07, v2;
	v5 =	vadd.f32 $9.999999970e-07, v24  }
0xb3: {  	v28 =	vld [tilespmem:s30+$0xA0];
	v35 =	vadd.f32 $9.999999970e-07, v27;
	v11 =	vadd.f32 $9.999999970e-07, v30  }
0xb4: {  	v29 =	vld [tilespmem:s31+$0xA0];
	v6 =	vadd.f32 $9.999999970e-07, v34;
	v49 =	vadd.f32 $9.999999970e-07, v38  }
0xb5: {  	v31 =	vld [tilespmem:s30+$0xB0];
	v12 =	vadd.f32 $9.999999970e-07, v44;
	v57 =	vadd.f32 $9.999999970e-07, v48  }
0xb6: {  	v32 =	vld [tilespmem:s31+$0xB0];
	v3 =	vsub.f32 v2, v3;
	v33 =	vsub.f32 v5, v25  }
0xb7: {  	v36 =	vld [tilespmem:s30+$0xC0];
	v2 =	vsub.f32 v2, v23;
	v5 =	vsub.f32 v5, v26  }
0xb8: {  	v37 =	vld [tilespmem:s31+$0xC0];
	v9 =	vsub.f32 v35, v28;
	v3 =	vmul.f32 v3, v3;
	v4 =	vmul.f32 v33, v33  }
0xb9: {  	v40 =	vld [tilespmem:s30+$0xD0];
	v39 =	vsub.f32 v35, v29;
	v2 =	vmul.f32 v2, v2;
	v5 =	vmul.f32 v5, v5  }
0xba: {  	v43 =	vld [tilespmem:s31+$0xD0];
	v42 =	vsub.f32 v11, v31;
	v41 =	vmul.f32 v9, v9;
	v3 =	vadd.f32 v4, v3  }
0xbb: {  	v46 =	vld [tilespmem:s30+$0xE0];
	v11 =	vsub.f32 v11, v32;
	v2 =	vadd.f32 v5, v2;
	v4 =	vmul.f32 v39, v39  }
0xbc: {  	v50 =	vld [tilespmem:s31+$0xE0];
	v8 =	vsub.f32 v6, v36;
	v45 =	vmul.f32 v42, v42;
	v3 =	vadd.f32 v41, v3  }
0xbd: {  	v53 =	vld [tilespmem:s30+$0xF0];
	v51 =	vsub.f32 v6, v37;
	v47 =	vmul.f32 v11, v11;
	v2 =	vadd.f32 v4, v2  }
0xbe: {  	v54 =	vld [tilespmem:s31+$0xF0];
	v7 =	vsub.f32 v49, v40;
	v52 =	vmul.f32 v8, v8;
	v3 =	vadd.f32 v45, v3  }
0xbf: {  	v5 =	vsub.f32 v49, v43;
	v4 =	vmul.f32 v51, v51;
	v2 =	vadd.f32 v47, v2  }
0xc0: {  	v56 =	vsub.f32 v12, v46;
	v55 =	vmul.f32 v7, v7;
	v3 =	vadd.f32 v52, v3  }
0xc1: {  	v58 =	vsub.f32 v12, v50;
	v5 =	vmul.f32 v5, v5;
	v2 =	vadd.f32 v4, v2  }
0xc2: {  	v60 =	vsub.f32 v57, v53;
	v59 =	vmul.f32 v56, v56;
	v3 =	vadd.f32 v55, v3  }
0xc3: {  	s20 =	sadd.s32 $0x4, s20;
	v61 =	vsub.f32 v57, v54;
	v4 =	vmul.f32 v58, v58;
	v2 =	vadd.f32 v5, v2  }
0xc4: {  	p0 =	slt.u32 s20, $0x7C;
	v62 =	vmul.f32 v60, v60;
	v3 =	vadd.f32 v59, v3  }
.Ltmp1:
0xc5: {  	v63 =	vmul.f32 v61, v61;
	v2 =	vadd.f32 v4, v2;
	(pc) =	sbr.rel @p0 .LBB2_4-.Ltmp1, $4  }
0xc6: {  	v3 =	vadd.f32 v62, v3  }
0xc7: {  	v2 =	vadd.f32 v63, v2  }
0xc8: {  	s0 =	simm.s32 $0x0;
	s28 =	sadd.s32 $0x200, s28;
	s30 =	sadd.s32 $0x200, s30;
	[tilespmem:s25+$0x10] =	vst v3  }
0xc9: {  	s31 =	sadd.s32 $0x200, s31;
	s25 =	sadd.s32 $0x40, s25;
	[tilespmem:s26+$0x10] =	vst v2;
	s26 =	sadd.s32 $0x40, s26;
	v2 =	vimm.f32 $0.0e+00  }
0xca: {  	v3 =	vmov s0  }
0xcb: {  	v3 =	vshll.u32 v3, $0x4  }
0xcc: {  	v3 =	vor.u32 v1, v3;
	_ =	sdelay $0x1  }
0xcd: {  	v4 =	vor.u32 $0x1, v3;
	_ =	sdelay $0x1  }
0xce: {  	v5 =	vor.u32 $0x2, v3  }
0xcf: {  	v6 =	vld.idx.msk [tilespmem:v3+s23+$0x0], $0xffff  }
0xd0: {  	v7 =	vor.u32 $0x3, v3;
	v8 =	vld.idx.msk [tilespmem:v3+s24+$0x0], $0xffff  }
0xd1: {  	v9 =	vld.idx.msk [tilespmem:v4+s23+$0x0], $0xffff  }
0xd2: {  	v10 =	vor.u32 $0x4, v3;
	v4 =	vld.idx.msk [tilespmem:v4+s24+$0x0], $0xffff  }
0xd3: {  	v11 =	vld.idx.msk [tilespmem:v5+s23+$0x0], $0xffff  }
0xd4: {  	v12 =	vor.u32 $0x5, v3;
	v5 =	vld.idx.msk [tilespmem:v5+s24+$0x0], $0xffff  }
0xd5: {  	v13 =	vld.idx.msk [tilespmem:v7+s23+$0x0], $0xffff  }
0xd6: {  	v14 =	vor.u32 $0x6, v3;
	v7 =	vld.idx.msk [tilespmem:v7+s24+$0x0], $0xffff;
	v6 =	vadd.f32 $0.0e+00, v6  }
0xd7: {  	v16 =	vor.u32 $0x7, v3;
	v15 =	vld.idx.msk [tilespmem:v10+s23+$0x0], $0xffff  }
0xd8: {  	v10 =	vld.idx.msk [tilespmem:v10+s24+$0x0], $0xffff;
	v6 =	vadd.f32 v9, v6  }
0xd9: {  	v17 =	vld.idx.msk [tilespmem:v12+s23+$0x0], $0xffff;
	v8 =	vadd.f32 $0.0e+00, v8  }
0xda: {  	v18 =	vor.u32 $0x8, v3;
	v9 =	vld.idx.msk [tilespmem:v12+s24+$0x0], $0xffff;
	v6 =	vadd.f32 v11, v6  }
0xdb: {  	v19 =	vor.u32 $0x9, v3;
	v12 =	vld.idx.msk [tilespmem:v14+s23+$0x0], $0xffff;
	v4 =	vadd.f32 v4, v8  }
0xdc: {  	v8 =	vld.idx.msk [tilespmem:v16+s23+$0x0], $0xffff;
	v6 =	vadd.f32 v13, v6  }
0xdd: {  	v11 =	vld.idx.msk [tilespmem:v14+s24+$0x0], $0xffff;
	v4 =	vadd.f32 v5, v4  }
0xde: {  	v14 =	vld.idx.msk [tilespmem:v16+s24+$0x0], $0xffff;
	v16 =	vor.u32 $0xB, v3;
	v6 =	vadd.f32 v15, v6  }
0xdf: {  	v5 =	vld.idx.msk [tilespmem:v18+s23+$0x0], $0xffff;
	v13 =	vor.u32 $0xA, v3;
	v4 =	vadd.f32 v7, v4  }
0xe0: {  	v7 =	vld.idx.msk [tilespmem:v19+s23+$0x0], $0xffff;
	v6 =	vadd.f32 v17, v6  }
0xe1: {  	v15 =	vld.idx.msk [tilespmem:v18+s24+$0x0], $0xffff;
	v18 =	vor.u32 $0xC, v3;
	v4 =	vadd.f32 v10, v4  }
0xe2: {  	v17 =	vld.idx.msk [tilespmem:v19+s24+$0x0], $0xffff;
	v6 =	vadd.f32 v12, v6  }
0xe3: {  	v4 =	vadd.f32 v9, v4;
	v9 =	vld.idx.msk [tilespmem:v16+s23+$0x0], $0xffff  }
0xe4: {  	v19 =	vor.u32 $0xD, v3;
	v10 =	vld.idx.msk [tilespmem:v13+s23+$0x0], $0xffff;
	v6 =	vadd.f32 v8, v6  }
0xe5: {  	v12 =	vld.idx.msk [tilespmem:v13+s24+$0x0], $0xffff;
	v13 =	vor.u32 $0xE, v3;
	v4 =	vadd.f32 v11, v4  }
0xe6: {  	v11 =	vld.idx.msk [tilespmem:v18+s23+$0x0], $0xffff;
	v5 =	vadd.f32 v5, v6  }
0xe7: {  	s28 =	simm.s32 $0x10;
	v8 =	vld.idx.msk [tilespmem:v16+s24+$0x0], $0xffff;
	v4 =	vadd.f32 v14, v4  }
0xe8: {  	v3 =	vor.u32 $0xF, v3;
	v16 =	vld.idx.msk [tilespmem:v18+s24+$0x0], $0xffff;
	v6 =	vmov s28;
	v5 =	vadd.f32 v7, v5  }
0xe9: {  	v14 =	vld.idx.msk [tilespmem:v19+s23+$0x0], $0xffff;
	v4 =	vadd.f32 v15, v4;
	v6 =	vshll.u32 v6, $0x4  }
0xea: {  	v15 =	vld.idx.msk [tilespmem:v13+s23+$0x0], $0xffff;
	v7 =	vor.u32 v1, v6;
	v5 =	vadd.f32 v10, v5  }
0xeb: {  	v13 =	vld.idx.msk [tilespmem:v13+s24+$0x0], $0xffff;
	v4 =	vadd.f32 v17, v4  }
0xec: {  	v6 =	vld.idx.msk [tilespmem:v19+s24+$0x0], $0xffff;
	v10 =	vor.u32 $0x1, v7;
	v5 =	vadd.f32 v9, v5  }
0xed: {  	v17 =	vld.idx.msk [tilespmem:v3+s23+$0x0], $0xffff;
	v4 =	vadd.f32 v12, v4  }
0xee: {  	v3 =	vld.idx.msk [tilespmem:v3+s24+$0x0], $0xffff;
	v9 =	vor.u32 $0x2, v7;
	v5 =	vadd.f32 v11, v5  }
0xef: {  	v4 =	vadd.f32 v8, v4;
	v12 =	vld.idx.msk [tilespmem:v7+s23+$0x0], $0xffff  }
0xf0: {  	v18 =	vor.u32 $0x3, v7;
	v11 =	vld.idx.msk [tilespmem:v7+s24+$0x0], $0xffff;
	v5 =	vadd.f32 v14, v5  }
0xf1: {  	v19 =	vor.u32 $0x4, v7;
	v4 =	vadd.f32 v16, v4;
	v8 =	vld.idx.msk [tilespmem:v10+s23+$0x0], $0xffff  }
0xf2: {  	v10 =	vld.idx.msk [tilespmem:v10+s24+$0x0], $0xffff;
	v5 =	vadd.f32 v15, v5  }
0xf3: {  	v4 =	vadd.f32 v6, v4;
	v14 =	vld.idx.msk [tilespmem:v9+s23+$0x0], $0xffff  }
0xf4: {  	v16 =	vor.u32 $0x5, v7;
	v9 =	vld.idx.msk [tilespmem:v9+s24+$0x0], $0xffff;
	v12 =	vadd.f32 $0.0e+00, v12;
	v5 =	vadd.f32 v17, v5  }
0xf5: {  	v20 =	vor.u32 $0x6, v7;
	v15 =	vld.idx.msk [tilespmem:v18+s23+$0x0], $0xffff;
	v4 =	vadd.f32 v13, v4  }
0xf6: {  	v13 =	vld.idx.msk [tilespmem:v19+s23+$0x0], $0xffff;
	v8 =	vadd.f32 v8, v12;
	v6 =	vmax.f32 v5, $1.000000000e-30;
	v5 =	vadd.f32 $0.0e+00, v11  }
0xf7: {  	v17 =	vld.idx.msk [tilespmem:v18+s24+$0x0], $0xffff;
	v18 =	vor.u32 $0x7, v7;
	v3 =	vadd.f32 v3, v4  }
0xf8: {  	v11 =	vld.idx.msk [tilespmem:v19+s24+$0x0], $0xffff;
	v8 =	vadd.f32 v14, v8;
	v4 =	vshra.s32 v6, $0x1;
	v10 =	vadd.f32 v10, v5  }
0xf9: {  	v12 =	vor.u32 $0x8, v7;
	v19 =	vld.idx.msk [tilespmem:v16+s23+$0x0], $0xffff;
	v4 =	vadd.s32 $0x1FBD1DF5, v4  }
0xfa: {  	v21 =	vld.idx.msk [tilespmem:v20+s23+$0x0], $0xffff;
	v5 =	vmax.f32 v3, $1.000000000e-30;
	v8 =	vadd.f32 v15, v8;
	v3 =	vadd.f32 v9, v10  }
0xfb: {  	v14 =	vld.idx.msk [tilespmem:v16+s24+$0x0], $0xffff;
	(erf) = vrcp.f32 v4  }
0xfc: {  	v16 =	vor.u32 $0x9, v7;
	v15 =	vld.idx.msk [tilespmem:v18+s23+$0x0], $0xffff;
	v8 =	vadd.f32 v13, v8;
	v3 =	vadd.f32 v17, v3  }
0xfd: {  	v9 =	vld.idx.msk [tilespmem:v20+s24+$0x0], $0xffff  }
0xfe: {  	v20 =	vor.u32 $0xA, v7;
	v13 =	vld.idx.msk [tilespmem:v18+s24+$0x0], $0xffff;
	v8 =	vadd.f32 v19, v8;
	v3 =	vadd.f32 v11, v3  }
0xff: {  	v10 =	vshra.s32 v5, $0x1;
	v18 =	vor.u32 $0xB, v7;
	v17 =	vld.idx.msk [tilespmem:v12+s23+$0x0], $0xffff  }
0x100: {  	v10 =	vadd.s32 $0x1FBD1DF5, v10;
	v11 =	vld.idx.msk [tilespmem:v12+s24+$0x0], $0xffff;
	v8 =	vadd.f32 v21, v8;
	v3 =	vadd.f32 v14, v3  }
0x101: {  	(erf) = vrcp.f32 v10;
	v12 =	vld.idx.msk [tilespmem:v16+s23+$0x0], $0xffff  }
0x102: {  	v19 =	vor.u32 $0xC, v7;
	v14 =	vld.idx.msk [tilespmem:v16+s24+$0x0], $0xffff;
	v8 =	vadd.f32 v15, v8;
	v3 =	vadd.f32 v9, v3  }
0x103: {  	v16 =	vld.idx.msk [tilespmem:v20+s23+$0x0], $0xffff  }
0x104: {  	v21 =	vor.u32 $0xD, v7;
	v22 =	vpop (erf);
	v9 =	vld.idx.msk [tilespmem:v20+s24+$0x0], $0xffff;
	v8 =	vadd.f32 v17, v8;
	v3 =	vadd.f32 v13, v3  }
0x105: {  	v20 =	vld.idx.msk [tilespmem:v18+s23+$0x0], $0xffff;
	v15 =	vmul.f32 v22, v6  }
0x106: {  	v22 =	vor.u32 $0xE, v7;
	v13 =	vld.idx.msk [tilespmem:v18+s24+$0x0], $0xffff;
	v8 =	vadd.f32 v12, v8;
	v3 =	vadd.f32 v11, v3  }
0x107: {  	s30 =	simm.s32 $0x20;
	v7 =	vor.u32 $0xF, v7;
	v4 =	vadd.f32 v4, v15;
	v15 =	vld.idx.msk [tilespmem:v19+s23+$0x0], $0xffff  }
0x108: {  	v12 =	vld.idx.msk [tilespmem:v19+s24+$0x0], $0xffff;
	v11 =	vmov s30;
	v8 =	vadd.f32 v16, v8;
	v3 =	vadd.f32 v14, v3  }
0x109: {  	v17 =	vmul.f32 $5.000000000e-01, v4;
	v4 =	vshll.u32 v11, $0x4;
	v11 =	vld.idx.msk [tilespmem:v21+s23+$0x0], $0xffff  }
0x10a: {  	v18 =	vpop (erf);
	v14 =	vor.u32 v1, v4;
	v4 =	vld.idx.msk [tilespmem:v21+s24+$0x0], $0xffff;
	v8 =	vadd.f32 v20, v8;
	v3 =	vadd.f32 v9, v3  }
0x10b: {  	v16 =	vmul.f32 v18, v5;
	v18 =	vld.idx.msk [tilespmem:v22+s23+$0x0], $0xffff;
	(erf) = vrcp.f32 v17  }
0x10c: {  	v19 =	vld.idx.msk [tilespmem:v22+s24+$0x0], $0xffff;
	v9 =	vor.u32 $0x1, v14;
	v8 =	vadd.f32 v15, v8;
	v3 =	vadd.f32 v13, v3  }
0x10d: {  	v10 =	vadd.f32 v10, v16;
	v16 =	vld.idx.msk [tilespmem:v7+s23+$0x0], $0xffff  }
0x10e: {  	v7 =	vld.idx.msk [tilespmem:v7+s24+$0x0], $0xffff;
	v20 =	vor.u32 $0x2, v14;
	v8 =	vadd.f32 v11, v8;
	v3 =	vadd.f32 v12, v3  }
0x10f: {  	v10 =	vmul.f32 $5.000000000e-01, v10;
	v13 =	vld.idx.msk [tilespmem:v14+s23+$0x0], $0xffff  }
0x110: {  	v15 =	vor.u32 $0x3, v14;
	v11 =	vld.idx.msk [tilespmem:v14+s24+$0x0], $0xffff;
	v3 =	vadd.f32 v4, v3;
	v4 =	vadd.f32 v18, v8  }
0x111: {  	(erf) = vrcp.f32 v10;
	v12 =	vld.idx.msk [tilespmem:v9+s23+$0x0], $0xffff  }
0x112: {  	v21 =	vor.u32 $0x4, v14;
	v8 =	vld.idx.msk [tilespmem:v9+s24+$0x0], $0xffff;
	v3 =	vadd.f32 v19, v3;
	v4 =	vadd.f32 v16, v4  }
0x113: {  	v9 =	vor.u32 $0x5, v14;
	v18 =	vld.idx.msk [tilespmem:v20+s23+$0x0], $0xffff  }
0x114: {  	v16 =	vld.idx.msk [tilespmem:v20+s24+$0x0], $0xffff;
	v13 =	vadd.f32 $0.0e+00, v13;
	v7 =	vadd.f32 v7, v3;
	v3 =	vmax.f32 v4, $1.000000000e-30  }
0x115: {  	v22 =	vor.u32 $0x6, v14;
	v23 =	vld.idx.msk [tilespmem:v15+s23+$0x0], $0xffff;
	v19 =	vpop (erf);
	v4 =	vadd.f32 $0.0e+00, v11;
	v24 =	vshra.s32 v3, $0x1  }
0x116: {  	v19 =	vmul.f32 v19, v6;
	v11 =	vld.idx.msk [tilespmem:v15+s24+$0x0], $0xffff;
	v12 =	vadd.f32 v12, v13;
	v24 =	vadd.s32 $0x1FBD1DF5, v24  }
0x117: {  	v13 =	vld.idx.msk [tilespmem:v21+s23+$0x0], $0xffff;
	v8 =	vadd.f32 v8, v4;
	(erf) = vrcp.f32 v24  }
0x118: {  	v20 =	vor.u32 $0x7, v14;
	v21 =	vld.idx.msk [tilespmem:v21+s24+$0x0], $0xffff;
	v4 =	vmax.f32 v7, $1.000000000e-30;
	v7 =	vadd.f32 v18, v12  }
0x119: {  	v15 =	vor.u32 $0x8, v14;
	v12 =	vld.idx.msk [tilespmem:v9+s23+$0x0], $0xffff;
	v18 =	vshra.s32 v4, $0x1;
	v8 =	vadd.f32 v16, v8  }
0x11a: {  	v17 =	vadd.f32 v19, v17;
	v9 =	vld.idx.msk [tilespmem:v9+s24+$0x0], $0xffff;
	v19 =	vpop (erf);
	v16 =	vadd.s32 $0x1FBD1DF5, v18;
	v7 =	vadd.f32 v23, v7  }
0x11b: {  	v18 =	vmul.f32 v19, v5;
	v19 =	vld.idx.msk [tilespmem:v22+s23+$0x0], $0xffff;
	(erf) = vrcp.f32 v16;
	v8 =	vadd.f32 v11, v8  }
0x11c: {  	v17 =	vmul.f32 $5.000000000e-01, v17;
	v23 =	vor.u32 $0x9, v14;
	v11 =	vld.idx.msk [tilespmem:v22+s24+$0x0], $0xffff;
	v7 =	vadd.f32 v13, v7  }
0x11d: {  	v13 =	vld.idx.msk [tilespmem:v20+s23+$0x0], $0xffff;
	v10 =	vadd.f32 v18, v10;
	v8 =	vadd.f32 v21, v8  }
0x11e: {  	v18 =	vor.u32 $0xA, v14;
	(erf) = vrcp.f32 v17;
	v20 =	vld.idx.msk [tilespmem:v20+s24+$0x0], $0xffff;
	v7 =	vadd.f32 v12, v7  }
0x11f: {  	v12 =	vld.idx.msk [tilespmem:v15+s23+$0x0], $0xffff;
	v10 =	vmul.f32 $5.000000000e-01, v10;
	v8 =	vadd.f32 v9, v8  }
0x120: {  	v21 =	vor.u32 $0xB, v14;
	v9 =	vld.idx.msk [tilespmem:v15+s24+$0x0], $0xffff;
	v7 =	vadd.f32 v19, v7;
	v22 =	vpop (erf)  }
0x121: {  	v15 =	vld.idx.msk [tilespmem:v23+s23+$0x0], $0xffff;
	(erf) = vrcp.f32 v10;
	v8 =	vadd.f32 v11, v8;
	v22 =	vmul.f32 v22, v3  }
0x122: {  	v19 =	vor.u32 $0xC, v14;
	v11 =	vld.idx.msk [tilespmem:v23+s24+$0x0], $0xffff;
	v7 =	vadd.f32 v13, v7  }
0x123: {  	v13 =	vld.idx.msk [tilespmem:v18+s23+$0x0], $0xffff;
	v8 =	vadd.f32 v20, v8;
	v22 =	vadd.f32 v24, v22  }
0x124: {  	v23 =	vor.u32 $0xD, v14;
	v18 =	vld.idx.msk [tilespmem:v18+s24+$0x0], $0xffff;
	v20 =	vpop (erf);
	v7 =	vadd.f32 v12, v7  }
0x125: {  	v12 =	vld.idx.msk [tilespmem:v21+s23+$0x0], $0xffff;
	v20 =	vmul.f32 v20, v4;
	v8 =	vadd.f32 v9, v8  }
0x126: {  	v24 =	vor.u32 $0xE, v14;
	v14 =	vor.u32 $0xF, v14;
	v9 =	vld.idx.msk [tilespmem:v21+s24+$0x0], $0xffff;
	v7 =	vadd.f32 v15, v7  }
0x127: {  	s31 =	simm.s32 $0x30;
	v15 =	vld.idx.msk [tilespmem:v19+s23+$0x0], $0xffff;
	v21 =	vmul.f32 $5.000000000e-01, v22;
	v16 =	vadd.f32 v16, v20;
	v8 =	vadd.f32 v11, v8;
	v22 =	vpop (erf)  }
0x128: {  	v11 =	vld.idx.msk [tilespmem:v19+s24+$0x0], $0xffff;
	v7 =	vadd.f32 v13, v7;
	v20 =	vmul.f32 v22, v6;
	v6 =	vmov s31  }
0x129: {  	v13 =	vld.idx.msk [tilespmem:v23+s23+$0x0], $0xffff;
	(erf) = vrcp.f32 v21;
	v8 =	vadd.f32 v18, v8;
	v6 =	vshll.u32 v6, $0x4  }
0x12a: {  	v18 =	vld.idx.msk [tilespmem:v23+s24+$0x0], $0xffff;
	v19 =	vpop (erf);
	v7 =	vadd.f32 v12, v7;
	v6 =	vor.u32 v1, v6  }
0x12b: {  	v12 =	vld.idx.msk [tilespmem:v24+s23+$0x0], $0xffff;
	v5 =	vmul.f32 v19, v5;
	v17 =	vadd.f32 v20, v17;
	v9 =	vadd.f32 v9, v8  }
0x12c: {  	v22 =	vld.idx.msk [tilespmem:v24+s24+$0x0], $0xffff;
	v8 =	vmul.f32 $5.000000000e-01, v16;
	v7 =	vadd.f32 v15, v7;
	v20 =	vor.u32 $0x1, v6  }
0x12d: {  	v15 =	vld.idx.msk [tilespmem:v14+s23+$0x0], $0xffff;
	v19 =	vor.u32 $0x2, v6;
	v23 =	vor.u32 $0x3, v6;
	v5 =	vadd.f32 v5, v10  }
0x12e: {  	v24 =	vor.u32 $0x4, v6;
	v10 =	vld.idx.msk [tilespmem:v14+s24+$0x0], $0xffff;
	v9 =	vadd.f32 v11, v9;
	v11 =	vmul.f32 $5.000000000e-01, v17  }
0x12f: {  	v7 =	vadd.f32 v13, v7;
	(erf) = vrcp.f32 v8;
	v5 =	vmul.f32 $5.000000000e-01, v5;
	v16 =	vld.idx.msk [tilespmem:v6+s23+$0x0], $0xffff  }
0x130: {  	v25 =	vor.u32 $0x5, v6;
	v9 =	vadd.f32 v18, v9;
	v11 =	vsub.f32 $0.0e+00, v11;
	v17 =	vld.idx.msk [tilespmem:v6+s24+$0x0], $0xffff  }
0x131: {  	v14 =	vor.u32 $0x6, v6;
	v7 =	vadd.f32 v12, v7;
	v5 =	vsub.f32 $0.0e+00, v5;
	v18 =	vld.idx.msk [tilespmem:v20+s23+$0x0], $0xffff  }
0x132: {  	v12 =	vor.u32 $0x7, v6;
	v20 =	vld.idx.msk [tilespmem:v20+s24+$0x0], $0xffff;
	v9 =	vadd.f32 v22, v9;
	v13 =	vpop (erf);
	v11 =	vmul.f32 $1.442695020e+00, v11  }
0x133: {  	v22 =	vld.idx.msk [tilespmem:v19+s23+$0x0], $0xffff;
	v7 =	vadd.f32 v15, v7;
	v15 =	vmul.f32 v13, v3;
	v26 =	vmul.f32 $1.442695020e+00, v5  }
0x134: {  	v27 =	vld.idx.msk [tilespmem:v19+s24+$0x0], $0xffff;
	v13 =	vor.u32 $0x8, v6;
	v9 =	vadd.f32 v10, v9;
	(erf) = vpow2.f32 v11  }
0x135: {  	v19 =	vld.idx.msk [tilespmem:v24+s24+$0x0], $0xffff;
	v5 =	vmax.f32 v7, $1.000000000e-30;
	(erf) = vpow2.f32 v26;
	v10 =	vadd.f32 $0.0e+00, v16  }
0x136: {  	v11 =	vshra.s32 v5, $0x1;
	v26 =	vadd.f32 v15, v21;
	v16 =	vld.idx.msk [tilespmem:v23+s23+$0x0], $0xffff;
	v7 =	vadd.f32 $0.0e+00, v17  }
0x137: {  	v15 =	vor.u32 $0x9, v6;
	v17 =	vld.idx.msk [tilespmem:v23+s24+$0x0], $0xffff;
	v21 =	vadd.f32 v18, v10;
	v10 =	vadd.s32 $0x1FBD1DF5, v11  }
0x138: {  	v18 =	vld.idx.msk [tilespmem:v24+s23+$0x0], $0xffff;
	v11 =	vadd.f32 v20, v7;
	v7 =	vmax.f32 v9, $1.000000000e-30;
	v9 =	vpop (erf);
	(erf) = vrcp.f32 v10  }
0x139: {  	v20 =	vld.idx.msk [tilespmem:v25+s23+$0x0], $0xffff;
	v28 =	vshra.s32 v7, $0x1;
	v23 =	vadd.f32 v22, v21;
	v22 =	vmul.f32 v9, v4  }
0x13a: {  	s20 =	simm.s32 $0x40;
	v24 =	vadd.f32 v27, v11;
	v21 =	vld.idx.msk [tilespmem:v25+s24+$0x0], $0xffff;
	v11 =	vadd.s32 $0x1FBD1DF5, v28;
	v9 =	vmul.f32 $5.000000000e-01, v26  }
.LBB2_6:
0x13b: {  	p0 =	sne.s32 s20, $0x70;
	v16 =	vadd.f32 v16, v23;
	v23 =	vld.idx.msk [tilespmem:v14+s23+$0x0], $0xffff;
	v25 =	vor.u32 $0xA, v6;
	(erf) = vrcp.f32 v11;
	s25 =	smov.u32 s20;
	s20 =	sadd.s32 $0x10, s20  }
0x13c: {  	v26 =	vor.u32 $0xC, v6;
	v17 =	vadd.f32 v17, v24;
	v14 =	vld.idx.msk [tilespmem:v14+s24+$0x0], $0xffff;
	v24 =	vor.u32 $0xB, v6  }
0x13d: {  	v8 =	vadd.f32 v22, v8;
	v16 =	vadd.f32 v18, v16;
	v18 =	vld.idx.msk [tilespmem:v12+s23+$0x0], $0xffff;
	(erf) = vrcp.f32 v9;
	v22 =	vpop (erf)  }
0x13e: {  	v17 =	vadd.f32 v19, v17;
	v12 =	vld.idx.msk [tilespmem:v12+s24+$0x0], $0xffff;
	v19 =	vor.u32 $0xD, v6;
	v30 =	vsub.f32 $9.999999770e-03, v22;
	v27 =	vpop (erf)  }
0x13f: {  	v28 =	vor.u32 $0xE, v6;
	v29 =	vmul.f32 $5.000000000e-01, v8;
	v16 =	vadd.f32 v20, v16;
	v20 =	vld.idx.msk [tilespmem:v13+s23+$0x0], $0xffff  }
0x140: {  	v8 =	vadd.f32 v21, v17;
	v13 =	vld.idx.msk [tilespmem:v13+s24+$0x0], $0xffff;
	v17 =	vor.u32 $0xF, v6;
	v6 =	vadd.f32 v27, v30  }
0x141: {  	v16 =	vadd.f32 v23, v16;
	v21 =	vld.idx.msk [tilespmem:v15+s23+$0x0], $0xffff;
	v22 =	vpop (erf);
	(erf) = vrcp.f32 v29  }
0x142: {  	v8 =	vadd.f32 v14, v8;
	v14 =	vld.idx.msk [tilespmem:v15+s24+$0x0], $0xffff;
	v15 =	vmul.f32 v22, v5;
	v6 =	vmax.f32 v6, $0.0e+00  }
0x143: {  	v16 =	vadd.f32 v18, v16;
	v18 =	vld.idx.msk [tilespmem:v25+s23+$0x0], $0xffff;
	v2 =	vadd.f32 v6, v2  }
0x144: {  	v6 =	vadd.f32 v12, v8;
	v8 =	vld.idx.msk [tilespmem:v25+s24+$0x0], $0xffff;
	v10 =	vadd.f32 v10, v15;
	v12 =	vpop (erf)  }
0x145: {  	v15 =	vadd.f32 v20, v16;
	v16 =	vld.idx.msk [tilespmem:v24+s23+$0x0], $0xffff;
	v12 =	vmul.f32 v12, v7  }
0x146: {  	v6 =	vadd.f32 v13, v6;
	v13 =	vld.idx.msk [tilespmem:v24+s24+$0x0], $0xffff;
	v10 =	vmul.f32 $5.000000000e-01, v10;
	v20 =	vpop (erf)  }
0x147: {  	v15 =	vadd.f32 v21, v15;
	v21 =	vld.idx.msk [tilespmem:v26+s23+$0x0], $0xffff;
	v11 =	vadd.f32 v11, v12;
	v12 =	vmul.f32 v20, v3  }
0x148: {  	v20 =	vmov s25;
	v3 =	vmov v5;
	v14 =	vadd.f32 v14, v6;
	v22 =	vld.idx.msk [tilespmem:v26+s24+$0x0], $0xffff  }
0x149: {  	v5 =	vshll.u32 v20, $0x4;
	v15 =	vadd.f32 v18, v15;
	v18 =	vld.idx.msk [tilespmem:v19+s23+$0x0], $0xffff;
	(erf) = vrcp.f32 v10  }
0x14a: {  	v6 =	vor.u32 v1, v5;
	v9 =	vadd.f32 v12, v9;
	v5 =	vadd.f32 v8, v14;
	v14 =	vld.idx.msk [tilespmem:v19+s24+$0x0], $0xffff;
	v8 =	vpop (erf)  }
0x14b: {  	v12 =	vor.u32 $0x1, v6;
	v15 =	vadd.f32 v16, v15;
	v16 =	vld.idx.msk [tilespmem:v28+s23+$0x0], $0xffff;
	v19 =	vmul.f32 v8, v4;
	v4 =	vmovc v7  }
0x14c: {  	v7 =	vor.u32 $0x2, v6;
	v8 =	vmul.f32 $5.000000000e-01, v11;
	v5 =	vadd.f32 v13, v5;
	v13 =	vld.idx.msk [tilespmem:v28+s24+$0x0], $0xffff  }
0x14d: {  	v11 =	vor.u32 $0x3, v6;
	v15 =	vadd.f32 v21, v15;
	v20 =	vld.idx.msk [tilespmem:v17+s23+$0x0], $0xffff;
	v19 =	vadd.f32 v19, v29  }
0x14e: {  	v9 =	vmul.f32 $5.000000000e-01, v9;
	v21 =	vor.u32 $0x4, v6;
	v5 =	vadd.f32 v22, v5;
	v17 =	vld.idx.msk [tilespmem:v17+s24+$0x0], $0xffff  }
0x14f: {  	v22 =	vld.idx.msk [tilespmem:v6+s23+$0x0], $0xffff;
	v15 =	vadd.f32 v18, v15;
	(erf) = vrcp.f32 v8;
	v18 =	vmul.f32 $5.000000000e-01, v19  }
0x150: {  	v25 =	vor.u32 $0x5, v6;
	v9 =	vsub.f32 $0.0e+00, v9;
	v19 =	vld.idx.msk [tilespmem:v6+s24+$0x0], $0xffff;
	v5 =	vadd.f32 v14, v5  }
0x151: {  	v14 =	vor.u32 $0x6, v6;
	v23 =	vld.idx.msk [tilespmem:v12+s23+$0x0], $0xffff;
	v15 =	vadd.f32 v16, v15;
	v16 =	vsub.f32 $0.0e+00, v18  }
0x152: {  	v9 =	vmul.f32 $1.442695020e+00, v9;
	v24 =	vld.idx.msk [tilespmem:v12+s24+$0x0], $0xffff;
	v12 =	vor.u32 $0x7, v6;
	v5 =	vadd.f32 v13, v5;
	v13 =	vpop (erf)  }
0x153: {  	v26 =	vld.idx.msk [tilespmem:v7+s23+$0x0], $0xffff;
	v15 =	vadd.f32 v20, v15;
	v18 =	vmul.f32 v13, v3;
	v20 =	vmul.f32 $1.442695020e+00, v16  }
0x154: {  	v13 =	vor.u32 $0x8, v6;
	v27 =	vld.idx.msk [tilespmem:v7+s24+$0x0], $0xffff;
	v7 =	vadd.f32 v17, v5;
	(erf) = vpow2.f32 v9  }
0x155: {  	v9 =	vadd.f32 $0.0e+00, v22;
	v16 =	vld.idx.msk [tilespmem:v11+s23+$0x0], $0xffff;
	v5 =	vmax.f32 v15, $1.000000000e-30;
	(erf) = vpow2.f32 v20  }
.Ltmp2:
0x156: {  	v19 =	vadd.f32 $0.0e+00, v19;
	v28 =	vadd.f32 v18, v10;
	v17 =	vld.idx.msk [tilespmem:v11+s24+$0x0], $0xffff;
	v11 =	vshra.s32 v5, $0x1;
	(pc) =	sbr.rel @p0 .LBB2_6-.Ltmp2, $4  }
0x157: {  	v15 =	vor.u32 $0x9, v6;
	v9 =	vadd.f32 v23, v9;
	v18 =	vld.idx.msk [tilespmem:v21+s23+$0x0], $0xffff;
	v10 =	vadd.s32 $0x1FBD1DF5, v11  }
0x158: {  	v7 =	vmax.f32 v7, $1.000000000e-30;
	v11 =	vadd.f32 v24, v19;
	v19 =	vld.idx.msk [tilespmem:v21+s24+$0x0], $0xffff;
	(erf) = vrcp.f32 v10;
	v21 =	vpop (erf)  }
0x159: {  	v23 =	vadd.f32 v26, v9;
	v9 =	vshra.s32 v7, $0x1;
	v20 =	vld.idx.msk [tilespmem:v25+s23+$0x0], $0xffff;
	v22 =	vmul.f32 v21, v4  }
0x15a: {  	v24 =	vadd.f32 v27, v11;
	v11 =	vadd.s32 $0x1FBD1DF5, v9;
	v9 =	vmul.f32 $5.000000000e-01, v28;
	v21 =	vld.idx.msk [tilespmem:v25+s24+$0x0], $0xffff  }
0x15b: {  	_ =	sdelay $0x2  }
0x15c: {  	v16 =	vadd.f32 v16, v23  }
0x15d: {  	v51 =	vld.idx.msk [tilespmem:v14+s23+$0x0], $0xffff;
	v17 =	vadd.f32 v17, v24  }
0x15e: {  	v52 =	vld.idx.msk [tilespmem:v14+s24+$0x0], $0xffff;
	v16 =	vadd.f32 v18, v16  }
0x15f: {  	v53 =	vld.idx.msk [tilespmem:v12+s23+$0x0], $0xffff;
	v17 =	vadd.f32 v19, v17  }
0x160: {  	v54 =	vor.u32 $0xA, v6;
	v8 =	vadd.f32 v22, v8;
	v55 =	vld.idx.msk [tilespmem:v12+s24+$0x0], $0xffff;
	v16 =	vadd.f32 v20, v16  }
0x161: {  	(erf) = vrcp.f32 v11;
	v56 =	vld.idx.msk [tilespmem:v13+s23+$0x0], $0xffff;
	v17 =	vadd.f32 v21, v17  }
0x162: {  	v57 =	vor.u32 $0xB, v6;
	v58 =	vld.idx.msk [tilespmem:v13+s24+$0x0], $0xffff;
	v8 =	vmul.f32 $5.000000000e-01, v8;
	v16 =	vadd.f32 v51, v16  }
0x163: {  	v59 =	vld.idx.msk [tilespmem:v15+s23+$0x0], $0xffff;
	(erf) = vrcp.f32 v9;
	v14 =	vadd.f32 v52, v17  }
0x164: {  	v60 =	vor.u32 $0xC, v6;
	v61 =	vld.idx.msk [tilespmem:v15+s24+$0x0], $0xffff;
	(erf) = vrcp.f32 v8;
	v16 =	vadd.f32 v53, v16  }
0x165: {  	v62 =	vld.idx.msk [tilespmem:v54+s23+$0x0], $0xffff;
	v12 =	vadd.f32 v55, v14  }
0x166: {  	v63 =	vor.u32 $0xD, v6;
	v19 =	vld.idx.msk [tilespmem:v54+s24+$0x0], $0xffff;
	v16 =	vadd.f32 v56, v16  }
0x167: {  	v28 =	vld.idx.msk [tilespmem:v57+s23+$0x0], $0xffff;
	v12 =	vadd.f32 v58, v12  }
0x168: {  	v30 =	vor.u32 $0xE, v6;
	v29 =	vpop (erf);
	v21 =	vld.idx.msk [tilespmem:v57+s24+$0x0], $0xffff;
	v16 =	vadd.f32 v59, v16  }
0x169: {  	v31 =	vpop (erf);
	v32 =	vld.idx.msk [tilespmem:v60+s23+$0x0], $0xffff;
	v12 =	vadd.f32 v61, v12  }
0x16a: {  	v33 =	vor.u32 $0xF, v6;
	v34 =	vpop (erf);
	v17 =	vld.idx.msk [tilespmem:v60+s24+$0x0], $0xffff;
	v16 =	vadd.f32 v62, v16  }
0x16b: {  	v25 =	vld.idx.msk [tilespmem:v63+s23+$0x0], $0xffff;
	v15 =	vmul.f32 v34, v5;
	v35 =	vpop (erf);
	v12 =	vadd.f32 v19, v12  }
0x16c: {  	v14 =	vld.idx.msk [tilespmem:v63+s24+$0x0], $0xffff;
	v18 =	vmul.f32 v35, v7;
	v36 =	vpop (erf);
	v16 =	vadd.f32 v28, v16  }
0x16d: {  	v38 =	vld.idx.msk [tilespmem:v30+s23+$0x0], $0xffff;
	v10 =	vadd.f32 v10, v15;
	v3 =	vmul.f32 v36, v3;
	v37 =	vpop (erf);
	v12 =	vadd.f32 v21, v12  }
0x16e: {  	v40 =	vld.idx.msk [tilespmem:v30+s24+$0x0], $0xffff;
	v39 =	vadd.f32 v11, v18;
	v4 =	vmul.f32 v37, v4;
	v16 =	vadd.f32 v32, v16  }
0x16f: {  	v41 =	vld.idx.msk [tilespmem:v33+s23+$0x0], $0xffff;
	v3 =	vadd.f32 v3, v9;
	v12 =	vadd.f32 v17, v12  }
0x170: {  	v6 =	vld.idx.msk [tilespmem:v33+s24+$0x0], $0xffff;
	v4 =	vadd.f32 v4, v8;
	v42 =	vadd.f32 v25, v16  }
0x171: {  	v10 =	vmul.f32 $5.000000000e-01, v10;
	v3 =	vmul.f32 $5.000000000e-01, v3;
	v12 =	vadd.f32 v14, v12  }
0x172: {  	v11 =	vmul.f32 $5.000000000e-01, v39;
	v4 =	vmul.f32 $5.000000000e-01, v4;
	v8 =	vadd.f32 v38, v42  }
0x173: {  	(erf) = vrcp.f32 v10;
	v3 =	vsub.f32 $0.0e+00, v3;
	v12 =	vadd.f32 v40, v12  }
0x174: {  	(erf) = vrcp.f32 v11;
	v4 =	vsub.f32 $0.0e+00, v4;
	v8 =	vadd.f32 v41, v8  }
0x175: {  	v3 =	vmul.f32 $1.442695020e+00, v3;
	v6 =	vadd.f32 v6, v12  }
0x176: {  	v4 =	vmul.f32 $1.442695020e+00, v4;
	v8 =	vmax.f32 v8, $1.000000000e-30  }
0x177: {  	(erf) = vpow2.f32 v3;
	v3 =	vshra.s32 v8, $0x1;
	v6 =	vmax.f32 v6, $1.000000000e-30  }
0x178: {  	(erf) = vpow2.f32 v4;
	v3 =	vadd.s32 $0x1FBD1DF5, v3;
	v43 =	vshra.s32 v6, $0x1  }
0x179: {  	(erf) = vrcp.f32 v3;
	v4 =	vadd.s32 $0x1FBD1DF5, v43  }
0x17a: {  	(erf) = vrcp.f32 v4;
	_ =	sdelay $0x1  }
0x17b: {  	v44 =	vpop (erf)  }
0x17c: {  	v9 =	vmul.f32 v44, v5;
	v45 =	vpop (erf)  }
0x17d: {  	v12 =	vmul.f32 v45, v7  }
0x17e: {  	v9 =	vadd.f32 v9, v10  }
0x17f: {  	v46 =	vadd.f32 v12, v11;
	v47 =	vpop (erf)  }
0x180: {  	v9 =	vmul.f32 $5.000000000e-01, v9;
	v48 =	vpop (erf)  }
0x181: {  	v10 =	vmul.f32 $5.000000000e-01, v46;
	v49 =	vpop (erf)  }
0x182: {  	(erf) = vrcp.f32 v9;
	v14 =	vmul.f32 v49, v8;
	v50 =	vpop (erf)  }
0x183: {  	(erf) = vrcp.f32 v10;
	v15 =	vmul.f32 v50, v6  }
0x184: {  	v3 =	vadd.f32 v3, v14  }
0x185: {  	v4 =	vadd.f32 v4, v15  }
0x186: {  	v3 =	vmul.f32 $5.000000000e-01, v3  }
0x187: {  	v4 =	vmul.f32 $5.000000000e-01, v4  }
0x188: {  	(erf) = vrcp.f32 v3  }
0x189: {  	(erf) = vrcp.f32 v4;
	_ =	sdelay $0x1  }
0x18a: {  	v51 =	vpop (erf)  }
0x18b: {  	v52 =	vmul.f32 v51, v5;
	v53 =	vpop (erf)  }
0x18c: {  	v54 =	vmul.f32 v53, v7  }
0x18d: {  	v5 =	vadd.f32 v52, v9  }
0x18e: {  	v7 =	vadd.f32 v54, v10  }
0x18f: {  	v5 =	vmul.f32 $5.000000000e-01, v5  }
0x190: {  	v7 =	vmul.f32 $5.000000000e-01, v7;
	v55 =	vpop (erf)  }
0x191: {  	v5 =	vsub.f32 $0.0e+00, v5;
	v9 =	vmul.f32 v55, v8;
	v56 =	vpop (erf)  }
0x192: {  	v7 =	vsub.f32 $0.0e+00, v7;
	v10 =	vmul.f32 v56, v6  }
0x193: {  	v5 =	vmul.f32 $1.442695020e+00, v5;
	v3 =	vadd.f32 v9, v3  }
0x194: {  	v7 =	vmul.f32 $1.442695020e+00, v7;
	v4 =	vadd.f32 v10, v4  }
0x195: {  	(erf) = vpow2.f32 v5;
	v3 =	vmul.f32 $5.000000000e-01, v3  }
0x196: {  	(erf) = vpow2.f32 v7;
	v4 =	vmul.f32 $5.000000000e-01, v4  }
0x197: {  	(erf) = vrcp.f32 v3  }
0x198: {  	(erf) = vrcp.f32 v4;
	_ =	sdelay $0x5  }
0x199: {  	v5 =	vpop (erf)  }
0x19a: {  	v7 =	vpop (erf)  }
0x19b: {  	v57 =	vpop (erf)  }
0x19c: {  	v8 =	vmul.f32 v57, v8;
	v58 =	vpop (erf)  }
0x19d: {  	v6 =	vmul.f32 v58, v6  }
0x19e: {  	v3 =	vadd.f32 v8, v3  }
0x19f: {  	v4 =	vadd.f32 v6, v4  }
0x1a0: {  	v3 =	vmul.f32 $5.000000000e-01, v3  }
0x1a1: {  	v4 =	vmul.f32 $5.000000000e-01, v4  }
0x1a2: {  	v3 =	vsub.f32 $0.0e+00, v3  }
0x1a3: {  	v4 =	vsub.f32 $0.0e+00, v4  }
0x1a4: {  	v3 =	vmul.f32 $1.442695020e+00, v3  }
0x1a5: {  	v4 =	vmul.f32 $1.442695020e+00, v4  }
0x1a6: {  	(erf) = vpow2.f32 v3  }
0x1a7: {  	(erf) = vpow2.f32 v4;
	_ =	sdelay $0x3  }
0x1a8: {  	s0 =	simm.s32 $0x100  }
0x1a9: {  	[tilespmem:s14], [sflag:$0x1] =	stream.indirect.gather [hbm4b:s1+s13], $0x80, s0, s13, $0xb8;
	[tilespmem:$0x19680] =	vst v63  }
0x1aa: {  	s25 =	simm.s32 $0x300  }
0x1ab: {  	[tilespmem:s15], [sflag:$0x1] =	stream.indirect.gather [hbm4b:s2+s13], $0x80, s25, s13, $0xb8;
	v59 =	vsub.f32 $9.999999770e-03, v29;
	[tilespmem:$0x19680] =	vst v63  }
0x1ac: {  	s26 =	simm.s32 $0x500;
	v3 =	vpop (erf)  }
0x1ad: {  	[tilespmem:s16], [sflag:$0x1] =	stream.indirect.gather [hbm4b:s2+s13], $0x80, s26, s13, $0xb8;
	v61 =	vsub.f32 $9.999999770e-03, v47;
	v4 =	vadd.f32 v31, v59;
	v60 =	vpop (erf);
	[tilespmem:$0x19680] =	vst v63  }
0x1ae: {  	_ =	swait.ge [sflag:s29], $0x4000  }
0x1af: {  	v5 =	vsub.f32 $9.999999770e-03, v5;
	v8 =	vadd.f32 v48, v61;
	v4 =	vmax.f32 v4, $0.0e+00;
	[sflag:s29] =	ssyncset.done $0x0  }
0x1b0: {  	v2 =	vadd.f32 v4, v2;
	[sflag:s29] =	ssyncadd.s32 $0xFFFFC000  }
0x1b1: {  	v5 =	vadd.f32 v7, v5;
	v62 =	vmax.f32 v8, $0.0e+00;
	v3 =	vsub.f32 $9.999999770e-03, v3;
	_ =	swait.ge [sflag:s29], $0x4000  }
0x1b2: {  	v2 =	vadd.f32 v62, v2;
	[sflag:s29] =	ssyncset.done $0x0  }
0x1b3: {  	v63 =	vmax.f32 v5, $0.0e+00;
	v3 =	vadd.f32 v60, v3;
	[sflag:s29] =	ssyncadd.s32 $0xFFFFC000  }
0x1b4: {  	s20 =	simm.s32 $0xFFFFFFFC;
	s28 =	simm.s32 $0xC700;
	v2 =	vadd.f32 v63, v2;
	_ =	swait.ge [sflag:s29], $0x4000  }
0x1b5: {  	s30 =	simm.s32 $0x10700;
	s31 =	simm.s32 $0x14700;
	v3 =	vmax.f32 v3, $0.0e+00;
	[sflag:s29] =	ssyncset.done $0x0  }
0x1b6: {  	s25 =	simm.s32 $0x18620;
	s26 =	simm.s32 $0x18E20;
	v2 =	vadd.f32 v3, v2;
	[sflag:s29] =	ssyncadd.s32 $0xFFFFC000  }
.LBB2_8:
0x1b7: {  	v3 =	vld [tilespmem:s28+$0xFFFFFF00]  }
0x1b8: {  	v4 =	vld [tilespmem:s30+$0xFFFFFF00]  }
0x1b9: {  	v5 =	vld [tilespmem:s31+$0xFFFFFF00]  }
0x1ba: {  	v6 =	vld [tilespmem:s28+$0xFFFFFF10]  }
0x1bb: {  	v7 =	vld [tilespmem:s30+$0xFFFFFF10]  }
0x1bc: {  	v9 =	vld [tilespmem:s28+$0xFFFFFF20]  }
0x1bd: {  	v12 =	vld [tilespmem:s28+$0xFFFFFF30]  }
0x1be: {  	v16 =	vld [tilespmem:s28+$0xFFFFFF50]  }
0x1bf: {  	v60 =	vld [tilespmem:s28+$0xFFFFFF70]  }
0x1c0: {  	v8 =	vld [tilespmem:s31+$0xFFFFFF10]  }
0x1c1: {  	v10 =	vld [tilespmem:s30+$0xFFFFFF20]  }
0x1c2: {  	v11 =	vld [tilespmem:s31+$0xFFFFFF20];
	v3 =	vadd.f32 $9.999999970e-07, v3;
	v6 =	vadd.f32 $9.999999970e-07, v6  }
0x1c3: {  	v13 =	vld [tilespmem:s30+$0xFFFFFF30];
	v49 =	vadd.f32 $9.999999970e-07, v9;
	v12 =	vadd.f32 $9.999999970e-07, v12  }
0x1c4: {  	v14 =	vld [tilespmem:s31+$0xFFFFFF30];
	v61 =	vadd.f32 $9.999999970e-07, v16;
	v23 =	vadd.f32 $9.999999970e-07, v60  }
0x1c5: {  	v48 =	vld [tilespmem:s28+$0xFFFFFF40];
	v4 =	vsub.f32 v3, v4;
	v3 =	vsub.f32 v3, v5  }
0x1c6: {  	v52 =	vld [tilespmem:s30+$0xFFFFFF50];
	v47 =	vsub.f32 v6, v7;
	v6 =	vsub.f32 v6, v8  }
0x1c7: {  	v50 =	vld [tilespmem:s30+$0xFFFFFF40];
	v10 =	vsub.f32 v49, v10;
	v51 =	vsub.f32 v49, v11  }
0x1c8: {  	v15 =	vld [tilespmem:s31+$0xFFFFFF40];
	v54 =	vsub.f32 v12, v13;
	v4 =	vmul.f32 v4, v4;
	v5 =	vmul.f32 v47, v47  }
0x1c9: {  	v56 =	vld [tilespmem:s28+$0xFFFFFF60];
	v12 =	vsub.f32 v12, v14;
	v3 =	vmul.f32 v3, v3;
	v6 =	vmul.f32 v6, v6  }
0x1ca: {  	v55 =	vld [tilespmem:s31+$0xFFFFFF50];
	v7 =	vadd.f32 $9.999999970e-07, v48;
	v53 =	vmul.f32 v10, v10;
	v4 =	vadd.f32 v5, v4  }
0x1cb: {  	v58 =	vld [tilespmem:s30+$0xFFFFFF60];
	v8 =	vsub.f32 v61, v52;
	v3 =	vadd.f32 v6, v3;
	v5 =	vmul.f32 v51, v51  }
0x1cc: {  	v62 =	vld [tilespmem:s31+$0xFFFFFF60];
	v57 =	vmul.f32 v54, v54;
	v9 =	vsub.f32 v7, v50;
	v4 =	vadd.f32 v53, v4  }
0x1cd: {  	v19 =	vld [tilespmem:s30+$0xFFFFFF70];
	v59 =	vmul.f32 v12, v12;
	v63 =	vsub.f32 v7, v15;
	v3 =	vadd.f32 v5, v3  }
0x1ce: {  	v20 =	vld [tilespmem:s31+$0xFFFFFF70];
	v13 =	vadd.f32 $9.999999970e-07, v56;
	v18 =	vmul.f32 v9, v9;
	v4 =	vadd.f32 v57, v4  }
0x1cf: {  	v6 =	vsub.f32 v61, v55;
	v5 =	vmul.f32 v63, v63;
	v3 =	vadd.f32 v59, v3  }
0x1d0: {  	v21 =	vmul.f32 v8, v8;
	v22 =	vsub.f32 v13, v58;
	v4 =	vadd.f32 v18, v4  }
0x1d1: {  	v25 =	vsub.f32 v13, v62;
	v24 =	vmul.f32 v6, v6;
	v3 =	vadd.f32 v5, v3  }
0x1d2: {  	v27 =	vsub.f32 v23, v19;
	v26 =	vmul.f32 v22, v22;
	v4 =	vadd.f32 v21, v4  }
0x1d3: {  	v29 =	vsub.f32 v23, v20;
	v28 =	vmul.f32 v25, v25;
	v3 =	vadd.f32 v24, v3  }
0x1d4: {  	v30 =	vmul.f32 v27, v27;
	v4 =	vadd.f32 v26, v4  }
0x1d5: {  	v31 =	vmul.f32 v29, v29;
	v3 =	vadd.f32 v28, v3  }
0x1d6: {  	v4 =	vadd.f32 v30, v4  }
0x1d7: {  	v3 =	vadd.f32 v31, v3  }
0x1d8: {  	[tilespmem:s25+$0xFFFFFFE0] =	vst v4  }
0x1d9: {  	[tilespmem:s26+$0xFFFFFFE0] =	vst v3  }
0x1da: {  	v3 =	vld [tilespmem:s28+$0xFFFFFF80]  }
0x1db: {  	v4 =	vld [tilespmem:s30+$0xFFFFFF80]  }
0x1dc: {  	v32 =	vld [tilespmem:s31+$0xFFFFFF80]  }
0x1dd: {  	v33 =	vld [tilespmem:s28+$0xFFFFFF90]  }
0x1de: {  	v36 =	vld [tilespmem:s28+$0xFFFFFFA0]  }
0x1df: {  	v39 =	vld [tilespmem:s28+$0xFFFFFFB0]  }
0x1e0: {  	v43 =	vld [tilespmem:s28+$0xFFFFFFC0]  }
0x1e1: {  	v47 =	vld [tilespmem:s28+$0xFFFFFFD0]  }
0x1e2: {  	v53 =	vld [tilespmem:s28+$0xFFFFFFE0]  }
0x1e3: {  	v57 =	vld [tilespmem:s28+$0xFFFFFFF0]  }
0x1e4: {  	v34 =	vld [tilespmem:s30+$0xFFFFFF90]  }
0x1e5: {  	v35 =	vld [tilespmem:s31+$0xFFFFFF90];
	v3 =	vadd.f32 $9.999999970e-07, v3;
	v6 =	vadd.f32 $9.999999970e-07, v33  }
0x1e6: {  	v37 =	vld [tilespmem:s30+$0xFFFFFFA0];
	v44 =	vadd.f32 $9.999999970e-07, v36;
	v12 =	vadd.f32 $9.999999970e-07, v39  }
0x1e7: {  	v38 =	vld [tilespmem:s31+$0xFFFFFFA0];
	v7 =	vadd.f32 $9.999999970e-07, v43;
	v58 =	vadd.f32 $9.999999970e-07, v47  }
0x1e8: {  	v40 =	vld [tilespmem:s30+$0xFFFFFFB0];
	v13 =	vadd.f32 $9.999999970e-07, v53;
	v20 =	vadd.f32 $9.999999970e-07, v57  }
0x1e9: {  	v41 =	vld [tilespmem:s31+$0xFFFFFFB0];
	v4 =	vsub.f32 v3, v4;
	v42 =	vsub.f32 v6, v34  }
0x1ea: {  	v45 =	vld [tilespmem:s30+$0xFFFFFFC0];
	v3 =	vsub.f32 v3, v32;
	v6 =	vsub.f32 v6, v35  }
0x1eb: {  	v46 =	vld [tilespmem:s31+$0xFFFFFFC0];
	v10 =	vsub.f32 v44, v37;
	v4 =	vmul.f32 v4, v4;
	v5 =	vmul.f32 v42, v42  }
0x1ec: {  	v49 =	vld [tilespmem:s30+$0xFFFFFFD0];
	v48 =	vsub.f32 v44, v38;
	v3 =	vmul.f32 v3, v3;
	v6 =	vmul.f32 v6, v6  }
0x1ed: {  	v52 =	vld [tilespmem:s31+$0xFFFFFFD0];
	v51 =	vsub.f32 v12, v40;
	v50 =	vmul.f32 v10, v10;
	v4 =	vadd.f32 v5, v4  }
0x1ee: {  	v55 =	vld [tilespmem:s30+$0xFFFFFFE0];
	v12 =	vsub.f32 v12, v41;
	v3 =	vadd.f32 v6, v3;
	v5 =	vmul.f32 v48, v48  }
0x1ef: {  	v59 =	vld [tilespmem:s31+$0xFFFFFFE0];
	v9 =	vsub.f32 v7, v45;
	v54 =	vmul.f32 v51, v51;
	v4 =	vadd.f32 v50, v4  }
0x1f0: {  	v62 =	vld [tilespmem:s30+$0xFFFFFFF0];
	v60 =	vsub.f32 v7, v46;
	v56 =	vmul.f32 v12, v12;
	v3 =	vadd.f32 v5, v3  }
0x1f1: {  	v63 =	vld [tilespmem:s31+$0xFFFFFFF0];
	v8 =	vsub.f32 v58, v49;
	v61 =	vmul.f32 v9, v9;
	v4 =	vadd.f32 v54, v4  }
0x1f2: {  	v6 =	vsub.f32 v58, v52;
	v5 =	vmul.f32 v60, v60;
	v3 =	vadd.f32 v56, v3  }
0x1f3: {  	v19 =	vsub.f32 v13, v55;
	v18 =	vmul.f32 v8, v8;
	v4 =	vadd.f32 v61, v4  }
0x1f4: {  	v22 =	vsub.f32 v13, v59;
	v21 =	vmul.f32 v6, v6;
	v3 =	vadd.f32 v5, v3  }
0x1f5: {  	v24 =	vsub.f32 v20, v62;
	v23 =	vmul.f32 v19, v19;
	v4 =	vadd.f32 v18, v4  }
0x1f6: {  	v26 =	vsub.f32 v20, v63;
	v25 =	vmul.f32 v22, v22;
	v3 =	vadd.f32 v21, v3  }
0x1f7: {  	v27 =	vmul.f32 v24, v24;
	v4 =	vadd.f32 v23, v4  }
0x1f8: {  	v28 =	vmul.f32 v26, v26;
	v3 =	vadd.f32 v25, v3  }
0x1f9: {  	v4 =	vadd.f32 v27, v4  }
0x1fa: {  	v3 =	vadd.f32 v28, v3  }
0x1fb: {  	[tilespmem:s25+$0xFFFFFFF0] =	vst v4  }
0x1fc: {  	[tilespmem:s26+$0xFFFFFFF0] =	vst v3  }
0x1fd: {  	v3 =	vld [tilespmem:s28+$0x0]  }
0x1fe: {  	v4 =	vld [tilespmem:s30+$0x0]  }
0x1ff: {  	v29 =	vld [tilespmem:s31+$0x0]  }
0x200: {  	v30 =	vld [tilespmem:s28+$0x10]  }
0x201: {  	v33 =	vld [tilespmem:s28+$0x20]  }
0x202: {  	v36 =	vld [tilespmem:s28+$0x30]  }
0x203: {  	v40 =	vld [tilespmem:s28+$0x40]  }
0x204: {  	v44 =	vld [tilespmem:s28+$0x50]  }
0x205: {  	v50 =	vld [tilespmem:s28+$0x60]  }
0x206: {  	v54 =	vld [tilespmem:s28+$0x70]  }
0x207: {  	v31 =	vld [tilespmem:s30+$0x10]  }
0x208: {  	v32 =	vld [tilespmem:s31+$0x10];
	v3 =	vadd.f32 $9.999999970e-07, v3;
	v6 =	vadd.f32 $9.999999970e-07, v30  }
0x209: {  	v34 =	vld [tilespmem:s30+$0x20];
	v41 =	vadd.f32 $9.999999970e-07, v33;
	v12 =	vadd.f32 $9.999999970e-07, v36  }
0x20a: {  	v35 =	vld [tilespmem:s31+$0x20];
	v7 =	vadd.f32 $9.999999970e-07, v40;
	v55 =	vadd.f32 $9.999999970e-07, v44  }
0x20b: {  	v37 =	vld [tilespmem:s30+$0x30];
	v13 =	vadd.f32 $9.999999970e-07, v50;
	v63 =	vadd.f32 $9.999999970e-07, v54  }
0x20c: {  	v38 =	vld [tilespmem:s31+$0x30];
	v4 =	vsub.f32 v3, v4;
	v39 =	vsub.f32 v6, v31  }
0x20d: {  	v42 =	vld [tilespmem:s30+$0x40];
	v3 =	vsub.f32 v3, v29;
	v6 =	vsub.f32 v6, v32  }
0x20e: {  	v43 =	vld [tilespmem:s31+$0x40];
	v10 =	vsub.f32 v41, v34;
	v4 =	vmul.f32 v4, v4;
	v5 =	vmul.f32 v39, v39  }
0x20f: {  	v46 =	vld [tilespmem:s30+$0x50];
	v45 =	vsub.f32 v41, v35;
	v3 =	vmul.f32 v3, v3;
	v6 =	vmul.f32 v6, v6  }
0x210: {  	v49 =	vld [tilespmem:s31+$0x50];
	v48 =	vsub.f32 v12, v37;
	v47 =	vmul.f32 v10, v10;
	v4 =	vadd.f32 v5, v4  }
0x211: {  	v52 =	vld [tilespmem:s30+$0x60];
	v12 =	vsub.f32 v12, v38;
	v3 =	vadd.f32 v6, v3;
	v5 =	vmul.f32 v45, v45  }
0x212: {  	v56 =	vld [tilespmem:s31+$0x60];
	v9 =	vsub.f32 v7, v42;
	v51 =	vmul.f32 v48, v48;
	v4 =	vadd.f32 v47, v4  }
0x213: {  	v59 =	vld [tilespmem:s30+$0x70];
	v57 =	vsub.f32 v7, v43;
	v53 =	vmul.f32 v12, v12;
	v3 =	vadd.f32 v5, v3  }
0x214: {  	v60 =	vld [tilespmem:s31+$0x70];
	v8 =	vsub.f32 v55, v46;
	v58 =	vmul.f32 v9, v9;
	v4 =	vadd.f32 v51, v4  }
0x215: {  	v6 =	vsub.f32 v55, v49;
	v5 =	vmul.f32 v57, v57;
	v3 =	vadd.f32 v53, v3  }
0x216: {  	v62 =	vsub.f32 v13, v52;
	v61 =	vmul.f32 v8, v8;
	v4 =	vadd.f32 v58, v4  }
0x217: {  	v16 =	vsub.f32 v13, v56;
	v12 =	vmul.f32 v6, v6;
	v3 =	vadd.f32 v5, v3  }
0x218: {  	v18 =	vsub.f32 v63, v59;
	v17 =	vmul.f32 v62, v62;
	v4 =	vadd.f32 v61, v4  }
0x219: {  	v20 =	vsub.f32 v63, v60;
	v19 =	vmul.f32 v16, v16;
	v3 =	vadd.f32 v12, v3  }
0x21a: {  	v21 =	vmul.f32 v18, v18;
	v4 =	vadd.f32 v17, v4  }
0x21b: {  	v22 =	vmul.f32 v20, v20;
	v3 =	vadd.f32 v19, v3  }
0x21c: {  	v4 =	vadd.f32 v21, v4  }
0x21d: {  	v3 =	vadd.f32 v22, v3  }
0x21e: {  	[tilespmem:s25+$0x0] =	vst v4  }
0x21f: {  	[tilespmem:s26+$0x0] =	vst v3  }
0x220: {  	v3 =	vld [tilespmem:s28+$0x80]  }
0x221: {  	v4 =	vld [tilespmem:s30+$0x80]  }
0x222: {  	v23 =	vld [tilespmem:s31+$0x80]  }
0x223: {  	v24 =	vld [tilespmem:s28+$0x90]  }
0x224: {  	v27 =	vld [tilespmem:s28+$0xA0]  }
0x225: {  	v30 =	vld [tilespmem:s28+$0xB0]  }
0x226: {  	v34 =	vld [tilespmem:s28+$0xC0]  }
0x227: {  	v38 =	vld [tilespmem:s28+$0xD0]  }
0x228: {  	v44 =	vld [tilespmem:s28+$0xE0]  }
0x229: {  	v48 =	vld [tilespmem:s28+$0xF0]  }
0x22a: {  	v25 =	vld [tilespmem:s30+$0x90]  }
0x22b: {  	v26 =	vld [tilespmem:s31+$0x90];
	v3 =	vadd.f32 $9.999999970e-07, v3;
	v6 =	vadd.f32 $9.999999970e-07, v24  }
0x22c: {  	v28 =	vld [tilespmem:s30+$0xA0];
	v35 =	vadd.f32 $9.999999970e-07, v27;
	v12 =	vadd.f32 $9.999999970e-07, v30  }
0x22d: {  	v29 =	vld [tilespmem:s31+$0xA0];
	v7 =	vadd.f32 $9.999999970e-07, v34;
	v49 =	vadd.f32 $9.999999970e-07, v38  }
0x22e: {  	v31 =	vld [tilespmem:s30+$0xB0];
	v13 =	vadd.f32 $9.999999970e-07, v44;
	v57 =	vadd.f32 $9.999999970e-07, v48  }
0x22f: {  	v32 =	vld [tilespmem:s31+$0xB0];
	v4 =	vsub.f32 v3, v4;
	v33 =	vsub.f32 v6, v25  }
0x230: {  	v36 =	vld [tilespmem:s30+$0xC0];
	v3 =	vsub.f32 v3, v23;
	v6 =	vsub.f32 v6, v26  }
0x231: {  	v37 =	vld [tilespmem:s31+$0xC0];
	v10 =	vsub.f32 v35, v28;
	v4 =	vmul.f32 v4, v4;
	v5 =	vmul.f32 v33, v33  }
0x232: {  	v40 =	vld [tilespmem:s30+$0xD0];
	v39 =	vsub.f32 v35, v29;
	v3 =	vmul.f32 v3, v3;
	v6 =	vmul.f32 v6, v6  }
0x233: {  	v43 =	vld [tilespmem:s31+$0xD0];
	v42 =	vsub.f32 v12, v31;
	v41 =	vmul.f32 v10, v10;
	v4 =	vadd.f32 v5, v4  }
0x234: {  	v46 =	vld [tilespmem:s30+$0xE0];
	v12 =	vsub.f32 v12, v32;
	v3 =	vadd.f32 v6, v3;
	v5 =	vmul.f32 v39, v39  }
0x235: {  	v50 =	vld [tilespmem:s31+$0xE0];
	v9 =	vsub.f32 v7, v36;
	v45 =	vmul.f32 v42, v42;
	v4 =	vadd.f32 v41, v4  }
0x236: {  	v53 =	vld [tilespmem:s30+$0xF0];
	v51 =	vsub.f32 v7, v37;
	v47 =	vmul.f32 v12, v12;
	v3 =	vadd.f32 v5, v3  }
0x237: {  	v54 =	vld [tilespmem:s31+$0xF0];
	v8 =	vsub.f32 v49, v40;
	v52 =	vmul.f32 v9, v9;
	v4 =	vadd.f32 v45, v4  }
0x238: {  	v6 =	vsub.f32 v49, v43;
	v5 =	vmul.f32 v51, v51;
	v3 =	vadd.f32 v47, v3  }
0x239: {  	v56 =	vsub.f32 v13, v46;
	v55 =	vmul.f32 v8, v8;
	v4 =	vadd.f32 v52, v4  }
0x23a: {  	v58 =	vsub.f32 v13, v50;
	v6 =	vmul.f32 v6, v6;
	v3 =	vadd.f32 v5, v3  }
0x23b: {  	v60 =	vsub.f32 v57, v53;
	v59 =	vmul.f32 v56, v56;
	v4 =	vadd.f32 v55, v4  }
0x23c: {  	s20 =	sadd.s32 $0x4, s20;
	v61 =	vsub.f32 v57, v54;
	v5 =	vmul.f32 v58, v58;
	v3 =	vadd.f32 v6, v3  }
0x23d: {  	p0 =	slt.u32 s20, $0x7C;
	v62 =	vmul.f32 v60, v60;
	v4 =	vadd.f32 v59, v4  }
.Ltmp3:
0x23e: {  	v63 =	vmul.f32 v61, v61;
	v3 =	vadd.f32 v5, v3;
	(pc) =	sbr.rel @p0 .LBB2_8-.Ltmp3, $4  }
0x23f: {  	v4 =	vadd.f32 v62, v4  }
0x240: {  	v3 =	vadd.f32 v63, v3  }
0x241: {  	s0 =	simm.s32 $0x0;
	s28 =	sadd.s32 $0x200, s28;
	s30 =	sadd.s32 $0x200, s30;
	[tilespmem:s25+$0x10] =	vst v4  }
0x242: {  	s31 =	sadd.s32 $0x200, s31;
	s25 =	sadd.s32 $0x40, s25;
	[tilespmem:s26+$0x10] =	vst v3;
	s26 =	sadd.s32 $0x40, s26  }
0x243: {  	v3 =	vmov s0  }
0x244: {  	v3 =	vshll.u32 v3, $0x4  }
0x245: {  	v3 =	vor.u32 v1, v3;
	_ =	sdelay $0x1  }
0x246: {  	v4 =	vor.u32 $0x1, v3;
	_ =	sdelay $0x1  }
0x247: {  	v5 =	vor.u32 $0x2, v3  }
0x248: {  	v6 =	vld.idx.msk [tilespmem:v3+s23+$0x0], $0xffff  }
0x249: {  	v7 =	vor.u32 $0x3, v3;
	v8 =	vld.idx.msk [tilespmem:v3+s24+$0x0], $0xffff  }
0x24a: {  	v9 =	vld.idx.msk [tilespmem:v4+s23+$0x0], $0xffff  }
0x24b: {  	v10 =	vor.u32 $0x4, v3;
	v4 =	vld.idx.msk [tilespmem:v4+s24+$0x0], $0xffff  }
0x24c: {  	v11 =	vld.idx.msk [tilespmem:v5+s23+$0x0], $0xffff  }
0x24d: {  	v12 =	vor.u32 $0x5, v3;
	v5 =	vld.idx.msk [tilespmem:v5+s24+$0x0], $0xffff  }
0x24e: {  	v13 =	vld.idx.msk [tilespmem:v7+s23+$0x0], $0xffff  }
0x24f: {  	v14 =	vor.u32 $0x6, v3;
	v7 =	vld.idx.msk [tilespmem:v7+s24+$0x0], $0xffff;
	v6 =	vadd.f32 $0.0e+00, v6  }
0x250: {  	v16 =	vor.u32 $0x7, v3;
	v15 =	vld.idx.msk [tilespmem:v10+s23+$0x0], $0xffff  }
0x251: {  	v10 =	vld.idx.msk [tilespmem:v10+s24+$0x0], $0xffff;
	v6 =	vadd.f32 v9, v6  }
0x252: {  	v17 =	vld.idx.msk [tilespmem:v12+s23+$0x0], $0xffff;
	v8 =	vadd.f32 $0.0e+00, v8  }
0x253: {  	v18 =	vor.u32 $0x8, v3;
	v9 =	vld.idx.msk [tilespmem:v12+s24+$0x0], $0xffff;
	v6 =	vadd.f32 v11, v6  }
0x254: {  	v19 =	vor.u32 $0x9, v3;
	v12 =	vld.idx.msk [tilespmem:v14+s23+$0x0], $0xffff;
	v4 =	vadd.f32 v4, v8  }
0x255: {  	v8 =	vld.idx.msk [tilespmem:v16+s23+$0x0], $0xffff;
	v6 =	vadd.f32 v13, v6  }
0x256: {  	v11 =	vld.idx.msk [tilespmem:v14+s24+$0x0], $0xffff;
	v4 =	vadd.f32 v5, v4  }
0x257: {  	v14 =	vld.idx.msk [tilespmem:v16+s24+$0x0], $0xffff;
	v16 =	vor.u32 $0xB, v3;
	v6 =	vadd.f32 v15, v6  }
0x258: {  	v5 =	vld.idx.msk [tilespmem:v18+s23+$0x0], $0xffff;
	v13 =	vor.u32 $0xA, v3;
	v4 =	vadd.f32 v7, v4  }
0x259: {  	v7 =	vld.idx.msk [tilespmem:v19+s23+$0x0], $0xffff;
	v6 =	vadd.f32 v17, v6  }
0x25a: {  	v15 =	vld.idx.msk [tilespmem:v18+s24+$0x0], $0xffff;
	v18 =	vor.u32 $0xC, v3;
	v4 =	vadd.f32 v10, v4  }
0x25b: {  	v17 =	vld.idx.msk [tilespmem:v19+s24+$0x0], $0xffff;
	v6 =	vadd.f32 v12, v6  }
0x25c: {  	v4 =	vadd.f32 v9, v4;
	v9 =	vld.idx.msk [tilespmem:v16+s23+$0x0], $0xffff  }
0x25d: {  	v19 =	vor.u32 $0xD, v3;
	v10 =	vld.idx.msk [tilespmem:v13+s23+$0x0], $0xffff;
	v6 =	vadd.f32 v8, v6  }
0x25e: {  	v12 =	vld.idx.msk [tilespmem:v13+s24+$0x0], $0xffff;
	v13 =	vor.u32 $0xE, v3;
	v4 =	vadd.f32 v11, v4  }
0x25f: {  	v11 =	vld.idx.msk [tilespmem:v18+s23+$0x0], $0xffff;
	v5 =	vadd.f32 v5, v6  }
0x260: {  	s28 =	simm.s32 $0x10;
	v8 =	vld.idx.msk [tilespmem:v16+s24+$0x0], $0xffff;
	v4 =	vadd.f32 v14, v4  }
0x261: {  	v3 =	vor.u32 $0xF, v3;
	v16 =	vld.idx.msk [tilespmem:v18+s24+$0x0], $0xffff;
	v6 =	vmov s28;
	v5 =	vadd.f32 v7, v5  }
0x262: {  	v14 =	vld.idx.msk [tilespmem:v19+s23+$0x0], $0xffff;
	v4 =	vadd.f32 v15, v4;
	v6 =	vshll.u32 v6, $0x4  }
0x263: {  	v15 =	vld.idx.msk [tilespmem:v13+s23+$0x0], $0xffff;
	v7 =	vor.u32 v1, v6;
	v5 =	vadd.f32 v10, v5  }
0x264: {  	v13 =	vld.idx.msk [tilespmem:v13+s24+$0x0], $0xffff;
	v4 =	vadd.f32 v17, v4  }
0x265: {  	v6 =	vld.idx.msk [tilespmem:v19+s24+$0x0], $0xffff;
	v10 =	vor.u32 $0x1, v7;
	v5 =	vadd.f32 v9, v5  }
0x266: {  	v17 =	vld.idx.msk [tilespmem:v3+s23+$0x0], $0xffff;
	v4 =	vadd.f32 v12, v4  }
0x267: {  	v3 =	vld.idx.msk [tilespmem:v3+s24+$0x0], $0xffff;
	v9 =	vor.u32 $0x2, v7;
	v5 =	vadd.f32 v11, v5  }
0x268: {  	v4 =	vadd.f32 v8, v4;
	v12 =	vld.idx.msk [tilespmem:v7+s23+$0x0], $0xffff  }
0x269: {  	v18 =	vor.u32 $0x3, v7;
	v11 =	vld.idx.msk [tilespmem:v7+s24+$0x0], $0xffff;
	v5 =	vadd.f32 v14, v5  }
0x26a: {  	v19 =	vor.u32 $0x4, v7;
	v4 =	vadd.f32 v16, v4;
	v8 =	vld.idx.msk [tilespmem:v10+s23+$0x0], $0xffff  }
0x26b: {  	v10 =	vld.idx.msk [tilespmem:v10+s24+$0x0], $0xffff;
	v5 =	vadd.f32 v15, v5  }
0x26c: {  	v4 =	vadd.f32 v6, v4;
	v14 =	vld.idx.msk [tilespmem:v9+s23+$0x0], $0xffff  }
0x26d: {  	v16 =	vor.u32 $0x5, v7;
	v9 =	vld.idx.msk [tilespmem:v9+s24+$0x0], $0xffff;
	v12 =	vadd.f32 $0.0e+00, v12;
	v5 =	vadd.f32 v17, v5  }
0x26e: {  	v20 =	vor.u32 $0x6, v7;
	v15 =	vld.idx.msk [tilespmem:v18+s23+$0x0], $0xffff;
	v4 =	vadd.f32 v13, v4  }
0x26f: {  	v13 =	vld.idx.msk [tilespmem:v19+s23+$0x0], $0xffff;
	v8 =	vadd.f32 v8, v12;
	v6 =	vmax.f32 v5, $1.000000000e-30;
	v5 =	vadd.f32 $0.0e+00, v11  }
0x270: {  	v17 =	vld.idx.msk [tilespmem:v18+s24+$0x0], $0xffff;
	v18 =	vor.u32 $0x7, v7;
	v3 =	vadd.f32 v3, v4  }
0x271: {  	v11 =	vld.idx.msk [tilespmem:v19+s24+$0x0], $0xffff;
	v8 =	vadd.f32 v14, v8;
	v4 =	vshra.s32 v6, $0x1;
	v10 =	vadd.f32 v10, v5  }
0x272: {  	v12 =	vor.u32 $0x8, v7;
	v19 =	vld.idx.msk [tilespmem:v16+s23+$0x0], $0xffff;
	v4 =	vadd.s32 $0x1FBD1DF5, v4  }
0x273: {  	v21 =	vld.idx.msk [tilespmem:v20+s23+$0x0], $0xffff;
	v5 =	vmax.f32 v3, $1.000000000e-30;
	v8 =	vadd.f32 v15, v8;
	v3 =	vadd.f32 v9, v10  }
0x274: {  	v14 =	vld.idx.msk [tilespmem:v16+s24+$0x0], $0xffff;
	(erf) = vrcp.f32 v4  }
0x275: {  	v16 =	vor.u32 $0x9, v7;
	v15 =	vld.idx.msk [tilespmem:v18+s23+$0x0], $0xffff;
	v8 =	vadd.f32 v13, v8;
	v3 =	vadd.f32 v17, v3  }
0x276: {  	v9 =	vld.idx.msk [tilespmem:v20+s24+$0x0], $0xffff  }
0x277: {  	v20 =	vor.u32 $0xA, v7;
	v13 =	vld.idx.msk [tilespmem:v18+s24+$0x0], $0xffff;
	v8 =	vadd.f32 v19, v8;
	v3 =	vadd.f32 v11, v3  }
0x278: {  	v10 =	vshra.s32 v5, $0x1;
	v18 =	vor.u32 $0xB, v7;
	v17 =	vld.idx.msk [tilespmem:v12+s23+$0x0], $0xffff  }
0x279: {  	v10 =	vadd.s32 $0x1FBD1DF5, v10;
	v11 =	vld.idx.msk [tilespmem:v12+s24+$0x0], $0xffff;
	v8 =	vadd.f32 v21, v8;
	v3 =	vadd.f32 v14, v3  }
0x27a: {  	(erf) = vrcp.f32 v10;
	v12 =	vld.idx.msk [tilespmem:v16+s23+$0x0], $0xffff  }
0x27b: {  	v19 =	vor.u32 $0xC, v7;
	v14 =	vld.idx.msk [tilespmem:v16+s24+$0x0], $0xffff;
	v8 =	vadd.f32 v15, v8;
	v3 =	vadd.f32 v9, v3  }
0x27c: {  	v16 =	vld.idx.msk [tilespmem:v20+s23+$0x0], $0xffff  }
0x27d: {  	v21 =	vor.u32 $0xD, v7;
	v22 =	vpop (erf);
	v9 =	vld.idx.msk [tilespmem:v20+s24+$0x0], $0xffff;
	v8 =	vadd.f32 v17, v8;
	v3 =	vadd.f32 v13, v3  }
0x27e: {  	v20 =	vld.idx.msk [tilespmem:v18+s23+$0x0], $0xffff;
	v15 =	vmul.f32 v22, v6  }
0x27f: {  	v22 =	vor.u32 $0xE, v7;
	v13 =	vld.idx.msk [tilespmem:v18+s24+$0x0], $0xffff;
	v8 =	vadd.f32 v12, v8;
	v3 =	vadd.f32 v11, v3  }
0x280: {  	s30 =	simm.s32 $0x20;
	v7 =	vor.u32 $0xF, v7;
	v4 =	vadd.f32 v4, v15;
	v15 =	vld.idx.msk [tilespmem:v19+s23+$0x0], $0xffff  }
0x281: {  	v12 =	vld.idx.msk [tilespmem:v19+s24+$0x0], $0xffff;
	v11 =	vmov s30;
	v8 =	vadd.f32 v16, v8;
	v3 =	vadd.f32 v14, v3  }
0x282: {  	v17 =	vmul.f32 $5.000000000e-01, v4;
	v4 =	vshll.u32 v11, $0x4;
	v11 =	vld.idx.msk [tilespmem:v21+s23+$0x0], $0xffff  }
0x283: {  	v18 =	vpop (erf);
	v14 =	vor.u32 v1, v4;
	v4 =	vld.idx.msk [tilespmem:v21+s24+$0x0], $0xffff;
	v8 =	vadd.f32 v20, v8;
	v3 =	vadd.f32 v9, v3  }
0x284: {  	v16 =	vmul.f32 v18, v5;
	v18 =	vld.idx.msk [tilespmem:v22+s23+$0x0], $0xffff;
	(erf) = vrcp.f32 v17  }
0x285: {  	v19 =	vld.idx.msk [tilespmem:v22+s24+$0x0], $0xffff;
	v9 =	vor.u32 $0x1, v14;
	v8 =	vadd.f32 v15, v8;
	v3 =	vadd.f32 v13, v3  }
0x286: {  	v10 =	vadd.f32 v10, v16;
	v16 =	vld.idx.msk [tilespmem:v7+s23+$0x0], $0xffff  }
0x287: {  	v7 =	vld.idx.msk [tilespmem:v7+s24+$0x0], $0xffff;
	v20 =	vor.u32 $0x2, v14;
	v8 =	vadd.f32 v11, v8;
	v3 =	vadd.f32 v12, v3  }
0x288: {  	v10 =	vmul.f32 $5.000000000e-01, v10;
	v13 =	vld.idx.msk [tilespmem:v14+s23+$0x0], $0xffff  }
0x289: {  	v15 =	vor.u32 $0x3, v14;
	v11 =	vld.idx.msk [tilespmem:v14+s24+$0x0], $0xffff;
	v3 =	vadd.f32 v4, v3;
	v4 =	vadd.f32 v18, v8  }
0x28a: {  	(erf) = vrcp.f32 v10;
	v12 =	vld.idx.msk [tilespmem:v9+s23+$0x0], $0xffff  }
0x28b: {  	v21 =	vor.u32 $0x4, v14;
	v8 =	vld.idx.msk [tilespmem:v9+s24+$0x0], $0xffff;
	v3 =	vadd.f32 v19, v3;
	v4 =	vadd.f32 v16, v4  }
0x28c: {  	v9 =	vor.u32 $0x5, v14;
	v18 =	vld.idx.msk [tilespmem:v20+s23+$0x0], $0xffff  }
0x28d: {  	v16 =	vld.idx.msk [tilespmem:v20+s24+$0x0], $0xffff;
	v13 =	vadd.f32 $0.0e+00, v13;
	v7 =	vadd.f32 v7, v3;
	v3 =	vmax.f32 v4, $1.000000000e-30  }
0x28e: {  	v22 =	vor.u32 $0x6, v14;
	v23 =	vld.idx.msk [tilespmem:v15+s23+$0x0], $0xffff;
	v19 =	vpop (erf);
	v4 =	vadd.f32 $0.0e+00, v11;
	v24 =	vshra.s32 v3, $0x1  }
0x28f: {  	v19 =	vmul.f32 v19, v6;
	v11 =	vld.idx.msk [tilespmem:v15+s24+$0x0], $0xffff;
	v12 =	vadd.f32 v12, v13;
	v24 =	vadd.s32 $0x1FBD1DF5, v24  }
0x290: {  	v13 =	vld.idx.msk [tilespmem:v21+s23+$0x0], $0xffff;
	v8 =	vadd.f32 v8, v4;
	(erf) = vrcp.f32 v24  }
0x291: {  	v20 =	vor.u32 $0x7, v14;
	v21 =	vld.idx.msk [tilespmem:v21+s24+$0x0], $0xffff;
	v4 =	vmax.f32 v7, $1.000000000e-30;
	v7 =	vadd.f32 v18, v12  }
0x292: {  	v15 =	vor.u32 $0x8, v14;
	v12 =	vld.idx.msk [tilespmem:v9+s23+$0x0], $0xffff;
	v18 =	vshra.s32 v4, $0x1;
	v8 =	vadd.f32 v16, v8  }
0x293: {  	v17 =	vadd.f32 v19, v17;
	v9 =	vld.idx.msk [tilespmem:v9+s24+$0x0], $0xffff;
	v19 =	vpop (erf);
	v16 =	vadd.s32 $0x1FBD1DF5, v18;
	v7 =	vadd.f32 v23, v7  }
0x294: {  	v18 =	vmul.f32 v19, v5;
	v19 =	vld.idx.msk [tilespmem:v22+s23+$0x0], $0xffff;
	(erf) = vrcp.f32 v16;
	v8 =	vadd.f32 v11, v8  }
0x295: {  	v17 =	vmul.f32 $5.000000000e-01, v17;
	v23 =	vor.u32 $0x9, v14;
	v11 =	vld.idx.msk [tilespmem:v22+s24+$0x0], $0xffff;
	v7 =	vadd.f32 v13, v7  }
0x296: {  	v13 =	vld.idx.msk [tilespmem:v20+s23+$0x0], $0xffff;
	v10 =	vadd.f32 v18, v10;
	v8 =	vadd.f32 v21, v8  }
0x297: {  	v18 =	vor.u32 $0xA, v14;
	(erf) = vrcp.f32 v17;
	v20 =	vld.idx.msk [tilespmem:v20+s24+$0x0], $0xffff;
	v7 =	vadd.f32 v12, v7  }
0x298: {  	v12 =	vld.idx.msk [tilespmem:v15+s23+$0x0], $0xffff;
	v10 =	vmul.f32 $5.000000000e-01, v10;
	v8 =	vadd.f32 v9, v8  }
0x299: {  	v21 =	vor.u32 $0xB, v14;
	v9 =	vld.idx.msk [tilespmem:v15+s24+$0x0], $0xffff;
	v7 =	vadd.f32 v19, v7;
	v22 =	vpop (erf)  }
0x29a: {  	v15 =	vld.idx.msk [tilespmem:v23+s23+$0x0], $0xffff;
	(erf) = vrcp.f32 v10;
	v8 =	vadd.f32 v11, v8;
	v22 =	vmul.f32 v22, v3  }
0x29b: {  	v19 =	vor.u32 $0xC, v14;
	v11 =	vld.idx.msk [tilespmem:v23+s24+$0x0], $0xffff;
	v7 =	vadd.f32 v13, v7  }
0x29c: {  	v13 =	vld.idx.msk [tilespmem:v18+s23+$0x0], $0xffff;
	v8 =	vadd.f32 v20, v8;
	v22 =	vadd.f32 v24, v22  }
0x29d: {  	v23 =	vor.u32 $0xD, v14;
	v18 =	vld.idx.msk [tilespmem:v18+s24+$0x0], $0xffff;
	v20 =	vpop (erf);
	v7 =	vadd.f32 v12, v7  }
0x29e: {  	v12 =	vld.idx.msk [tilespmem:v21+s23+$0x0], $0xffff;
	v20 =	vmul.f32 v20, v4;
	v8 =	vadd.f32 v9, v8  }
0x29f: {  	v24 =	vor.u32 $0xE, v14;
	v14 =	vor.u32 $0xF, v14;
	v9 =	vld.idx.msk [tilespmem:v21+s24+$0x0], $0xffff;
	v7 =	vadd.f32 v15, v7  }
0x2a0: {  	s31 =	simm.s32 $0x30;
	v15 =	vld.idx.msk [tilespmem:v19+s23+$0x0], $0xffff;
	v21 =	vmul.f32 $5.000000000e-01, v22;
	v16 =	vadd.f32 v16, v20;
	v8 =	vadd.f32 v11, v8;
	v22 =	vpop (erf)  }
0x2a1: {  	v11 =	vld.idx.msk [tilespmem:v19+s24+$0x0], $0xffff;
	v7 =	vadd.f32 v13, v7;
	v20 =	vmul.f32 v22, v6;
	v6 =	vmov s31  }
0x2a2: {  	v13 =	vld.idx.msk [tilespmem:v23+s23+$0x0], $0xffff;
	(erf) = vrcp.f32 v21;
	v8 =	vadd.f32 v18, v8;
	v6 =	vshll.u32 v6, $0x4  }
0x2a3: {  	v18 =	vld.idx.msk [tilespmem:v23+s24+$0x0], $0xffff;
	v19 =	vpop (erf);
	v7 =	vadd.f32 v12, v7;
	v6 =	vor.u32 v1, v6  }
0x2a4: {  	v12 =	vld.idx.msk [tilespmem:v24+s23+$0x0], $0xffff;
	v5 =	vmul.f32 v19, v5;
	v17 =	vadd.f32 v20, v17;
	v9 =	vadd.f32 v9, v8  }
0x2a5: {  	v22 =	vld.idx.msk [tilespmem:v24+s24+$0x0], $0xffff;
	v8 =	vmul.f32 $5.000000000e-01, v16;
	v7 =	vadd.f32 v15, v7;
	v20 =	vor.u32 $0x1, v6  }
0x2a6: {  	v15 =	vld.idx.msk [tilespmem:v14+s23+$0x0], $0xffff;
	v19 =	vor.u32 $0x2, v6;
	v23 =	vor.u32 $0x3, v6;
	v5 =	vadd.f32 v5, v10  }
0x2a7: {  	v24 =	vor.u32 $0x4, v6;
	v10 =	vld.idx.msk [tilespmem:v14+s24+$0x0], $0xffff;
	v9 =	vadd.f32 v11, v9;
	v11 =	vmul.f32 $5.000000000e-01, v17  }
0x2a8: {  	v7 =	vadd.f32 v13, v7;
	(erf) = vrcp.f32 v8;
	v5 =	vmul.f32 $5.000000000e-01, v5;
	v16 =	vld.idx.msk [tilespmem:v6+s23+$0x0], $0xffff  }
0x2a9: {  	v25 =	vor.u32 $0x5, v6;
	v9 =	vadd.f32 v18, v9;
	v11 =	vsub.f32 $0.0e+00, v11;
	v17 =	vld.idx.msk [tilespmem:v6+s24+$0x0], $0xffff  }
0x2aa: {  	v14 =	vor.u32 $0x6, v6;
	v7 =	vadd.f32 v12, v7;
	v5 =	vsub.f32 $0.0e+00, v5;
	v18 =	vld.idx.msk [tilespmem:v20+s23+$0x0], $0xffff  }
0x2ab: {  	v12 =	vor.u32 $0x7, v6;
	v20 =	vld.idx.msk [tilespmem:v20+s24+$0x0], $0xffff;
	v9 =	vadd.f32 v22, v9;
	v13 =	vpop (erf);
	v11 =	vmul.f32 $1.442695020e+00, v11  }
0x2ac: {  	v22 =	vld.idx.msk [tilespmem:v19+s23+$0x0], $0xffff;
	v7 =	vadd.f32 v15, v7;
	v15 =	vmul.f32 v13, v3;
	v26 =	vmul.f32 $1.442695020e+00, v5  }
0x2ad: {  	v27 =	vld.idx.msk [tilespmem:v19+s24+$0x0], $0xffff;
	v13 =	vor.u32 $0x8, v6;
	v9 =	vadd.f32 v10, v9;
	(erf) = vpow2.f32 v11  }
0x2ae: {  	v19 =	vld.idx.msk [tilespmem:v24+s24+$0x0], $0xffff;
	v5 =	vmax.f32 v7, $1.000000000e-30;
	(erf) = vpow2.f32 v26;
	v10 =	vadd.f32 $0.0e+00, v16  }
0x2af: {  	v11 =	vshra.s32 v5, $0x1;
	v26 =	vadd.f32 v15, v21;
	v16 =	vld.idx.msk [tilespmem:v23+s23+$0x0], $0xffff;
	v7 =	vadd.f32 $0.0e+00, v17  }
0x2b0: {  	v15 =	vor.u32 $0x9, v6;
	v17 =	vld.idx.msk [tilespmem:v23+s24+$0x0], $0xffff;
	v21 =	vadd.f32 v18, v10;
	v10 =	vadd.s32 $0x1FBD1DF5, v11  }
0x2b1: {  	v18 =	vld.idx.msk [tilespmem:v24+s23+$0x0], $0xffff;
	v11 =	vadd.f32 v20, v7;
	v7 =	vmax.f32 v9, $1.000000000e-30;
	v9 =	vpop (erf);
	(erf) = vrcp.f32 v10  }
0x2b2: {  	v20 =	vld.idx.msk [tilespmem:v25+s23+$0x0], $0xffff;
	v28 =	vshra.s32 v7, $0x1;
	v23 =	vadd.f32 v22, v21;
	v22 =	vmul.f32 v9, v4  }
0x2b3: {  	s20 =	simm.s32 $0x40;
	v24 =	vadd.f32 v27, v11;
	v21 =	vld.idx.msk [tilespmem:v25+s24+$0x0], $0xffff;
	v11 =	vadd.s32 $0x1FBD1DF5, v28;
	v9 =	vmul.f32 $5.000000000e-01, v26  }
.LBB2_10:
0x2b4: {  	p0 =	sne.s32 s20, $0x70;
	v16 =	vadd.f32 v16, v23;
	v23 =	vld.idx.msk [tilespmem:v14+s23+$0x0], $0xffff;
	v25 =	vor.u32 $0xA, v6;
	(erf) = vrcp.f32 v11;
	s25 =	smov.u32 s20;
	s20 =	sadd.s32 $0x10, s20  }
0x2b5: {  	v26 =	vor.u32 $0xC, v6;
	v17 =	vadd.f32 v17, v24;
	v14 =	vld.idx.msk [tilespmem:v14+s24+$0x0], $0xffff;
	v24 =	vor.u32 $0xB, v6  }
0x2b6: {  	v8 =	vadd.f32 v22, v8;
	v16 =	vadd.f32 v18, v16;
	v18 =	vld.idx.msk [tilespmem:v12+s23+$0x0], $0xffff;
	(erf) = vrcp.f32 v9;
	v22 =	vpop (erf)  }
0x2b7: {  	v17 =	vadd.f32 v19, v17;
	v12 =	vld.idx.msk [tilespmem:v12+s24+$0x0], $0xffff;
	v19 =	vor.u32 $0xD, v6;
	v30 =	vsub.f32 $9.999999770e-03, v22;
	v27 =	vpop (erf)  }
0x2b8: {  	v28 =	vor.u32 $0xE, v6;
	v29 =	vmul.f32 $5.000000000e-01, v8;
	v16 =	vadd.f32 v20, v16;
	v20 =	vld.idx.msk [tilespmem:v13+s23+$0x0], $0xffff  }
0x2b9: {  	v8 =	vadd.f32 v21, v17;
	v13 =	vld.idx.msk [tilespmem:v13+s24+$0x0], $0xffff;
	v17 =	vor.u32 $0xF, v6;
	v6 =	vadd.f32 v27, v30  }
0x2ba: {  	v16 =	vadd.f32 v23, v16;
	v21 =	vld.idx.msk [tilespmem:v15+s23+$0x0], $0xffff;
	v22 =	vpop (erf);
	(erf) = vrcp.f32 v29  }
0x2bb: {  	v8 =	vadd.f32 v14, v8;
	v14 =	vld.idx.msk [tilespmem:v15+s24+$0x0], $0xffff;
	v15 =	vmul.f32 v22, v5;
	v6 =	vmax.f32 v6, $0.0e+00  }
0x2bc: {  	v16 =	vadd.f32 v18, v16;
	v18 =	vld.idx.msk [tilespmem:v25+s23+$0x0], $0xffff;
	v2 =	vadd.f32 v6, v2  }
0x2bd: {  	v6 =	vadd.f32 v12, v8;
	v8 =	vld.idx.msk [tilespmem:v25+s24+$0x0], $0xffff;
	v10 =	vadd.f32 v10, v15;
	v12 =	vpop (erf)  }
0x2be: {  	v15 =	vadd.f32 v20, v16;
	v16 =	vld.idx.msk [tilespmem:v24+s23+$0x0], $0xffff;
	v12 =	vmul.f32 v12, v7  }
0x2bf: {  	v6 =	vadd.f32 v13, v6;
	v13 =	vld.idx.msk [tilespmem:v24+s24+$0x0], $0xffff;
	v10 =	vmul.f32 $5.000000000e-01, v10;
	v20 =	vpop (erf)  }
0x2c0: {  	v15 =	vadd.f32 v21, v15;
	v21 =	vld.idx.msk [tilespmem:v26+s23+$0x0], $0xffff;
	v11 =	vadd.f32 v11, v12;
	v12 =	vmul.f32 v20, v3  }
0x2c1: {  	v20 =	vmov s25;
	v3 =	vmov v5;
	v14 =	vadd.f32 v14, v6;
	v22 =	vld.idx.msk [tilespmem:v26+s24+$0x0], $0xffff  }
0x2c2: {  	v5 =	vshll.u32 v20, $0x4;
	v15 =	vadd.f32 v18, v15;
	v18 =	vld.idx.msk [tilespmem:v19+s23+$0x0], $0xffff;
	(erf) = vrcp.f32 v10  }
0x2c3: {  	v6 =	vor.u32 v1, v5;
	v9 =	vadd.f32 v12, v9;
	v5 =	vadd.f32 v8, v14;
	v14 =	vld.idx.msk [tilespmem:v19+s24+$0x0], $0xffff;
	v8 =	vpop (erf)  }
0x2c4: {  	v12 =	vor.u32 $0x1, v6;
	v15 =	vadd.f32 v16, v15;
	v16 =	vld.idx.msk [tilespmem:v28+s23+$0x0], $0xffff;
	v19 =	vmul.f32 v8, v4;
	v4 =	vmovc v7  }
0x2c5: {  	v7 =	vor.u32 $0x2, v6;
	v8 =	vmul.f32 $5.000000000e-01, v11;
	v5 =	vadd.f32 v13, v5;
	v13 =	vld.idx.msk [tilespmem:v28+s24+$0x0], $0xffff  }
0x2c6: {  	v11 =	vor.u32 $0x3, v6;
	v15 =	vadd.f32 v21, v15;
	v20 =	vld.idx.msk [tilespmem:v17+s23+$0x0], $0xffff;
	v19 =	vadd.f32 v19, v29  }
0x2c7: {  	v9 =	vmul.f32 $5.000000000e-01, v9;
	v21 =	vor.u32 $0x4, v6;
	v5 =	vadd.f32 v22, v5;
	v17 =	vld.idx.msk [tilespmem:v17+s24+$0x0], $0xffff  }
0x2c8: {  	v22 =	vld.idx.msk [tilespmem:v6+s23+$0x0], $0xffff;
	v15 =	vadd.f32 v18, v15;
	(erf) = vrcp.f32 v8;
	v18 =	vmul.f32 $5.000000000e-01, v19  }
0x2c9: {  	v25 =	vor.u32 $0x5, v6;
	v9 =	vsub.f32 $0.0e+00, v9;
	v19 =	vld.idx.msk [tilespmem:v6+s24+$0x0], $0xffff;
	v5 =	vadd.f32 v14, v5  }
0x2ca: {  	v14 =	vor.u32 $0x6, v6;
	v23 =	vld.idx.msk [tilespmem:v12+s23+$0x0], $0xffff;
	v15 =	vadd.f32 v16, v15;
	v16 =	vsub.f32 $0.0e+00, v18  }
0x2cb: {  	v9 =	vmul.f32 $1.442695020e+00, v9;
	v24 =	vld.idx.msk [tilespmem:v12+s24+$0x0], $0xffff;
	v12 =	vor.u32 $0x7, v6;
	v5 =	vadd.f32 v13, v5;
	v13 =	vpop (erf)  }
0x2cc: {  	v26 =	vld.idx.msk [tilespmem:v7+s23+$0x0], $0xffff;
	v15 =	vadd.f32 v20, v15;
	v18 =	vmul.f32 v13, v3;
	v20 =	vmul.f32 $1.442695020e+00, v16  }
0x2cd: {  	v13 =	vor.u32 $0x8, v6;
	v27 =	vld.idx.msk [tilespmem:v7+s24+$0x0], $0xffff;
	v7 =	vadd.f32 v17, v5;
	(erf) = vpow2.f32 v9  }
0x2ce: {  	v9 =	vadd.f32 $0.0e+00, v22;
	v16 =	vld.idx.msk [tilespmem:v11+s23+$0x0], $0xffff;
	v5 =	vmax.f32 v15, $1.000000000e-30;
	(erf) = vpow2.f32 v20  }
.Ltmp4:
0x2cf: {  	v19 =	vadd.f32 $0.0e+00, v19;
	v28 =	vadd.f32 v18, v10;
	v17 =	vld.idx.msk [tilespmem:v11+s24+$0x0], $0xffff;
	v11 =	vshra.s32 v5, $0x1;
	(pc) =	sbr.rel @p0 .LBB2_10-.Ltmp4, $4  }
0x2d0: {  	v15 =	vor.u32 $0x9, v6;
	v9 =	vadd.f32 v23, v9;
	v18 =	vld.idx.msk [tilespmem:v21+s23+$0x0], $0xffff;
	v10 =	vadd.s32 $0x1FBD1DF5, v11  }
0x2d1: {  	v7 =	vmax.f32 v7, $1.000000000e-30;
	v11 =	vadd.f32 v24, v19;
	v19 =	vld.idx.msk [tilespmem:v21+s24+$0x0], $0xffff;
	(erf) = vrcp.f32 v10;
	v21 =	vpop (erf)  }
0x2d2: {  	v23 =	vadd.f32 v26, v9;
	v9 =	vshra.s32 v7, $0x1;
	v20 =	vld.idx.msk [tilespmem:v25+s23+$0x0], $0xffff;
	v22 =	vmul.f32 v21, v4  }
0x2d3: {  	v24 =	vadd.f32 v27, v11;
	v11 =	vadd.s32 $0x1FBD1DF5, v9;
	v9 =	vmul.f32 $5.000000000e-01, v28;
	v21 =	vld.idx.msk [tilespmem:v25+s24+$0x0], $0xffff  }
0x2d4: {  	_ =	sdelay $0x2  }
0x2d5: {  	v16 =	vadd.f32 v16, v23  }
0x2d6: {  	v51 =	vld.idx.msk [tilespmem:v14+s23+$0x0], $0xffff;
	v17 =	vadd.f32 v17, v24  }
0x2d7: {  	v52 =	vld.idx.msk [tilespmem:v14+s24+$0x0], $0xffff;
	v16 =	vadd.f32 v18, v16  }
0x2d8: {  	v53 =	vld.idx.msk [tilespmem:v12+s23+$0x0], $0xffff;
	v17 =	vadd.f32 v19, v17  }
0x2d9: {  	v54 =	vor.u32 $0xA, v6;
	v8 =	vadd.f32 v22, v8;
	v55 =	vld.idx.msk [tilespmem:v12+s24+$0x0], $0xffff;
	v16 =	vadd.f32 v20, v16  }
0x2da: {  	(erf) = vrcp.f32 v11;
	v56 =	vld.idx.msk [tilespmem:v13+s23+$0x0], $0xffff;
	v17 =	vadd.f32 v21, v17  }
0x2db: {  	v57 =	vor.u32 $0xB, v6;
	v58 =	vld.idx.msk [tilespmem:v13+s24+$0x0], $0xffff;
	v8 =	vmul.f32 $5.000000000e-01, v8;
	v16 =	vadd.f32 v51, v16  }
0x2dc: {  	v59 =	vld.idx.msk [tilespmem:v15+s23+$0x0], $0xffff;
	(erf) = vrcp.f32 v9;
	v14 =	vadd.f32 v52, v17  }
0x2dd: {  	v60 =	vor.u32 $0xC, v6;
	v61 =	vld.idx.msk [tilespmem:v15+s24+$0x0], $0xffff;
	(erf) = vrcp.f32 v8;
	v16 =	vadd.f32 v53, v16  }
0x2de: {  	v62 =	vld.idx.msk [tilespmem:v54+s23+$0x0], $0xffff;
	v12 =	vadd.f32 v55, v14  }
0x2df: {  	v63 =	vor.u32 $0xD, v6;
	v19 =	vld.idx.msk [tilespmem:v54+s24+$0x0], $0xffff;
	v16 =	vadd.f32 v56, v16  }
0x2e0: {  	v28 =	vld.idx.msk [tilespmem:v57+s23+$0x0], $0xffff;
	v12 =	vadd.f32 v58, v12  }
0x2e1: {  	v30 =	vor.u32 $0xE, v6;
	v29 =	vpop (erf);
	v21 =	vld.idx.msk [tilespmem:v57+s24+$0x0], $0xffff;
	v16 =	vadd.f32 v59, v16  }
0x2e2: {  	v31 =	vpop (erf);
	v32 =	vld.idx.msk [tilespmem:v60+s23+$0x0], $0xffff;
	v12 =	vadd.f32 v61, v12  }
0x2e3: {  	v33 =	vor.u32 $0xF, v6;
	v34 =	vpop (erf);
	v17 =	vld.idx.msk [tilespmem:v60+s24+$0x0], $0xffff;
	v16 =	vadd.f32 v62, v16  }
0x2e4: {  	v25 =	vld.idx.msk [tilespmem:v63+s23+$0x0], $0xffff;
	v15 =	vmul.f32 v34, v5;
	v35 =	vpop (erf);
	v12 =	vadd.f32 v19, v12  }
0x2e5: {  	v14 =	vld.idx.msk [tilespmem:v63+s24+$0x0], $0xffff;
	v18 =	vmul.f32 v35, v7;
	v36 =	vpop (erf);
	v16 =	vadd.f32 v28, v16  }
0x2e6: {  	v38 =	vld.idx.msk [tilespmem:v30+s23+$0x0], $0xffff;
	v10 =	vadd.f32 v10, v15;
	v3 =	vmul.f32 v36, v3;
	v37 =	vpop (erf);
	v12 =	vadd.f32 v21, v12  }
0x2e7: {  	v40 =	vld.idx.msk [tilespmem:v30+s24+$0x0], $0xffff;
	v39 =	vadd.f32 v11, v18;
	v4 =	vmul.f32 v37, v4;
	v16 =	vadd.f32 v32, v16  }
0x2e8: {  	v41 =	vld.idx.msk [tilespmem:v33+s23+$0x0], $0xffff;
	v3 =	vadd.f32 v3, v9;
	v12 =	vadd.f32 v17, v12  }
0x2e9: {  	v6 =	vld.idx.msk [tilespmem:v33+s24+$0x0], $0xffff;
	v4 =	vadd.f32 v4, v8;
	v42 =	vadd.f32 v25, v16  }
0x2ea: {  	v10 =	vmul.f32 $5.000000000e-01, v10;
	v3 =	vmul.f32 $5.000000000e-01, v3;
	v12 =	vadd.f32 v14, v12  }
0x2eb: {  	v11 =	vmul.f32 $5.000000000e-01, v39;
	v4 =	vmul.f32 $5.000000000e-01, v4;
	v8 =	vadd.f32 v38, v42  }
0x2ec: {  	(erf) = vrcp.f32 v10;
	v3 =	vsub.f32 $0.0e+00, v3;
	v12 =	vadd.f32 v40, v12  }
0x2ed: {  	(erf) = vrcp.f32 v11;
	v4 =	vsub.f32 $0.0e+00, v4;
	v8 =	vadd.f32 v41, v8  }
0x2ee: {  	v3 =	vmul.f32 $1.442695020e+00, v3;
	v6 =	vadd.f32 v6, v12  }
0x2ef: {  	v4 =	vmul.f32 $1.442695020e+00, v4;
	v8 =	vmax.f32 v8, $1.000000000e-30  }
0x2f0: {  	(erf) = vpow2.f32 v3;
	v3 =	vshra.s32 v8, $0x1;
	v6 =	vmax.f32 v6, $1.000000000e-30  }
0x2f1: {  	(erf) = vpow2.f32 v4;
	v3 =	vadd.s32 $0x1FBD1DF5, v3;
	v43 =	vshra.s32 v6, $0x1  }
0x2f2: {  	(erf) = vrcp.f32 v3;
	v4 =	vadd.s32 $0x1FBD1DF5, v43  }
0x2f3: {  	(erf) = vrcp.f32 v4;
	_ =	sdelay $0x1  }
0x2f4: {  	v44 =	vpop (erf)  }
0x2f5: {  	v9 =	vmul.f32 v44, v5;
	v45 =	vpop (erf)  }
0x2f6: {  	v12 =	vmul.f32 v45, v7  }
0x2f7: {  	v9 =	vadd.f32 v9, v10  }
0x2f8: {  	v46 =	vadd.f32 v12, v11;
	v47 =	vpop (erf)  }
0x2f9: {  	v9 =	vmul.f32 $5.000000000e-01, v9;
	v48 =	vpop (erf)  }
0x2fa: {  	v10 =	vmul.f32 $5.000000000e-01, v46;
	v49 =	vpop (erf)  }
0x2fb: {  	(erf) = vrcp.f32 v9;
	v14 =	vmul.f32 v49, v8;
	v50 =	vpop (erf)  }
0x2fc: {  	(erf) = vrcp.f32 v10;
	v15 =	vmul.f32 v50, v6  }
0x2fd: {  	v3 =	vadd.f32 v3, v14  }
0x2fe: {  	v4 =	vadd.f32 v4, v15  }
0x2ff: {  	v3 =	vmul.f32 $5.000000000e-01, v3  }
0x300: {  	v4 =	vmul.f32 $5.000000000e-01, v4  }
0x301: {  	(erf) = vrcp.f32 v3  }
0x302: {  	(erf) = vrcp.f32 v4;
	_ =	sdelay $0x1  }
0x303: {  	v51 =	vpop (erf)  }
0x304: {  	v52 =	vmul.f32 v51, v5;
	v53 =	vpop (erf)  }
0x305: {  	v54 =	vmul.f32 v53, v7  }
0x306: {  	v5 =	vadd.f32 v52, v9  }
0x307: {  	v7 =	vadd.f32 v54, v10  }
0x308: {  	v5 =	vmul.f32 $5.000000000e-01, v5  }
0x309: {  	v7 =	vmul.f32 $5.000000000e-01, v7;
	v55 =	vpop (erf)  }
0x30a: {  	v5 =	vsub.f32 $0.0e+00, v5;
	v9 =	vmul.f32 v55, v8;
	v56 =	vpop (erf)  }
0x30b: {  	v7 =	vsub.f32 $0.0e+00, v7;
	v10 =	vmul.f32 v56, v6  }
0x30c: {  	v5 =	vmul.f32 $1.442695020e+00, v5;
	v3 =	vadd.f32 v9, v3  }
0x30d: {  	v7 =	vmul.f32 $1.442695020e+00, v7;
	v4 =	vadd.f32 v10, v4  }
0x30e: {  	(erf) = vpow2.f32 v5;
	v3 =	vmul.f32 $5.000000000e-01, v3  }
0x30f: {  	(erf) = vpow2.f32 v7;
	v4 =	vmul.f32 $5.000000000e-01, v4  }
0x310: {  	(erf) = vrcp.f32 v3  }
0x311: {  	(erf) = vrcp.f32 v4;
	_ =	sdelay $0x5  }
0x312: {  	v5 =	vpop (erf)  }
0x313: {  	v7 =	vpop (erf)  }
0x314: {  	v57 =	vpop (erf)  }
0x315: {  	v8 =	vmul.f32 v57, v8;
	v58 =	vpop (erf)  }
0x316: {  	v6 =	vmul.f32 v58, v6  }
0x317: {  	v3 =	vadd.f32 v8, v3  }
0x318: {  	v4 =	vadd.f32 v6, v4  }
0x319: {  	v3 =	vmul.f32 $5.000000000e-01, v3  }
0x31a: {  	v4 =	vmul.f32 $5.000000000e-01, v4  }
0x31b: {  	v3 =	vsub.f32 $0.0e+00, v3  }
0x31c: {  	v4 =	vsub.f32 $0.0e+00, v4  }
0x31d: {  	v3 =	vmul.f32 $1.442695020e+00, v3  }
0x31e: {  	v4 =	vmul.f32 $1.442695020e+00, v4  }
0x31f: {  	(erf) = vpow2.f32 v3  }
0x320: {  	(erf) = vpow2.f32 v4;
	_ =	sdelay $0x3  }
0x321: {  	s0 =	simm.s32 $0x180  }
0x322: {  	[tilespmem:s17], [sflag:$0x2] =	stream.indirect.gather [hbm4b:s1+s13], $0x80, s0, s13, $0xb8;
	[tilespmem:$0x19680] =	vst v63  }
0x323: {  	s25 =	simm.s32 $0x380  }
0x324: {  	[tilespmem:s19], [sflag:$0x2] =	stream.indirect.gather [hbm4b:s2+s13], $0x80, s25, s13, $0xb8;
	v59 =	vsub.f32 $9.999999770e-03, v29;
	[tilespmem:$0x19680] =	vst v63  }
0x325: {  	s26 =	simm.s32 $0x580;
	v3 =	vpop (erf)  }
0x326: {  	[tilespmem:s21], [sflag:$0x2] =	stream.indirect.gather [hbm4b:s2+s13], $0x80, s26, s13, $0xb8;
	v61 =	vsub.f32 $9.999999770e-03, v47;
	v4 =	vadd.f32 v31, v59;
	v60 =	vpop (erf);
	[tilespmem:$0x19680] =	vst v63  }
0x327: {  	_ =	swait.ge [sflag:s22], $0x4000  }
0x328: {  	v5 =	vsub.f32 $9.999999770e-03, v5;
	v8 =	vadd.f32 v48, v61;
	v4 =	vmax.f32 v4, $0.0e+00;
	[sflag:s22] =	ssyncset.done $0x0  }
0x329: {  	v2 =	vadd.f32 v4, v2;
	[sflag:s22] =	ssyncadd.s32 $0xFFFFC000  }
0x32a: {  	v5 =	vadd.f32 v7, v5;
	v62 =	vmax.f32 v8, $0.0e+00;
	v3 =	vsub.f32 $9.999999770e-03, v3;
	_ =	swait.ge [sflag:s22], $0x4000  }
0x32b: {  	v2 =	vadd.f32 v62, v2;
	[sflag:s22] =	ssyncset.done $0x0  }
0x32c: {  	v63 =	vmax.f32 v5, $0.0e+00;
	v3 =	vadd.f32 v60, v3;
	[sflag:s22] =	ssyncadd.s32 $0xFFFFC000  }
0x32d: {  	s20 =	simm.s32 $0xFFFFFFFC;
	s28 =	simm.s32 $0x700;
	v2 =	vadd.f32 v63, v2;
	_ =	swait.ge [sflag:s22], $0x4000  }
0x32e: {  	s30 =	simm.s32 $0x4700;
	s31 =	simm.s32 $0x8700;
	v3 =	vmax.f32 v3, $0.0e+00;
	[sflag:s22] =	ssyncset.done $0x0  }
0x32f: {  	s25 =	simm.s32 $0x18620;
	s26 =	simm.s32 $0x18E20;
	v2 =	vadd.f32 v3, v2;
	[sflag:s22] =	ssyncadd.s32 $0xFFFFC000  }
.LBB2_12:
0x330: {  	v3 =	vld [tilespmem:s28+$0xFFFFFF00]  }
0x331: {  	v4 =	vld [tilespmem:s30+$0xFFFFFF00]  }
0x332: {  	v5 =	vld [tilespmem:s31+$0xFFFFFF00]  }
0x333: {  	v6 =	vld [tilespmem:s28+$0xFFFFFF10]  }
0x334: {  	v7 =	vld [tilespmem:s30+$0xFFFFFF10]  }
0x335: {  	v9 =	vld [tilespmem:s28+$0xFFFFFF20]  }
0x336: {  	v12 =	vld [tilespmem:s28+$0xFFFFFF30]  }
0x337: {  	v16 =	vld [tilespmem:s28+$0xFFFFFF50]  }
0x338: {  	v60 =	vld [tilespmem:s28+$0xFFFFFF70]  }
0x339: {  	v8 =	vld [tilespmem:s31+$0xFFFFFF10]  }
0x33a: {  	v10 =	vld [tilespmem:s30+$0xFFFFFF20]  }
0x33b: {  	v11 =	vld [tilespmem:s31+$0xFFFFFF20];
	v3 =	vadd.f32 $9.999999970e-07, v3;
	v6 =	vadd.f32 $9.999999970e-07, v6  }
0x33c: {  	v13 =	vld [tilespmem:s30+$0xFFFFFF30];
	v49 =	vadd.f32 $9.999999970e-07, v9;
	v12 =	vadd.f32 $9.999999970e-07, v12  }
0x33d: {  	v14 =	vld [tilespmem:s31+$0xFFFFFF30];
	v61 =	vadd.f32 $9.999999970e-07, v16;
	v23 =	vadd.f32 $9.999999970e-07, v60  }
0x33e: {  	v48 =	vld [tilespmem:s28+$0xFFFFFF40];
	v4 =	vsub.f32 v3, v4;
	v3 =	vsub.f32 v3, v5  }
0x33f: {  	v52 =	vld [tilespmem:s30+$0xFFFFFF50];
	v47 =	vsub.f32 v6, v7;
	v6 =	vsub.f32 v6, v8  }
0x340: {  	v50 =	vld [tilespmem:s30+$0xFFFFFF40];
	v10 =	vsub.f32 v49, v10;
	v51 =	vsub.f32 v49, v11  }
0x341: {  	v15 =	vld [tilespmem:s31+$0xFFFFFF40];
	v54 =	vsub.f32 v12, v13;
	v4 =	vmul.f32 v4, v4;
	v5 =	vmul.f32 v47, v47  }
0x342: {  	v56 =	vld [tilespmem:s28+$0xFFFFFF60];
	v12 =	vsub.f32 v12, v14;
	v3 =	vmul.f32 v3, v3;
	v6 =	vmul.f32 v6, v6  }
0x343: {  	v55 =	vld [tilespmem:s31+$0xFFFFFF50];
	v7 =	vadd.f32 $9.999999970e-07, v48;
	v53 =	vmul.f32 v10, v10;
	v4 =	vadd.f32 v5, v4  }
0x344: {  	v58 =	vld [tilespmem:s30+$0xFFFFFF60];
	v8 =	vsub.f32 v61, v52;
	v3 =	vadd.f32 v6, v3;
	v5 =	vmul.f32 v51, v51  }
0x345: {  	v62 =	vld [tilespmem:s31+$0xFFFFFF60];
	v57 =	vmul.f32 v54, v54;
	v9 =	vsub.f32 v7, v50;
	v4 =	vadd.f32 v53, v4  }
0x346: {  	v19 =	vld [tilespmem:s30+$0xFFFFFF70];
	v59 =	vmul.f32 v12, v12;
	v63 =	vsub.f32 v7, v15;
	v3 =	vadd.f32 v5, v3  }
0x347: {  	v20 =	vld [tilespmem:s31+$0xFFFFFF70];
	v13 =	vadd.f32 $9.999999970e-07, v56;
	v18 =	vmul.f32 v9, v9;
	v4 =	vadd.f32 v57, v4  }
0x348: {  	v6 =	vsub.f32 v61, v55;
	v5 =	vmul.f32 v63, v63;
	v3 =	vadd.f32 v59, v3  }
0x349: {  	v21 =	vmul.f32 v8, v8;
	v22 =	vsub.f32 v13, v58;
	v4 =	vadd.f32 v18, v4  }
0x34a: {  	v25 =	vsub.f32 v13, v62;
	v24 =	vmul.f32 v6, v6;
	v3 =	vadd.f32 v5, v3  }
0x34b: {  	v27 =	vsub.f32 v23, v19;
	v26 =	vmul.f32 v22, v22;
	v4 =	vadd.f32 v21, v4  }
0x34c: {  	v29 =	vsub.f32 v23, v20;
	v28 =	vmul.f32 v25, v25;
	v3 =	vadd.f32 v24, v3  }
0x34d: {  	v30 =	vmul.f32 v27, v27;
	v4 =	vadd.f32 v26, v4  }
0x34e: {  	v31 =	vmul.f32 v29, v29;
	v3 =	vadd.f32 v28, v3  }
0x34f: {  	v4 =	vadd.f32 v30, v4  }
0x350: {  	v3 =	vadd.f32 v31, v3  }
0x351: {  	[tilespmem:s25+$0xFFFFFFE0] =	vst v4  }
0x352: {  	[tilespmem:s26+$0xFFFFFFE0] =	vst v3  }
0x353: {  	v3 =	vld [tilespmem:s28+$0xFFFFFF80]  }
0x354: {  	v4 =	vld [tilespmem:s30+$0xFFFFFF80]  }
0x355: {  	v32 =	vld [tilespmem:s31+$0xFFFFFF80]  }
0x356: {  	v33 =	vld [tilespmem:s28+$0xFFFFFF90]  }
0x357: {  	v36 =	vld [tilespmem:s28+$0xFFFFFFA0]  }
0x358: {  	v39 =	vld [tilespmem:s28+$0xFFFFFFB0]  }
0x359: {  	v43 =	vld [tilespmem:s28+$0xFFFFFFC0]  }
0x35a: {  	v47 =	vld [tilespmem:s28+$0xFFFFFFD0]  }
0x35b: {  	v53 =	vld [tilespmem:s28+$0xFFFFFFE0]  }
0x35c: {  	v57 =	vld [tilespmem:s28+$0xFFFFFFF0]  }
0x35d: {  	v34 =	vld [tilespmem:s30+$0xFFFFFF90]  }
0x35e: {  	v35 =	vld [tilespmem:s31+$0xFFFFFF90];
	v3 =	vadd.f32 $9.999999970e-07, v3;
	v6 =	vadd.f32 $9.999999970e-07, v33  }
0x35f: {  	v37 =	vld [tilespmem:s30+$0xFFFFFFA0];
	v44 =	vadd.f32 $9.999999970e-07, v36;
	v12 =	vadd.f32 $9.999999970e-07, v39  }
0x360: {  	v38 =	vld [tilespmem:s31+$0xFFFFFFA0];
	v7 =	vadd.f32 $9.999999970e-07, v43;
	v58 =	vadd.f32 $9.999999970e-07, v47  }
0x361: {  	v40 =	vld [tilespmem:s30+$0xFFFFFFB0];
	v13 =	vadd.f32 $9.999999970e-07, v53;
	v20 =	vadd.f32 $9.999999970e-07, v57  }
0x362: {  	v41 =	vld [tilespmem:s31+$0xFFFFFFB0];
	v4 =	vsub.f32 v3, v4;
	v42 =	vsub.f32 v6, v34  }
0x363: {  	v45 =	vld [tilespmem:s30+$0xFFFFFFC0];
	v3 =	vsub.f32 v3, v32;
	v6 =	vsub.f32 v6, v35  }
0x364: {  	v46 =	vld [tilespmem:s31+$0xFFFFFFC0];
	v10 =	vsub.f32 v44, v37;
	v4 =	vmul.f32 v4, v4;
	v5 =	vmul.f32 v42, v42  }
0x365: {  	v49 =	vld [tilespmem:s30+$0xFFFFFFD0];
	v48 =	vsub.f32 v44, v38;
	v3 =	vmul.f32 v3, v3;
	v6 =	vmul.f32 v6, v6  }
0x366: {  	v52 =	vld [tilespmem:s31+$0xFFFFFFD0];
	v51 =	vsub.f32 v12, v40;
	v50 =	vmul.f32 v10, v10;
	v4 =	vadd.f32 v5, v4  }
0x367: {  	v55 =	vld [tilespmem:s30+$0xFFFFFFE0];
	v12 =	vsub.f32 v12, v41;
	v3 =	vadd.f32 v6, v3;
	v5 =	vmul.f32 v48, v48  }
0x368: {  	v59 =	vld [tilespmem:s31+$0xFFFFFFE0];
	v9 =	vsub.f32 v7, v45;
	v54 =	vmul.f32 v51, v51;
	v4 =	vadd.f32 v50, v4  }
0x369: {  	v62 =	vld [tilespmem:s30+$0xFFFFFFF0];
	v60 =	vsub.f32 v7, v46;
	v56 =	vmul.f32 v12, v12;
	v3 =	vadd.f32 v5, v3  }
0x36a: {  	v63 =	vld [tilespmem:s31+$0xFFFFFFF0];
	v8 =	vsub.f32 v58, v49;
	v61 =	vmul.f32 v9, v9;
	v4 =	vadd.f32 v54, v4  }
0x36b: {  	v6 =	vsub.f32 v58, v52;
	v5 =	vmul.f32 v60, v60;
	v3 =	vadd.f32 v56, v3  }
0x36c: {  	v19 =	vsub.f32 v13, v55;
	v18 =	vmul.f32 v8, v8;
	v4 =	vadd.f32 v61, v4  }
0x36d: {  	v22 =	vsub.f32 v13, v59;
	v21 =	vmul.f32 v6, v6;
	v3 =	vadd.f32 v5, v3  }
0x36e: {  	v24 =	vsub.f32 v20, v62;
	v23 =	vmul.f32 v19, v19;
	v4 =	vadd.f32 v18, v4  }
0x36f: {  	v26 =	vsub.f32 v20, v63;
	v25 =	vmul.f32 v22, v22;
	v3 =	vadd.f32 v21, v3  }
0x370: {  	v27 =	vmul.f32 v24, v24;
	v4 =	vadd.f32 v23, v4  }
0x371: {  	v28 =	vmul.f32 v26, v26;
	v3 =	vadd.f32 v25, v3  }
0x372: {  	v4 =	vadd.f32 v27, v4  }
0x373: {  	v3 =	vadd.f32 v28, v3  }
0x374: {  	[tilespmem:s25+$0xFFFFFFF0] =	vst v4  }
0x375: {  	[tilespmem:s26+$0xFFFFFFF0] =	vst v3  }
0x376: {  	v3 =	vld [tilespmem:s28+$0x0]  }
0x377: {  	v4 =	vld [tilespmem:s30+$0x0]  }
0x378: {  	v29 =	vld [tilespmem:s31+$0x0]  }
0x379: {  	v30 =	vld [tilespmem:s28+$0x10]  }
0x37a: {  	v33 =	vld [tilespmem:s28+$0x20]  }
0x37b: {  	v36 =	vld [tilespmem:s28+$0x30]  }
0x37c: {  	v40 =	vld [tilespmem:s28+$0x40]  }
0x37d: {  	v44 =	vld [tilespmem:s28+$0x50]  }
0x37e: {  	v50 =	vld [tilespmem:s28+$0x60]  }
0x37f: {  	v54 =	vld [tilespmem:s28+$0x70]  }
0x380: {  	v31 =	vld [tilespmem:s30+$0x10]  }
0x381: {  	v32 =	vld [tilespmem:s31+$0x10];
	v3 =	vadd.f32 $9.999999970e-07, v3;
	v6 =	vadd.f32 $9.999999970e-07, v30  }
0x382: {  	v34 =	vld [tilespmem:s30+$0x20];
	v41 =	vadd.f32 $9.999999970e-07, v33;
	v12 =	vadd.f32 $9.999999970e-07, v36  }
0x383: {  	v35 =	vld [tilespmem:s31+$0x20];
	v7 =	vadd.f32 $9.999999970e-07, v40;
	v55 =	vadd.f32 $9.999999970e-07, v44  }
0x384: {  	v37 =	vld [tilespmem:s30+$0x30];
	v13 =	vadd.f32 $9.999999970e-07, v50;
	v63 =	vadd.f32 $9.999999970e-07, v54  }
0x385: {  	v38 =	vld [tilespmem:s31+$0x30];
	v4 =	vsub.f32 v3, v4;
	v39 =	vsub.f32 v6, v31  }
0x386: {  	v42 =	vld [tilespmem:s30+$0x40];
	v3 =	vsub.f32 v3, v29;
	v6 =	vsub.f32 v6, v32  }
0x387: {  	v43 =	vld [tilespmem:s31+$0x40];
	v10 =	vsub.f32 v41, v34;
	v4 =	vmul.f32 v4, v4;
	v5 =	vmul.f32 v39, v39  }
0x388: {  	v46 =	vld [tilespmem:s30+$0x50];
	v45 =	vsub.f32 v41, v35;
	v3 =	vmul.f32 v3, v3;
	v6 =	vmul.f32 v6, v6  }
0x389: {  	v49 =	vld [tilespmem:s31+$0x50];
	v48 =	vsub.f32 v12, v37;
	v47 =	vmul.f32 v10, v10;
	v4 =	vadd.f32 v5, v4  }
0x38a: {  	v52 =	vld [tilespmem:s30+$0x60];
	v12 =	vsub.f32 v12, v38;
	v3 =	vadd.f32 v6, v3;
	v5 =	vmul.f32 v45, v45  }
0x38b: {  	v56 =	vld [tilespmem:s31+$0x60];
	v9 =	vsub.f32 v7, v42;
	v51 =	vmul.f32 v48, v48;
	v4 =	vadd.f32 v47, v4  }
0x38c: {  	v59 =	vld [tilespmem:s30+$0x70];
	v57 =	vsub.f32 v7, v43;
	v53 =	vmul.f32 v12, v12;
	v3 =	vadd.f32 v5, v3  }
0x38d: {  	v60 =	vld [tilespmem:s31+$0x70];
	v8 =	vsub.f32 v55, v46;
	v58 =	vmul.f32 v9, v9;
	v4 =	vadd.f32 v51, v4  }
0x38e: {  	v6 =	vsub.f32 v55, v49;
	v5 =	vmul.f32 v57, v57;
	v3 =	vadd.f32 v53, v3  }
0x38f: {  	v62 =	vsub.f32 v13, v52;
	v61 =	vmul.f32 v8, v8;
	v4 =	vadd.f32 v58, v4  }
0x390: {  	v16 =	vsub.f32 v13, v56;
	v12 =	vmul.f32 v6, v6;
	v3 =	vadd.f32 v5, v3  }
0x391: {  	v18 =	vsub.f32 v63, v59;
	v17 =	vmul.f32 v62, v62;
	v4 =	vadd.f32 v61, v4  }
0x392: {  	v20 =	vsub.f32 v63, v60;
	v19 =	vmul.f32 v16, v16;
	v3 =	vadd.f32 v12, v3  }
0x393: {  	v21 =	vmul.f32 v18, v18;
	v4 =	vadd.f32 v17, v4  }
0x394: {  	v22 =	vmul.f32 v20, v20;
	v3 =	vadd.f32 v19, v3  }
0x395: {  	v4 =	vadd.f32 v21, v4  }
0x396: {  	v3 =	vadd.f32 v22, v3  }
0x397: {  	[tilespmem:s25+$0x0] =	vst v4  }
0x398: {  	[tilespmem:s26+$0x0] =	vst v3  }
0x399: {  	v3 =	vld [tilespmem:s28+$0x80]  }
0x39a: {  	v4 =	vld [tilespmem:s30+$0x80]  }
0x39b: {  	v23 =	vld [tilespmem:s31+$0x80]  }
0x39c: {  	v24 =	vld [tilespmem:s28+$0x90]  }
0x39d: {  	v27 =	vld [tilespmem:s28+$0xA0]  }
0x39e: {  	v30 =	vld [tilespmem:s28+$0xB0]  }
0x39f: {  	v34 =	vld [tilespmem:s28+$0xC0]  }
0x3a0: {  	v38 =	vld [tilespmem:s28+$0xD0]  }
0x3a1: {  	v44 =	vld [tilespmem:s28+$0xE0]  }
0x3a2: {  	v48 =	vld [tilespmem:s28+$0xF0]  }
0x3a3: {  	v25 =	vld [tilespmem:s30+$0x90]  }
0x3a4: {  	v26 =	vld [tilespmem:s31+$0x90];
	v3 =	vadd.f32 $9.999999970e-07, v3;
	v6 =	vadd.f32 $9.999999970e-07, v24  }
0x3a5: {  	v28 =	vld [tilespmem:s30+$0xA0];
	v35 =	vadd.f32 $9.999999970e-07, v27;
	v12 =	vadd.f32 $9.999999970e-07, v30  }
0x3a6: {  	v29 =	vld [tilespmem:s31+$0xA0];
	v7 =	vadd.f32 $9.999999970e-07, v34;
	v49 =	vadd.f32 $9.999999970e-07, v38  }
0x3a7: {  	v31 =	vld [tilespmem:s30+$0xB0];
	v13 =	vadd.f32 $9.999999970e-07, v44;
	v57 =	vadd.f32 $9.999999970e-07, v48  }
0x3a8: {  	v32 =	vld [tilespmem:s31+$0xB0];
	v4 =	vsub.f32 v3, v4;
	v33 =	vsub.f32 v6, v25  }
0x3a9: {  	v36 =	vld [tilespmem:s30+$0xC0];
	v3 =	vsub.f32 v3, v23;
	v6 =	vsub.f32 v6, v26  }
0x3aa: {  	v37 =	vld [tilespmem:s31+$0xC0];
	v10 =	vsub.f32 v35, v28;
	v4 =	vmul.f32 v4, v4;
	v5 =	vmul.f32 v33, v33  }
0x3ab: {  	v40 =	vld [tilespmem:s30+$0xD0];
	v39 =	vsub.f32 v35, v29;
	v3 =	vmul.f32 v3, v3;
	v6 =	vmul.f32 v6, v6  }
0x3ac: {  	v43 =	vld [tilespmem:s31+$0xD0];
	v42 =	vsub.f32 v12, v31;
	v41 =	vmul.f32 v10, v10;
	v4 =	vadd.f32 v5, v4  }
0x3ad: {  	v46 =	vld [tilespmem:s30+$0xE0];
	v12 =	vsub.f32 v12, v32;
	v3 =	vadd.f32 v6, v3;
	v5 =	vmul.f32 v39, v39  }
0x3ae: {  	v50 =	vld [tilespmem:s31+$0xE0];
	v9 =	vsub.f32 v7, v36;
	v45 =	vmul.f32 v42, v42;
	v4 =	vadd.f32 v41, v4  }
0x3af: {  	v53 =	vld [tilespmem:s30+$0xF0];
	v51 =	vsub.f32 v7, v37;
	v47 =	vmul.f32 v12, v12;
	v3 =	vadd.f32 v5, v3  }
0x3b0: {  	v54 =	vld [tilespmem:s31+$0xF0];
	v8 =	vsub.f32 v49, v40;
	v52 =	vmul.f32 v9, v9;
	v4 =	vadd.f32 v45, v4  }
0x3b1: {  	v6 =	vsub.f32 v49, v43;
	v5 =	vmul.f32 v51, v51;
	v3 =	vadd.f32 v47, v3  }
0x3b2: {  	v56 =	vsub.f32 v13, v46;
	v55 =	vmul.f32 v8, v8;
	v4 =	vadd.f32 v52, v4  }
0x3b3: {  	v58 =	vsub.f32 v13, v50;
	v6 =	vmul.f32 v6, v6;
	v3 =	vadd.f32 v5, v3  }
0x3b4: {  	v60 =	vsub.f32 v57, v53;
	v59 =	vmul.f32 v56, v56;
	v4 =	vadd.f32 v55, v4  }
0x3b5: {  	s20 =	sadd.s32 $0x4, s20;
	v61 =	vsub.f32 v57, v54;
	v5 =	vmul.f32 v58, v58;
	v3 =	vadd.f32 v6, v3  }
0x3b6: {  	p0 =	slt.u32 s20, $0x7C;
	v62 =	vmul.f32 v60, v60;
	v4 =	vadd.f32 v59, v4  }
.Ltmp5:
0x3b7: {  	v63 =	vmul.f32 v61, v61;
	v3 =	vadd.f32 v5, v3;
	(pc) =	sbr.rel @p0 .LBB2_12-.Ltmp5, $4  }
0x3b8: {  	v4 =	vadd.f32 v62, v4  }
0x3b9: {  	v3 =	vadd.f32 v63, v3  }
0x3ba: {  	s0 =	simm.s32 $0x0;
	s28 =	sadd.s32 $0x200, s28;
	s30 =	sadd.s32 $0x200, s30;
	[tilespmem:s25+$0x10] =	vst v4  }
0x3bb: {  	s31 =	sadd.s32 $0x200, s31;
	s25 =	sadd.s32 $0x40, s25;
	[tilespmem:s26+$0x10] =	vst v3;
	s26 =	sadd.s32 $0x40, s26  }
0x3bc: {  	v3 =	vmov s0  }
0x3bd: {  	v3 =	vshll.u32 v3, $0x4  }
0x3be: {  	v3 =	vor.u32 v1, v3;
	_ =	sdelay $0x1  }
0x3bf: {  	v4 =	vor.u32 $0x1, v3;
	_ =	sdelay $0x1  }
0x3c0: {  	v5 =	vor.u32 $0x2, v3  }
0x3c1: {  	v6 =	vld.idx.msk [tilespmem:v3+s23+$0x0], $0xffff  }
0x3c2: {  	v7 =	vor.u32 $0x3, v3;
	v8 =	vld.idx.msk [tilespmem:v3+s24+$0x0], $0xffff  }
0x3c3: {  	v9 =	vld.idx.msk [tilespmem:v4+s23+$0x0], $0xffff  }
0x3c4: {  	v10 =	vor.u32 $0x4, v3;
	v4 =	vld.idx.msk [tilespmem:v4+s24+$0x0], $0xffff  }
0x3c5: {  	v11 =	vld.idx.msk [tilespmem:v5+s23+$0x0], $0xffff  }
0x3c6: {  	v12 =	vor.u32 $0x5, v3;
	v5 =	vld.idx.msk [tilespmem:v5+s24+$0x0], $0xffff  }
0x3c7: {  	v13 =	vld.idx.msk [tilespmem:v7+s23+$0x0], $0xffff  }
0x3c8: {  	v14 =	vor.u32 $0x6, v3;
	v7 =	vld.idx.msk [tilespmem:v7+s24+$0x0], $0xffff;
	v6 =	vadd.f32 $0.0e+00, v6  }
0x3c9: {  	v16 =	vor.u32 $0x7, v3;
	v15 =	vld.idx.msk [tilespmem:v10+s23+$0x0], $0xffff  }
0x3ca: {  	v10 =	vld.idx.msk [tilespmem:v10+s24+$0x0], $0xffff;
	v6 =	vadd.f32 v9, v6  }
0x3cb: {  	v17 =	vld.idx.msk [tilespmem:v12+s23+$0x0], $0xffff;
	v8 =	vadd.f32 $0.0e+00, v8  }
0x3cc: {  	v18 =	vor.u32 $0x8, v3;
	v9 =	vld.idx.msk [tilespmem:v12+s24+$0x0], $0xffff;
	v6 =	vadd.f32 v11, v6  }
0x3cd: {  	v19 =	vor.u32 $0x9, v3;
	v12 =	vld.idx.msk [tilespmem:v14+s23+$0x0], $0xffff;
	v4 =	vadd.f32 v4, v8  }
0x3ce: {  	v8 =	vld.idx.msk [tilespmem:v16+s23+$0x0], $0xffff;
	v6 =	vadd.f32 v13, v6  }
0x3cf: {  	v11 =	vld.idx.msk [tilespmem:v14+s24+$0x0], $0xffff;
	v4 =	vadd.f32 v5, v4  }
0x3d0: {  	v14 =	vld.idx.msk [tilespmem:v16+s24+$0x0], $0xffff;
	v16 =	vor.u32 $0xB, v3;
	v6 =	vadd.f32 v15, v6  }
0x3d1: {  	v5 =	vld.idx.msk [tilespmem:v18+s23+$0x0], $0xffff;
	v13 =	vor.u32 $0xA, v3;
	v4 =	vadd.f32 v7, v4  }
0x3d2: {  	v7 =	vld.idx.msk [tilespmem:v19+s23+$0x0], $0xffff;
	v6 =	vadd.f32 v17, v6  }
0x3d3: {  	v15 =	vld.idx.msk [tilespmem:v18+s24+$0x0], $0xffff;
	v18 =	vor.u32 $0xC, v3;
	v4 =	vadd.f32 v10, v4  }
0x3d4: {  	v17 =	vld.idx.msk [tilespmem:v19+s24+$0x0], $0xffff;
	v6 =	vadd.f32 v12, v6  }
0x3d5: {  	v4 =	vadd.f32 v9, v4;
	v9 =	vld.idx.msk [tilespmem:v16+s23+$0x0], $0xffff  }
0x3d6: {  	v19 =	vor.u32 $0xD, v3;
	v10 =	vld.idx.msk [tilespmem:v13+s23+$0x0], $0xffff;
	v6 =	vadd.f32 v8, v6  }
0x3d7: {  	v12 =	vld.idx.msk [tilespmem:v13+s24+$0x0], $0xffff;
	v13 =	vor.u32 $0xE, v3;
	v4 =	vadd.f32 v11, v4  }
0x3d8: {  	v11 =	vld.idx.msk [tilespmem:v18+s23+$0x0], $0xffff;
	v5 =	vadd.f32 v5, v6  }
0x3d9: {  	s28 =	simm.s32 $0x10;
	v8 =	vld.idx.msk [tilespmem:v16+s24+$0x0], $0xffff;
	v4 =	vadd.f32 v14, v4  }
0x3da: {  	v3 =	vor.u32 $0xF, v3;
	v16 =	vld.idx.msk [tilespmem:v18+s24+$0x0], $0xffff;
	v6 =	vmov s28;
	v5 =	vadd.f32 v7, v5  }
0x3db: {  	v14 =	vld.idx.msk [tilespmem:v19+s23+$0x0], $0xffff;
	v4 =	vadd.f32 v15, v4;
	v6 =	vshll.u32 v6, $0x4  }
0x3dc: {  	v15 =	vld.idx.msk [tilespmem:v13+s23+$0x0], $0xffff;
	v7 =	vor.u32 v1, v6;
	v5 =	vadd.f32 v10, v5  }
0x3dd: {  	v13 =	vld.idx.msk [tilespmem:v13+s24+$0x0], $0xffff;
	v4 =	vadd.f32 v17, v4  }
0x3de: {  	v6 =	vld.idx.msk [tilespmem:v19+s24+$0x0], $0xffff;
	v10 =	vor.u32 $0x1, v7;
	v5 =	vadd.f32 v9, v5  }
0x3df: {  	v17 =	vld.idx.msk [tilespmem:v3+s23+$0x0], $0xffff;
	v4 =	vadd.f32 v12, v4  }
0x3e0: {  	v3 =	vld.idx.msk [tilespmem:v3+s24+$0x0], $0xffff;
	v9 =	vor.u32 $0x2, v7;
	v5 =	vadd.f32 v11, v5  }
0x3e1: {  	v4 =	vadd.f32 v8, v4;
	v12 =	vld.idx.msk [tilespmem:v7+s23+$0x0], $0xffff  }
0x3e2: {  	v18 =	vor.u32 $0x3, v7;
	v11 =	vld.idx.msk [tilespmem:v7+s24+$0x0], $0xffff;
	v5 =	vadd.f32 v14, v5  }
0x3e3: {  	v19 =	vor.u32 $0x4, v7;
	v4 =	vadd.f32 v16, v4;
	v8 =	vld.idx.msk [tilespmem:v10+s23+$0x0], $0xffff  }
0x3e4: {  	v10 =	vld.idx.msk [tilespmem:v10+s24+$0x0], $0xffff;
	v5 =	vadd.f32 v15, v5  }
0x3e5: {  	v4 =	vadd.f32 v6, v4;
	v14 =	vld.idx.msk [tilespmem:v9+s23+$0x0], $0xffff  }
0x3e6: {  	v16 =	vor.u32 $0x5, v7;
	v9 =	vld.idx.msk [tilespmem:v9+s24+$0x0], $0xffff;
	v12 =	vadd.f32 $0.0e+00, v12;
	v5 =	vadd.f32 v17, v5  }
0x3e7: {  	v20 =	vor.u32 $0x6, v7;
	v15 =	vld.idx.msk [tilespmem:v18+s23+$0x0], $0xffff;
	v4 =	vadd.f32 v13, v4  }
0x3e8: {  	v13 =	vld.idx.msk [tilespmem:v19+s23+$0x0], $0xffff;
	v8 =	vadd.f32 v8, v12;
	v6 =	vmax.f32 v5, $1.000000000e-30;
	v5 =	vadd.f32 $0.0e+00, v11  }
0x3e9: {  	v17 =	vld.idx.msk [tilespmem:v18+s24+$0x0], $0xffff;
	v18 =	vor.u32 $0x7, v7;
	v3 =	vadd.f32 v3, v4  }
0x3ea: {  	v11 =	vld.idx.msk [tilespmem:v19+s24+$0x0], $0xffff;
	v8 =	vadd.f32 v14, v8;
	v4 =	vshra.s32 v6, $0x1;
	v10 =	vadd.f32 v10, v5  }
0x3eb: {  	v12 =	vor.u32 $0x8, v7;
	v19 =	vld.idx.msk [tilespmem:v16+s23+$0x0], $0xffff;
	v4 =	vadd.s32 $0x1FBD1DF5, v4  }
0x3ec: {  	v21 =	vld.idx.msk [tilespmem:v20+s23+$0x0], $0xffff;
	v5 =	vmax.f32 v3, $1.000000000e-30;
	v8 =	vadd.f32 v15, v8;
	v3 =	vadd.f32 v9, v10  }
0x3ed: {  	v14 =	vld.idx.msk [tilespmem:v16+s24+$0x0], $0xffff;
	(erf) = vrcp.f32 v4  }
0x3ee: {  	v16 =	vor.u32 $0x9, v7;
	v15 =	vld.idx.msk [tilespmem:v18+s23+$0x0], $0xffff;
	v8 =	vadd.f32 v13, v8;
	v3 =	vadd.f32 v17, v3  }
0x3ef: {  	v9 =	vld.idx.msk [tilespmem:v20+s24+$0x0], $0xffff  }
0x3f0: {  	v20 =	vor.u32 $0xA, v7;
	v13 =	vld.idx.msk [tilespmem:v18+s24+$0x0], $0xffff;
	v8 =	vadd.f32 v19, v8;
	v3 =	vadd.f32 v11, v3  }
0x3f1: {  	v10 =	vshra.s32 v5, $0x1;
	v18 =	vor.u32 $0xB, v7;
	v17 =	vld.idx.msk [tilespmem:v12+s23+$0x0], $0xffff  }
0x3f2: {  	v10 =	vadd.s32 $0x1FBD1DF5, v10;
	v11 =	vld.idx.msk [tilespmem:v12+s24+$0x0], $0xffff;
	v8 =	vadd.f32 v21, v8;
	v3 =	vadd.f32 v14, v3  }
0x3f3: {  	(erf) = vrcp.f32 v10;
	v12 =	vld.idx.msk [tilespmem:v16+s23+$0x0], $0xffff  }
0x3f4: {  	v19 =	vor.u32 $0xC, v7;
	v14 =	vld.idx.msk [tilespmem:v16+s24+$0x0], $0xffff;
	v8 =	vadd.f32 v15, v8;
	v3 =	vadd.f32 v9, v3  }
0x3f5: {  	v16 =	vld.idx.msk [tilespmem:v20+s23+$0x0], $0xffff  }
0x3f6: {  	v21 =	vor.u32 $0xD, v7;
	v22 =	vpop (erf);
	v9 =	vld.idx.msk [tilespmem:v20+s24+$0x0], $0xffff;
	v8 =	vadd.f32 v17, v8;
	v3 =	vadd.f32 v13, v3  }
0x3f7: {  	v20 =	vld.idx.msk [tilespmem:v18+s23+$0x0], $0xffff;
	v15 =	vmul.f32 v22, v6  }
0x3f8: {  	v22 =	vor.u32 $0xE, v7;
	v13 =	vld.idx.msk [tilespmem:v18+s24+$0x0], $0xffff;
	v8 =	vadd.f32 v12, v8;
	v3 =	vadd.f32 v11, v3  }
0x3f9: {  	s30 =	simm.s32 $0x20;
	v7 =	vor.u32 $0xF, v7;
	v4 =	vadd.f32 v4, v15;
	v15 =	vld.idx.msk [tilespmem:v19+s23+$0x0], $0xffff  }
0x3fa: {  	v12 =	vld.idx.msk [tilespmem:v19+s24+$0x0], $0xffff;
	v11 =	vmov s30;
	v8 =	vadd.f32 v16, v8;
	v3 =	vadd.f32 v14, v3  }
0x3fb: {  	v17 =	vmul.f32 $5.000000000e-01, v4;
	v4 =	vshll.u32 v11, $0x4;
	v11 =	vld.idx.msk [tilespmem:v21+s23+$0x0], $0xffff  }
0x3fc: {  	v18 =	vpop (erf);
	v14 =	vor.u32 v1, v4;
	v4 =	vld.idx.msk [tilespmem:v21+s24+$0x0], $0xffff;
	v8 =	vadd.f32 v20, v8;
	v3 =	vadd.f32 v9, v3  }
0x3fd: {  	v16 =	vmul.f32 v18, v5;
	v18 =	vld.idx.msk [tilespmem:v22+s23+$0x0], $0xffff;
	(erf) = vrcp.f32 v17  }
0x3fe: {  	v19 =	vld.idx.msk [tilespmem:v22+s24+$0x0], $0xffff;
	v9 =	vor.u32 $0x1, v14;
	v8 =	vadd.f32 v15, v8;
	v3 =	vadd.f32 v13, v3  }
0x3ff: {  	v10 =	vadd.f32 v10, v16;
	v16 =	vld.idx.msk [tilespmem:v7+s23+$0x0], $0xffff  }
0x400: {  	v7 =	vld.idx.msk [tilespmem:v7+s24+$0x0], $0xffff;
	v20 =	vor.u32 $0x2, v14;
	v8 =	vadd.f32 v11, v8;
	v3 =	vadd.f32 v12, v3  }
0x401: {  	v10 =	vmul.f32 $5.000000000e-01, v10;
	v13 =	vld.idx.msk [tilespmem:v14+s23+$0x0], $0xffff  }
0x402: {  	v15 =	vor.u32 $0x3, v14;
	v11 =	vld.idx.msk [tilespmem:v14+s24+$0x0], $0xffff;
	v3 =	vadd.f32 v4, v3;
	v4 =	vadd.f32 v18, v8  }
0x403: {  	(erf) = vrcp.f32 v10;
	v12 =	vld.idx.msk [tilespmem:v9+s23+$0x0], $0xffff  }
0x404: {  	v21 =	vor.u32 $0x4, v14;
	v8 =	vld.idx.msk [tilespmem:v9+s24+$0x0], $0xffff;
	v3 =	vadd.f32 v19, v3;
	v4 =	vadd.f32 v16, v4  }
0x405: {  	v9 =	vor.u32 $0x5, v14;
	v18 =	vld.idx.msk [tilespmem:v20+s23+$0x0], $0xffff  }
0x406: {  	v16 =	vld.idx.msk [tilespmem:v20+s24+$0x0], $0xffff;
	v13 =	vadd.f32 $0.0e+00, v13;
	v7 =	vadd.f32 v7, v3;
	v3 =	vmax.f32 v4, $1.000000000e-30  }
0x407: {  	v22 =	vor.u32 $0x6, v14;
	v23 =	vld.idx.msk [tilespmem:v15+s23+$0x0], $0xffff;
	v19 =	vpop (erf);
	v4 =	vadd.f32 $0.0e+00, v11;
	v24 =	vshra.s32 v3, $0x1  }
0x408: {  	v19 =	vmul.f32 v19, v6;
	v11 =	vld.idx.msk [tilespmem:v15+s24+$0x0], $0xffff;
	v12 =	vadd.f32 v12, v13;
	v24 =	vadd.s32 $0x1FBD1DF5, v24  }
0x409: {  	v13 =	vld.idx.msk [tilespmem:v21+s23+$0x0], $0xffff;
	v8 =	vadd.f32 v8, v4;
	(erf) = vrcp.f32 v24  }
0x40a: {  	v20 =	vor.u32 $0x7, v14;
	v21 =	vld.idx.msk [tilespmem:v21+s24+$0x0], $0xffff;
	v4 =	vmax.f32 v7, $1.000000000e-30;
	v7 =	vadd.f32 v18, v12  }
0x40b: {  	v15 =	vor.u32 $0x8, v14;
	v12 =	vld.idx.msk [tilespmem:v9+s23+$0x0], $0xffff;
	v18 =	vshra.s32 v4, $0x1;
	v8 =	vadd.f32 v16, v8  }
0x40c: {  	v17 =	vadd.f32 v19, v17;
	v9 =	vld.idx.msk [tilespmem:v9+s24+$0x0], $0xffff;
	v19 =	vpop (erf);
	v16 =	vadd.s32 $0x1FBD1DF5, v18;
	v7 =	vadd.f32 v23, v7  }
0x40d: {  	v18 =	vmul.f32 v19, v5;
	v19 =	vld.idx.msk [tilespmem:v22+s23+$0x0], $0xffff;
	(erf) = vrcp.f32 v16;
	v8 =	vadd.f32 v11, v8  }
0x40e: {  	v17 =	vmul.f32 $5.000000000e-01, v17;
	v23 =	vor.u32 $0x9, v14;
	v11 =	vld.idx.msk [tilespmem:v22+s24+$0x0], $0xffff;
	v7 =	vadd.f32 v13, v7  }
0x40f: {  	v13 =	vld.idx.msk [tilespmem:v20+s23+$0x0], $0xffff;
	v10 =	vadd.f32 v18, v10;
	v8 =	vadd.f32 v21, v8  }
0x410: {  	v18 =	vor.u32 $0xA, v14;
	(erf) = vrcp.f32 v17;
	v20 =	vld.idx.msk [tilespmem:v20+s24+$0x0], $0xffff;
	v7 =	vadd.f32 v12, v7  }
0x411: {  	v12 =	vld.idx.msk [tilespmem:v15+s23+$0x0], $0xffff;
	v10 =	vmul.f32 $5.000000000e-01, v10;
	v8 =	vadd.f32 v9, v8  }
0x412: {  	v21 =	vor.u32 $0xB, v14;
	v9 =	vld.idx.msk [tilespmem:v15+s24+$0x0], $0xffff;
	v7 =	vadd.f32 v19, v7;
	v22 =	vpop (erf)  }
0x413: {  	v15 =	vld.idx.msk [tilespmem:v23+s23+$0x0], $0xffff;
	(erf) = vrcp.f32 v10;
	v8 =	vadd.f32 v11, v8;
	v22 =	vmul.f32 v22, v3  }
0x414: {  	v19 =	vor.u32 $0xC, v14;
	v11 =	vld.idx.msk [tilespmem:v23+s24+$0x0], $0xffff;
	v7 =	vadd.f32 v13, v7  }
0x415: {  	v13 =	vld.idx.msk [tilespmem:v18+s23+$0x0], $0xffff;
	v8 =	vadd.f32 v20, v8;
	v22 =	vadd.f32 v24, v22  }
0x416: {  	v23 =	vor.u32 $0xD, v14;
	v18 =	vld.idx.msk [tilespmem:v18+s24+$0x0], $0xffff;
	v20 =	vpop (erf);
	v7 =	vadd.f32 v12, v7  }
0x417: {  	v12 =	vld.idx.msk [tilespmem:v21+s23+$0x0], $0xffff;
	v20 =	vmul.f32 v20, v4;
	v8 =	vadd.f32 v9, v8  }
0x418: {  	v24 =	vor.u32 $0xE, v14;
	v14 =	vor.u32 $0xF, v14;
	v9 =	vld.idx.msk [tilespmem:v21+s24+$0x0], $0xffff;
	v7 =	vadd.f32 v15, v7  }
0x419: {  	s31 =	simm.s32 $0x30;
	v15 =	vld.idx.msk [tilespmem:v19+s23+$0x0], $0xffff;
	v21 =	vmul.f32 $5.000000000e-01, v22;
	v16 =	vadd.f32 v16, v20;
	v8 =	vadd.f32 v11, v8;
	v22 =	vpop (erf)  }
0x41a: {  	v11 =	vld.idx.msk [tilespmem:v19+s24+$0x0], $0xffff;
	v7 =	vadd.f32 v13, v7;
	v20 =	vmul.f32 v22, v6;
	v6 =	vmov s31  }
0x41b: {  	v13 =	vld.idx.msk [tilespmem:v23+s23+$0x0], $0xffff;
	(erf) = vrcp.f32 v21;
	v8 =	vadd.f32 v18, v8;
	v6 =	vshll.u32 v6, $0x4  }
0x41c: {  	v18 =	vld.idx.msk [tilespmem:v23+s24+$0x0], $0xffff;
	v19 =	vpop (erf);
	v7 =	vadd.f32 v12, v7;
	v6 =	vor.u32 v1, v6  }
0x41d: {  	v12 =	vld.idx.msk [tilespmem:v24+s23+$0x0], $0xffff;
	v5 =	vmul.f32 v19, v5;
	v17 =	vadd.f32 v20, v17;
	v9 =	vadd.f32 v9, v8  }
0x41e: {  	v22 =	vld.idx.msk [tilespmem:v24+s24+$0x0], $0xffff;
	v8 =	vmul.f32 $5.000000000e-01, v16;
	v7 =	vadd.f32 v15, v7;
	v20 =	vor.u32 $0x1, v6  }
0x41f: {  	v15 =	vld.idx.msk [tilespmem:v14+s23+$0x0], $0xffff;
	v19 =	vor.u32 $0x2, v6;
	v23 =	vor.u32 $0x3, v6;
	v5 =	vadd.f32 v5, v10  }
0x420: {  	v24 =	vor.u32 $0x4, v6;
	v10 =	vld.idx.msk [tilespmem:v14+s24+$0x0], $0xffff;
	v9 =	vadd.f32 v11, v9;
	v11 =	vmul.f32 $5.000000000e-01, v17  }
0x421: {  	v7 =	vadd.f32 v13, v7;
	(erf) = vrcp.f32 v8;
	v5 =	vmul.f32 $5.000000000e-01, v5;
	v16 =	vld.idx.msk [tilespmem:v6+s23+$0x0], $0xffff  }
0x422: {  	v25 =	vor.u32 $0x5, v6;
	v9 =	vadd.f32 v18, v9;
	v11 =	vsub.f32 $0.0e+00, v11;
	v17 =	vld.idx.msk [tilespmem:v6+s24+$0x0], $0xffff  }
0x423: {  	v14 =	vor.u32 $0x6, v6;
	v7 =	vadd.f32 v12, v7;
	v5 =	vsub.f32 $0.0e+00, v5;
	v18 =	vld.idx.msk [tilespmem:v20+s23+$0x0], $0xffff  }
0x424: {  	v12 =	vor.u32 $0x7, v6;
	v20 =	vld.idx.msk [tilespmem:v20+s24+$0x0], $0xffff;
	v9 =	vadd.f32 v22, v9;
	v13 =	vpop (erf);
	v11 =	vmul.f32 $1.442695020e+00, v11  }
0x425: {  	v22 =	vld.idx.msk [tilespmem:v19+s23+$0x0], $0xffff;
	v7 =	vadd.f32 v15, v7;
	v15 =	vmul.f32 v13, v3;
	v26 =	vmul.f32 $1.442695020e+00, v5  }
0x426: {  	v27 =	vld.idx.msk [tilespmem:v19+s24+$0x0], $0xffff;
	v13 =	vor.u32 $0x8, v6;
	v9 =	vadd.f32 v10, v9;
	(erf) = vpow2.f32 v11  }
0x427: {  	v19 =	vld.idx.msk [tilespmem:v24+s24+$0x0], $0xffff;
	v5 =	vmax.f32 v7, $1.000000000e-30;
	(erf) = vpow2.f32 v26;
	v10 =	vadd.f32 $0.0e+00, v16  }
0x428: {  	v11 =	vshra.s32 v5, $0x1;
	v26 =	vadd.f32 v15, v21;
	v16 =	vld.idx.msk [tilespmem:v23+s23+$0x0], $0xffff;
	v7 =	vadd.f32 $0.0e+00, v17  }
0x429: {  	v15 =	vor.u32 $0x9, v6;
	v17 =	vld.idx.msk [tilespmem:v23+s24+$0x0], $0xffff;
	v21 =	vadd.f32 v18, v10;
	v10 =	vadd.s32 $0x1FBD1DF5, v11  }
0x42a: {  	v18 =	vld.idx.msk [tilespmem:v24+s23+$0x0], $0xffff;
	v11 =	vadd.f32 v20, v7;
	v7 =	vmax.f32 v9, $1.000000000e-30;
	v9 =	vpop (erf);
	(erf) = vrcp.f32 v10  }
0x42b: {  	v20 =	vld.idx.msk [tilespmem:v25+s23+$0x0], $0xffff;
	v28 =	vshra.s32 v7, $0x1;
	v23 =	vadd.f32 v22, v21;
	v22 =	vmul.f32 v9, v4  }
0x42c: {  	s20 =	simm.s32 $0x40;
	v24 =	vadd.f32 v27, v11;
	v21 =	vld.idx.msk [tilespmem:v25+s24+$0x0], $0xffff;
	v11 =	vadd.s32 $0x1FBD1DF5, v28;
	v9 =	vmul.f32 $5.000000000e-01, v26  }
.LBB2_14:
0x42d: {  	p0 =	sne.s32 s20, $0x70;
	v16 =	vadd.f32 v16, v23;
	v23 =	vld.idx.msk [tilespmem:v14+s23+$0x0], $0xffff;
	v25 =	vor.u32 $0xA, v6;
	(erf) = vrcp.f32 v11;
	s25 =	smov.u32 s20;
	s20 =	sadd.s32 $0x10, s20  }
0x42e: {  	v26 =	vor.u32 $0xC, v6;
	v17 =	vadd.f32 v17, v24;
	v14 =	vld.idx.msk [tilespmem:v14+s24+$0x0], $0xffff;
	v24 =	vor.u32 $0xB, v6  }
0x42f: {  	v8 =	vadd.f32 v22, v8;
	v16 =	vadd.f32 v18, v16;
	v18 =	vld.idx.msk [tilespmem:v12+s23+$0x0], $0xffff;
	(erf) = vrcp.f32 v9;
	v22 =	vpop (erf)  }
0x430: {  	v17 =	vadd.f32 v19, v17;
	v12 =	vld.idx.msk [tilespmem:v12+s24+$0x0], $0xffff;
	v19 =	vor.u32 $0xD, v6;
	v30 =	vsub.f32 $9.999999770e-03, v22;
	v27 =	vpop (erf)  }
0x431: {  	v28 =	vor.u32 $0xE, v6;
	v29 =	vmul.f32 $5.000000000e-01, v8;
	v16 =	vadd.f32 v20, v16;
	v20 =	vld.idx.msk [tilespmem:v13+s23+$0x0], $0xffff  }
0x432: {  	v8 =	vadd.f32 v21, v17;
	v13 =	vld.idx.msk [tilespmem:v13+s24+$0x0], $0xffff;
	v17 =	vor.u32 $0xF, v6;
	v6 =	vadd.f32 v27, v30  }
0x433: {  	v16 =	vadd.f32 v23, v16;
	v21 =	vld.idx.msk [tilespmem:v15+s23+$0x0], $0xffff;
	v22 =	vpop (erf);
	(erf) = vrcp.f32 v29  }
0x434: {  	v8 =	vadd.f32 v14, v8;
	v14 =	vld.idx.msk [tilespmem:v15+s24+$0x0], $0xffff;
	v15 =	vmul.f32 v22, v5;
	v6 =	vmax.f32 v6, $0.0e+00  }
0x435: {  	v16 =	vadd.f32 v18, v16;
	v18 =	vld.idx.msk [tilespmem:v25+s23+$0x0], $0xffff;
	v2 =	vadd.f32 v6, v2  }
0x436: {  	v6 =	vadd.f32 v12, v8;
	v8 =	vld.idx.msk [tilespmem:v25+s24+$0x0], $0xffff;
	v10 =	vadd.f32 v10, v15;
	v12 =	vpop (erf)  }
0x437: {  	v15 =	vadd.f32 v20, v16;
	v16 =	vld.idx.msk [tilespmem:v24+s23+$0x0], $0xffff;
	v12 =	vmul.f32 v12, v7  }
0x438: {  	v6 =	vadd.f32 v13, v6;
	v13 =	vld.idx.msk [tilespmem:v24+s24+$0x0], $0xffff;
	v10 =	vmul.f32 $5.000000000e-01, v10;
	v20 =	vpop (erf)  }
0x439: {  	v15 =	vadd.f32 v21, v15;
	v21 =	vld.idx.msk [tilespmem:v26+s23+$0x0], $0xffff;
	v11 =	vadd.f32 v11, v12;
	v12 =	vmul.f32 v20, v3  }
0x43a: {  	v20 =	vmov s25;
	v3 =	vmov v5;
	v14 =	vadd.f32 v14, v6;
	v22 =	vld.idx.msk [tilespmem:v26+s24+$0x0], $0xffff  }
0x43b: {  	v5 =	vshll.u32 v20, $0x4;
	v15 =	vadd.f32 v18, v15;
	v18 =	vld.idx.msk [tilespmem:v19+s23+$0x0], $0xffff;
	(erf) = vrcp.f32 v10  }
0x43c: {  	v6 =	vor.u32 v1, v5;
	v9 =	vadd.f32 v12, v9;
	v5 =	vadd.f32 v8, v14;
	v14 =	vld.idx.msk [tilespmem:v19+s24+$0x0], $0xffff;
	v8 =	vpop (erf)  }
0x43d: {  	v12 =	vor.u32 $0x1, v6;
	v15 =	vadd.f32 v16, v15;
	v16 =	vld.idx.msk [tilespmem:v28+s23+$0x0], $0xffff;
	v19 =	vmul.f32 v8, v4;
	v4 =	vmovc v7  }
0x43e: {  	v7 =	vor.u32 $0x2, v6;
	v8 =	vmul.f32 $5.000000000e-01, v11;
	v5 =	vadd.f32 v13, v5;
	v13 =	vld.idx.msk [tilespmem:v28+s24+$0x0], $0xffff  }
0x43f: {  	v11 =	vor.u32 $0x3, v6;
	v15 =	vadd.f32 v21, v15;
	v20 =	vld.idx.msk [tilespmem:v17+s23+$0x0], $0xffff;
	v19 =	vadd.f32 v19, v29  }
0x440: {  	v9 =	vmul.f32 $5.000000000e-01, v9;
	v21 =	vor.u32 $0x4, v6;
	v5 =	vadd.f32 v22, v5;
	v17 =	vld.idx.msk [tilespmem:v17+s24+$0x0], $0xffff  }
0x441: {  	v22 =	vld.idx.msk [tilespmem:v6+s23+$0x0], $0xffff;
	v15 =	vadd.f32 v18, v15;
	(erf) = vrcp.f32 v8;
	v18 =	vmul.f32 $5.000000000e-01, v19  }
0x442: {  	v25 =	vor.u32 $0x5, v6;
	v9 =	vsub.f32 $0.0e+00, v9;
	v19 =	vld.idx.msk [tilespmem:v6+s24+$0x0], $0xffff;
	v5 =	vadd.f32 v14, v5  }
0x443: {  	v14 =	vor.u32 $0x6, v6;
	v23 =	vld.idx.msk [tilespmem:v12+s23+$0x0], $0xffff;
	v15 =	vadd.f32 v16, v15;
	v16 =	vsub.f32 $0.0e+00, v18  }
0x444: {  	v9 =	vmul.f32 $1.442695020e+00, v9;
	v24 =	vld.idx.msk [tilespmem:v12+s24+$0x0], $0xffff;
	v12 =	vor.u32 $0x7, v6;
	v5 =	vadd.f32 v13, v5;
	v13 =	vpop (erf)  }
0x445: {  	v26 =	vld.idx.msk [tilespmem:v7+s23+$0x0], $0xffff;
	v15 =	vadd.f32 v20, v15;
	v18 =	vmul.f32 v13, v3;
	v20 =	vmul.f32 $1.442695020e+00, v16  }
0x446: {  	v13 =	vor.u32 $0x8, v6;
	v27 =	vld.idx.msk [tilespmem:v7+s24+$0x0], $0xffff;
	v7 =	vadd.f32 v17, v5;
	(erf) = vpow2.f32 v9  }
0x447: {  	v9 =	vadd.f32 $0.0e+00, v22;
	v16 =	vld.idx.msk [tilespmem:v11+s23+$0x0], $0xffff;
	v5 =	vmax.f32 v15, $1.000000000e-30;
	(erf) = vpow2.f32 v20  }
.Ltmp6:
0x448: {  	v19 =	vadd.f32 $0.0e+00, v19;
	v28 =	vadd.f32 v18, v10;
	v17 =	vld.idx.msk [tilespmem:v11+s24+$0x0], $0xffff;
	v11 =	vshra.s32 v5, $0x1;
	(pc) =	sbr.rel @p0 .LBB2_14-.Ltmp6, $4  }
0x449: {  	v15 =	vor.u32 $0x9, v6;
	v9 =	vadd.f32 v23, v9;
	v18 =	vld.idx.msk [tilespmem:v21+s23+$0x0], $0xffff;
	v10 =	vadd.s32 $0x1FBD1DF5, v11  }
0x44a: {  	v7 =	vmax.f32 v7, $1.000000000e-30;
	v11 =	vadd.f32 v24, v19;
	v19 =	vld.idx.msk [tilespmem:v21+s24+$0x0], $0xffff;
	(erf) = vrcp.f32 v10;
	v21 =	vpop (erf)  }
0x44b: {  	v23 =	vadd.f32 v26, v9;
	v9 =	vshra.s32 v7, $0x1;
	v20 =	vld.idx.msk [tilespmem:v25+s23+$0x0], $0xffff;
	v22 =	vmul.f32 v21, v4  }
0x44c: {  	v24 =	vadd.f32 v27, v11;
	v11 =	vadd.s32 $0x1FBD1DF5, v9;
	v9 =	vmul.f32 $5.000000000e-01, v28;
	v21 =	vld.idx.msk [tilespmem:v25+s24+$0x0], $0xffff  }
0x44d: {  	_ =	sdelay $0x2  }
0x44e: {  	v16 =	vadd.f32 v16, v23  }
0x44f: {  	v51 =	vld.idx.msk [tilespmem:v14+s23+$0x0], $0xffff;
	v17 =	vadd.f32 v17, v24  }
0x450: {  	v52 =	vld.idx.msk [tilespmem:v14+s24+$0x0], $0xffff;
	v16 =	vadd.f32 v18, v16  }
0x451: {  	v53 =	vld.idx.msk [tilespmem:v12+s23+$0x0], $0xffff;
	v17 =	vadd.f32 v19, v17  }
0x452: {  	v54 =	vor.u32 $0xA, v6;
	v8 =	vadd.f32 v22, v8;
	v55 =	vld.idx.msk [tilespmem:v12+s24+$0x0], $0xffff;
	v16 =	vadd.f32 v20, v16  }
0x453: {  	(erf) = vrcp.f32 v11;
	v56 =	vld.idx.msk [tilespmem:v13+s23+$0x0], $0xffff;
	v17 =	vadd.f32 v21, v17  }
0x454: {  	v57 =	vor.u32 $0xB, v6;
	v58 =	vld.idx.msk [tilespmem:v13+s24+$0x0], $0xffff;
	v8 =	vmul.f32 $5.000000000e-01, v8;
	v16 =	vadd.f32 v51, v16  }
0x455: {  	v59 =	vld.idx.msk [tilespmem:v15+s23+$0x0], $0xffff;
	(erf) = vrcp.f32 v9;
	v14 =	vadd.f32 v52, v17  }
0x456: {  	v60 =	vor.u32 $0xC, v6;
	v61 =	vld.idx.msk [tilespmem:v15+s24+$0x0], $0xffff;
	(erf) = vrcp.f32 v8;
	v16 =	vadd.f32 v53, v16  }
0x457: {  	v62 =	vld.idx.msk [tilespmem:v54+s23+$0x0], $0xffff;
	v12 =	vadd.f32 v55, v14  }
0x458: {  	v63 =	vor.u32 $0xD, v6;
	v19 =	vld.idx.msk [tilespmem:v54+s24+$0x0], $0xffff;
	v16 =	vadd.f32 v56, v16  }
0x459: {  	v28 =	vld.idx.msk [tilespmem:v57+s23+$0x0], $0xffff;
	v12 =	vadd.f32 v58, v12  }
0x45a: {  	v30 =	vor.u32 $0xE, v6;
	v29 =	vpop (erf);
	v21 =	vld.idx.msk [tilespmem:v57+s24+$0x0], $0xffff;
	v16 =	vadd.f32 v59, v16  }
0x45b: {  	v31 =	vpop (erf);
	v32 =	vld.idx.msk [tilespmem:v60+s23+$0x0], $0xffff;
	v12 =	vadd.f32 v61, v12  }
0x45c: {  	v33 =	vor.u32 $0xF, v6;
	v34 =	vpop (erf);
	v17 =	vld.idx.msk [tilespmem:v60+s24+$0x0], $0xffff;
	v16 =	vadd.f32 v62, v16  }
0x45d: {  	v25 =	vld.idx.msk [tilespmem:v63+s23+$0x0], $0xffff;
	v15 =	vmul.f32 v34, v5;
	v35 =	vpop (erf);
	v12 =	vadd.f32 v19, v12  }
0x45e: {  	v14 =	vld.idx.msk [tilespmem:v63+s24+$0x0], $0xffff;
	v18 =	vmul.f32 v35, v7;
	v36 =	vpop (erf);
	v16 =	vadd.f32 v28, v16  }
0x45f: {  	v38 =	vld.idx.msk [tilespmem:v30+s23+$0x0], $0xffff;
	v10 =	vadd.f32 v10, v15;
	v3 =	vmul.f32 v36, v3;
	v37 =	vpop (erf);
	v12 =	vadd.f32 v21, v12  }
0x460: {  	v40 =	vld.idx.msk [tilespmem:v30+s24+$0x0], $0xffff;
	v39 =	vadd.f32 v11, v18;
	v4 =	vmul.f32 v37, v4;
	v16 =	vadd.f32 v32, v16  }
0x461: {  	v41 =	vld.idx.msk [tilespmem:v33+s23+$0x0], $0xffff;
	v3 =	vadd.f32 v3, v9;
	v12 =	vadd.f32 v17, v12  }
0x462: {  	v6 =	vld.idx.msk [tilespmem:v33+s24+$0x0], $0xffff;
	v4 =	vadd.f32 v4, v8;
	v42 =	vadd.f32 v25, v16  }
0x463: {  	v10 =	vmul.f32 $5.000000000e-01, v10;
	v3 =	vmul.f32 $5.000000000e-01, v3;
	v12 =	vadd.f32 v14, v12  }
0x464: {  	v11 =	vmul.f32 $5.000000000e-01, v39;
	v4 =	vmul.f32 $5.000000000e-01, v4;
	v8 =	vadd.f32 v38, v42  }
0x465: {  	(erf) = vrcp.f32 v10;
	v3 =	vsub.f32 $0.0e+00, v3;
	v12 =	vadd.f32 v40, v12  }
0x466: {  	(erf) = vrcp.f32 v11;
	v4 =	vsub.f32 $0.0e+00, v4;
	v8 =	vadd.f32 v41, v8  }
0x467: {  	v3 =	vmul.f32 $1.442695020e+00, v3;
	v6 =	vadd.f32 v6, v12  }
0x468: {  	v4 =	vmul.f32 $1.442695020e+00, v4;
	v8 =	vmax.f32 v8, $1.000000000e-30  }
0x469: {  	(erf) = vpow2.f32 v3;
	v3 =	vshra.s32 v8, $0x1;
	v6 =	vmax.f32 v6, $1.000000000e-30  }
0x46a: {  	(erf) = vpow2.f32 v4;
	v3 =	vadd.s32 $0x1FBD1DF5, v3;
	v43 =	vshra.s32 v6, $0x1  }
0x46b: {  	(erf) = vrcp.f32 v3;
	v4 =	vadd.s32 $0x1FBD1DF5, v43  }
0x46c: {  	(erf) = vrcp.f32 v4;
	_ =	sdelay $0x1  }
0x46d: {  	v44 =	vpop (erf)  }
0x46e: {  	v9 =	vmul.f32 v44, v5;
	v45 =	vpop (erf)  }
0x46f: {  	v12 =	vmul.f32 v45, v7  }
0x470: {  	v9 =	vadd.f32 v9, v10  }
0x471: {  	v46 =	vadd.f32 v12, v11;
	v47 =	vpop (erf)  }
0x472: {  	v9 =	vmul.f32 $5.000000000e-01, v9;
	v48 =	vpop (erf)  }
0x473: {  	v10 =	vmul.f32 $5.000000000e-01, v46;
	v49 =	vpop (erf)  }
0x474: {  	(erf) = vrcp.f32 v9;
	v14 =	vmul.f32 v49, v8;
	v50 =	vpop (erf)  }
0x475: {  	(erf) = vrcp.f32 v10;
	v15 =	vmul.f32 v50, v6  }
0x476: {  	v3 =	vadd.f32 v3, v14  }
0x477: {  	v4 =	vadd.f32 v4, v15  }
0x478: {  	v3 =	vmul.f32 $5.000000000e-01, v3  }
0x479: {  	v4 =	vmul.f32 $5.000000000e-01, v4  }
0x47a: {  	(erf) = vrcp.f32 v3  }
0x47b: {  	(erf) = vrcp.f32 v4;
	_ =	sdelay $0x1  }
0x47c: {  	v51 =	vpop (erf)  }
0x47d: {  	v52 =	vmul.f32 v51, v5;
	v53 =	vpop (erf)  }
0x47e: {  	v54 =	vmul.f32 v53, v7  }
0x47f: {  	v5 =	vadd.f32 v52, v9  }
0x480: {  	v7 =	vadd.f32 v54, v10  }
0x481: {  	v5 =	vmul.f32 $5.000000000e-01, v5  }
0x482: {  	v7 =	vmul.f32 $5.000000000e-01, v7;
	v55 =	vpop (erf)  }
0x483: {  	v5 =	vsub.f32 $0.0e+00, v5;
	v9 =	vmul.f32 v55, v8;
	v56 =	vpop (erf)  }
0x484: {  	v7 =	vsub.f32 $0.0e+00, v7;
	v10 =	vmul.f32 v56, v6  }
0x485: {  	v5 =	vmul.f32 $1.442695020e+00, v5;
	v3 =	vadd.f32 v9, v3  }
0x486: {  	v7 =	vmul.f32 $1.442695020e+00, v7;
	v4 =	vadd.f32 v10, v4  }
0x487: {  	(erf) = vpow2.f32 v5;
	v3 =	vmul.f32 $5.000000000e-01, v3  }
0x488: {  	(erf) = vpow2.f32 v7;
	v4 =	vmul.f32 $5.000000000e-01, v4  }
0x489: {  	(erf) = vrcp.f32 v3  }
0x48a: {  	(erf) = vrcp.f32 v4;
	_ =	sdelay $0x5  }
0x48b: {  	v5 =	vpop (erf)  }
0x48c: {  	v7 =	vpop (erf)  }
0x48d: {  	v57 =	vpop (erf)  }
0x48e: {  	v8 =	vmul.f32 v57, v8;
	v58 =	vpop (erf)  }
0x48f: {  	v6 =	vmul.f32 v58, v6  }
0x490: {  	v3 =	vadd.f32 v8, v3  }
0x491: {  	v4 =	vadd.f32 v6, v4  }
0x492: {  	v3 =	vmul.f32 $5.000000000e-01, v3  }
0x493: {  	v4 =	vmul.f32 $5.000000000e-01, v4  }
0x494: {  	v3 =	vsub.f32 $0.0e+00, v3  }
0x495: {  	v4 =	vsub.f32 $0.0e+00, v4  }
0x496: {  	v3 =	vmul.f32 $1.442695020e+00, v3  }
0x497: {  	v4 =	vmul.f32 $1.442695020e+00, v4  }
0x498: {  	(erf) = vpow2.f32 v3  }
0x499: {  	(erf) = vpow2.f32 v4;
	_ =	sdelay $0x6  }
0x49a: {  	v59 =	vsub.f32 $9.999999770e-03, v29  }
0x49b: {  	v3 =	vpop (erf)  }
0x49c: {  	v61 =	vsub.f32 $9.999999770e-03, v47;
	v4 =	vadd.f32 v31, v59;
	v60 =	vpop (erf)  }
0x49d: {  	_ =	swait.ge [sflag:s29], $0x4000  }
0x49e: {  	v5 =	vsub.f32 $9.999999770e-03, v5;
	v8 =	vadd.f32 v48, v61;
	v4 =	vmax.f32 v4, $0.0e+00;
	[sflag:s29] =	ssyncset.done $0x0  }
0x49f: {  	v2 =	vadd.f32 v4, v2;
	[sflag:s29] =	ssyncadd.s32 $0xFFFFC000  }
0x4a0: {  	v5 =	vadd.f32 v7, v5;
	v62 =	vmax.f32 v8, $0.0e+00;
	v3 =	vsub.f32 $9.999999770e-03, v3;
	_ =	swait.ge [sflag:s29], $0x4000  }
0x4a1: {  	v2 =	vadd.f32 v62, v2;
	[sflag:s29] =	ssyncset.done $0x0  }
0x4a2: {  	v63 =	vmax.f32 v5, $0.0e+00;
	v3 =	vadd.f32 v60, v3;
	[sflag:s29] =	ssyncadd.s32 $0xFFFFC000  }
0x4a3: {  	s20 =	simm.s32 $0xFFFFFFFC;
	s25 =	simm.s32 $0x18620;
	v2 =	vadd.f32 v63, v2;
	_ =	swait.ge [sflag:s29], $0x4000  }
0x4a4: {  	s26 =	simm.s32 $0x18E20;
	s28 =	simm.s32 $0xC700;
	v3 =	vmax.f32 v3, $0.0e+00;
	[sflag:s29] =	ssyncset.done $0x0  }
0x4a5: {  	s30 =	simm.s32 $0x10700;
	s31 =	simm.s32 $0x14700;
	v2 =	vadd.f32 v3, v2;
	[sflag:s29] =	ssyncadd.s32 $0xFFFFC000  }
.LBB2_16:
0x4a6: {  	v3 =	vld [tilespmem:s28+$0xFFFFFF00]  }
0x4a7: {  	v4 =	vld [tilespmem:s30+$0xFFFFFF00]  }
0x4a8: {  	v5 =	vld [tilespmem:s31+$0xFFFFFF00]  }
0x4a9: {  	v6 =	vld [tilespmem:s28+$0xFFFFFF10]  }
0x4aa: {  	v7 =	vld [tilespmem:s30+$0xFFFFFF10]  }
0x4ab: {  	v9 =	vld [tilespmem:s28+$0xFFFFFF20]  }
0x4ac: {  	v12 =	vld [tilespmem:s28+$0xFFFFFF30]  }
0x4ad: {  	v16 =	vld [tilespmem:s28+$0xFFFFFF50]  }
0x4ae: {  	v60 =	vld [tilespmem:s28+$0xFFFFFF70]  }
0x4af: {  	v8 =	vld [tilespmem:s31+$0xFFFFFF10]  }
0x4b0: {  	v10 =	vld [tilespmem:s30+$0xFFFFFF20]  }
0x4b1: {  	v11 =	vld [tilespmem:s31+$0xFFFFFF20];
	v3 =	vadd.f32 $9.999999970e-07, v3;
	v6 =	vadd.f32 $9.999999970e-07, v6  }
0x4b2: {  	v13 =	vld [tilespmem:s30+$0xFFFFFF30];
	v49 =	vadd.f32 $9.999999970e-07, v9;
	v12 =	vadd.f32 $9.999999970e-07, v12  }
0x4b3: {  	v14 =	vld [tilespmem:s31+$0xFFFFFF30];
	v61 =	vadd.f32 $9.999999970e-07, v16;
	v23 =	vadd.f32 $9.999999970e-07, v60  }
0x4b4: {  	v48 =	vld [tilespmem:s28+$0xFFFFFF40];
	v4 =	vsub.f32 v3, v4;
	v3 =	vsub.f32 v3, v5  }
0x4b5: {  	v52 =	vld [tilespmem:s30+$0xFFFFFF50];
	v47 =	vsub.f32 v6, v7;
	v6 =	vsub.f32 v6, v8  }
0x4b6: {  	v50 =	vld [tilespmem:s30+$0xFFFFFF40];
	v10 =	vsub.f32 v49, v10;
	v51 =	vsub.f32 v49, v11  }
0x4b7: {  	v15 =	vld [tilespmem:s31+$0xFFFFFF40];
	v54 =	vsub.f32 v12, v13;
	v4 =	vmul.f32 v4, v4;
	v5 =	vmul.f32 v47, v47  }
0x4b8: {  	v56 =	vld [tilespmem:s28+$0xFFFFFF60];
	v12 =	vsub.f32 v12, v14;
	v3 =	vmul.f32 v3, v3;
	v6 =	vmul.f32 v6, v6  }
0x4b9: {  	v55 =	vld [tilespmem:s31+$0xFFFFFF50];
	v7 =	vadd.f32 $9.999999970e-07, v48;
	v53 =	vmul.f32 v10, v10;
	v4 =	vadd.f32 v5, v4  }
0x4ba: {  	v58 =	vld [tilespmem:s30+$0xFFFFFF60];
	v8 =	vsub.f32 v61, v52;
	v3 =	vadd.f32 v6, v3;
	v5 =	vmul.f32 v51, v51  }
0x4bb: {  	v62 =	vld [tilespmem:s31+$0xFFFFFF60];
	v57 =	vmul.f32 v54, v54;
	v9 =	vsub.f32 v7, v50;
	v4 =	vadd.f32 v53, v4  }
0x4bc: {  	v19 =	vld [tilespmem:s30+$0xFFFFFF70];
	v59 =	vmul.f32 v12, v12;
	v63 =	vsub.f32 v7, v15;
	v3 =	vadd.f32 v5, v3  }
0x4bd: {  	v20 =	vld [tilespmem:s31+$0xFFFFFF70];
	v13 =	vadd.f32 $9.999999970e-07, v56;
	v18 =	vmul.f32 v9, v9;
	v4 =	vadd.f32 v57, v4  }
0x4be: {  	v6 =	vsub.f32 v61, v55;
	v5 =	vmul.f32 v63, v63;
	v3 =	vadd.f32 v59, v3  }
0x4bf: {  	v21 =	vmul.f32 v8, v8;
	v22 =	vsub.f32 v13, v58;
	v4 =	vadd.f32 v18, v4  }
0x4c0: {  	v25 =	vsub.f32 v13, v62;
	v24 =	vmul.f32 v6, v6;
	v3 =	vadd.f32 v5, v3  }
0x4c1: {  	v27 =	vsub.f32 v23, v19;
	v26 =	vmul.f32 v22, v22;
	v4 =	vadd.f32 v21, v4  }
0x4c2: {  	v29 =	vsub.f32 v23, v20;
	v28 =	vmul.f32 v25, v25;
	v3 =	vadd.f32 v24, v3  }
0x4c3: {  	v30 =	vmul.f32 v27, v27;
	v4 =	vadd.f32 v26, v4  }
0x4c4: {  	v31 =	vmul.f32 v29, v29;
	v3 =	vadd.f32 v28, v3  }
0x4c5: {  	v4 =	vadd.f32 v30, v4  }
0x4c6: {  	v3 =	vadd.f32 v31, v3  }
0x4c7: {  	[tilespmem:s25+$0xFFFFFFE0] =	vst v4  }
0x4c8: {  	[tilespmem:s26+$0xFFFFFFE0] =	vst v3  }
0x4c9: {  	v3 =	vld [tilespmem:s28+$0xFFFFFF80]  }
0x4ca: {  	v4 =	vld [tilespmem:s30+$0xFFFFFF80]  }
0x4cb: {  	v32 =	vld [tilespmem:s31+$0xFFFFFF80]  }
0x4cc: {  	v33 =	vld [tilespmem:s28+$0xFFFFFF90]  }
0x4cd: {  	v36 =	vld [tilespmem:s28+$0xFFFFFFA0]  }
0x4ce: {  	v39 =	vld [tilespmem:s28+$0xFFFFFFB0]  }
0x4cf: {  	v43 =	vld [tilespmem:s28+$0xFFFFFFC0]  }
0x4d0: {  	v47 =	vld [tilespmem:s28+$0xFFFFFFD0]  }
0x4d1: {  	v53 =	vld [tilespmem:s28+$0xFFFFFFE0]  }
0x4d2: {  	v57 =	vld [tilespmem:s28+$0xFFFFFFF0]  }
0x4d3: {  	v34 =	vld [tilespmem:s30+$0xFFFFFF90]  }
0x4d4: {  	v35 =	vld [tilespmem:s31+$0xFFFFFF90];
	v3 =	vadd.f32 $9.999999970e-07, v3;
	v6 =	vadd.f32 $9.999999970e-07, v33  }
0x4d5: {  	v37 =	vld [tilespmem:s30+$0xFFFFFFA0];
	v44 =	vadd.f32 $9.999999970e-07, v36;
	v12 =	vadd.f32 $9.999999970e-07, v39  }
0x4d6: {  	v38 =	vld [tilespmem:s31+$0xFFFFFFA0];
	v7 =	vadd.f32 $9.999999970e-07, v43;
	v58 =	vadd.f32 $9.999999970e-07, v47  }
0x4d7: {  	v40 =	vld [tilespmem:s30+$0xFFFFFFB0];
	v13 =	vadd.f32 $9.999999970e-07, v53;
	v20 =	vadd.f32 $9.999999970e-07, v57  }
0x4d8: {  	v41 =	vld [tilespmem:s31+$0xFFFFFFB0];
	v4 =	vsub.f32 v3, v4;
	v42 =	vsub.f32 v6, v34  }
0x4d9: {  	v45 =	vld [tilespmem:s30+$0xFFFFFFC0];
	v3 =	vsub.f32 v3, v32;
	v6 =	vsub.f32 v6, v35  }
0x4da: {  	v46 =	vld [tilespmem:s31+$0xFFFFFFC0];
	v10 =	vsub.f32 v44, v37;
	v4 =	vmul.f32 v4, v4;
	v5 =	vmul.f32 v42, v42  }
0x4db: {  	v49 =	vld [tilespmem:s30+$0xFFFFFFD0];
	v48 =	vsub.f32 v44, v38;
	v3 =	vmul.f32 v3, v3;
	v6 =	vmul.f32 v6, v6  }
0x4dc: {  	v52 =	vld [tilespmem:s31+$0xFFFFFFD0];
	v51 =	vsub.f32 v12, v40;
	v50 =	vmul.f32 v10, v10;
	v4 =	vadd.f32 v5, v4  }
0x4dd: {  	v55 =	vld [tilespmem:s30+$0xFFFFFFE0];
	v12 =	vsub.f32 v12, v41;
	v3 =	vadd.f32 v6, v3;
	v5 =	vmul.f32 v48, v48  }
0x4de: {  	v59 =	vld [tilespmem:s31+$0xFFFFFFE0];
	v9 =	vsub.f32 v7, v45;
	v54 =	vmul.f32 v51, v51;
	v4 =	vadd.f32 v50, v4  }
0x4df: {  	v62 =	vld [tilespmem:s30+$0xFFFFFFF0];
	v60 =	vsub.f32 v7, v46;
	v56 =	vmul.f32 v12, v12;
	v3 =	vadd.f32 v5, v3  }
0x4e0: {  	v63 =	vld [tilespmem:s31+$0xFFFFFFF0];
	v8 =	vsub.f32 v58, v49;
	v61 =	vmul.f32 v9, v9;
	v4 =	vadd.f32 v54, v4  }
0x4e1: {  	v6 =	vsub.f32 v58, v52;
	v5 =	vmul.f32 v60, v60;
	v3 =	vadd.f32 v56, v3  }
0x4e2: {  	v19 =	vsub.f32 v13, v55;
	v18 =	vmul.f32 v8, v8;
	v4 =	vadd.f32 v61, v4  }
0x4e3: {  	v22 =	vsub.f32 v13, v59;
	v21 =	vmul.f32 v6, v6;
	v3 =	vadd.f32 v5, v3  }
0x4e4: {  	v24 =	vsub.f32 v20, v62;
	v23 =	vmul.f32 v19, v19;
	v4 =	vadd.f32 v18, v4  }
0x4e5: {  	v26 =	vsub.f32 v20, v63;
	v25 =	vmul.f32 v22, v22;
	v3 =	vadd.f32 v21, v3  }
0x4e6: {  	v27 =	vmul.f32 v24, v24;
	v4 =	vadd.f32 v23, v4  }
0x4e7: {  	v28 =	vmul.f32 v26, v26;
	v3 =	vadd.f32 v25, v3  }
0x4e8: {  	v4 =	vadd.f32 v27, v4  }
0x4e9: {  	v3 =	vadd.f32 v28, v3  }
0x4ea: {  	[tilespmem:s25+$0xFFFFFFF0] =	vst v4  }
0x4eb: {  	[tilespmem:s26+$0xFFFFFFF0] =	vst v3  }
0x4ec: {  	v3 =	vld [tilespmem:s28+$0x0]  }
0x4ed: {  	v4 =	vld [tilespmem:s30+$0x0]  }
0x4ee: {  	v29 =	vld [tilespmem:s31+$0x0]  }
0x4ef: {  	v30 =	vld [tilespmem:s28+$0x10]  }
0x4f0: {  	v33 =	vld [tilespmem:s28+$0x20]  }
0x4f1: {  	v36 =	vld [tilespmem:s28+$0x30]  }
0x4f2: {  	v40 =	vld [tilespmem:s28+$0x40]  }
0x4f3: {  	v44 =	vld [tilespmem:s28+$0x50]  }
0x4f4: {  	v50 =	vld [tilespmem:s28+$0x60]  }
0x4f5: {  	v54 =	vld [tilespmem:s28+$0x70]  }
0x4f6: {  	v31 =	vld [tilespmem:s30+$0x10]  }
0x4f7: {  	v32 =	vld [tilespmem:s31+$0x10];
	v3 =	vadd.f32 $9.999999970e-07, v3;
	v6 =	vadd.f32 $9.999999970e-07, v30  }
0x4f8: {  	v34 =	vld [tilespmem:s30+$0x20];
	v41 =	vadd.f32 $9.999999970e-07, v33;
	v12 =	vadd.f32 $9.999999970e-07, v36  }
0x4f9: {  	v35 =	vld [tilespmem:s31+$0x20];
	v7 =	vadd.f32 $9.999999970e-07, v40;
	v55 =	vadd.f32 $9.999999970e-07, v44  }
0x4fa: {  	v37 =	vld [tilespmem:s30+$0x30];
	v13 =	vadd.f32 $9.999999970e-07, v50;
	v63 =	vadd.f32 $9.999999970e-07, v54  }
0x4fb: {  	v38 =	vld [tilespmem:s31+$0x30];
	v4 =	vsub.f32 v3, v4;
	v39 =	vsub.f32 v6, v31  }
0x4fc: {  	v42 =	vld [tilespmem:s30+$0x40];
	v3 =	vsub.f32 v3, v29;
	v6 =	vsub.f32 v6, v32  }
0x4fd: {  	v43 =	vld [tilespmem:s31+$0x40];
	v10 =	vsub.f32 v41, v34;
	v4 =	vmul.f32 v4, v4;
	v5 =	vmul.f32 v39, v39  }
0x4fe: {  	v46 =	vld [tilespmem:s30+$0x50];
	v45 =	vsub.f32 v41, v35;
	v3 =	vmul.f32 v3, v3;
	v6 =	vmul.f32 v6, v6  }
0x4ff: {  	v49 =	vld [tilespmem:s31+$0x50];
	v48 =	vsub.f32 v12, v37;
	v47 =	vmul.f32 v10, v10;
	v4 =	vadd.f32 v5, v4  }
0x500: {  	v52 =	vld [tilespmem:s30+$0x60];
	v12 =	vsub.f32 v12, v38;
	v3 =	vadd.f32 v6, v3;
	v5 =	vmul.f32 v45, v45  }
0x501: {  	v56 =	vld [tilespmem:s31+$0x60];
	v9 =	vsub.f32 v7, v42;
	v51 =	vmul.f32 v48, v48;
	v4 =	vadd.f32 v47, v4  }
0x502: {  	v59 =	vld [tilespmem:s30+$0x70];
	v57 =	vsub.f32 v7, v43;
	v53 =	vmul.f32 v12, v12;
	v3 =	vadd.f32 v5, v3  }
0x503: {  	v60 =	vld [tilespmem:s31+$0x70];
	v8 =	vsub.f32 v55, v46;
	v58 =	vmul.f32 v9, v9;
	v4 =	vadd.f32 v51, v4  }
0x504: {  	v6 =	vsub.f32 v55, v49;
	v5 =	vmul.f32 v57, v57;
	v3 =	vadd.f32 v53, v3  }
0x505: {  	v62 =	vsub.f32 v13, v52;
	v61 =	vmul.f32 v8, v8;
	v4 =	vadd.f32 v58, v4  }
0x506: {  	v16 =	vsub.f32 v13, v56;
	v12 =	vmul.f32 v6, v6;
	v3 =	vadd.f32 v5, v3  }
0x507: {  	v18 =	vsub.f32 v63, v59;
	v17 =	vmul.f32 v62, v62;
	v4 =	vadd.f32 v61, v4  }
0x508: {  	v20 =	vsub.f32 v63, v60;
	v19 =	vmul.f32 v16, v16;
	v3 =	vadd.f32 v12, v3  }
0x509: {  	v21 =	vmul.f32 v18, v18;
	v4 =	vadd.f32 v17, v4  }
0x50a: {  	v22 =	vmul.f32 v20, v20;
	v3 =	vadd.f32 v19, v3  }
0x50b: {  	v4 =	vadd.f32 v21, v4  }
0x50c: {  	v3 =	vadd.f32 v22, v3  }
0x50d: {  	[tilespmem:s25+$0x0] =	vst v4  }
0x50e: {  	[tilespmem:s26+$0x0] =	vst v3  }
0x50f: {  	v3 =	vld [tilespmem:s28+$0x80]  }
0x510: {  	v4 =	vld [tilespmem:s30+$0x80]  }
0x511: {  	v23 =	vld [tilespmem:s31+$0x80]  }
0x512: {  	v24 =	vld [tilespmem:s28+$0x90]  }
0x513: {  	v27 =	vld [tilespmem:s28+$0xA0]  }
0x514: {  	v30 =	vld [tilespmem:s28+$0xB0]  }
0x515: {  	v34 =	vld [tilespmem:s28+$0xC0]  }
0x516: {  	v38 =	vld [tilespmem:s28+$0xD0]  }
0x517: {  	v44 =	vld [tilespmem:s28+$0xE0]  }
0x518: {  	v48 =	vld [tilespmem:s28+$0xF0]  }
0x519: {  	v25 =	vld [tilespmem:s30+$0x90]  }
0x51a: {  	v26 =	vld [tilespmem:s31+$0x90];
	v3 =	vadd.f32 $9.999999970e-07, v3;
	v6 =	vadd.f32 $9.999999970e-07, v24  }
0x51b: {  	v28 =	vld [tilespmem:s30+$0xA0];
	v35 =	vadd.f32 $9.999999970e-07, v27;
	v12 =	vadd.f32 $9.999999970e-07, v30  }
0x51c: {  	v29 =	vld [tilespmem:s31+$0xA0];
	v7 =	vadd.f32 $9.999999970e-07, v34;
	v49 =	vadd.f32 $9.999999970e-07, v38  }
0x51d: {  	v31 =	vld [tilespmem:s30+$0xB0];
	v13 =	vadd.f32 $9.999999970e-07, v44;
	v57 =	vadd.f32 $9.999999970e-07, v48  }
0x51e: {  	v32 =	vld [tilespmem:s31+$0xB0];
	v4 =	vsub.f32 v3, v4;
	v33 =	vsub.f32 v6, v25  }
0x51f: {  	v36 =	vld [tilespmem:s30+$0xC0];
	v3 =	vsub.f32 v3, v23;
	v6 =	vsub.f32 v6, v26  }
0x520: {  	v37 =	vld [tilespmem:s31+$0xC0];
	v10 =	vsub.f32 v35, v28;
	v4 =	vmul.f32 v4, v4;
	v5 =	vmul.f32 v33, v33  }
0x521: {  	v40 =	vld [tilespmem:s30+$0xD0];
	v39 =	vsub.f32 v35, v29;
	v3 =	vmul.f32 v3, v3;
	v6 =	vmul.f32 v6, v6  }
0x522: {  	v43 =	vld [tilespmem:s31+$0xD0];
	v42 =	vsub.f32 v12, v31;
	v41 =	vmul.f32 v10, v10;
	v4 =	vadd.f32 v5, v4  }
0x523: {  	v46 =	vld [tilespmem:s30+$0xE0];
	v12 =	vsub.f32 v12, v32;
	v3 =	vadd.f32 v6, v3;
	v5 =	vmul.f32 v39, v39  }
0x524: {  	v50 =	vld [tilespmem:s31+$0xE0];
	v9 =	vsub.f32 v7, v36;
	v45 =	vmul.f32 v42, v42;
	v4 =	vadd.f32 v41, v4  }
0x525: {  	v53 =	vld [tilespmem:s30+$0xF0];
	v51 =	vsub.f32 v7, v37;
	v47 =	vmul.f32 v12, v12;
	v3 =	vadd.f32 v5, v3  }
0x526: {  	v54 =	vld [tilespmem:s31+$0xF0];
	v8 =	vsub.f32 v49, v40;
	v52 =	vmul.f32 v9, v9;
	v4 =	vadd.f32 v45, v4  }
0x527: {  	v6 =	vsub.f32 v49, v43;
	v5 =	vmul.f32 v51, v51;
	v3 =	vadd.f32 v47, v3  }
0x528: {  	v56 =	vsub.f32 v13, v46;
	v55 =	vmul.f32 v8, v8;
	v4 =	vadd.f32 v52, v4  }
0x529: {  	v58 =	vsub.f32 v13, v50;
	v6 =	vmul.f32 v6, v6;
	v3 =	vadd.f32 v5, v3  }
0x52a: {  	v60 =	vsub.f32 v57, v53;
	v59 =	vmul.f32 v56, v56;
	v4 =	vadd.f32 v55, v4  }
0x52b: {  	s20 =	sadd.s32 $0x4, s20;
	v61 =	vsub.f32 v57, v54;
	v5 =	vmul.f32 v58, v58;
	v3 =	vadd.f32 v6, v3  }
0x52c: {  	p0 =	slt.u32 s20, $0x7C;
	v62 =	vmul.f32 v60, v60;
	v4 =	vadd.f32 v59, v4  }
.Ltmp7:
0x52d: {  	v63 =	vmul.f32 v61, v61;
	v3 =	vadd.f32 v5, v3;
	(pc) =	sbr.rel @p0 .LBB2_16-.Ltmp7, $4  }
0x52e: {  	v4 =	vadd.f32 v62, v4  }
0x52f: {  	v3 =	vadd.f32 v63, v3  }
0x530: {  	s0 =	simm.s32 $0x0;
	s28 =	sadd.s32 $0x200, s28;
	s30 =	sadd.s32 $0x200, s30;
	[tilespmem:s25+$0x10] =	vst v4  }
0x531: {  	s31 =	sadd.s32 $0x200, s31;
	s25 =	sadd.s32 $0x40, s25;
	[tilespmem:s26+$0x10] =	vst v3;
	s26 =	sadd.s32 $0x40, s26  }
0x532: {  	v3 =	vmov s0  }
0x533: {  	v3 =	vshll.u32 v3, $0x4  }
0x534: {  	v3 =	vor.u32 v1, v3;
	_ =	sdelay $0x1  }
0x535: {  	v4 =	vor.u32 $0x1, v3;
	_ =	sdelay $0x1  }
0x536: {  	v5 =	vor.u32 $0x2, v3  }
0x537: {  	v6 =	vld.idx.msk [tilespmem:v3+s23+$0x0], $0xffff  }
0x538: {  	v7 =	vor.u32 $0x3, v3;
	v8 =	vld.idx.msk [tilespmem:v3+s24+$0x0], $0xffff  }
0x539: {  	v9 =	vld.idx.msk [tilespmem:v4+s23+$0x0], $0xffff  }
0x53a: {  	v10 =	vor.u32 $0x4, v3;
	v4 =	vld.idx.msk [tilespmem:v4+s24+$0x0], $0xffff  }
0x53b: {  	v11 =	vld.idx.msk [tilespmem:v5+s23+$0x0], $0xffff  }
0x53c: {  	v12 =	vor.u32 $0x5, v3;
	v5 =	vld.idx.msk [tilespmem:v5+s24+$0x0], $0xffff  }
0x53d: {  	v13 =	vld.idx.msk [tilespmem:v7+s23+$0x0], $0xffff  }
0x53e: {  	v14 =	vor.u32 $0x6, v3;
	v7 =	vld.idx.msk [tilespmem:v7+s24+$0x0], $0xffff;
	v6 =	vadd.f32 $0.0e+00, v6  }
0x53f: {  	v16 =	vor.u32 $0x7, v3;
	v15 =	vld.idx.msk [tilespmem:v10+s23+$0x0], $0xffff  }
0x540: {  	v10 =	vld.idx.msk [tilespmem:v10+s24+$0x0], $0xffff;
	v6 =	vadd.f32 v9, v6  }
0x541: {  	v17 =	vld.idx.msk [tilespmem:v12+s23+$0x0], $0xffff;
	v8 =	vadd.f32 $0.0e+00, v8  }
0x542: {  	v18 =	vor.u32 $0x8, v3;
	v9 =	vld.idx.msk [tilespmem:v12+s24+$0x0], $0xffff;
	v6 =	vadd.f32 v11, v6  }
0x543: {  	v19 =	vor.u32 $0x9, v3;
	v12 =	vld.idx.msk [tilespmem:v14+s23+$0x0], $0xffff;
	v4 =	vadd.f32 v4, v8  }
0x544: {  	v8 =	vld.idx.msk [tilespmem:v16+s23+$0x0], $0xffff;
	v6 =	vadd.f32 v13, v6  }
0x545: {  	v11 =	vld.idx.msk [tilespmem:v14+s24+$0x0], $0xffff;
	v4 =	vadd.f32 v5, v4  }
0x546: {  	v14 =	vld.idx.msk [tilespmem:v16+s24+$0x0], $0xffff;
	v16 =	vor.u32 $0xB, v3;
	v6 =	vadd.f32 v15, v6  }
0x547: {  	v5 =	vld.idx.msk [tilespmem:v18+s23+$0x0], $0xffff;
	v13 =	vor.u32 $0xA, v3;
	v4 =	vadd.f32 v7, v4  }
0x548: {  	v7 =	vld.idx.msk [tilespmem:v19+s23+$0x0], $0xffff;
	v6 =	vadd.f32 v17, v6  }
0x549: {  	v15 =	vld.idx.msk [tilespmem:v18+s24+$0x0], $0xffff;
	v18 =	vor.u32 $0xC, v3;
	v4 =	vadd.f32 v10, v4  }
0x54a: {  	v17 =	vld.idx.msk [tilespmem:v19+s24+$0x0], $0xffff;
	v6 =	vadd.f32 v12, v6  }
0x54b: {  	v4 =	vadd.f32 v9, v4;
	v9 =	vld.idx.msk [tilespmem:v16+s23+$0x0], $0xffff  }
0x54c: {  	v19 =	vor.u32 $0xD, v3;
	v10 =	vld.idx.msk [tilespmem:v13+s23+$0x0], $0xffff;
	v6 =	vadd.f32 v8, v6  }
0x54d: {  	v12 =	vld.idx.msk [tilespmem:v13+s24+$0x0], $0xffff;
	v13 =	vor.u32 $0xE, v3;
	v4 =	vadd.f32 v11, v4  }
0x54e: {  	v11 =	vld.idx.msk [tilespmem:v18+s23+$0x0], $0xffff;
	v5 =	vadd.f32 v5, v6  }
0x54f: {  	s28 =	simm.s32 $0x10;
	v8 =	vld.idx.msk [tilespmem:v16+s24+$0x0], $0xffff;
	v4 =	vadd.f32 v14, v4  }
0x550: {  	v3 =	vor.u32 $0xF, v3;
	v16 =	vld.idx.msk [tilespmem:v18+s24+$0x0], $0xffff;
	v6 =	vmov s28;
	v5 =	vadd.f32 v7, v5  }
0x551: {  	v14 =	vld.idx.msk [tilespmem:v19+s23+$0x0], $0xffff;
	v4 =	vadd.f32 v15, v4;
	v6 =	vshll.u32 v6, $0x4  }
0x552: {  	v15 =	vld.idx.msk [tilespmem:v13+s23+$0x0], $0xffff;
	v7 =	vor.u32 v1, v6;
	v5 =	vadd.f32 v10, v5  }
0x553: {  	v13 =	vld.idx.msk [tilespmem:v13+s24+$0x0], $0xffff;
	v4 =	vadd.f32 v17, v4  }
0x554: {  	v6 =	vld.idx.msk [tilespmem:v19+s24+$0x0], $0xffff;
	v10 =	vor.u32 $0x1, v7;
	v5 =	vadd.f32 v9, v5  }
0x555: {  	v17 =	vld.idx.msk [tilespmem:v3+s23+$0x0], $0xffff;
	v4 =	vadd.f32 v12, v4  }
0x556: {  	v3 =	vld.idx.msk [tilespmem:v3+s24+$0x0], $0xffff;
	v9 =	vor.u32 $0x2, v7;
	v5 =	vadd.f32 v11, v5  }
0x557: {  	v4 =	vadd.f32 v8, v4;
	v12 =	vld.idx.msk [tilespmem:v7+s23+$0x0], $0xffff  }
0x558: {  	v18 =	vor.u32 $0x3, v7;
	v11 =	vld.idx.msk [tilespmem:v7+s24+$0x0], $0xffff;
	v5 =	vadd.f32 v14, v5  }
0x559: {  	v19 =	vor.u32 $0x4, v7;
	v4 =	vadd.f32 v16, v4;
	v8 =	vld.idx.msk [tilespmem:v10+s23+$0x0], $0xffff  }
0x55a: {  	v10 =	vld.idx.msk [tilespmem:v10+s24+$0x0], $0xffff;
	v5 =	vadd.f32 v15, v5  }
0x55b: {  	v4 =	vadd.f32 v6, v4;
	v14 =	vld.idx.msk [tilespmem:v9+s23+$0x0], $0xffff  }
0x55c: {  	v16 =	vor.u32 $0x5, v7;
	v9 =	vld.idx.msk [tilespmem:v9+s24+$0x0], $0xffff;
	v12 =	vadd.f32 $0.0e+00, v12;
	v5 =	vadd.f32 v17, v5  }
0x55d: {  	v20 =	vor.u32 $0x6, v7;
	v15 =	vld.idx.msk [tilespmem:v18+s23+$0x0], $0xffff;
	v4 =	vadd.f32 v13, v4  }
0x55e: {  	v13 =	vld.idx.msk [tilespmem:v19+s23+$0x0], $0xffff;
	v8 =	vadd.f32 v8, v12;
	v6 =	vmax.f32 v5, $1.000000000e-30;
	v5 =	vadd.f32 $0.0e+00, v11  }
0x55f: {  	v17 =	vld.idx.msk [tilespmem:v18+s24+$0x0], $0xffff;
	v18 =	vor.u32 $0x7, v7;
	v3 =	vadd.f32 v3, v4  }
0x560: {  	v11 =	vld.idx.msk [tilespmem:v19+s24+$0x0], $0xffff;
	v8 =	vadd.f32 v14, v8;
	v4 =	vshra.s32 v6, $0x1;
	v10 =	vadd.f32 v10, v5  }
0x561: {  	v12 =	vor.u32 $0x8, v7;
	v19 =	vld.idx.msk [tilespmem:v16+s23+$0x0], $0xffff;
	v4 =	vadd.s32 $0x1FBD1DF5, v4  }
0x562: {  	v21 =	vld.idx.msk [tilespmem:v20+s23+$0x0], $0xffff;
	v5 =	vmax.f32 v3, $1.000000000e-30;
	v8 =	vadd.f32 v15, v8;
	v3 =	vadd.f32 v9, v10  }
0x563: {  	v14 =	vld.idx.msk [tilespmem:v16+s24+$0x0], $0xffff;
	(erf) = vrcp.f32 v4  }
0x564: {  	v16 =	vor.u32 $0x9, v7;
	v15 =	vld.idx.msk [tilespmem:v18+s23+$0x0], $0xffff;
	v8 =	vadd.f32 v13, v8;
	v3 =	vadd.f32 v17, v3  }
0x565: {  	v9 =	vld.idx.msk [tilespmem:v20+s24+$0x0], $0xffff  }
0x566: {  	v20 =	vor.u32 $0xA, v7;
	v13 =	vld.idx.msk [tilespmem:v18+s24+$0x0], $0xffff;
	v8 =	vadd.f32 v19, v8;
	v3 =	vadd.f32 v11, v3  }
0x567: {  	v10 =	vshra.s32 v5, $0x1;
	v18 =	vor.u32 $0xB, v7;
	v17 =	vld.idx.msk [tilespmem:v12+s23+$0x0], $0xffff  }
0x568: {  	v10 =	vadd.s32 $0x1FBD1DF5, v10;
	v11 =	vld.idx.msk [tilespmem:v12+s24+$0x0], $0xffff;
	v8 =	vadd.f32 v21, v8;
	v3 =	vadd.f32 v14, v3  }
0x569: {  	(erf) = vrcp.f32 v10;
	v12 =	vld.idx.msk [tilespmem:v16+s23+$0x0], $0xffff  }
0x56a: {  	v19 =	vor.u32 $0xC, v7;
	v14 =	vld.idx.msk [tilespmem:v16+s24+$0x0], $0xffff;
	v8 =	vadd.f32 v15, v8;
	v3 =	vadd.f32 v9, v3  }
0x56b: {  	v16 =	vld.idx.msk [tilespmem:v20+s23+$0x0], $0xffff  }
0x56c: {  	v21 =	vor.u32 $0xD, v7;
	v22 =	vpop (erf);
	v9 =	vld.idx.msk [tilespmem:v20+s24+$0x0], $0xffff;
	v8 =	vadd.f32 v17, v8;
	v3 =	vadd.f32 v13, v3  }
0x56d: {  	v20 =	vld.idx.msk [tilespmem:v18+s23+$0x0], $0xffff;
	v15 =	vmul.f32 v22, v6  }
0x56e: {  	v22 =	vor.u32 $0xE, v7;
	v13 =	vld.idx.msk [tilespmem:v18+s24+$0x0], $0xffff;
	v8 =	vadd.f32 v12, v8;
	v3 =	vadd.f32 v11, v3  }
0x56f: {  	s30 =	simm.s32 $0x20;
	v7 =	vor.u32 $0xF, v7;
	v4 =	vadd.f32 v4, v15;
	v15 =	vld.idx.msk [tilespmem:v19+s23+$0x0], $0xffff  }
0x570: {  	v12 =	vld.idx.msk [tilespmem:v19+s24+$0x0], $0xffff;
	v11 =	vmov s30;
	v8 =	vadd.f32 v16, v8;
	v3 =	vadd.f32 v14, v3  }
0x571: {  	v17 =	vmul.f32 $5.000000000e-01, v4;
	v4 =	vshll.u32 v11, $0x4;
	v11 =	vld.idx.msk [tilespmem:v21+s23+$0x0], $0xffff  }
0x572: {  	v18 =	vpop (erf);
	v14 =	vor.u32 v1, v4;
	v4 =	vld.idx.msk [tilespmem:v21+s24+$0x0], $0xffff;
	v8 =	vadd.f32 v20, v8;
	v3 =	vadd.f32 v9, v3  }
0x573: {  	v16 =	vmul.f32 v18, v5;
	v18 =	vld.idx.msk [tilespmem:v22+s23+$0x0], $0xffff;
	(erf) = vrcp.f32 v17  }
0x574: {  	v19 =	vld.idx.msk [tilespmem:v22+s24+$0x0], $0xffff;
	v9 =	vor.u32 $0x1, v14;
	v8 =	vadd.f32 v15, v8;
	v3 =	vadd.f32 v13, v3  }
0x575: {  	v10 =	vadd.f32 v10, v16;
	v16 =	vld.idx.msk [tilespmem:v7+s23+$0x0], $0xffff  }
0x576: {  	v7 =	vld.idx.msk [tilespmem:v7+s24+$0x0], $0xffff;
	v20 =	vor.u32 $0x2, v14;
	v8 =	vadd.f32 v11, v8;
	v3 =	vadd.f32 v12, v3  }
0x577: {  	v10 =	vmul.f32 $5.000000000e-01, v10;
	v13 =	vld.idx.msk [tilespmem:v14+s23+$0x0], $0xffff  }
0x578: {  	v15 =	vor.u32 $0x3, v14;
	v11 =	vld.idx.msk [tilespmem:v14+s24+$0x0], $0xffff;
	v3 =	vadd.f32 v4, v3;
	v4 =	vadd.f32 v18, v8  }
0x579: {  	(erf) = vrcp.f32 v10;
	v12 =	vld.idx.msk [tilespmem:v9+s23+$0x0], $0xffff  }
0x57a: {  	v21 =	vor.u32 $0x4, v14;
	v8 =	vld.idx.msk [tilespmem:v9+s24+$0x0], $0xffff;
	v3 =	vadd.f32 v19, v3;
	v4 =	vadd.f32 v16, v4  }
0x57b: {  	v9 =	vor.u32 $0x5, v14;
	v18 =	vld.idx.msk [tilespmem:v20+s23+$0x0], $0xffff  }
0x57c: {  	v16 =	vld.idx.msk [tilespmem:v20+s24+$0x0], $0xffff;
	v13 =	vadd.f32 $0.0e+00, v13;
	v7 =	vadd.f32 v7, v3;
	v3 =	vmax.f32 v4, $1.000000000e-30  }
0x57d: {  	v22 =	vor.u32 $0x6, v14;
	v23 =	vld.idx.msk [tilespmem:v15+s23+$0x0], $0xffff;
	v19 =	vpop (erf);
	v4 =	vadd.f32 $0.0e+00, v11;
	v24 =	vshra.s32 v3, $0x1  }
0x57e: {  	v19 =	vmul.f32 v19, v6;
	v11 =	vld.idx.msk [tilespmem:v15+s24+$0x0], $0xffff;
	v12 =	vadd.f32 v12, v13;
	v24 =	vadd.s32 $0x1FBD1DF5, v24  }
0x57f: {  	v13 =	vld.idx.msk [tilespmem:v21+s23+$0x0], $0xffff;
	v8 =	vadd.f32 v8, v4;
	(erf) = vrcp.f32 v24  }
0x580: {  	v20 =	vor.u32 $0x7, v14;
	v21 =	vld.idx.msk [tilespmem:v21+s24+$0x0], $0xffff;
	v4 =	vmax.f32 v7, $1.000000000e-30;
	v7 =	vadd.f32 v18, v12  }
0x581: {  	v15 =	vor.u32 $0x8, v14;
	v12 =	vld.idx.msk [tilespmem:v9+s23+$0x0], $0xffff;
	v18 =	vshra.s32 v4, $0x1;
	v8 =	vadd.f32 v16, v8  }
0x582: {  	v17 =	vadd.f32 v19, v17;
	v9 =	vld.idx.msk [tilespmem:v9+s24+$0x0], $0xffff;
	v19 =	vpop (erf);
	v16 =	vadd.s32 $0x1FBD1DF5, v18;
	v7 =	vadd.f32 v23, v7  }
0x583: {  	v18 =	vmul.f32 v19, v5;
	v19 =	vld.idx.msk [tilespmem:v22+s23+$0x0], $0xffff;
	(erf) = vrcp.f32 v16;
	v8 =	vadd.f32 v11, v8  }
0x584: {  	v17 =	vmul.f32 $5.000000000e-01, v17;
	v23 =	vor.u32 $0x9, v14;
	v11 =	vld.idx.msk [tilespmem:v22+s24+$0x0], $0xffff;
	v7 =	vadd.f32 v13, v7  }
0x585: {  	v13 =	vld.idx.msk [tilespmem:v20+s23+$0x0], $0xffff;
	v10 =	vadd.f32 v18, v10;
	v8 =	vadd.f32 v21, v8  }
0x586: {  	v18 =	vor.u32 $0xA, v14;
	(erf) = vrcp.f32 v17;
	v20 =	vld.idx.msk [tilespmem:v20+s24+$0x0], $0xffff;
	v7 =	vadd.f32 v12, v7  }
0x587: {  	v12 =	vld.idx.msk [tilespmem:v15+s23+$0x0], $0xffff;
	v10 =	vmul.f32 $5.000000000e-01, v10;
	v8 =	vadd.f32 v9, v8  }
0x588: {  	v21 =	vor.u32 $0xB, v14;
	v9 =	vld.idx.msk [tilespmem:v15+s24+$0x0], $0xffff;
	v7 =	vadd.f32 v19, v7;
	v22 =	vpop (erf)  }
0x589: {  	v15 =	vld.idx.msk [tilespmem:v23+s23+$0x0], $0xffff;
	(erf) = vrcp.f32 v10;
	v8 =	vadd.f32 v11, v8;
	v22 =	vmul.f32 v22, v3  }
0x58a: {  	v19 =	vor.u32 $0xC, v14;
	v11 =	vld.idx.msk [tilespmem:v23+s24+$0x0], $0xffff;
	v7 =	vadd.f32 v13, v7  }
0x58b: {  	v13 =	vld.idx.msk [tilespmem:v18+s23+$0x0], $0xffff;
	v8 =	vadd.f32 v20, v8;
	v22 =	vadd.f32 v24, v22  }
0x58c: {  	v23 =	vor.u32 $0xD, v14;
	v18 =	vld.idx.msk [tilespmem:v18+s24+$0x0], $0xffff;
	v20 =	vpop (erf);
	v7 =	vadd.f32 v12, v7  }
0x58d: {  	v12 =	vld.idx.msk [tilespmem:v21+s23+$0x0], $0xffff;
	v20 =	vmul.f32 v20, v4;
	v8 =	vadd.f32 v9, v8  }
0x58e: {  	v24 =	vor.u32 $0xE, v14;
	v14 =	vor.u32 $0xF, v14;
	v9 =	vld.idx.msk [tilespmem:v21+s24+$0x0], $0xffff;
	v7 =	vadd.f32 v15, v7  }
0x58f: {  	s31 =	simm.s32 $0x30;
	v15 =	vld.idx.msk [tilespmem:v19+s23+$0x0], $0xffff;
	v21 =	vmul.f32 $5.000000000e-01, v22;
	v16 =	vadd.f32 v16, v20;
	v8 =	vadd.f32 v11, v8;
	v22 =	vpop (erf)  }
0x590: {  	v11 =	vld.idx.msk [tilespmem:v19+s24+$0x0], $0xffff;
	v7 =	vadd.f32 v13, v7;
	v20 =	vmul.f32 v22, v6;
	v6 =	vmov s31  }
0x591: {  	v13 =	vld.idx.msk [tilespmem:v23+s23+$0x0], $0xffff;
	(erf) = vrcp.f32 v21;
	v8 =	vadd.f32 v18, v8;
	v6 =	vshll.u32 v6, $0x4  }
0x592: {  	v18 =	vld.idx.msk [tilespmem:v23+s24+$0x0], $0xffff;
	v19 =	vpop (erf);
	v7 =	vadd.f32 v12, v7;
	v6 =	vor.u32 v1, v6  }
0x593: {  	v12 =	vld.idx.msk [tilespmem:v24+s23+$0x0], $0xffff;
	v5 =	vmul.f32 v19, v5;
	v17 =	vadd.f32 v20, v17;
	v9 =	vadd.f32 v9, v8  }
0x594: {  	v22 =	vld.idx.msk [tilespmem:v24+s24+$0x0], $0xffff;
	v8 =	vmul.f32 $5.000000000e-01, v16;
	v7 =	vadd.f32 v15, v7;
	v20 =	vor.u32 $0x1, v6  }
0x595: {  	v15 =	vld.idx.msk [tilespmem:v14+s23+$0x0], $0xffff;
	v19 =	vor.u32 $0x2, v6;
	v23 =	vor.u32 $0x3, v6;
	v5 =	vadd.f32 v5, v10  }
0x596: {  	v24 =	vor.u32 $0x4, v6;
	v10 =	vld.idx.msk [tilespmem:v14+s24+$0x0], $0xffff;
	v9 =	vadd.f32 v11, v9;
	v11 =	vmul.f32 $5.000000000e-01, v17  }
0x597: {  	v7 =	vadd.f32 v13, v7;
	(erf) = vrcp.f32 v8;
	v5 =	vmul.f32 $5.000000000e-01, v5;
	v16 =	vld.idx.msk [tilespmem:v6+s23+$0x0], $0xffff  }
0x598: {  	v25 =	vor.u32 $0x5, v6;
	v9 =	vadd.f32 v18, v9;
	v11 =	vsub.f32 $0.0e+00, v11;
	v17 =	vld.idx.msk [tilespmem:v6+s24+$0x0], $0xffff  }
0x599: {  	v14 =	vor.u32 $0x6, v6;
	v7 =	vadd.f32 v12, v7;
	v5 =	vsub.f32 $0.0e+00, v5;
	v18 =	vld.idx.msk [tilespmem:v20+s23+$0x0], $0xffff  }
0x59a: {  	v12 =	vor.u32 $0x7, v6;
	v20 =	vld.idx.msk [tilespmem:v20+s24+$0x0], $0xffff;
	v9 =	vadd.f32 v22, v9;
	v13 =	vpop (erf);
	v11 =	vmul.f32 $1.442695020e+00, v11  }
0x59b: {  	v22 =	vld.idx.msk [tilespmem:v19+s23+$0x0], $0xffff;
	v7 =	vadd.f32 v15, v7;
	v15 =	vmul.f32 v13, v3;
	v26 =	vmul.f32 $1.442695020e+00, v5  }
0x59c: {  	v27 =	vld.idx.msk [tilespmem:v19+s24+$0x0], $0xffff;
	v13 =	vor.u32 $0x8, v6;
	v9 =	vadd.f32 v10, v9;
	(erf) = vpow2.f32 v11  }
0x59d: {  	v19 =	vld.idx.msk [tilespmem:v24+s23+$0x0], $0xffff;
	v5 =	vmax.f32 v7, $1.000000000e-30;
	(erf) = vpow2.f32 v26;
	v10 =	vadd.f32 $0.0e+00, v16  }
0x59e: {  	v11 =	vshra.s32 v5, $0x1;
	v26 =	vadd.f32 v15, v21;
	v16 =	vld.idx.msk [tilespmem:v23+s23+$0x0], $0xffff;
	v7 =	vadd.f32 $0.0e+00, v17  }
0x59f: {  	v15 =	vor.u32 $0x9, v6;
	v17 =	vld.idx.msk [tilespmem:v23+s24+$0x0], $0xffff;
	v21 =	vadd.f32 v18, v10;
	v10 =	vadd.s32 $0x1FBD1DF5, v11  }
0x5a0: {  	v11 =	vadd.f32 v20, v7;
	v18 =	vld.idx.msk [tilespmem:v24+s24+$0x0], $0xffff;
	v7 =	vmax.f32 v9, $1.000000000e-30;
	v9 =	vpop (erf);
	(erf) = vrcp.f32 v10  }
0x5a1: {  	v20 =	vld.idx.msk [tilespmem:v25+s24+$0x0], $0xffff;
	v28 =	vshra.s32 v7, $0x1;
	v23 =	vadd.f32 v22, v21;
	v22 =	vmul.f32 v9, v4  }
0x5a2: {  	s20 =	simm.s32 $0x40;
	v21 =	vld.idx.msk [tilespmem:v25+s23+$0x0], $0xffff;
	v24 =	vadd.f32 v27, v11;
	v11 =	vadd.s32 $0x1FBD1DF5, v28;
	v9 =	vmul.f32 $5.000000000e-01, v26  }
.LBB2_18:
0x5a3: {  	p0 =	sne.s32 s20, $0x70;
	v16 =	vadd.f32 v16, v23;
	v23 =	vld.idx.msk [tilespmem:v14+s23+$0x0], $0xffff;
	v25 =	vor.u32 $0xA, v6;
	(erf) = vrcp.f32 v11;
	s25 =	smov.u32 s20;
	s20 =	sadd.s32 $0x10, s20  }
0x5a4: {  	v26 =	vor.u32 $0xC, v6;
	v17 =	vadd.f32 v17, v24;
	v14 =	vld.idx.msk [tilespmem:v14+s24+$0x0], $0xffff;
	v24 =	vor.u32 $0xB, v6  }
0x5a5: {  	v8 =	vadd.f32 v22, v8;
	v16 =	vadd.f32 v19, v16;
	v19 =	vld.idx.msk [tilespmem:v12+s23+$0x0], $0xffff;
	(erf) = vrcp.f32 v9;
	v22 =	vpop (erf)  }
0x5a6: {  	v17 =	vadd.f32 v18, v17;
	v12 =	vld.idx.msk [tilespmem:v12+s24+$0x0], $0xffff;
	v18 =	vor.u32 $0xD, v6;
	v30 =	vsub.f32 $9.999999770e-03, v22;
	v27 =	vpop (erf)  }
0x5a7: {  	v28 =	vor.u32 $0xE, v6;
	v29 =	vmul.f32 $5.000000000e-01, v8;
	v16 =	vadd.f32 v21, v16;
	v21 =	vld.idx.msk [tilespmem:v13+s23+$0x0], $0xffff  }
0x5a8: {  	v8 =	vadd.f32 v20, v17;
	v13 =	vld.idx.msk [tilespmem:v13+s24+$0x0], $0xffff;
	v17 =	vor.u32 $0xF, v6;
	v6 =	vadd.f32 v27, v30  }
0x5a9: {  	v16 =	vadd.f32 v23, v16;
	v20 =	vld.idx.msk [tilespmem:v15+s23+$0x0], $0xffff;
	v22 =	vpop (erf);
	(erf) = vrcp.f32 v29  }
0x5aa: {  	v8 =	vadd.f32 v14, v8;
	v14 =	vld.idx.msk [tilespmem:v15+s24+$0x0], $0xffff;
	v15 =	vmul.f32 v22, v5;
	v6 =	vmax.f32 v6, $0.0e+00  }
0x5ab: {  	v16 =	vadd.f32 v19, v16;
	v19 =	vld.idx.msk [tilespmem:v25+s23+$0x0], $0xffff;
	v2 =	vadd.f32 v6, v2  }
0x5ac: {  	v6 =	vadd.f32 v12, v8;
	v8 =	vld.idx.msk [tilespmem:v25+s24+$0x0], $0xffff;
	v10 =	vadd.f32 v10, v15;
	v12 =	vpop (erf)  }
0x5ad: {  	v15 =	vadd.f32 v21, v16;
	v16 =	vld.idx.msk [tilespmem:v24+s23+$0x0], $0xffff;
	v12 =	vmul.f32 v12, v7  }
0x5ae: {  	v6 =	vadd.f32 v13, v6;
	v13 =	vld.idx.msk [tilespmem:v24+s24+$0x0], $0xffff;
	v10 =	vmul.f32 $5.000000000e-01, v10;
	v21 =	vpop (erf)  }
0x5af: {  	v15 =	vadd.f32 v20, v15;
	v20 =	vld.idx.msk [tilespmem:v26+s23+$0x0], $0xffff;
	v11 =	vadd.f32 v11, v12;
	v12 =	vmul.f32 v21, v3  }
0x5b0: {  	v21 =	vmov s25;
	v3 =	vmov v5;
	v14 =	vadd.f32 v14, v6;
	v22 =	vld.idx.msk [tilespmem:v26+s24+$0x0], $0xffff  }
0x5b1: {  	v5 =	vshll.u32 v21, $0x4;
	v15 =	vadd.f32 v19, v15;
	v19 =	vld.idx.msk [tilespmem:v18+s23+$0x0], $0xffff;
	(erf) = vrcp.f32 v10  }
0x5b2: {  	v6 =	vor.u32 v1, v5;
	v9 =	vadd.f32 v12, v9;
	v5 =	vadd.f32 v8, v14;
	v14 =	vld.idx.msk [tilespmem:v18+s24+$0x0], $0xffff;
	v8 =	vpop (erf)  }
0x5b3: {  	v12 =	vor.u32 $0x1, v6;
	v15 =	vadd.f32 v16, v15;
	v16 =	vld.idx.msk [tilespmem:v28+s23+$0x0], $0xffff;
	v18 =	vmul.f32 v8, v4;
	v4 =	vmovc v7  }
0x5b4: {  	v7 =	vor.u32 $0x2, v6;
	v8 =	vmul.f32 $5.000000000e-01, v11;
	v5 =	vadd.f32 v13, v5;
	v13 =	vld.idx.msk [tilespmem:v28+s24+$0x0], $0xffff  }
0x5b5: {  	v11 =	vor.u32 $0x3, v6;
	v15 =	vadd.f32 v20, v15;
	v20 =	vld.idx.msk [tilespmem:v17+s23+$0x0], $0xffff;
	v18 =	vadd.f32 v18, v29  }
0x5b6: {  	v21 =	vor.u32 $0x4, v6;
	v9 =	vmul.f32 $5.000000000e-01, v9;
	v5 =	vadd.f32 v22, v5;
	v17 =	vld.idx.msk [tilespmem:v17+s24+$0x0], $0xffff  }
0x5b7: {  	v22 =	vld.idx.msk [tilespmem:v6+s23+$0x0], $0xffff;
	v15 =	vadd.f32 v19, v15;
	(erf) = vrcp.f32 v8;
	v18 =	vmul.f32 $5.000000000e-01, v18  }
0x5b8: {  	v25 =	vor.u32 $0x5, v6;
	v9 =	vsub.f32 $0.0e+00, v9;
	v19 =	vld.idx.msk [tilespmem:v6+s24+$0x0], $0xffff;
	v5 =	vadd.f32 v14, v5  }
0x5b9: {  	v14 =	vor.u32 $0x6, v6;
	v23 =	vld.idx.msk [tilespmem:v12+s23+$0x0], $0xffff;
	v15 =	vadd.f32 v16, v15;
	v16 =	vsub.f32 $0.0e+00, v18  }
0x5ba: {  	v9 =	vmul.f32 $1.442695020e+00, v9;
	v18 =	vld.idx.msk [tilespmem:v12+s24+$0x0], $0xffff;
	v12 =	vor.u32 $0x7, v6;
	v5 =	vadd.f32 v13, v5;
	v13 =	vpop (erf)  }
0x5bb: {  	v24 =	vld.idx.msk [tilespmem:v7+s23+$0x0], $0xffff;
	v15 =	vadd.f32 v20, v15;
	v20 =	vmul.f32 v13, v3;
	v26 =	vmul.f32 $1.442695020e+00, v16  }
0x5bc: {  	v13 =	vor.u32 $0x8, v6;
	v27 =	vld.idx.msk [tilespmem:v7+s24+$0x0], $0xffff;
	v7 =	vadd.f32 v17, v5;
	(erf) = vpow2.f32 v9  }
0x5bd: {  	v9 =	vadd.f32 $0.0e+00, v22;
	v16 =	vld.idx.msk [tilespmem:v11+s23+$0x0], $0xffff;
	v5 =	vmax.f32 v15, $1.000000000e-30;
	(erf) = vpow2.f32 v26  }
.Ltmp8:
0x5be: {  	v22 =	vadd.f32 $0.0e+00, v19;
	v26 =	vadd.f32 v20, v10;
	v17 =	vld.idx.msk [tilespmem:v11+s24+$0x0], $0xffff;
	v11 =	vshra.s32 v5, $0x1;
	(pc) =	sbr.rel @p0 .LBB2_18-.Ltmp8, $4  }
0x5bf: {  	v15 =	vor.u32 $0x9, v6;
	v9 =	vadd.f32 v23, v9;
	v19 =	vld.idx.msk [tilespmem:v21+s23+$0x0], $0xffff;
	v10 =	vadd.s32 $0x1FBD1DF5, v11  }
0x5c0: {  	v7 =	vmax.f32 v7, $1.000000000e-30;
	v11 =	vadd.f32 v18, v22;
	v18 =	vld.idx.msk [tilespmem:v21+s24+$0x0], $0xffff;
	(erf) = vrcp.f32 v10;
	v20 =	vpop (erf)  }
0x5c1: {  	v23 =	vadd.f32 v24, v9;
	v9 =	vshra.s32 v7, $0x1;
	v21 =	vld.idx.msk [tilespmem:v25+s23+$0x0], $0xffff;
	v22 =	vmul.f32 v20, v4  }
0x5c2: {  	v24 =	vadd.f32 v27, v11;
	v11 =	vadd.s32 $0x1FBD1DF5, v9;
	v9 =	vmul.f32 $5.000000000e-01, v26;
	v20 =	vld.idx.msk [tilespmem:v25+s24+$0x0], $0xffff  }
0x5c3: {  	_ =	sdelay $0x2  }
0x5c4: {  	v16 =	vadd.f32 v16, v23  }
0x5c5: {  	v44 =	vld.idx.msk [tilespmem:v14+s23+$0x0], $0xffff  }
0x5c6: {  	v45 =	vld.idx.msk [tilespmem:v14+s24+$0x0], $0xffff;
	v17 =	vadd.f32 v17, v24;
	v16 =	vadd.f32 v19, v16  }
0x5c7: {  	v46 =	vld.idx.msk [tilespmem:v12+s23+$0x0], $0xffff;
	v8 =	vadd.f32 v22, v8  }
0x5c8: {  	v47 =	vor.u32 $0xA, v6;
	v48 =	vld.idx.msk [tilespmem:v12+s24+$0x0], $0xffff;
	v17 =	vadd.f32 v18, v17;
	v16 =	vadd.f32 v21, v16  }
0x5c9: {  	(erf) = vrcp.f32 v11;
	v49 =	vor.u32 $0xB, v6;
	v50 =	vld.idx.msk [tilespmem:v13+s23+$0x0], $0xffff;
	v8 =	vmul.f32 $5.000000000e-01, v8  }
0x5ca: {  	v51 =	vld.idx.msk [tilespmem:v13+s24+$0x0], $0xffff;
	(erf) = vrcp.f32 v9;
	v17 =	vadd.f32 v20, v17;
	v16 =	vadd.f32 v44, v16  }
0x5cb: {  	v52 =	vld.idx.msk [tilespmem:v15+s23+$0x0], $0xffff;
	(erf) = vrcp.f32 v8  }
0x5cc: {  	v53 =	vor.u32 $0xC, v6;
	v54 =	vld.idx.msk [tilespmem:v15+s24+$0x0], $0xffff;
	v14 =	vadd.f32 v45, v17;
	v16 =	vadd.f32 v46, v16  }
0x5cd: {  	v55 =	vld.idx.msk [tilespmem:v47+s23+$0x0], $0xffff  }
0x5ce: {  	v56 =	vor.u32 $0xD, v6;
	v19 =	vpop (erf);
	v57 =	vld.idx.msk [tilespmem:v47+s24+$0x0], $0xffff;
	v12 =	vadd.f32 v48, v14;
	v16 =	vadd.f32 v50, v16  }
0x5cf: {  	v21 =	vpop (erf);
	v58 =	vld.idx.msk [tilespmem:v49+s23+$0x0], $0xffff  }
0x5d0: {  	v25 =	vor.u32 $0xE, v6;
	v59 =	vld.idx.msk [tilespmem:v49+s24+$0x0], $0xffff;
	v26 =	vpop (erf);
	v12 =	vadd.f32 v51, v12;
	v16 =	vadd.f32 v52, v16  }
0x5d1: {  	v61 =	vld.idx.msk [tilespmem:v53+s23+$0x0], $0xffff;
	v60 =	vmul.f32 v26, v5  }
0x5d2: {  	v62 =	vor.u32 $0xF, v6;
	v28 =	vld.idx.msk [tilespmem:v53+s24+$0x0], $0xffff;
	v63 =	vpop (erf);
	v12 =	vadd.f32 v54, v12;
	v16 =	vadd.f32 v55, v16  }
0x5d3: {  	v31 =	vld.idx.msk [tilespmem:v56+s23+$0x0], $0xffff;
	v10 =	vadd.f32 v10, v60;
	v29 =	vmul.f32 v63, v7;
	v30 =	vpop (erf)  }
0x5d4: {  	v32 =	vld.idx.msk [tilespmem:v56+s24+$0x0], $0xffff;
	v33 =	vpop (erf);
	v12 =	vadd.f32 v57, v12;
	v16 =	vadd.f32 v58, v16  }
0x5d5: {  	v35 =	vld.idx.msk [tilespmem:v25+s23+$0x0], $0xffff;
	v3 =	vmul.f32 v30, v3;
	v34 =	vadd.f32 v11, v29;
	v4 =	vmul.f32 v33, v4  }
0x5d6: {  	v36 =	vld.idx.msk [tilespmem:v25+s24+$0x0], $0xffff;
	v12 =	vadd.f32 v59, v12;
	v16 =	vadd.f32 v61, v16  }
0x5d7: {  	v37 =	vld.idx.msk [tilespmem:v62+s23+$0x0], $0xffff;
	v3 =	vadd.f32 v3, v9;
	v4 =	vadd.f32 v4, v8  }
0x5d8: {  	v38 =	vmul.f32 $5.000000000e-01, v10;
	v39 =	vadd.f32 v28, v12;
	v40 =	vadd.f32 v31, v16  }
0x5d9: {  	v6 =	vld.idx.msk [tilespmem:v62+s24+$0x0], $0xffff;
	v3 =	vmul.f32 $5.000000000e-01, v3;
	v4 =	vmul.f32 $5.000000000e-01, v4  }
0x5da: {  	v11 =	vmul.f32 $5.000000000e-01, v34;
	v10 =	vadd.f32 v32, v39;
	v12 =	vadd.f32 v35, v40  }
0x5db: {  	(erf) = vrcp.f32 v38;
	v3 =	vsub.f32 $0.0e+00, v3;
	v4 =	vsub.f32 $0.0e+00, v4  }
0x5dc: {  	(erf) = vrcp.f32 v11;
	v10 =	vadd.f32 v36, v10;
	v9 =	vadd.f32 v37, v12  }
0x5dd: {  	v3 =	vmul.f32 $1.442695020e+00, v3  }
0x5de: {  	v4 =	vmul.f32 $1.442695020e+00, v4;
	v6 =	vadd.f32 v6, v10;
	v9 =	vmax.f32 v9, $1.000000000e-30  }
0x5df: {  	(erf) = vpow2.f32 v3;
	v3 =	vshra.s32 v9, $0x1  }
0x5e0: {  	(erf) = vpow2.f32 v4;
	v41 =	vmax.f32 v6, $1.000000000e-30;
	v3 =	vadd.s32 $0x1FBD1DF5, v3  }
0x5e1: {  	v6 =	vshra.s32 v41, $0x1;
	(erf) = vrcp.f32 v3  }
0x5e2: {  	v6 =	vadd.s32 $0x1FBD1DF5, v6  }
0x5e3: {  	(erf) = vrcp.f32 v6  }
0x5e4: {  	v42 =	vpop (erf)  }
0x5e5: {  	v10 =	vmul.f32 v42, v5;
	v43 =	vpop (erf)  }
0x5e6: {  	v12 =	vmul.f32 v43, v7  }
0x5e7: {  	v8 =	vadd.f32 v10, v38  }
0x5e8: {  	v44 =	vadd.f32 v12, v11;
	v45 =	vpop (erf)  }
0x5e9: {  	v8 =	vmul.f32 $5.000000000e-01, v8;
	v46 =	vpop (erf)  }
0x5ea: {  	v10 =	vmul.f32 $5.000000000e-01, v44;
	v47 =	vpop (erf)  }
0x5eb: {  	(erf) = vrcp.f32 v8;
	v13 =	vmul.f32 v47, v9  }
0x5ec: {  	(erf) = vrcp.f32 v10;
	v48 =	vpop (erf)  }
0x5ed: {  	v49 =	vmul.f32 v48, v41;
	v3 =	vadd.f32 v3, v13;
	_ =	sdelay $0x1  }
0x5ee: {  	v6 =	vadd.f32 v6, v49;
	v3 =	vmul.f32 $5.000000000e-01, v3;
	_ =	sdelay $0x1  }
0x5ef: {  	v6 =	vmul.f32 $5.000000000e-01, v6;
	(erf) = vrcp.f32 v3;
	_ =	sdelay $0x1  }
0x5f0: {  	(erf) = vrcp.f32 v6  }
0x5f1: {  	v50 =	vpop (erf)  }
0x5f2: {  	v51 =	vmul.f32 v50, v5;
	v52 =	vpop (erf)  }
0x5f3: {  	v53 =	vmul.f32 v52, v7  }
0x5f4: {  	v5 =	vadd.f32 v51, v8  }
0x5f5: {  	v7 =	vadd.f32 v53, v10  }
0x5f6: {  	v5 =	vmul.f32 $5.000000000e-01, v5  }
0x5f7: {  	v7 =	vmul.f32 $5.000000000e-01, v7;
	v54 =	vpop (erf)  }
0x5f8: {  	v5 =	vsub.f32 $0.0e+00, v5;
	v8 =	vmul.f32 v54, v9  }
0x5f9: {  	v7 =	vsub.f32 $0.0e+00, v7;
	v55 =	vpop (erf)  }
0x5fa: {  	v5 =	vmul.f32 $1.442695020e+00, v5;
	v56 =	vmul.f32 v55, v41;
	v3 =	vadd.f32 v8, v3  }
0x5fb: {  	v7 =	vmul.f32 $1.442695020e+00, v7  }
0x5fc: {  	(erf) = vpow2.f32 v5;
	v57 =	vadd.f32 v56, v6;
	v3 =	vmul.f32 $5.000000000e-01, v3  }
0x5fd: {  	(erf) = vpow2.f32 v7  }
0x5fe: {  	v5 =	vmul.f32 $5.000000000e-01, v57;
	(erf) = vrcp.f32 v3;
	_ =	sdelay $0x1  }
0x5ff: {  	(erf) = vrcp.f32 v5;
	_ =	sdelay $0x4  }
0x600: {  	v58 =	vpop (erf)  }
0x601: {  	v7 =	vpop (erf)  }
0x602: {  	v59 =	vpop (erf)  }
0x603: {  	v8 =	vmul.f32 v59, v9  }
0x604: {  	v60 =	vpop (erf)  }
0x605: {  	v4 =	vmul.f32 v60, v41;
	v3 =	vadd.f32 v8, v3;
	_ =	sdelay $0x1  }
0x606: {  	v4 =	vadd.f32 v4, v5;
	v3 =	vmul.f32 $5.000000000e-01, v3;
	_ =	sdelay $0x1  }
0x607: {  	v4 =	vmul.f32 $5.000000000e-01, v4;
	v3 =	vsub.f32 $0.0e+00, v3;
	_ =	sdelay $0x1  }
0x608: {  	v4 =	vsub.f32 $0.0e+00, v4;
	v3 =	vmul.f32 $1.442695020e+00, v3;
	_ =	sdelay $0x1  }
0x609: {  	v4 =	vmul.f32 $1.442695020e+00, v4;
	(erf) = vpow2.f32 v3;
	_ =	sdelay $0x1  }
0x60a: {  	v3 =	vsub.f32 $9.999999770e-03, v19;
	(erf) = vpow2.f32 v4;
	_ =	sdelay $0x1  }
0x60b: {  	v3 =	vadd.f32 v21, v3;
	_ =	sdelay $0x1  }
0x60c: {  	v61 =	vsub.f32 $9.999999770e-03, v45;
	v3 =	vmax.f32 v3, $0.0e+00;
	_ =	sdelay $0x1  }
0x60d: {  	v62 =	vsub.f32 $9.999999770e-03, v58;
	v4 =	vadd.f32 v46, v61  }
0x60e: {  	v2 =	vadd.f32 v3, v2;
	v3 =	vpop (erf)  }
0x60f: {  	v5 =	vadd.f32 v7, v62;
	v4 =	vmax.f32 v4, $0.0e+00;
	v3 =	vsub.f32 $9.999999770e-03, v3  }
0x610: {  	v2 =	vadd.f32 v4, v2;
	v63 =	vpop (erf)  }
0x611: {  	v5 =	vmax.f32 v5, $0.0e+00;
	v3 =	vadd.f32 v63, v3  }
0x612: {  	v2 =	vadd.f32 v5, v2  }
0x613: {  	v3 =	vmax.f32 v3, $0.0e+00  }
0x614: {  	v2 =	vadd.f32 v3, v2;
	_ =	sdelay $0x1  }
0x615: {  	(xrf2) =	vadd.scan.msk.f32 $0xffff, v2;
	_ =	sdelay $0x9  }
0x616: {  	v2, _, _ =	vpop (xrf2)  }
0x617: {  	(v2sf) =	vpush v2, $0xF;
	_ =	sdelay $0xe  }
0x618: {  	s0 =	spop (v2sf)  }
0x619: {  	s0 =	smul.f32 $1.000000010e-01, s0  }
0x61a: {  	s18 =	sadd.s32 $0x1, s18  }
0x61b: {  	p0 =	sne.s32 s18, s9;
	v2 =	vmov s0  }
.Ltmp9:
0x61c: {  	[tilespmem:$0x19600] =	vst v2;
	(pc) =	sbr.rel @p0 .LBB2_1-.Ltmp9, $4  }
0x61d: {  	[hbm4b:s8+s4] =	stream.linear.scatter [tilespmem:s3], [sflag:$0x3], $0x80, $0x38;
	[tilespmem:$0x19680] =	vst v63  }
0x61e: {  	_ =	swait.ge [sflag:s10], $0x80  }
0x61f: {  	[sflag:s10] =	ssyncset.done $0x0  }
0x620: {  	[sflag:s10] =	ssyncadd.s32 $0xFFFFFF80  }
0x621: {  	_ =	sfence.sel $0x180000  }
0x622: {  	[bflag:$0x0] =	sbarrier.arrive $0xFFFF  }
0x623: {  	_ =	strace $0x90000047  }
0x624: {  	s0 =	stileid.u32;
	[bflag:$0x2] =	sbarrier.arrive $0xFFFF  }
0x625: {  	p0 =	sne.s32 s0, $0x0;
	s0 =	rddreg [dreg:$0x3]  }
0x626: {  	s0 =	sadd.s32 @!p0 $0x100000, s0  }
0x627: {  	[sflag:s0] =	ssyncadd.tile.s32 @!p0 $0x1;
	_ =	shalt  }
.Lfunc_end2:
_tile_overlayer_lowered:
.L_overlay_start_2:
0x628: {  	(tag) =	ssettag $0x2  }
0x629: {  	s0 =	rddreg [dreg:$0x0];
	s2 =	stileid.u32  }
0x62a: {  	s1 =	rddreg [dreg:$0x1];
	p0 =	sne.s32 s2, $0x0  }
0x62b: {  	s3 =	rddreg [dreg:$0x2];
	[bflag:$0x3] =	sbarrier.arrive $0xFFFF;
	s2 =	simm.s32 @!p0 $0x1C03  }
0x62c: {  	[timem:s3], [sflag:s2] =	dma.local @!p0 [hbm:s0], s1  }
0x62d: {  	s0 =	simm.s32 @!p0 $0x3  }
0x62e: {  	_ =	swait.ge @!p0 [sflag:s0], s1  }
0x62f: {  	s1 =	ssub.s32 @!p0 $0x0, s1;
	[sflag:s0] =	ssyncset.done @!p0 $0x0  }
0x630: {  	[sflag:s0] =	ssyncadd.s32 @!p0 s1  }
0x631: {  	[bflag:$0x3] =	sbarrier.arrive $0xFFFF  }
0x632: {  	_ =	shalt  }

</sc_bundles>
